<compile_context>
chip_gen: v7x
topology: tpu7x:2x2x1
jax: 0.10.2.dev20260603
libtpu: 0.0.44.dev20260713+nightly
codegen_flags: <defaults>
</compile_context>

<pallas_src>
import functools

import jax
import jax.numpy as jnp
from jax import lax
from jax.experimental import pallas as pl
from jax.experimental.pallas import tpu as pltpu
from jax.experimental.pallas import tpu_sc as plsc

N_NODES = 10000
D = 128
N_EDGES = 320000

NC = 2
NS = 16
NW = NC * NS

R_PAD = 10240
E_PAD = 327680
CHUNK = 128
GROUP = 8
CPW0 = 152
CPW1 = 8
NBUF = 2
E_ROWS = E_PAD // CHUNK
ROWS_PER_TILE = R_PAD // NS
INV_ROWS = R_PAD // NW
DEG_ROWS = E_ROWS // NS

_mesh = plsc.VectorSubcoreMesh(core_axis_name="c", subcore_axis_name="s")


@functools.partial(
    pl.kernel,
    out_type=[jax.ShapeDtypeStruct((R_PAD, D), jnp.float32),
              jax.ShapeDtypeStruct((NS, R_PAD), jnp.float32)],
    mesh=_mesh,
    compiler_params=pltpu.CompilerParams(needs_layout_passes=False),
    scratch_types=[
        pltpu.VMEM((R_PAD,), jnp.float32),
        pltpu.VMEM((DEG_ROWS, CHUNK), jnp.int32),
        pltpu.VMEM((NS, ROWS_PER_TILE), jnp.float32),
        pltpu.VMEM((ROWS_PER_TILE,), jnp.float32),
        pltpu.VMEM((INV_ROWS, D), jnp.float32),
    ],
)
def _deg_kernel(dst_hbm, zcnt_hbm, invb_hbm, degsh,
                cnt, dstv, deg16, totbuf, rowbuf):
    cid = lax.axis_index("c")
    sid = lax.axis_index("s")

    pltpu.sync_copy(zcnt_hbm, cnt)
    pltpu.sync_copy(dst_hbm.at[pl.ds(sid * DEG_ROWS, DEG_ROWS)], dstv)

    ones = jnp.ones((16,), jnp.float32)

    def count_body(i, carry):
        r = i // 8
        j = i % 8
        idx = dstv[r, pl.ds(j * 16, 16)]
        plsc.addupdate_scatter(cnt, [idx], ones)
        return carry

    lax.fori_loop(0, DEG_ROWS * 8, count_body, 0)

    pltpu.sync_copy(cnt, degsh.at[sid])
    plsc.subcore_barrier()

    base = sid * ROWS_PER_TILE
    for r in range(NS):
        pltpu.sync_copy(degsh.at[r, pl.ds(base, ROWS_PER_TILE)], deg16.at[r])

    def sum_body(j, carry):
        tot = deg16[0, pl.ds(j * 16, 16)]
        for r in range(1, NS):
            tot = tot + deg16[r, pl.ds(j * 16, 16)]
        totbuf[pl.ds(j * 16, 16)] = tot
        return carry

    lax.fori_loop(0, ROWS_PER_TILE // 16, sum_body, 0)

    @pl.when(cid == 0)
    def _():
        for half in range(2):
            def inv_body(g, carry):
                d16 = totbuf[pl.ds(half * INV_ROWS + g * 16, 16)]
                vinv = 1.0 / jnp.maximum(d16, 1.0)
                for l in range(16):
                    bc = jnp.full((16,), vinv[l], jnp.float32)
                    for j in range(8):
                        rowbuf[g * 16 + l, pl.ds(j * 16, 16)] = bc
                return carry

            lax.fori_loop(0, INV_ROWS // 16, inv_body, 0)
            pltpu.sync_copy(
                rowbuf,
                invb_hbm.at[pl.ds(base + half * INV_ROWS, INV_ROWS)])


@functools.partial(
    pl.kernel,
    out_type=jax.ShapeDtypeStruct((NC, R_PAD, D), jnp.float32),
    mesh=_mesh,
    scratch_types=[
        pltpu.VMEM((GROUP, CHUNK), jnp.int32),
        pltpu.VMEM((GROUP, CHUNK), jnp.int32),
        [pltpu.VMEM((CHUNK, D), jnp.float32) for _ in range(NBUF)],
        [pltpu.SemaphoreType.DMA for _ in range(NBUF)],
        pltpu.VMEM_SHARED((R_PAD, D), jnp.float32),
    ],
)
def _agg_kernel(h_hbm, src_hbm, dst_hbm, zrow_hbm, part_hbm,
                sidx, didx, bufs, gsems, acc):
    cid = lax.axis_index("c")
    sid = lax.axis_index("s")

    my_cpw = jnp.where(cid == 0, CPW0, CPW1)
    row_base = jnp.where(cid == 0, sid * CPW0, NS * CPW0 + sid * CPW1)

    pltpu.sync_copy(zrow_hbm, acc.at[pl.ds(sid * ROWS_PER_TILE, ROWS_PER_TILE)])
    plsc.subcore_barrier()

    def start_gather(c, k):
        pltpu.async_copy(h_hbm.at[sidx.at[c]], bufs[k], gsems[k])

    def wait_gather(k):
        pltpu.make_async_copy(h_hbm.at[pl.ds(0, CHUNK)], bufs[k], gsems[k]).wait()

    def group_body(g, carry):
        row0 = row_base + g * GROUP
        pltpu.sync_copy(src_hbm.at[pl.ds(row0, GROUP)], sidx)
        pltpu.sync_copy(dst_hbm.at[pl.ds(row0, GROUP)], didx)
        start_gather(0, 0)

        def body(i, carry):
            c0 = NBUF * i
            for k in range(NBUF):
                c = c0 + k

                @pl.when(c + 1 < GROUP)
                def _(c=c, k=k):
                    start_gather(c + 1, (k + 1) % NBUF)

                wait_gather(k)
                pltpu.sync_copy(bufs[k], acc.at[didx.at[c]], add=True)
            return carry

        lax.fori_loop(0, GROUP // NBUF, body, 0)
        return carry

    lax.fori_loop(0, my_cpw // GROUP, group_body, 0)
    plsc.subcore_barrier()

    pltpu.sync_copy(
        acc.at[pl.ds(sid * ROWS_PER_TILE, ROWS_PER_TILE)],
        part_hbm.at[cid, pl.ds(sid * ROWS_PER_TILE, ROWS_PER_TILE)],
    )


def _tc_layer_body(last, h, p, invb, ws, wn, b, out):
    hn = (p[0] + p[1]) * invb[...]
    y = (
        jnp.dot(h[...], ws[...], preferred_element_type=jnp.float32)
        + jnp.dot(hn, wn[...], preferred_element_type=jnp.float32)
        + b[...]
    )
    y = jnp.maximum(y, 0.0)
    if last:
        nrm = jnp.sqrt(jnp.sum(y * y, axis=1, keepdims=True))
        y = y / jnp.maximum(nrm, 1e-12)
    out[...] = y


def _tc_layer(h, p, invb, ws, wn, b, last):
    blk = 1000
    grid = (N_NODES // blk,)
    return pl.pallas_call(
        functools.partial(_tc_layer_body, last),
        grid=grid,
        in_specs=[
            pl.BlockSpec((blk, D), lambda i: (i, 0)),
            pl.BlockSpec((NC, blk, D), lambda i: (0, i, 0)),
            pl.BlockSpec((blk, D), lambda i: (i, 0)),
            pl.BlockSpec((D, D), lambda i: (0, 0)),
            pl.BlockSpec((D, D), lambda i: (0, 0)),
            pl.BlockSpec((1, D), lambda i: (0, 0)),
        ],
        out_specs=pl.BlockSpec((blk, D), lambda i: (i, 0)),
        out_shape=jax.ShapeDtypeStruct((N_NODES, D), jnp.float32),
    )(h, p, invb, ws, wn, b)


@jax.jit
def kernel(x, edge_index, W_self1, W_neigh1, b1, W_self2, W_neigh2, b2):
    src = edge_index[0].astype(jnp.int32)
    dst = edge_index[1].astype(jnp.int32)
    pad = E_PAD - N_EDGES
    src_p = jnp.concatenate(
        [src, jnp.zeros((pad,), jnp.int32)]).reshape(E_ROWS, CHUNK)
    dst_p = jnp.concatenate(
        [dst, jnp.full((pad,), N_NODES, jnp.int32)]).reshape(E_ROWS, CHUNK)
    zcnt = jnp.zeros((R_PAD,), jnp.float32)
    zrow = jnp.zeros((ROWS_PER_TILE, D), jnp.float32)

    invb, _ = _deg_kernel(dst_p, zcnt)
    b1r = b1.reshape(1, D)
    b2r = b2.reshape(1, D)

    p1 = _agg_kernel(x, src_p, dst_p, zrow)
    h1 = _tc_layer(x, p1, invb, W_self1, W_neigh1, b1r, last=False)
    p2 = _agg_kernel(h1, src_p, dst_p, zrow)
    return _tc_layer(h1, p2, invb, W_self2, W_neigh2, b2r, last=True)

# --- scband reference (transcript-rebuilt; emitter-appended) ---
"""Pipeline reference for scband-sage-12077448036841 (READ-ONLY COPY).

The authoritative reference and input builder live on the scoring server;
editing this copy changes nothing except your own understanding.
"""

import jax, jax.numpy as jnp
import numpy as np

N_NODES = 10000
N_EDGES = 320000
D_IN = 128
D_H = 128


def setup_inputs(seed: int = 0) -> dict:
    key = jax.random.key(seed)
    ks = jax.random.split(key, 8)
    x = jax.random.normal(ks[0], (N_NODES, D_IN), dtype=jnp.float32)
    edge_index = jax.random.randint(ks[1], (2, N_EDGES), 0, N_NODES, dtype=jnp.int64)
    s_in = 1.0 / np.sqrt(D_IN)
    s_h = 1.0 / np.sqrt(D_H)
    W_self1 = jax.random.normal(ks[2], (D_IN, D_H), dtype=jnp.float32) * s_in
    W_neigh1 = jax.random.normal(ks[3], (D_IN, D_H), dtype=jnp.float32) * s_in
    b1 = jnp.zeros((D_H,), dtype=jnp.float32)
    W_self2 = jax.random.normal(ks[4], (D_H, D_H), dtype=jnp.float32) * s_h
    W_neigh2 = jax.random.normal(ks[5], (D_H, D_H), dtype=jnp.float32) * s_h
    b2 = jnp.zeros((D_H,), dtype=jnp.float32)
    return {"x": x, "edge_index": edge_index, "W_self1": W_self1, "W_neigh1": W_neigh1,
            "b1": b1, "W_self2": W_self2, "W_neigh2": W_neigh2, "b2": b2}


def _sage_conv_mean(h, src, dst, W_self, W_neigh, b, n_nodes):
    # DGL SAGEConv(aggregator_type='mean'): rst = fc_self(h_dst) + fc_neigh(mean_{u->v} h_u) + bias
    msgs = jnp.take(h, src, axis=0)                     # gather over edges
    summed = jax.ops.segment_sum(msgs, dst, num_segments=n_nodes)
    deg = jax.ops.segment_sum(jnp.ones((src.shape[0],), dtype=h.dtype), dst, num_segments=n_nodes)
    h_neigh = summed / jnp.maximum(deg, 1.0)[:, None]   # zero in-degree -> zeros (matches DGL mean reducer)
    return h @ W_self + h_neigh @ W_neigh + b


def reference(x, edge_index, W_self1, W_neigh1, b1, W_self2, W_neigh2, b2):
    src = edge_index[0]
    dst = edge_index[1]
    n = x.shape[0]
    h = _sage_conv_mean(x, src, dst, W_self1, W_neigh1, b1, n)
    h = jax.nn.relu(h)
    h = _sage_conv_mean(h, src, dst, W_self2, W_neigh2, b2, n)
    h = jax.nn.relu(h)
    norm = jnp.linalg.norm(h, ord=2, axis=1, keepdims=True)
    return h / jnp.maximum(norm, 1e-12)

if __name__ == "__main__":
    import jax
    _d = setup_inputs()
    print(jax.jit(kernel)(*tuple(_d.values())))

</pallas_src>

<mosaic_0001>
#map = affine_map<(d0, d1) -> (0, 0)>
#map1 = affine_map<(d0, d1) -> (0, 0, 0)>
module attributes {stable_mosaic.version = 14 : i64} {
  func.func @_agg_kernel(%arg0: i32, %arg1: i32, %arg2: memref<10000x128xf32, #tpu.memory_space<hbm>>, %arg3: memref<2560x128xi32, #tpu.memory_space<hbm>>, %arg4: memref<2560x128xi32, #tpu.memory_space<hbm>>, %arg5: memref<640x128xf32, #tpu.memory_space<hbm>>, %arg6: memref<2x10240x128xf32, #tpu.memory_space<hbm>>, %arg7: memref<8x128xi32, #tpu.memory_space<vmem>>, %arg8: memref<8x128xi32, #tpu.memory_space<vmem>>, %arg9: memref<128x128xf32, #tpu.memory_space<vmem>>, %arg10: memref<128x128xf32, #tpu.memory_space<vmem>>, %arg11: memref<!tpu.dma_semaphore, #tpu.memory_space<semaphore_mem>>, %arg12: memref<!tpu.dma_semaphore, #tpu.memory_space<semaphore_mem>>, %arg13: memref<10240x128xf32, #tpu.memory_space<vmem_shared>>) attributes {dimension_semantics = [#tpu.dimension_semantics<core_parallel>, #tpu.dimension_semantics<subcore_parallel>], iteration_bounds = array<i64: 2, 16>, scalar_prefetch = 0 : i64, scratch_operands = 7 : i64, tpu.core_type = #tpu.core_type<sc_vector_subcore>, window_params = [{transform_indices = #map}, {transform_indices = #map}, {transform_indices = #map}, {transform_indices = #map}, {transform_indices = #map1}]} {
    %eq3A = arith.constant 0 : i32
    %eq3A_0 = arith.cmpi eq, %arg0, %eq3A : i32
    %jit3A = arith.constant 152 : i32
    %jit3A_1 = arith.constant 8 : i32
    %select_n3A = arith.select %eq3A_0, %jit3A, %jit3A_1 : i32
    %eq3A_2 = arith.constant 0 : i32
    %eq3A_3 = arith.cmpi eq, %arg0, %eq3A_2 : i32
    %mul3A = arith.constant 152 : i32
    %mul3A_4 = arith.muli %arg1, %mul3A : i32
    %mul3A_5 = arith.constant 8 : i32
    %mul3A_6 = arith.muli %arg1, %mul3A_5 : i32
    %add3A = arith.constant 2432 : i32
    %add3A_7 = arith.addi %add3A, %mul3A_6 : i32
    %select_n3A_8 = arith.select %eq3A_3, %mul3A_4, %add3A_7 : i32
    %mul3A_9 = arith.constant 640 : i32
    %mul3A_10 = arith.muli %arg1, %mul3A_9 : i32
    "tpu.region"() ({
      %run_scoped3A = tpu.sem_alloc : memref<!tpu.dma_semaphore, #tpu.memory_space<semaphore_mem>>
      %dma_start3A = arith.constant 0 : i32
      %dma_start3A_43 = tpu.memref_slice %arg13[%mul3A_10, %dma_start3A] : memref<10240x128xf32, #tpu.memory_space<vmem_shared>> -> memref<640x128xf32, #tpu.memory_space<vmem_shared>>
      tpu.enqueue_dma source(%arg5 : memref<640x128xf32, #tpu.memory_space<hbm>>) target(%dma_start3A_43 : memref<640x128xf32, #tpu.memory_space<vmem_shared>>) target_semaphore(%run_scoped3A : memref<!tpu.dma_semaphore, #tpu.memory_space<semaphore_mem>>)
      %dma_wait3A = arith.constant 0 : i32
      %dma_wait3A_44 = tpu.memref_slice %arg13[%mul3A_10, %dma_wait3A] : memref<10240x128xf32, #tpu.memory_space<vmem_shared>> -> memref<640x128xf32, #tpu.memory_space<vmem_shared>>
      tpu.wait_dma2 semaphore(%run_scoped3A : memref<!tpu.dma_semaphore, #tpu.memory_space<semaphore_mem>>) src(%arg5 : memref<640x128xf32, #tpu.memory_space<hbm>>) dst(%dma_wait3A_44 : memref<640x128xf32, #tpu.memory_space<vmem_shared>>)
      tpu.yield
    }) : () -> ()
    %barrier3A = arith.constant 0 : index
    tpu.barrier barrier_id(%barrier3A)
    %jit3A_11 = arith.constant 8 : i32
    %div3A = arith.divsi %select_n3A, %jit3A_11 : i32
    %sign3A = arith.constant 0 : i32
    %sign3A_12 = arith.cmpi sgt, %select_n3A, %sign3A : i32
    %sign3A_13 = arith.extui %sign3A_12 : i1 to i32
    %sign3A_14 = arith.constant 0 : i32
    %sign3A_15 = arith.cmpi slt, %select_n3A, %sign3A_14 : i32
    %sign3A_16 = arith.extui %sign3A_15 : i1 to i32
    %sign3A_17 = arith.subi %sign3A_13, %sign3A_16 : i32
    %sign3A_18 = arith.constant 0 : i32
    %sign3A_19 = arith.cmpi sgt, %jit3A_11, %sign3A_18 : i32
    %sign3A_20 = arith.extui %sign3A_19 : i1 to i32
    %sign3A_21 = arith.constant 0 : i32
    %sign3A_22 = arith.cmpi slt, %jit3A_11, %sign3A_21 : i32
    %sign3A_23 = arith.extui %sign3A_22 : i1 to i32
    %sign3A_24 = arith.subi %sign3A_20, %sign3A_23 : i32
    %ne3A = arith.cmpi ne, %sign3A_17, %sign3A_24 : i32
    %rem3A = arith.remsi %select_n3A, %jit3A_11 : i32
    %ne3A_25 = arith.constant 0 : i32
    %ne3A_26 = arith.cmpi ne, %rem3A, %ne3A_25 : i32
    %and3A = arith.andi %ne3A, %ne3A_26 : i1
    %sub3A = arith.constant 1 : i32
    %sub3A_27 = arith.subi %div3A, %sub3A : i32
    %select_n3A_28 = arith.select %and3A, %sub3A_27, %div3A : i32
    %while3A = arith.constant 0 : i32
    %while3A_29 = arith.constant 0 : i32
    %while3A_30 = arith.subi %select_n3A_28, %while3A_29 : i32
    %while3A_31 = arith.addi %while3A_29, %while3A_30 : i32
    %while3A_32 = arith.constant 1 : i32
    %while3A_33 = arith.divsi %while3A_30, %while3A_32 : i32
    %while3A_34 = arith.muli %while3A_33, %while3A_32 : i32
    %while3A_35 = arith.addi %while3A_29, %while3A_34 : i32
    %while3A_36 = arith.constant 1 : i32
    scf.for %while3A_43 = %while3A_29 to %while3A_35 step %while3A_36  : i32 {
      %mul3A_44 = arith.constant 8 : i32
      %mul3A_45 = arith.muli %while3A_43, %mul3A_44 : i32
      %add3A_46 = arith.addi %select_n3A_8, %mul3A_45 : i32
      "tpu.region"() ({
        %run_scoped3A = tpu.sem_alloc : memref<!tpu.dma_semaphore, #tpu.memory_space<semaphore_mem>>
        %dma_start3A_58 = arith.constant 0 : i32
        %dma_start3A_59 = tpu.memref_slice %arg3[%add3A_46, %dma_start3A_58] : memref<2560x128xi32, #tpu.memory_space<hbm>> -> memref<8x128xi32, #tpu.memory_space<hbm>>
        %dma_start3A_60 = arith.constant 0 : i32
        %dma_start3A_61 = tpu.memref_slice %arg3[%add3A_46, %dma_start3A_60] : memref<2560x128xi32, #tpu.memory_space<hbm>> -> memref<8x128xi32, #tpu.memory_space<hbm>>
        tpu.enqueue_dma source(%dma_start3A_61 : memref<8x128xi32, #tpu.memory_space<hbm>>) target(%arg7 : memref<8x128xi32, #tpu.memory_space<vmem>>) target_semaphore(%run_scoped3A : memref<!tpu.dma_semaphore, #tpu.memory_space<semaphore_mem>>)
        %dma_wait3A = arith.constant 0 : i32
        %dma_wait3A_62 = tpu.memref_slice %arg3[%add3A_46, %dma_wait3A] : memref<2560x128xi32, #tpu.memory_space<hbm>> -> memref<8x128xi32, #tpu.memory_space<hbm>>
        %dma_wait3A_63 = arith.constant 0 : i32
        %dma_wait3A_64 = tpu.memref_slice %arg3[%add3A_46, %dma_wait3A_63] : memref<2560x128xi32, #tpu.memory_space<hbm>> -> memref<8x128xi32, #tpu.memory_space<hbm>>
        tpu.wait_dma2 semaphore(%run_scoped3A : memref<!tpu.dma_semaphore, #tpu.memory_space<semaphore_mem>>) src(%dma_wait3A_64 : memref<8x128xi32, #tpu.memory_space<hbm>>) dst(%arg7 : memref<8x128xi32, #tpu.memory_space<vmem>>)
        tpu.yield
      }) : () -> ()
      "tpu.region"() ({
        %run_scoped3A = tpu.sem_alloc : memref<!tpu.dma_semaphore, #tpu.memory_space<semaphore_mem>>
        %dma_start3A_58 = arith.constant 0 : i32
        %dma_start3A_59 = tpu.memref_slice %arg4[%add3A_46, %dma_start3A_58] : memref<2560x128xi32, #tpu.memory_space<hbm>> -> memref<8x128xi32, #tpu.memory_space<hbm>>
        %dma_start3A_60 = arith.constant 0 : i32
        %dma_start3A_61 = tpu.memref_slice %arg4[%add3A_46, %dma_start3A_60] : memref<2560x128xi32, #tpu.memory_space<hbm>> -> memref<8x128xi32, #tpu.memory_space<hbm>>
        tpu.enqueue_dma source(%dma_start3A_61 : memref<8x128xi32, #tpu.memory_space<hbm>>) target(%arg8 : memref<8x128xi32, #tpu.memory_space<vmem>>) target_semaphore(%run_scoped3A : memref<!tpu.dma_semaphore, #tpu.memory_space<semaphore_mem>>)
        %dma_wait3A = arith.constant 0 : i32
        %dma_wait3A_62 = tpu.memref_slice %arg4[%add3A_46, %dma_wait3A] : memref<2560x128xi32, #tpu.memory_space<hbm>> -> memref<8x128xi32, #tpu.memory_space<hbm>>
        %dma_wait3A_63 = arith.constant 0 : i32
        %dma_wait3A_64 = tpu.memref_slice %arg4[%add3A_46, %dma_wait3A_63] : memref<2560x128xi32, #tpu.memory_space<hbm>> -> memref<8x128xi32, #tpu.memory_space<hbm>>
        tpu.wait_dma2 semaphore(%run_scoped3A : memref<!tpu.dma_semaphore, #tpu.memory_space<semaphore_mem>>) src(%dma_wait3A_64 : memref<8x128xi32, #tpu.memory_space<hbm>>) dst(%arg8 : memref<8x128xi32, #tpu.memory_space<vmem>>)
        tpu.yield
      }) : () -> ()
      %dma_start3A = arith.constant 0 : i32
      %dma_start3A_47 = arith.constant 0 : i32
      %dma_start3A_48 = tpu.memref_slice %arg7[%dma_start3A, %dma_start3A_47] : memref<8x128xi32, #tpu.memory_space<vmem>> -> memref<1x128xi32, #tpu.memory_space<vmem>>
      %dma_start3A_49 = tpu.memref_squeeze %dma_start3A_48 : memref<1x128xi32, #tpu.memory_space<vmem>> -> memref<128xi32, #tpu.memory_space<vmem>>
      %dma_start3A_50 = arith.constant 0 : i32
      %dma_start3A_51 = arith.constant 0 : i32
      %dma_start3A_52 = tpu.memref_slice %arg2[%dma_start3A_50, %dma_start3A_51] : memref<10000x128xf32, #tpu.memory_space<hbm>> -> memref<10000x128xf32, #tpu.memory_space<hbm>>
      tpu.enqueue_indirect_dma source(%dma_start3A_52 : memref<10000x128xf32, #tpu.memory_space<hbm>>) target(%arg9 : memref<128x128xf32, #tpu.memory_space<vmem>>) offsets(%dma_start3A_49 : memref<128xi32, #tpu.memory_space<vmem>>) semaphore(%arg11 : memref<!tpu.dma_semaphore, #tpu.memory_space<semaphore_mem>>)
      %scan3A = arith.constant 0 : i32
      %scan3A_53 = arith.constant 0 : i32
      %scan3A_54 = arith.constant 4 : i32
      %scan3A_55 = arith.addi %scan3A_53, %scan3A_54 : i32
      %scan3A_56 = arith.constant 1 : i32
      scf.for %scan3A_58 = %scan3A_53 to %scan3A_55 step %scan3A_56  : i32 {
        %mul3A_59 = arith.constant 2 : i32
        %mul3A_60 = arith.muli %mul3A_59, %scan3A_58 : i32
        %add3A_61 = arith.constant 0 : i32
        %add3A_62 = arith.addi %mul3A_60, %add3A_61 : i32
        %add3A_63 = arith.constant 1 : i32
        %add3A_64 = arith.addi %add3A_62, %add3A_63 : i32
        %lt3A = arith.constant 8 : i32
        %lt3A_65 = arith.cmpi slt, %add3A_64, %lt3A : i32
        %convert_element_type3A = arith.extui %lt3A_65 : i1 to i32
        %cond3A = arith.constant 0 : i32
        %cond3A_66 = arith.cmpi ne, %convert_element_type3A, %cond3A : i32
        scf.if %cond3A_66 {
          %add3A_87 = arith.constant 1 : i32
          %add3A_88 = arith.addi %add3A_62, %add3A_87 : i32
          %dma_start3A_89 = arith.constant 0 : i32
          %dma_start3A_90 = tpu.memref_slice %arg7[%add3A_88, %dma_start3A_89] : memref<8x128xi32, #tpu.memory_space<vmem>> -> memref<1x128xi32, #tpu.memory_space<vmem>>
          %dma_start3A_91 = tpu.memref_squeeze %dma_start3A_90 : memref<1x128xi32, #tpu.memory_space<vmem>> -> memref<128xi32, #tpu.memory_space<vmem>>
          %dma_start3A_92 = arith.constant 0 : i32
          %dma_start3A_93 = arith.constant 0 : i32
          %dma_start3A_94 = tpu.memref_slice %arg2[%dma_start3A_92, %dma_start3A_93] : memref<10000x128xf32, #tpu.memory_space<hbm>> -> memref<10000x128xf32, #tpu.memory_space<hbm>>
          tpu.enqueue_indirect_dma source(%dma_start3A_94 : memref<10000x128xf32, #tpu.memory_space<hbm>>) target(%arg10 : memref<128x128xf32, #tpu.memory_space<vmem>>) offsets(%dma_start3A_91 : memref<128xi32, #tpu.memory_space<vmem>>) semaphore(%arg12 : memref<!tpu.dma_semaphore, #tpu.memory_space<semaphore_mem>>)
        } else {
        }
        %dma_wait3A = arith.constant 0 : i32
        %dma_wait3A_67 = arith.constant 0 : i32
        %dma_wait3A_68 = tpu.memref_slice %arg2[%dma_wait3A, %dma_wait3A_67] : memref<10000x128xf32, #tpu.memory_space<hbm>> -> memref<128x128xf32, #tpu.memory_space<hbm>>
        %dma_wait3A_69 = arith.constant 0 : i32
        %dma_wait3A_70 = arith.constant 0 : i32
        %dma_wait3A_71 = tpu.memref_slice %arg2[%dma_wait3A_69, %dma_wait3A_70] : memref<10000x128xf32, #tpu.memory_space<hbm>> -> memref<128x128xf32, #tpu.memory_space<hbm>>
        tpu.wait_dma2 semaphore(%arg11 : memref<!tpu.dma_semaphore, #tpu.memory_space<semaphore_mem>>) src(%dma_wait3A_71 : memref<128x128xf32, #tpu.memory_space<hbm>>) dst(%arg9 : memref<128x128xf32, #tpu.memory_space<vmem>>)
        "tpu.region"() ({
          %run_scoped3A = tpu.sem_alloc : memref<!tpu.dma_semaphore, #tpu.memory_space<semaphore_mem>>
          %dma_start3A_87 = arith.constant 0 : i32
          %dma_start3A_88 = tpu.memref_slice %arg8[%add3A_62, %dma_start3A_87] : memref<8x128xi32, #tpu.memory_space<vmem>> -> memref<1x128xi32, #tpu.memory_space<vmem>>
          %dma_start3A_89 = tpu.memref_squeeze %dma_start3A_88 : memref<1x128xi32, #tpu.memory_space<vmem>> -> memref<128xi32, #tpu.memory_space<vmem>>
          %dma_start3A_90 = arith.constant 0 : i32
          %dma_start3A_91 = arith.constant 0 : i32
          %dma_start3A_92 = tpu.memref_slice %arg13[%dma_start3A_90, %dma_start3A_91] : memref<10240x128xf32, #tpu.memory_space<vmem_shared>> -> memref<10240x128xf32, #tpu.memory_space<vmem_shared>>
          tpu.enqueue_indirect_dma source(%arg9 : memref<128x128xf32, #tpu.memory_space<vmem>>) target(%dma_start3A_92 : memref<10240x128xf32, #tpu.memory_space<vmem_shared>>) offsets(%dma_start3A_89 : memref<128xi32, #tpu.memory_space<vmem>>) semaphore(%run_scoped3A : memref<!tpu.dma_semaphore, #tpu.memory_space<semaphore_mem>>) {add = true}
          %dma_wait3A_93 = arith.constant 0 : i32
          %dma_wait3A_94 = tpu.memref_slice %arg8[%add3A_62, %dma_wait3A_93] : memref<8x128xi32, #tpu.memory_space<vmem>> -> memref<1x128xi32, #tpu.memory_space<vmem>>
          %dma_wait3A_95 = tpu.memref_squeeze %dma_wait3A_94 : memref<1x128xi32, #tpu.memory_space<vmem>> -> memref<128xi32, #tpu.memory_space<vmem>>
          %dma_wait3A_96 = arith.constant 0 : i32
          %dma_wait3A_97 = arith.constant 0 : i32
          %dma_wait3A_98 = tpu.memref_slice %arg13[%dma_wait3A_96, %dma_wait3A_97] : memref<10240x128xf32, #tpu.memory_space<vmem_shared>> -> memref<10240x128xf32, #tpu.memory_space<vmem_shared>>
          tpu.wait_indirect_dma semaphore(%run_scoped3A : memref<!tpu.dma_semaphore, #tpu.memory_space<semaphore_mem>>) src(%arg9 : memref<128x128xf32, #tpu.memory_space<vmem>>) dst(%dma_wait3A_98 : memref<10240x128xf32, #tpu.memory_space<vmem_shared>>)
          tpu.yield
        }) : () -> ()
        %add3A_72 = arith.constant 1 : i32
        %add3A_73 = arith.addi %mul3A_60, %add3A_72 : i32
        %add3A_74 = arith.constant 1 : i32
        %add3A_75 = arith.addi %add3A_73, %add3A_74 : i32
        %lt3A_76 = arith.constant 8 : i32
        %lt3A_77 = arith.cmpi slt, %add3A_75, %lt3A_76 : i32
        %convert_element_type3A_78 = arith.extui %lt3A_77 : i1 to i32
        %cond3A_79 = arith.constant 0 : i32
        %cond3A_80 = arith.cmpi ne, %convert_element_type3A_78, %cond3A_79 : i32
        scf.if %cond3A_80 {
          %add3A_87 = arith.constant 1 : i32
          %add3A_88 = arith.addi %add3A_73, %add3A_87 : i32
          %dma_start3A_89 = arith.constant 0 : i32
          %dma_start3A_90 = tpu.memref_slice %arg7[%add3A_88, %dma_start3A_89] : memref<8x128xi32, #tpu.memory_space<vmem>> -> memref<1x128xi32, #tpu.memory_space<vmem>>
          %dma_start3A_91 = tpu.memref_squeeze %dma_start3A_90 : memref<1x128xi32, #tpu.memory_space<vmem>> -> memref<128xi32, #tpu.memory_space<vmem>>
          %dma_start3A_92 = arith.constant 0 : i32
          %dma_start3A_93 = arith.constant 0 : i32
          %dma_start3A_94 = tpu.memref_slice %arg2[%dma_start3A_92, %dma_start3A_93] : memref<10000x128xf32, #tpu.memory_space<hbm>> -> memref<10000x128xf32, #tpu.memory_space<hbm>>
          tpu.enqueue_indirect_dma source(%dma_start3A_94 : memref<10000x128xf32, #tpu.memory_space<hbm>>) target(%arg9 : memref<128x128xf32, #tpu.memory_space<vmem>>) offsets(%dma_start3A_91 : memref<128xi32, #tpu.memory_space<vmem>>) semaphore(%arg11 : memref<!tpu.dma_semaphore, #tpu.memory_space<semaphore_mem>>)
        } else {
        }
        %dma_wait3A_81 = arith.constant 0 : i32
        %dma_wait3A_82 = arith.constant 0 : i32
        %dma_wait3A_83 = tpu.memref_slice %arg2[%dma_wait3A_81, %dma_wait3A_82] : memref<10000x128xf32, #tpu.memory_space<hbm>> -> memref<128x128xf32, #tpu.memory_space<hbm>>
        %dma_wait3A_84 = arith.constant 0 : i32
        %dma_wait3A_85 = arith.constant 0 : i32
        %dma_wait3A_86 = tpu.memref_slice %arg2[%dma_wait3A_84, %dma_wait3A_85] : memref<10000x128xf32, #tpu.memory_space<hbm>> -> memref<128x128xf32, #tpu.memory_space<hbm>>
        tpu.wait_dma2 semaphore(%arg12 : memref<!tpu.dma_semaphore, #tpu.memory_space<semaphore_mem>>) src(%dma_wait3A_86 : memref<128x128xf32, #tpu.memory_space<hbm>>) dst(%arg10 : memref<128x128xf32, #tpu.memory_space<vmem>>)
        "tpu.region"() ({
          %run_scoped3A = tpu.sem_alloc : memref<!tpu.dma_semaphore, #tpu.memory_space<semaphore_mem>>
          %dma_start3A_87 = arith.constant 0 : i32
          %dma_start3A_88 = tpu.memref_slice %arg8[%add3A_73, %dma_start3A_87] : memref<8x128xi32, #tpu.memory_space<vmem>> -> memref<1x128xi32, #tpu.memory_space<vmem>>
          %dma_start3A_89 = tpu.memref_squeeze %dma_start3A_88 : memref<1x128xi32, #tpu.memory_space<vmem>> -> memref<128xi32, #tpu.memory_space<vmem>>
          %dma_start3A_90 = arith.constant 0 : i32
          %dma_start3A_91 = arith.constant 0 : i32
          %dma_start3A_92 = tpu.memref_slice %arg13[%dma_start3A_90, %dma_start3A_91] : memref<10240x128xf32, #tpu.memory_space<vmem_shared>> -> memref<10240x128xf32, #tpu.memory_space<vmem_shared>>
          tpu.enqueue_indirect_dma source(%arg10 : memref<128x128xf32, #tpu.memory_space<vmem>>) target(%dma_start3A_92 : memref<10240x128xf32, #tpu.memory_space<vmem_shared>>) offsets(%dma_start3A_89 : memref<128xi32, #tpu.memory_space<vmem>>) semaphore(%run_scoped3A : memref<!tpu.dma_semaphore, #tpu.memory_space<semaphore_mem>>) {add = true}
          %dma_wait3A_93 = arith.constant 0 : i32
          %dma_wait3A_94 = tpu.memref_slice %arg8[%add3A_73, %dma_wait3A_93] : memref<8x128xi32, #tpu.memory_space<vmem>> -> memref<1x128xi32, #tpu.memory_space<vmem>>
          %dma_wait3A_95 = tpu.memref_squeeze %dma_wait3A_94 : memref<1x128xi32, #tpu.memory_space<vmem>> -> memref<128xi32, #tpu.memory_space<vmem>>
          %dma_wait3A_96 = arith.constant 0 : i32
          %dma_wait3A_97 = arith.constant 0 : i32
          %dma_wait3A_98 = tpu.memref_slice %arg13[%dma_wait3A_96, %dma_wait3A_97] : memref<10240x128xf32, #tpu.memory_space<vmem_shared>> -> memref<10240x128xf32, #tpu.memory_space<vmem_shared>>
          tpu.wait_indirect_dma semaphore(%run_scoped3A : memref<!tpu.dma_semaphore, #tpu.memory_space<semaphore_mem>>) src(%arg10 : memref<128x128xf32, #tpu.memory_space<vmem>>) dst(%dma_wait3A_98 : memref<10240x128xf32, #tpu.memory_space<vmem_shared>>)
          tpu.yield
        }) : () -> ()
      }
      %scan3A_57 = arith.constant 4 : i32
    }
    %while3A_37 = arith.constant 1 : i32
    scf.for %while3A_43 = %while3A_35 to %while3A_31 step %while3A_37  : i32 {
      %mul3A_44 = arith.constant 8 : i32
      %mul3A_45 = arith.muli %while3A_43, %mul3A_44 : i32
      %add3A_46 = arith.addi %select_n3A_8, %mul3A_45 : i32
      "tpu.region"() ({
        %run_scoped3A = tpu.sem_alloc : memref<!tpu.dma_semaphore, #tpu.memory_space<semaphore_mem>>
        %dma_start3A_58 = arith.constant 0 : i32
        %dma_start3A_59 = tpu.memref_slice %arg3[%add3A_46, %dma_start3A_58] : memref<2560x128xi32, #tpu.memory_space<hbm>> -> memref<8x128xi32, #tpu.memory_space<hbm>>
        %dma_start3A_60 = arith.constant 0 : i32
        %dma_start3A_61 = tpu.memref_slice %arg3[%add3A_46, %dma_start3A_60] : memref<2560x128xi32, #tpu.memory_space<hbm>> -> memref<8x128xi32, #tpu.memory_space<hbm>>
        tpu.enqueue_dma source(%dma_start3A_61 : memref<8x128xi32, #tpu.memory_space<hbm>>) target(%arg7 : memref<8x128xi32, #tpu.memory_space<vmem>>) target_semaphore(%run_scoped3A : memref<!tpu.dma_semaphore, #tpu.memory_space<semaphore_mem>>)
        %dma_wait3A = arith.constant 0 : i32
        %dma_wait3A_62 = tpu.memref_slice %arg3[%add3A_46, %dma_wait3A] : memref<2560x128xi32, #tpu.memory_space<hbm>> -> memref<8x128xi32, #tpu.memory_space<hbm>>
        %dma_wait3A_63 = arith.constant 0 : i32
        %dma_wait3A_64 = tpu.memref_slice %arg3[%add3A_46, %dma_wait3A_63] : memref<2560x128xi32, #tpu.memory_space<hbm>> -> memref<8x128xi32, #tpu.memory_space<hbm>>
        tpu.wait_dma2 semaphore(%run_scoped3A : memref<!tpu.dma_semaphore, #tpu.memory_space<semaphore_mem>>) src(%dma_wait3A_64 : memref<8x128xi32, #tpu.memory_space<hbm>>) dst(%arg7 : memref<8x128xi32, #tpu.memory_space<vmem>>)
        tpu.yield
      }) : () -> ()
      "tpu.region"() ({
        %run_scoped3A = tpu.sem_alloc : memref<!tpu.dma_semaphore, #tpu.memory_space<semaphore_mem>>
        %dma_start3A_58 = arith.constant 0 : i32
        %dma_start3A_59 = tpu.memref_slice %arg4[%add3A_46, %dma_start3A_58] : memref<2560x128xi32, #tpu.memory_space<hbm>> -> memref<8x128xi32, #tpu.memory_space<hbm>>
        %dma_start3A_60 = arith.constant 0 : i32
        %dma_start3A_61 = tpu.memref_slice %arg4[%add3A_46, %dma_start3A_60] : memref<2560x128xi32, #tpu.memory_space<hbm>> -> memref<8x128xi32, #tpu.memory_space<hbm>>
        tpu.enqueue_dma source(%dma_start3A_61 : memref<8x128xi32, #tpu.memory_space<hbm>>) target(%arg8 : memref<8x128xi32, #tpu.memory_space<vmem>>) target_semaphore(%run_scoped3A : memref<!tpu.dma_semaphore, #tpu.memory_space<semaphore_mem>>)
        %dma_wait3A = arith.constant 0 : i32
        %dma_wait3A_62 = tpu.memref_slice %arg4[%add3A_46, %dma_wait3A] : memref<2560x128xi32, #tpu.memory_space<hbm>> -> memref<8x128xi32, #tpu.memory_space<hbm>>
        %dma_wait3A_63 = arith.constant 0 : i32
        %dma_wait3A_64 = tpu.memref_slice %arg4[%add3A_46, %dma_wait3A_63] : memref<2560x128xi32, #tpu.memory_space<hbm>> -> memref<8x128xi32, #tpu.memory_space<hbm>>
        tpu.wait_dma2 semaphore(%run_scoped3A : memref<!tpu.dma_semaphore, #tpu.memory_space<semaphore_mem>>) src(%dma_wait3A_64 : memref<8x128xi32, #tpu.memory_space<hbm>>) dst(%arg8 : memref<8x128xi32, #tpu.memory_space<vmem>>)
        tpu.yield
      }) : () -> ()
      %dma_start3A = arith.constant 0 : i32
      %dma_start3A_47 = arith.constant 0 : i32
      %dma_start3A_48 = tpu.memref_slice %arg7[%dma_start3A, %dma_start3A_47] : memref<8x128xi32, #tpu.memory_space<vmem>> -> memref<1x128xi32, #tpu.memory_space<vmem>>
      %dma_start3A_49 = tpu.memref_squeeze %dma_start3A_48 : memref<1x128xi32, #tpu.memory_space<vmem>> -> memref<128xi32, #tpu.memory_space<vmem>>
      %dma_start3A_50 = arith.constant 0 : i32
      %dma_start3A_51 = arith.constant 0 : i32
      %dma_start3A_52 = tpu.memref_slice %arg2[%dma_start3A_50, %dma_start3A_51] : memref<10000x128xf32, #tpu.memory_space<hbm>> -> memref<10000x128xf32, #tpu.memory_space<hbm>>
      tpu.enqueue_indirect_dma source(%dma_start3A_52 : memref<10000x128xf32, #tpu.memory_space<hbm>>) target(%arg9 : memref<128x128xf32, #tpu.memory_space<vmem>>) offsets(%dma_start3A_49 : memref<128xi32, #tpu.memory_space<vmem>>) semaphore(%arg11 : memref<!tpu.dma_semaphore, #tpu.memory_space<semaphore_mem>>)
      %scan3A = arith.constant 0 : i32
      %scan3A_53 = arith.constant 0 : i32
      %scan3A_54 = arith.constant 4 : i32
      %scan3A_55 = arith.addi %scan3A_53, %scan3A_54 : i32
      %scan3A_56 = arith.constant 1 : i32
      scf.for %scan3A_58 = %scan3A_53 to %scan3A_55 step %scan3A_56  : i32 {
        %mul3A_59 = arith.constant 2 : i32
        %mul3A_60 = arith.muli %mul3A_59, %scan3A_58 : i32
        %add3A_61 = arith.constant 0 : i32
        %add3A_62 = arith.addi %mul3A_60, %add3A_61 : i32
        %add3A_63 = arith.constant 1 : i32
        %add3A_64 = arith.addi %add3A_62, %add3A_63 : i32
        %lt3A = arith.constant 8 : i32
        %lt3A_65 = arith.cmpi slt, %add3A_64, %lt3A : i32
        %convert_element_type3A = arith.extui %lt3A_65 : i1 to i32
        %cond3A = arith.constant 0 : i32
        %cond3A_66 = arith.cmpi ne, %convert_element_type3A, %cond3A : i32
        scf.if %cond3A_66 {
          %add3A_87 = arith.constant 1 : i32
          %add3A_88 = arith.addi %add3A_62, %add3A_87 : i32
          %dma_start3A_89 = arith.constant 0 : i32
          %dma_start3A_90 = tpu.memref_slice %arg7[%add3A_88, %dma_start3A_89] : memref<8x128xi32, #tpu.memory_space<vmem>> -> memref<1x128xi32, #tpu.memory_space<vmem>>
          %dma_start3A_91 = tpu.memref_squeeze %dma_start3A_90 : memref<1x128xi32, #tpu.memory_space<vmem>> -> memref<128xi32, #tpu.memory_space<vmem>>
          %dma_start3A_92 = arith.constant 0 : i32
          %dma_start3A_93 = arith.constant 0 : i32
          %dma_start3A_94 = tpu.memref_slice %arg2[%dma_start3A_92, %dma_start3A_93] : memref<10000x128xf32, #tpu.memory_space<hbm>> -> memref<10000x128xf32, #tpu.memory_space<hbm>>
          tpu.enqueue_indirect_dma source(%dma_start3A_94 : memref<10000x128xf32, #tpu.memory_space<hbm>>) target(%arg10 : memref<128x128xf32, #tpu.memory_space<vmem>>) offsets(%dma_start3A_91 : memref<128xi32, #tpu.memory_space<vmem>>) semaphore(%arg12 : memref<!tpu.dma_semaphore, #tpu.memory_space<semaphore_mem>>)
        } else {
        }
        %dma_wait3A = arith.constant 0 : i32
        %dma_wait3A_67 = arith.constant 0 : i32
        %dma_wait3A_68 = tpu.memref_slice %arg2[%dma_wait3A, %dma_wait3A_67] : memref<10000x128xf32, #tpu.memory_space<hbm>> -> memref<128x128xf32, #tpu.memory_space<hbm>>
        %dma_wait3A_69 = arith.constant 0 : i32
        %dma_wait3A_70 = arith.constant 0 : i32
        %dma_wait3A_71 = tpu.memref_slice %arg2[%dma_wait3A_69, %dma_wait3A_70] : memref<10000x128xf32, #tpu.memory_space<hbm>> -> memref<128x128xf32, #tpu.memory_space<hbm>>
        tpu.wait_dma2 semaphore(%arg11 : memref<!tpu.dma_semaphore, #tpu.memory_space<semaphore_mem>>) src(%dma_wait3A_71 : memref<128x128xf32, #tpu.memory_space<hbm>>) dst(%arg9 : memref<128x128xf32, #tpu.memory_space<vmem>>)
        "tpu.region"() ({
          %run_scoped3A = tpu.sem_alloc : memref<!tpu.dma_semaphore, #tpu.memory_space<semaphore_mem>>
          %dma_start3A_87 = arith.constant 0 : i32
          %dma_start3A_88 = tpu.memref_slice %arg8[%add3A_62, %dma_start3A_87] : memref<8x128xi32, #tpu.memory_space<vmem>> -> memref<1x128xi32, #tpu.memory_space<vmem>>
          %dma_start3A_89 = tpu.memref_squeeze %dma_start3A_88 : memref<1x128xi32, #tpu.memory_space<vmem>> -> memref<128xi32, #tpu.memory_space<vmem>>
          %dma_start3A_90 = arith.constant 0 : i32
          %dma_start3A_91 = arith.constant 0 : i32
          %dma_start3A_92 = tpu.memref_slice %arg13[%dma_start3A_90, %dma_start3A_91] : memref<10240x128xf32, #tpu.memory_space<vmem_shared>> -> memref<10240x128xf32, #tpu.memory_space<vmem_shared>>
          tpu.enqueue_indirect_dma source(%arg9 : memref<128x128xf32, #tpu.memory_space<vmem>>) target(%dma_start3A_92 : memref<10240x128xf32, #tpu.memory_space<vmem_shared>>) offsets(%dma_start3A_89 : memref<128xi32, #tpu.memory_space<vmem>>) semaphore(%run_scoped3A : memref<!tpu.dma_semaphore, #tpu.memory_space<semaphore_mem>>) {add = true}
          %dma_wait3A_93 = arith.constant 0 : i32
          %dma_wait3A_94 = tpu.memref_slice %arg8[%add3A_62, %dma_wait3A_93] : memref<8x128xi32, #tpu.memory_space<vmem>> -> memref<1x128xi32, #tpu.memory_space<vmem>>
          %dma_wait3A_95 = tpu.memref_squeeze %dma_wait3A_94 : memref<1x128xi32, #tpu.memory_space<vmem>> -> memref<128xi32, #tpu.memory_space<vmem>>
          %dma_wait3A_96 = arith.constant 0 : i32
          %dma_wait3A_97 = arith.constant 0 : i32
          %dma_wait3A_98 = tpu.memref_slice %arg13[%dma_wait3A_96, %dma_wait3A_97] : memref<10240x128xf32, #tpu.memory_space<vmem_shared>> -> memref<10240x128xf32, #tpu.memory_space<vmem_shared>>
          tpu.wait_indirect_dma semaphore(%run_scoped3A : memref<!tpu.dma_semaphore, #tpu.memory_space<semaphore_mem>>) src(%arg9 : memref<128x128xf32, #tpu.memory_space<vmem>>) dst(%dma_wait3A_98 : memref<10240x128xf32, #tpu.memory_space<vmem_shared>>)
          tpu.yield
        }) : () -> ()
        %add3A_72 = arith.constant 1 : i32
        %add3A_73 = arith.addi %mul3A_60, %add3A_72 : i32
        %add3A_74 = arith.constant 1 : i32
        %add3A_75 = arith.addi %add3A_73, %add3A_74 : i32
        %lt3A_76 = arith.constant 8 : i32
        %lt3A_77 = arith.cmpi slt, %add3A_75, %lt3A_76 : i32
        %convert_element_type3A_78 = arith.extui %lt3A_77 : i1 to i32
        %cond3A_79 = arith.constant 0 : i32
        %cond3A_80 = arith.cmpi ne, %convert_element_type3A_78, %cond3A_79 : i32
        scf.if %cond3A_80 {
          %add3A_87 = arith.constant 1 : i32
          %add3A_88 = arith.addi %add3A_73, %add3A_87 : i32
          %dma_start3A_89 = arith.constant 0 : i32
          %dma_start3A_90 = tpu.memref_slice %arg7[%add3A_88, %dma_start3A_89] : memref<8x128xi32, #tpu.memory_space<vmem>> -> memref<1x128xi32, #tpu.memory_space<vmem>>
          %dma_start3A_91 = tpu.memref_squeeze %dma_start3A_90 : memref<1x128xi32, #tpu.memory_space<vmem>> -> memref<128xi32, #tpu.memory_space<vmem>>
          %dma_start3A_92 = arith.constant 0 : i32
          %dma_start3A_93 = arith.constant 0 : i32
          %dma_start3A_94 = tpu.memref_slice %arg2[%dma_start3A_92, %dma_start3A_93] : memref<10000x128xf32, #tpu.memory_space<hbm>> -> memref<10000x128xf32, #tpu.memory_space<hbm>>
          tpu.enqueue_indirect_dma source(%dma_start3A_94 : memref<10000x128xf32, #tpu.memory_space<hbm>>) target(%arg9 : memref<128x128xf32, #tpu.memory_space<vmem>>) offsets(%dma_start3A_91 : memref<128xi32, #tpu.memory_space<vmem>>) semaphore(%arg11 : memref<!tpu.dma_semaphore, #tpu.memory_space<semaphore_mem>>)
        } else {
        }
        %dma_wait3A_81 = arith.constant 0 : i32
        %dma_wait3A_82 = arith.constant 0 : i32
        %dma_wait3A_83 = tpu.memref_slice %arg2[%dma_wait3A_81, %dma_wait3A_82] : memref<10000x128xf32, #tpu.memory_space<hbm>> -> memref<128x128xf32, #tpu.memory_space<hbm>>
        %dma_wait3A_84 = arith.constant 0 : i32
        %dma_wait3A_85 = arith.constant 0 : i32
        %dma_wait3A_86 = tpu.memref_slice %arg2[%dma_wait3A_84, %dma_wait3A_85] : memref<10000x128xf32, #tpu.memory_space<hbm>> -> memref<128x128xf32, #tpu.memory_space<hbm>>
        tpu.wait_dma2 semaphore(%arg12 : memref<!tpu.dma_semaphore, #tpu.memory_space<semaphore_mem>>) src(%dma_wait3A_86 : memref<128x128xf32, #tpu.memory_space<hbm>>) dst(%arg10 : memref<128x128xf32, #tpu.memory_space<vmem>>)
        "tpu.region"() ({
          %run_scoped3A = tpu.sem_alloc : memref<!tpu.dma_semaphore, #tpu.memory_space<semaphore_mem>>
          %dma_start3A_87 = arith.constant 0 : i32
          %dma_start3A_88 = tpu.memref_slice %arg8[%add3A_73, %dma_start3A_87] : memref<8x128xi32, #tpu.memory_space<vmem>> -> memref<1x128xi32, #tpu.memory_space<vmem>>
          %dma_start3A_89 = tpu.memref_squeeze %dma_start3A_88 : memref<1x128xi32, #tpu.memory_space<vmem>> -> memref<128xi32, #tpu.memory_space<vmem>>
          %dma_start3A_90 = arith.constant 0 : i32
          %dma_start3A_91 = arith.constant 0 : i32
          %dma_start3A_92 = tpu.memref_slice %arg13[%dma_start3A_90, %dma_start3A_91] : memref<10240x128xf32, #tpu.memory_space<vmem_shared>> -> memref<10240x128xf32, #tpu.memory_space<vmem_shared>>
          tpu.enqueue_indirect_dma source(%arg10 : memref<128x128xf32, #tpu.memory_space<vmem>>) target(%dma_start3A_92 : memref<10240x128xf32, #tpu.memory_space<vmem_shared>>) offsets(%dma_start3A_89 : memref<128xi32, #tpu.memory_space<vmem>>) semaphore(%run_scoped3A : memref<!tpu.dma_semaphore, #tpu.memory_space<semaphore_mem>>) {add = true}
          %dma_wait3A_93 = arith.constant 0 : i32
          %dma_wait3A_94 = tpu.memref_slice %arg8[%add3A_73, %dma_wait3A_93] : memref<8x128xi32, #tpu.memory_space<vmem>> -> memref<1x128xi32, #tpu.memory_space<vmem>>
          %dma_wait3A_95 = tpu.memref_squeeze %dma_wait3A_94 : memref<1x128xi32, #tpu.memory_space<vmem>> -> memref<128xi32, #tpu.memory_space<vmem>>
          %dma_wait3A_96 = arith.constant 0 : i32
          %dma_wait3A_97 = arith.constant 0 : i32
          %dma_wait3A_98 = tpu.memref_slice %arg13[%dma_wait3A_96, %dma_wait3A_97] : memref<10240x128xf32, #tpu.memory_space<vmem_shared>> -> memref<10240x128xf32, #tpu.memory_space<vmem_shared>>
          tpu.wait_indirect_dma semaphore(%run_scoped3A : memref<!tpu.dma_semaphore, #tpu.memory_space<semaphore_mem>>) src(%arg10 : memref<128x128xf32, #tpu.memory_space<vmem>>) dst(%dma_wait3A_98 : memref<10240x128xf32, #tpu.memory_space<vmem_shared>>)
          tpu.yield
        }) : () -> ()
      }
      %scan3A_57 = arith.constant 4 : i32
    }
    %barrier3A_38 = arith.constant 0 : index
    tpu.barrier barrier_id(%barrier3A_38)
    %mul3A_39 = arith.constant 640 : i32
    %mul3A_40 = arith.muli %arg1, %mul3A_39 : i32
    %mul3A_41 = arith.constant 640 : i32
    %mul3A_42 = arith.muli %arg1, %mul3A_41 : i32
    "tpu.region"() ({
      %run_scoped3A = tpu.sem_alloc : memref<!tpu.dma_semaphore, #tpu.memory_space<semaphore_mem>>
      %dma_start3A = arith.constant 0 : i32
      %dma_start3A_43 = tpu.memref_slice %arg6[%arg0, %mul3A_42, %dma_start3A] : memref<2x10240x128xf32, #tpu.memory_space<hbm>> -> memref<1x640x128xf32, #tpu.memory_space<hbm>>
      %dma_start3A_44 = tpu.memref_squeeze %dma_start3A_43 : memref<1x640x128xf32, #tpu.memory_space<hbm>> -> memref<640x128xf32, #tpu.memory_space<hbm>>
      %dma_start3A_45 = arith.constant 0 : i32
      %dma_start3A_46 = tpu.memref_slice %arg13[%mul3A_40, %dma_start3A_45] : memref<10240x128xf32, #tpu.memory_space<vmem_shared>> -> memref<640x128xf32, #tpu.memory_space<vmem_shared>>
      tpu.enqueue_dma source(%dma_start3A_46 : memref<640x128xf32, #tpu.memory_space<vmem_shared>>) target(%dma_start3A_44 : memref<640x128xf32, #tpu.memory_space<hbm>>) target_semaphore(%run_scoped3A : memref<!tpu.dma_semaphore, #tpu.memory_space<semaphore_mem>>)
      %dma_wait3A = arith.constant 0 : i32
      %dma_wait3A_47 = tpu.memref_slice %arg6[%arg0, %mul3A_42, %dma_wait3A] : memref<2x10240x128xf32, #tpu.memory_space<hbm>> -> memref<1x640x128xf32, #tpu.memory_space<hbm>>
      %dma_wait3A_48 = tpu.memref_squeeze %dma_wait3A_47 : memref<1x640x128xf32, #tpu.memory_space<hbm>> -> memref<640x128xf32, #tpu.memory_space<hbm>>
      %dma_wait3A_49 = arith.constant 0 : i32
      %dma_wait3A_50 = tpu.memref_slice %arg13[%mul3A_40, %dma_wait3A_49] : memref<10240x128xf32, #tpu.memory_space<vmem_shared>> -> memref<640x128xf32, #tpu.memory_space<vmem_shared>>
      tpu.wait_dma2 semaphore(%run_scoped3A : memref<!tpu.dma_semaphore, #tpu.memory_space<semaphore_mem>>) src(%dma_wait3A_50 : memref<640x128xf32, #tpu.memory_space<vmem_shared>>) dst(%dma_wait3A_48 : memref<640x128xf32, #tpu.memory_space<hbm>>)
      tpu.yield
    }) : () -> ()
    return
  }
}

#map = affine_map<(d0, d1) -> (0, 0)>
#map1 = affine_map<(d0, d1) -> (0, 0, 0)>
module attributes {stable_mosaic.version = 14 : i64} {
  func.func @_agg_kernel(%arg0: i32, %arg1: i32, %arg2: memref<10000x128xf32, #tpu.memory_space<hbm>>, %arg3: memref<2560x128xi32, #tpu.memory_space<hbm>>, %arg4: memref<2560x128xi32, #tpu.memory_space<hbm>>, %arg5: memref<640x128xf32, #tpu.memory_space<hbm>>, %arg6: memref<2x10240x128xf32, #tpu.memory_space<hbm>>, %arg7: memref<8x128xi32, #tpu.memory_space<vmem>>, %arg8: memref<8x128xi32, #tpu.memory_space<vmem>>, %arg9: memref<128x128xf32, #tpu.memory_space<vmem>>, %arg10: memref<128x128xf32, #tpu.memory_space<vmem>>, %arg11: memref<!tpu.dma_semaphore, #tpu.memory_space<semaphore_mem>>, %arg12: memref<!tpu.dma_semaphore, #tpu.memory_space<semaphore_mem>>, %arg13: memref<10240x128xf32, #tpu.memory_space<vmem_shared>>) attributes {dimension_semantics = [#tpu.dimension_semantics<core_parallel>, #tpu.dimension_semantics<subcore_parallel>], iteration_bounds = array<i64: 2, 16>, scalar_prefetch = 0 : i64, scratch_operands = 7 : i64, tpu.core_type = #tpu.core_type<sc_vector_subcore>, window_params = [{transform_indices = #map}, {transform_indices = #map}, {transform_indices = #map}, {transform_indices = #map}, {transform_indices = #map1}]} {
    %eq3A = arith.constant 0 : i32
    %eq3A_0 = arith.cmpi eq, %arg0, %eq3A : i32
    %jit3A = arith.constant 152 : i32
    %jit3A_1 = arith.constant 8 : i32
    %select_n3A = arith.select %eq3A_0, %jit3A, %jit3A_1 : i32
    %eq3A_2 = arith.constant 0 : i32
    %eq3A_3 = arith.cmpi eq, %arg0, %eq3A_2 : i32
    %mul3A = arith.constant 152 : i32
    %mul3A_4 = arith.muli %arg1, %mul3A : i32
    %mul3A_5 = arith.constant 8 : i32
    %mul3A_6 = arith.muli %arg1, %mul3A_5 : i32
    %add3A = arith.constant 2432 : i32
    %add3A_7 = arith.addi %add3A, %mul3A_6 : i32
    %select_n3A_8 = arith.select %eq3A_3, %mul3A_4, %add3A_7 : i32
    %mul3A_9 = arith.constant 640 : i32
    %mul3A_10 = arith.muli %arg1, %mul3A_9 : i32
    "tpu.region"() ({
      %run_scoped3A = tpu.sem_alloc : memref<!tpu.dma_semaphore, #tpu.memory_space<semaphore_mem>>
      %dma_start3A = arith.constant 0 : i32
      %dma_start3A_43 = tpu.memref_slice %arg13[%mul3A_10, %dma_start3A] : memref<10240x128xf32, #tpu.memory_space<vmem_shared>> -> memref<640x128xf32, #tpu.memory_space<vmem_shared>>
      tpu.enqueue_dma source(%arg5 : memref<640x128xf32, #tpu.memory_space<hbm>>) target(%dma_start3A_43 : memref<640x128xf32, #tpu.memory_space<vmem_shared>>) target_semaphore(%run_scoped3A : memref<!tpu.dma_semaphore, #tpu.memory_space<semaphore_mem>>)
      %dma_wait3A = arith.constant 0 : i32
      %dma_wait3A_44 = tpu.memref_slice %arg13[%mul3A_10, %dma_wait3A] : memref<10240x128xf32, #tpu.memory_space<vmem_shared>> -> memref<640x128xf32, #tpu.memory_space<vmem_shared>>
      tpu.wait_dma2 semaphore(%run_scoped3A : memref<!tpu.dma_semaphore, #tpu.memory_space<semaphore_mem>>) src(%arg5 : memref<640x128xf32, #tpu.memory_space<hbm>>) dst(%dma_wait3A_44 : memref<640x128xf32, #tpu.memory_space<vmem_shared>>)
      tpu.yield
    }) : () -> ()
    %barrier3A = arith.constant 0 : index
    tpu.barrier barrier_id(%barrier3A)
    %jit3A_11 = arith.constant 8 : i32
    %div3A = arith.divsi %select_n3A, %jit3A_11 : i32
    %sign3A = arith.constant 0 : i32
    %sign3A_12 = arith.cmpi sgt, %select_n3A, %sign3A : i32
    %sign3A_13 = arith.extui %sign3A_12 : i1 to i32
    %sign3A_14 = arith.constant 0 : i32
    %sign3A_15 = arith.cmpi slt, %select_n3A, %sign3A_14 : i32
    %sign3A_16 = arith.extui %sign3A_15 : i1 to i32
    %sign3A_17 = arith.subi %sign3A_13, %sign3A_16 : i32
    %sign3A_18 = arith.constant 0 : i32
    %sign3A_19 = arith.cmpi sgt, %jit3A_11, %sign3A_18 : i32
    %sign3A_20 = arith.extui %sign3A_19 : i1 to i32
    %sign3A_21 = arith.constant 0 : i32
    %sign3A_22 = arith.cmpi slt, %jit3A_11, %sign3A_21 : i32
    %sign3A_23 = arith.extui %sign3A_22 : i1 to i32
    %sign3A_24 = arith.subi %sign3A_20, %sign3A_23 : i32
    %ne3A = arith.cmpi ne, %sign3A_17, %sign3A_24 : i32
    %rem3A = arith.remsi %select_n3A, %jit3A_11 : i32
    %ne3A_25 = arith.constant 0 : i32
    %ne3A_26 = arith.cmpi ne, %rem3A, %ne3A_25 : i32
    %and3A = arith.andi %ne3A, %ne3A_26 : i1
    %sub3A = arith.constant 1 : i32
    %sub3A_27 = arith.subi %div3A, %sub3A : i32
    %select_n3A_28 = arith.select %and3A, %sub3A_27, %div3A : i32
    %while3A = arith.constant 0 : i32
    %while3A_29 = arith.constant 0 : i32
    %while3A_30 = arith.subi %select_n3A_28, %while3A_29 : i32
    %while3A_31 = arith.addi %while3A_29, %while3A_30 : i32
    %while3A_32 = arith.constant 1 : i32
    %while3A_33 = arith.divsi %while3A_30, %while3A_32 : i32
    %while3A_34 = arith.muli %while3A_33, %while3A_32 : i32
    %while3A_35 = arith.addi %while3A_29, %while3A_34 : i32
    %while3A_36 = arith.constant 1 : i32
    scf.for %while3A_43 = %while3A_29 to %while3A_35 step %while3A_36  : i32 {
      %mul3A_44 = arith.constant 8 : i32
      %mul3A_45 = arith.muli %while3A_43, %mul3A_44 : i32
      %add3A_46 = arith.addi %select_n3A_8, %mul3A_45 : i32
      "tpu.region"() ({
        %run_scoped3A = tpu.sem_alloc : memref<!tpu.dma_semaphore, #tpu.memory_space<semaphore_mem>>
        %dma_start3A_58 = arith.constant 0 : i32
        %dma_start3A_59 = tpu.memref_slice %arg3[%add3A_46, %dma_start3A_58] : memref<2560x128xi32, #tpu.memory_space<hbm>> -> memref<8x128xi32, #tpu.memory_space<hbm>>
        %dma_start3A_60 = arith.constant 0 : i32
        %dma_start3A_61 = tpu.memref_slice %arg3[%add3A_46, %dma_start3A_60] : memref<2560x128xi32, #tpu.memory_space<hbm>> -> memref<8x128xi32, #tpu.memory_space<hbm>>
        tpu.enqueue_dma source(%dma_start3A_61 : memref<8x128xi32, #tpu.memory_space<hbm>>) target(%arg7 : memref<8x128xi32, #tpu.memory_space<vmem>>) target_semaphore(%run_scoped3A : memref<!tpu.dma_semaphore, #tpu.memory_space<semaphore_mem>>)
        %dma_wait3A = arith.constant 0 : i32
        %dma_wait3A_62 = tpu.memref_slice %arg3[%add3A_46, %dma_wait3A] : memref<2560x128xi32, #tpu.memory_space<hbm>> -> memref<8x128xi32, #tpu.memory_space<hbm>>
        %dma_wait3A_63 = arith.constant 0 : i32
        %dma_wait3A_64 = tpu.memref_slice %arg3[%add3A_46, %dma_wait3A_63] : memref<2560x128xi32, #tpu.memory_space<hbm>> -> memref<8x128xi32, #tpu.memory_space<hbm>>
        tpu.wait_dma2 semaphore(%run_scoped3A : memref<!tpu.dma_semaphore, #tpu.memory_space<semaphore_mem>>) src(%dma_wait3A_64 : memref<8x128xi32, #tpu.memory_space<hbm>>) dst(%arg7 : memref<8x128xi32, #tpu.memory_space<vmem>>)
        tpu.yield
      }) : () -> ()
      "tpu.region"() ({
        %run_scoped3A = tpu.sem_alloc : memref<!tpu.dma_semaphore, #tpu.memory_space<semaphore_mem>>
        %dma_start3A_58 = arith.constant 0 : i32
        %dma_start3A_59 = tpu.memref_slice %arg4[%add3A_46, %dma_start3A_58] : memref<2560x128xi32, #tpu.memory_space<hbm>> -> memref<8x128xi32, #tpu.memory_space<hbm>>
        %dma_start3A_60 = arith.constant 0 : i32
        %dma_start3A_61 = tpu.memref_slice %arg4[%add3A_46, %dma_start3A_60] : memref<2560x128xi32, #tpu.memory_space<hbm>> -> memref<8x128xi32, #tpu.memory_space<hbm>>
        tpu.enqueue_dma source(%dma_start3A_61 : memref<8x128xi32, #tpu.memory_space<hbm>>) target(%arg8 : memref<8x128xi32, #tpu.memory_space<vmem>>) target_semaphore(%run_scoped3A : memref<!tpu.dma_semaphore, #tpu.memory_space<semaphore_mem>>)
        %dma_wait3A = arith.constant 0 : i32
        %dma_wait3A_62 = tpu.memref_slice %arg4[%add3A_46, %dma_wait3A] : memref<2560x128xi32, #tpu.memory_space<hbm>> -> memref<8x128xi32, #tpu.memory_space<hbm>>
        %dma_wait3A_63 = arith.constant 0 : i32
        %dma_wait3A_64 = tpu.memref_slice %arg4[%add3A_46, %dma_wait3A_63] : memref<2560x128xi32, #tpu.memory_space<hbm>> -> memref<8x128xi32, #tpu.memory_space<hbm>>
        tpu.wait_dma2 semaphore(%run_scoped3A : memref<!tpu.dma_semaphore, #tpu.memory_space<semaphore_mem>>) src(%dma_wait3A_64 : memref<8x128xi32, #tpu.memory_space<hbm>>) dst(%arg8 : memref<8x128xi32, #tpu.memory_space<vmem>>)
        tpu.yield
      }) : () -> ()
      %dma_start3A = arith.constant 0 : i32
      %dma_start3A_47 = arith.constant 0 : i32
      %dma_start3A_48 = tpu.memref_slice %arg7[%dma_start3A, %dma_start3A_47] : memref<8x128xi32, #tpu.memory_space<vmem>> -> memref<1x128xi32, #tpu.memory_space<vmem>>
      %dma_start3A_49 = tpu.memref_squeeze %dma_start3A_48 : memref<1x128xi32, #tpu.memory_space<vmem>> -> memref<128xi32, #tpu.memory_space<vmem>>
      %dma_start3A_50 = arith.constant 0 : i32
      %dma_start3A_51 = arith.constant 0 : i32
      %dma_start3A_52 = tpu.memref_slice %arg2[%dma_start3A_50, %dma_start3A_51] : memref<10000x128xf32, #tpu.memory_space<hbm>> -> memref<10000x128xf32, #tpu.memory_space<hbm>>
      tpu.enqueue_indirect_dma source(%dma_start3A_52 : memref<10000x128xf32, #tpu.memory_space<hbm>>) target(%arg9 : memref<128x128xf32, #tpu.memory_space<vmem>>) offsets(%dma_start3A_49 : memref<128xi32, #tpu.memory_space<vmem>>) semaphore(%arg11 : memref<!tpu.dma_semaphore, #tpu.memory_space<semaphore_mem>>)
      %scan3A = arith.constant 0 : i32
      %scan3A_53 = arith.constant 0 : i32
      %scan3A_54 = arith.constant 4 : i32
      %scan3A_55 = arith.addi %scan3A_53, %scan3A_54 : i32
      %scan3A_56 = arith.constant 1 : i32
      scf.for %scan3A_58 = %scan3A_53 to %scan3A_55 step %scan3A_56  : i32 {
        %mul3A_59 = arith.constant 2 : i32
        %mul3A_60 = arith.muli %mul3A_59, %scan3A_58 : i32
        %add3A_61 = arith.constant 0 : i32
        %add3A_62 = arith.addi %mul3A_60, %add3A_61 : i32
        %add3A_63 = arith.constant 1 : i32
        %add3A_64 = arith.addi %add3A_62, %add3A_63 : i32
        %lt3A = arith.constant 8 : i32
        %lt3A_65 = arith.cmpi slt, %add3A_64, %lt3A : i32
        %convert_element_type3A = arith.extui %lt3A_65 : i1 to i32
        %cond3A = arith.constant 0 : i32
        %cond3A_66 = arith.cmpi ne, %convert_element_type3A, %cond3A : i32
        scf.if %cond3A_66 {
          %add3A_87 = arith.constant 1 : i32
          %add3A_88 = arith.addi %add3A_62, %add3A_87 : i32
          %dma_start3A_89 = arith.constant 0 : i32
          %dma_start3A_90 = tpu.memref_slice %arg7[%add3A_88, %dma_start3A_89] : memref<8x128xi32, #tpu.memory_space<vmem>> -> memref<1x128xi32, #tpu.memory_space<vmem>>
          %dma_start3A_91 = tpu.memref_squeeze %dma_start3A_90 : memref<1x128xi32, #tpu.memory_space<vmem>> -> memref<128xi32, #tpu.memory_space<vmem>>
          %dma_start3A_92 = arith.constant 0 : i32
          %dma_start3A_93 = arith.constant 0 : i32
          %dma_start3A_94 = tpu.memref_slice %arg2[%dma_start3A_92, %dma_start3A_93] : memref<10000x128xf32, #tpu.memory_space<hbm>> -> memref<10000x128xf32, #tpu.memory_space<hbm>>
          tpu.enqueue_indirect_dma source(%dma_start3A_94 : memref<10000x128xf32, #tpu.memory_space<hbm>>) target(%arg10 : memref<128x128xf32, #tpu.memory_space<vmem>>) offsets(%dma_start3A_91 : memref<128xi32, #tpu.memory_space<vmem>>) semaphore(%arg12 : memref<!tpu.dma_semaphore, #tpu.memory_space<semaphore_mem>>)
        } else {
        }
        %dma_wait3A = arith.constant 0 : i32
        %dma_wait3A_67 = arith.constant 0 : i32
        %dma_wait3A_68 = tpu.memref_slice %arg2[%dma_wait3A, %dma_wait3A_67] : memref<10000x128xf32, #tpu.memory_space<hbm>> -> memref<128x128xf32, #tpu.memory_space<hbm>>
        %dma_wait3A_69 = arith.constant 0 : i32
        %dma_wait3A_70 = arith.constant 0 : i32
        %dma_wait3A_71 = tpu.memref_slice %arg2[%dma_wait3A_69, %dma_wait3A_70] : memref<10000x128xf32, #tpu.memory_space<hbm>> -> memref<128x128xf32, #tpu.memory_space<hbm>>
        tpu.wait_dma2 semaphore(%arg11 : memref<!tpu.dma_semaphore, #tpu.memory_space<semaphore_mem>>) src(%dma_wait3A_71 : memref<128x128xf32, #tpu.memory_space<hbm>>) dst(%arg9 : memref<128x128xf32, #tpu.memory_space<vmem>>)
        "tpu.region"() ({
          %run_scoped3A = tpu.sem_alloc : memref<!tpu.dma_semaphore, #tpu.memory_space<semaphore_mem>>
          %dma_start3A_87 = arith.constant 0 : i32
          %dma_start3A_88 = tpu.memref_slice %arg8[%add3A_62, %dma_start3A_87] : memref<8x128xi32, #tpu.memory_space<vmem>> -> memref<1x128xi32, #tpu.memory_space<vmem>>
          %dma_start3A_89 = tpu.memref_squeeze %dma_start3A_88 : memref<1x128xi32, #tpu.memory_space<vmem>> -> memref<128xi32, #tpu.memory_space<vmem>>
          %dma_start3A_90 = arith.constant 0 : i32
          %dma_start3A_91 = arith.constant 0 : i32
          %dma_start3A_92 = tpu.memref_slice %arg13[%dma_start3A_90, %dma_start3A_91] : memref<10240x128xf32, #tpu.memory_space<vmem_shared>> -> memref<10240x128xf32, #tpu.memory_space<vmem_shared>>
          tpu.enqueue_indirect_dma source(%arg9 : memref<128x128xf32, #tpu.memory_space<vmem>>) target(%dma_start3A_92 : memref<10240x128xf32, #tpu.memory_space<vmem_shared>>) offsets(%dma_start3A_89 : memref<128xi32, #tpu.memory_space<vmem>>) semaphore(%run_scoped3A : memref<!tpu.dma_semaphore, #tpu.memory_space<semaphore_mem>>) {add = true}
          %dma_wait3A_93 = arith.constant 0 : i32
          %dma_wait3A_94 = tpu.memref_slice %arg8[%add3A_62, %dma_wait3A_93] : memref<8x128xi32, #tpu.memory_space<vmem>> -> memref<1x128xi32, #tpu.memory_space<vmem>>
          %dma_wait3A_95 = tpu.memref_squeeze %dma_wait3A_94 : memref<1x128xi32, #tpu.memory_space<vmem>> -> memref<128xi32, #tpu.memory_space<vmem>>
          %dma_wait3A_96 = arith.constant 0 : i32
          %dma_wait3A_97 = arith.constant 0 : i32
          %dma_wait3A_98 = tpu.memref_slice %arg13[%dma_wait3A_96, %dma_wait3A_97] : memref<10240x128xf32, #tpu.memory_space<vmem_shared>> -> memref<10240x128xf32, #tpu.memory_space<vmem_shared>>
          tpu.wait_indirect_dma semaphore(%run_scoped3A : memref<!tpu.dma_semaphore, #tpu.memory_space<semaphore_mem>>) src(%arg9 : memref<128x128xf32, #tpu.memory_space<vmem>>) dst(%dma_wait3A_98 : memref<10240x128xf32, #tpu.memory_space<vmem_shared>>)
          tpu.yield
        }) : () -> ()
        %add3A_72 = arith.constant 1 : i32
        %add3A_73 = arith.addi %mul3A_60, %add3A_72 : i32
        %add3A_74 = arith.constant 1 : i32
        %add3A_75 = arith.addi %add3A_73, %add3A_74 : i32
        %lt3A_76 = arith.constant 8 : i32
        %lt3A_77 = arith.cmpi slt, %add3A_75, %lt3A_76 : i32
        %convert_element_type3A_78 = arith.extui %lt3A_77 : i1 to i32
        %cond3A_79 = arith.constant 0 : i32
        %cond3A_80 = arith.cmpi ne, %convert_element_type3A_78, %cond3A_79 : i32
        scf.if %cond3A_80 {
          %add3A_87 = arith.constant 1 : i32
          %add3A_88 = arith.addi %add3A_73, %add3A_87 : i32
          %dma_start3A_89 = arith.constant 0 : i32
          %dma_start3A_90 = tpu.memref_slice %arg7[%add3A_88, %dma_start3A_89] : memref<8x128xi32, #tpu.memory_space<vmem>> -> memref<1x128xi32, #tpu.memory_space<vmem>>
          %dma_start3A_91 = tpu.memref_squeeze %dma_start3A_90 : memref<1x128xi32, #tpu.memory_space<vmem>> -> memref<128xi32, #tpu.memory_space<vmem>>
          %dma_start3A_92 = arith.constant 0 : i32
          %dma_start3A_93 = arith.constant 0 : i32
          %dma_start3A_94 = tpu.memref_slice %arg2[%dma_start3A_92, %dma_start3A_93] : memref<10000x128xf32, #tpu.memory_space<hbm>> -> memref<10000x128xf32, #tpu.memory_space<hbm>>
          tpu.enqueue_indirect_dma source(%dma_start3A_94 : memref<10000x128xf32, #tpu.memory_space<hbm>>) target(%arg9 : memref<128x128xf32, #tpu.memory_space<vmem>>) offsets(%dma_start3A_91 : memref<128xi32, #tpu.memory_space<vmem>>) semaphore(%arg11 : memref<!tpu.dma_semaphore, #tpu.memory_space<semaphore_mem>>)
        } else {
        }
        %dma_wait3A_81 = arith.constant 0 : i32
        %dma_wait3A_82 = arith.constant 0 : i32
        %dma_wait3A_83 = tpu.memref_slice %arg2[%dma_wait3A_81, %dma_wait3A_82] : memref<10000x128xf32, #tpu.memory_space<hbm>> -> memref<128x128xf32, #tpu.memory_space<hbm>>
        %dma_wait3A_84 = arith.constant 0 : i32
        %dma_wait3A_85 = arith.constant 0 : i32
        %dma_wait3A_86 = tpu.memref_slice %arg2[%dma_wait3A_84, %dma_wait3A_85] : memref<10000x128xf32, #tpu.memory_space<hbm>> -> memref<128x128xf32, #tpu.memory_space<hbm>>
        tpu.wait_dma2 semaphore(%arg12 : memref<!tpu.dma_semaphore, #tpu.memory_space<semaphore_mem>>) src(%dma_wait3A_86 : memref<128x128xf32, #tpu.memory_space<hbm>>) dst(%arg10 : memref<128x128xf32, #tpu.memory_space<vmem>>)
        "tpu.region"() ({
          %run_scoped3A = tpu.sem_alloc : memref<!tpu.dma_semaphore, #tpu.memory_space<semaphore_mem>>
          %dma_start3A_87 = arith.constant 0 : i32
          %dma_start3A_88 = tpu.memref_slice %arg8[%add3A_73, %dma_start3A_87] : memref<8x128xi32, #tpu.memory_space<vmem>> -> memref<1x128xi32, #tpu.memory_space<vmem>>
          %dma_start3A_89 = tpu.memref_squeeze %dma_start3A_88 : memref<1x128xi32, #tpu.memory_space<vmem>> -> memref<128xi32, #tpu.memory_space<vmem>>
          %dma_start3A_90 = arith.constant 0 : i32
          %dma_start3A_91 = arith.constant 0 : i32
          %dma_start3A_92 = tpu.memref_slice %arg13[%dma_start3A_90, %dma_start3A_91] : memref<10240x128xf32, #tpu.memory_space<vmem_shared>> -> memref<10240x128xf32, #tpu.memory_space<vmem_shared>>
          tpu.enqueue_indirect_dma source(%arg10 : memref<128x128xf32, #tpu.memory_space<vmem>>) target(%dma_start3A_92 : memref<10240x128xf32, #tpu.memory_space<vmem_shared>>) offsets(%dma_start3A_89 : memref<128xi32, #tpu.memory_space<vmem>>) semaphore(%run_scoped3A : memref<!tpu.dma_semaphore, #tpu.memory_space<semaphore_mem>>) {add = true}
          %dma_wait3A_93 = arith.constant 0 : i32
          %dma_wait3A_94 = tpu.memref_slice %arg8[%add3A_73, %dma_wait3A_93] : memref<8x128xi32, #tpu.memory_space<vmem>> -> memref<1x128xi32, #tpu.memory_space<vmem>>
          %dma_wait3A_95 = tpu.memref_squeeze %dma_wait3A_94 : memref<1x128xi32, #tpu.memory_space<vmem>> -> memref<128xi32, #tpu.memory_space<vmem>>
          %dma_wait3A_96 = arith.constant 0 : i32
          %dma_wait3A_97 = arith.constant 0 : i32
          %dma_wait3A_98 = tpu.memref_slice %arg13[%dma_wait3A_96, %dma_wait3A_97] : memref<10240x128xf32, #tpu.memory_space<vmem_shared>> -> memref<10240x128xf32, #tpu.memory_space<vmem_shared>>
          tpu.wait_indirect_dma semaphore(%run_scoped3A : memref<!tpu.dma_semaphore, #tpu.memory_space<semaphore_mem>>) src(%arg10 : memref<128x128xf32, #tpu.memory_space<vmem>>) dst(%dma_wait3A_98 : memref<10240x128xf32, #tpu.memory_space<vmem_shared>>)
          tpu.yield
        }) : () -> ()
      }
      %scan3A_57 = arith.constant 4 : i32
    }
    %while3A_37 = arith.constant 1 : i32
    scf.for %while3A_43 = %while3A_35 to %while3A_31 step %while3A_37  : i32 {
      %mul3A_44 = arith.constant 8 : i32
      %mul3A_45 = arith.muli %while3A_43, %mul3A_44 : i32
      %add3A_46 = arith.addi %select_n3A_8, %mul3A_45 : i32
      "tpu.region"() ({
        %run_scoped3A = tpu.sem_alloc : memref<!tpu.dma_semaphore, #tpu.memory_space<semaphore_mem>>
        %dma_start3A_58 = arith.constant 0 : i32
        %dma_start3A_59 = tpu.memref_slice %arg3[%add3A_46, %dma_start3A_58] : memref<2560x128xi32, #tpu.memory_space<hbm>> -> memref<8x128xi32, #tpu.memory_space<hbm>>
        %dma_start3A_60 = arith.constant 0 : i32
        %dma_start3A_61 = tpu.memref_slice %arg3[%add3A_46, %dma_start3A_60] : memref<2560x128xi32, #tpu.memory_space<hbm>> -> memref<8x128xi32, #tpu.memory_space<hbm>>
        tpu.enqueue_dma source(%dma_start3A_61 : memref<8x128xi32, #tpu.memory_space<hbm>>) target(%arg7 : memref<8x128xi32, #tpu.memory_space<vmem>>) target_semaphore(%run_scoped3A : memref<!tpu.dma_semaphore, #tpu.memory_space<semaphore_mem>>)
        %dma_wait3A = arith.constant 0 : i32
        %dma_wait3A_62 = tpu.memref_slice %arg3[%add3A_46, %dma_wait3A] : memref<2560x128xi32, #tpu.memory_space<hbm>> -> memref<8x128xi32, #tpu.memory_space<hbm>>
        %dma_wait3A_63 = arith.constant 0 : i32
        %dma_wait3A_64 = tpu.memref_slice %arg3[%add3A_46, %dma_wait3A_63] : memref<2560x128xi32, #tpu.memory_space<hbm>> -> memref<8x128xi32, #tpu.memory_space<hbm>>
        tpu.wait_dma2 semaphore(%run_scoped3A : memref<!tpu.dma_semaphore, #tpu.memory_space<semaphore_mem>>) src(%dma_wait3A_64 : memref<8x128xi32, #tpu.memory_space<hbm>>) dst(%arg7 : memref<8x128xi32, #tpu.memory_space<vmem>>)
        tpu.yield
      }) : () -> ()
      "tpu.region"() ({
        %run_scoped3A = tpu.sem_alloc : memref<!tpu.dma_semaphore, #tpu.memory_space<semaphore_mem>>
        %dma_start3A_58 = arith.constant 0 : i32
        %dma_start3A_59 = tpu.memref_slice %arg4[%add3A_46, %dma_start3A_58] : memref<2560x128xi32, #tpu.memory_space<hbm>> -> memref<8x128xi32, #tpu.memory_space<hbm>>
        %dma_start3A_60 = arith.constant 0 : i32
        %dma_start3A_61 = tpu.memref_slice %arg4[%add3A_46, %dma_start3A_60] : memref<2560x128xi32, #tpu.memory_space<hbm>> -> memref<8x128xi32, #tpu.memory_space<hbm>>
        tpu.enqueue_dma source(%dma_start3A_61 : memref<8x128xi32, #tpu.memory_space<hbm>>) target(%arg8 : memref<8x128xi32, #tpu.memory_space<vmem>>) target_semaphore(%run_scoped3A : memref<!tpu.dma_semaphore, #tpu.memory_space<semaphore_mem>>)
        %dma_wait3A = arith.constant 0 : i32
        %dma_wait3A_62 = tpu.memref_slice %arg4[%add3A_46, %dma_wait3A] : memref<2560x128xi32, #tpu.memory_space<hbm>> -> memref<8x128xi32, #tpu.memory_space<hbm>>
        %dma_wait3A_63 = arith.constant 0 : i32
        %dma_wait3A_64 = tpu.memref_slice %arg4[%add3A_46, %dma_wait3A_63] : memref<2560x128xi32, #tpu.memory_space<hbm>> -> memref<8x128xi32, #tpu.memory_space<hbm>>
        tpu.wait_dma2 semaphore(%run_scoped3A : memref<!tpu.dma_semaphore, #tpu.memory_space<semaphore_mem>>) src(%dma_wait3A_64 : memref<8x128xi32, #tpu.memory_space<hbm>>) dst(%arg8 : memref<8x128xi32, #tpu.memory_space<vmem>>)
        tpu.yield
      }) : () -> ()
      %dma_start3A = arith.constant 0 : i32
      %dma_start3A_47 = arith.constant 0 : i32
      %dma_start3A_48 = tpu.memref_slice %arg7[%dma_start3A, %dma_start3A_47] : memref<8x128xi32, #tpu.memory_space<vmem>> -> memref<1x128xi32, #tpu.memory_space<vmem>>
      %dma_start3A_49 = tpu.memref_squeeze %dma_start3A_48 : memref<1x128xi32, #tpu.memory_space<vmem>> -> memref<128xi32, #tpu.memory_space<vmem>>
      %dma_start3A_50 = arith.constant 0 : i32
      %dma_start3A_51 = arith.constant 0 : i32
      %dma_start3A_52 = tpu.memref_slice %arg2[%dma_start3A_50, %dma_start3A_51] : memref<10000x128xf32, #tpu.memory_space<hbm>> -> memref<10000x128xf32, #tpu.memory_space<hbm>>
      tpu.enqueue_indirect_dma source(%dma_start3A_52 : memref<10000x128xf32, #tpu.memory_space<hbm>>) target(%arg9 : memref<128x128xf32, #tpu.memory_space<vmem>>) offsets(%dma_start3A_49 : memref<128xi32, #tpu.memory_space<vmem>>) semaphore(%arg11 : memref<!tpu.dma_semaphore, #tpu.memory_space<semaphore_mem>>)
      %scan3A = arith.constant 0 : i32
      %scan3A_53 = arith.constant 0 : i32
      %scan3A_54 = arith.constant 4 : i32
      %scan3A_55 = arith.addi %scan3A_53, %scan3A_54 : i32
      %scan3A_56 = arith.constant 1 : i32
      scf.for %scan3A_58 = %scan3A_53 to %scan3A_55 step %scan3A_56  : i32 {
        %mul3A_59 = arith.constant 2 : i32
        %mul3A_60 = arith.muli %mul3A_59, %scan3A_58 : i32
        %add3A_61 = arith.constant 0 : i32
        %add3A_62 = arith.addi %mul3A_60, %add3A_61 : i32
        %add3A_63 = arith.constant 1 : i32
        %add3A_64 = arith.addi %add3A_62, %add3A_63 : i32
        %lt3A = arith.constant 8 : i32
        %lt3A_65 = arith.cmpi slt, %add3A_64, %lt3A : i32
        %convert_element_type3A = arith.extui %lt3A_65 : i1 to i32
        %cond3A = arith.constant 0 : i32
        %cond3A_66 = arith.cmpi ne, %convert_element_type3A, %cond3A : i32
        scf.if %cond3A_66 {
          %add3A_87 = arith.constant 1 : i32
          %add3A_88 = arith.addi %add3A_62, %add3A_87 : i32
          %dma_start3A_89 = arith.constant 0 : i32
          %dma_start3A_90 = tpu.memref_slice %arg7[%add3A_88, %dma_start3A_89] : memref<8x128xi32, #tpu.memory_space<vmem>> -> memref<1x128xi32, #tpu.memory_space<vmem>>
          %dma_start3A_91 = tpu.memref_squeeze %dma_start3A_90 : memref<1x128xi32, #tpu.memory_space<vmem>> -> memref<128xi32, #tpu.memory_space<vmem>>
          %dma_start3A_92 = arith.constant 0 : i32
          %dma_start3A_93 = arith.constant 0 : i32
          %dma_start3A_94 = tpu.memref_slice %arg2[%dma_start3A_92, %dma_start3A_93] : memref<10000x128xf32, #tpu.memory_space<hbm>> -> memref<10000x128xf32, #tpu.memory_space<hbm>>
          tpu.enqueue_indirect_dma source(%dma_start3A_94 : memref<10000x128xf32, #tpu.memory_space<hbm>>) target(%arg10 : memref<128x128xf32, #tpu.memory_space<vmem>>) offsets(%dma_start3A_91 : memref<128xi32, #tpu.memory_space<vmem>>) semaphore(%arg12 : memref<!tpu.dma_semaphore, #tpu.memory_space<semaphore_mem>>)
        } else {
        }
        %dma_wait3A = arith.constant 0 : i32
        %dma_wait3A_67 = arith.constant 0 : i32
        %dma_wait3A_68 = tpu.memref_slice %arg2[%dma_wait3A, %dma_wait3A_67] : memref<10000x128xf32, #tpu.memory_space<hbm>> -> memref<128x128xf32, #tpu.memory_space<hbm>>
        %dma_wait3A_69 = arith.constant 0 : i32
        %dma_wait3A_70 = arith.constant 0 : i32
        %dma_wait3A_71 = tpu.memref_slice %arg2[%dma_wait3A_69, %dma_wait3A_70] : memref<10000x128xf32, #tpu.memory_space<hbm>> -> memref<128x128xf32, #tpu.memory_space<hbm>>
        tpu.wait_dma2 semaphore(%arg11 : memref<!tpu.dma_semaphore, #tpu.memory_space<semaphore_mem>>) src(%dma_wait3A_71 : memref<128x128xf32, #tpu.memory_space<hbm>>) dst(%arg9 : memref<128x128xf32, #tpu.memory_space<vmem>>)
        "tpu.region"() ({
          %run_scoped3A = tpu.sem_alloc : memref<!tpu.dma_semaphore, #tpu.memory_space<semaphore_mem>>
          %dma_start3A_87 = arith.constant 0 : i32
          %dma_start3A_88 = tpu.memref_slice %arg8[%add3A_62, %dma_start3A_87] : memref<8x128xi32, #tpu.memory_space<vmem>> -> memref<1x128xi32, #tpu.memory_space<vmem>>
          %dma_start3A_89 = tpu.memref_squeeze %dma_start3A_88 : memref<1x128xi32, #tpu.memory_space<vmem>> -> memref<128xi32, #tpu.memory_space<vmem>>
          %dma_start3A_90 = arith.constant 0 : i32
          %dma_start3A_91 = arith.constant 0 : i32
          %dma_start3A_92 = tpu.memref_slice %arg13[%dma_start3A_90, %dma_start3A_91] : memref<10240x128xf32, #tpu.memory_space<vmem_shared>> -> memref<10240x128xf32, #tpu.memory_space<vmem_shared>>
          tpu.enqueue_indirect_dma source(%arg9 : memref<128x128xf32, #tpu.memory_space<vmem>>) target(%dma_start3A_92 : memref<10240x128xf32, #tpu.memory_space<vmem_shared>>) offsets(%dma_start3A_89 : memref<128xi32, #tpu.memory_space<vmem>>) semaphore(%run_scoped3A : memref<!tpu.dma_semaphore, #tpu.memory_space<semaphore_mem>>) {add = true}
          %dma_wait3A_93 = arith.constant 0 : i32
          %dma_wait3A_94 = tpu.memref_slice %arg8[%add3A_62, %dma_wait3A_93] : memref<8x128xi32, #tpu.memory_space<vmem>> -> memref<1x128xi32, #tpu.memory_space<vmem>>
          %dma_wait3A_95 = tpu.memref_squeeze %dma_wait3A_94 : memref<1x128xi32, #tpu.memory_space<vmem>> -> memref<128xi32, #tpu.memory_space<vmem>>
          %dma_wait3A_96 = arith.constant 0 : i32
          %dma_wait3A_97 = arith.constant 0 : i32
          %dma_wait3A_98 = tpu.memref_slice %arg13[%dma_wait3A_96, %dma_wait3A_97] : memref<10240x128xf32, #tpu.memory_space<vmem_shared>> -> memref<10240x128xf32, #tpu.memory_space<vmem_shared>>
          tpu.wait_indirect_dma semaphore(%run_scoped3A : memref<!tpu.dma_semaphore, #tpu.memory_space<semaphore_mem>>) src(%arg9 : memref<128x128xf32, #tpu.memory_space<vmem>>) dst(%dma_wait3A_98 : memref<10240x128xf32, #tpu.memory_space<vmem_shared>>)
          tpu.yield
        }) : () -> ()
        %add3A_72 = arith.constant 1 : i32
        %add3A_73 = arith.addi %mul3A_60, %add3A_72 : i32
        %add3A_74 = arith.constant 1 : i32
        %add3A_75 = arith.addi %add3A_73, %add3A_74 : i32
        %lt3A_76 = arith.constant 8 : i32
        %lt3A_77 = arith.cmpi slt, %add3A_75, %lt3A_76 : i32
        %convert_element_type3A_78 = arith.extui %lt3A_77 : i1 to i32
        %cond3A_79 = arith.constant 0 : i32
        %cond3A_80 = arith.cmpi ne, %convert_element_type3A_78, %cond3A_79 : i32
        scf.if %cond3A_80 {
          %add3A_87 = arith.constant 1 : i32
          %add3A_88 = arith.addi %add3A_73, %add3A_87 : i32
          %dma_start3A_89 = arith.constant 0 : i32
          %dma_start3A_90 = tpu.memref_slice %arg7[%add3A_88, %dma_start3A_89] : memref<8x128xi32, #tpu.memory_space<vmem>> -> memref<1x128xi32, #tpu.memory_space<vmem>>
          %dma_start3A_91 = tpu.memref_squeeze %dma_start3A_90 : memref<1x128xi32, #tpu.memory_space<vmem>> -> memref<128xi32, #tpu.memory_space<vmem>>
          %dma_start3A_92 = arith.constant 0 : i32
          %dma_start3A_93 = arith.constant 0 : i32
          %dma_start3A_94 = tpu.memref_slice %arg2[%dma_start3A_92, %dma_start3A_93] : memref<10000x128xf32, #tpu.memory_space<hbm>> -> memref<10000x128xf32, #tpu.memory_space<hbm>>
          tpu.enqueue_indirect_dma source(%dma_start3A_94 : memref<10000x128xf32, #tpu.memory_space<hbm>>) target(%arg9 : memref<128x128xf32, #tpu.memory_space<vmem>>) offsets(%dma_start3A_91 : memref<128xi32, #tpu.memory_space<vmem>>) semaphore(%arg11 : memref<!tpu.dma_semaphore, #tpu.memory_space<semaphore_mem>>)
        } else {
        }
        %dma_wait3A_81 = arith.constant 0 : i32
        %dma_wait3A_82 = arith.constant 0 : i32
        %dma_wait3A_83 = tpu.memref_slice %arg2[%dma_wait3A_81, %dma_wait3A_82] : memref<10000x128xf32, #tpu.memory_space<hbm>> -> memref<128x128xf32, #tpu.memory_space<hbm>>
        %dma_wait3A_84 = arith.constant 0 : i32
        %dma_wait3A_85 = arith.constant 0 : i32
        %dma_wait3A_86 = tpu.memref_slice %arg2[%dma_wait3A_84, %dma_wait3A_85] : memref<10000x128xf32, #tpu.memory_space<hbm>> -> memref<128x128xf32, #tpu.memory_space<hbm>>
        tpu.wait_dma2 semaphore(%arg12 : memref<!tpu.dma_semaphore, #tpu.memory_space<semaphore_mem>>) src(%dma_wait3A_86 : memref<128x128xf32, #tpu.memory_space<hbm>>) dst(%arg10 : memref<128x128xf32, #tpu.memory_space<vmem>>)
        "tpu.region"() ({
          %run_scoped3A = tpu.sem_alloc : memref<!tpu.dma_semaphore, #tpu.memory_space<semaphore_mem>>
          %dma_start3A_87 = arith.constant 0 : i32
          %dma_start3A_88 = tpu.memref_slice %arg8[%add3A_73, %dma_start3A_87] : memref<8x128xi32, #tpu.memory_space<vmem>> -> memref<1x128xi32, #tpu.memory_space<vmem>>
          %dma_start3A_89 = tpu.memref_squeeze %dma_start3A_88 : memref<1x128xi32, #tpu.memory_space<vmem>> -> memref<128xi32, #tpu.memory_space<vmem>>
          %dma_start3A_90 = arith.constant 0 : i32
          %dma_start3A_91 = arith.constant 0 : i32
          %dma_start3A_92 = tpu.memref_slice %arg13[%dma_start3A_90, %dma_start3A_91] : memref<10240x128xf32, #tpu.memory_space<vmem_shared>> -> memref<10240x128xf32, #tpu.memory_space<vmem_shared>>
          tpu.enqueue_indirect_dma source(%arg10 : memref<128x128xf32, #tpu.memory_space<vmem>>) target(%dma_start3A_92 : memref<10240x128xf32, #tpu.memory_space<vmem_shared>>) offsets(%dma_start3A_89 : memref<128xi32, #tpu.memory_space<vmem>>) semaphore(%run_scoped3A : memref<!tpu.dma_semaphore, #tpu.memory_space<semaphore_mem>>) {add = true}
          %dma_wait3A_93 = arith.constant 0 : i32
          %dma_wait3A_94 = tpu.memref_slice %arg8[%add3A_73, %dma_wait3A_93] : memref<8x128xi32, #tpu.memory_space<vmem>> -> memref<1x128xi32, #tpu.memory_space<vmem>>
          %dma_wait3A_95 = tpu.memref_squeeze %dma_wait3A_94 : memref<1x128xi32, #tpu.memory_space<vmem>> -> memref<128xi32, #tpu.memory_space<vmem>>
          %dma_wait3A_96 = arith.constant 0 : i32
          %dma_wait3A_97 = arith.constant 0 : i32
          %dma_wait3A_98 = tpu.memref_slice %arg13[%dma_wait3A_96, %dma_wait3A_97] : memref<10240x128xf32, #tpu.memory_space<vmem_shared>> -> memref<10240x128xf32, #tpu.memory_space<vmem_shared>>
          tpu.wait_indirect_dma semaphore(%run_scoped3A : memref<!tpu.dma_semaphore, #tpu.memory_space<semaphore_mem>>) src(%arg10 : memref<128x128xf32, #tpu.memory_space<vmem>>) dst(%dma_wait3A_98 : memref<10240x128xf32, #tpu.memory_space<vmem_shared>>)
          tpu.yield
        }) : () -> ()
      }
      %scan3A_57 = arith.constant 4 : i32
    }
    %barrier3A_38 = arith.constant 0 : index
    tpu.barrier barrier_id(%barrier3A_38)
    %mul3A_39 = arith.constant 640 : i32
    %mul3A_40 = arith.muli %arg1, %mul3A_39 : i32
    %mul3A_41 = arith.constant 640 : i32
    %mul3A_42 = arith.muli %arg1, %mul3A_41 : i32
    "tpu.region"() ({
      %run_scoped3A = tpu.sem_alloc : memref<!tpu.dma_semaphore, #tpu.memory_space<semaphore_mem>>
      %dma_start3A = arith.constant 0 : i32
      %dma_start3A_43 = tpu.memref_slice %arg6[%arg0, %mul3A_42, %dma_start3A] : memref<2x10240x128xf32, #tpu.memory_space<hbm>> -> memref<1x640x128xf32, #tpu.memory_space<hbm>>
      %dma_start3A_44 = tpu.memref_squeeze %dma_start3A_43 : memref<1x640x128xf32, #tpu.memory_space<hbm>> -> memref<640x128xf32, #tpu.memory_space<hbm>>
      %dma_start3A_45 = arith.constant 0 : i32
      %dma_start3A_46 = tpu.memref_slice %arg13[%mul3A_40, %dma_start3A_45] : memref<10240x128xf32, #tpu.memory_space<vmem_shared>> -> memref<640x128xf32, #tpu.memory_space<vmem_shared>>
      tpu.enqueue_dma source(%dma_start3A_46 : memref<640x128xf32, #tpu.memory_space<vmem_shared>>) target(%dma_start3A_44 : memref<640x128xf32, #tpu.memory_space<hbm>>) target_semaphore(%run_scoped3A : memref<!tpu.dma_semaphore, #tpu.memory_space<semaphore_mem>>)
      %dma_wait3A = arith.constant 0 : i32
      %dma_wait3A_47 = tpu.memref_slice %arg6[%arg0, %mul3A_42, %dma_wait3A] : memref<2x10240x128xf32, #tpu.memory_space<hbm>> -> memref<1x640x128xf32, #tpu.memory_space<hbm>>
      %dma_wait3A_48 = tpu.memref_squeeze %dma_wait3A_47 : memref<1x640x128xf32, #tpu.memory_space<hbm>> -> memref<640x128xf32, #tpu.memory_space<hbm>>
      %dma_wait3A_49 = arith.constant 0 : i32
      %dma_wait3A_50 = tpu.memref_slice %arg13[%mul3A_40, %dma_wait3A_49] : memref<10240x128xf32, #tpu.memory_space<vmem_shared>> -> memref<640x128xf32, #tpu.memory_space<vmem_shared>>
      tpu.wait_dma2 semaphore(%run_scoped3A : memref<!tpu.dma_semaphore, #tpu.memory_space<semaphore_mem>>) src(%dma_wait3A_50 : memref<640x128xf32, #tpu.memory_space<vmem_shared>>) dst(%dma_wait3A_48 : memref<640x128xf32, #tpu.memory_space<hbm>>)
      tpu.yield
    }) : () -> ()
    return
  }
}

#map = affine_map<(d0, d1) -> (0, 0)>
#map1 = affine_map<(d0, d1) -> (0)>
module attributes {stable_mosaic.version = 14 : i64} {
  func.func @_deg_kernel(%arg0: i32, %arg1: i32, %arg2: memref<2560x128xi32, #tpu.memory_space<hbm>>, %arg3: memref<10240xf32, #tpu.memory_space<hbm>>, %arg4: memref<10240x128xf32, #tpu.memory_space<hbm>>, %arg5: memref<16x10240xf32, #tpu.memory_space<hbm>>, %arg6: memref<10240xf32, #tpu.memory_space<vmem>>, %arg7: memref<160x128xi32, #tpu.memory_space<vmem>>, %arg8: memref<16x640xf32, #tpu.memory_space<vmem>>, %arg9: memref<640xf32, #tpu.memory_space<vmem>>, %arg10: memref<320x128xf32, #tpu.memory_space<vmem>>) attributes {dimension_semantics = [#tpu.dimension_semantics<core_parallel>, #tpu.dimension_semantics<subcore_parallel>], iteration_bounds = array<i64: 2, 16>, scalar_prefetch = 0 : i64, scratch_operands = 5 : i64, tpu.core_type = #tpu.core_type<sc_vector_subcore>, window_params = [{transform_indices = #map}, {transform_indices = #map1}, {transform_indices = #map}, {transform_indices = #map}]} {
    "tpu.region"() ({
      %run_scoped3A_48 = tpu.sem_alloc : memref<!tpu.dma_semaphore, #tpu.memory_space<semaphore_mem>>
      tpu.enqueue_dma source(%arg3 : memref<10240xf32, #tpu.memory_space<hbm>>) target(%arg6 : memref<10240xf32, #tpu.memory_space<vmem>>) target_semaphore(%run_scoped3A_48 : memref<!tpu.dma_semaphore, #tpu.memory_space<semaphore_mem>>)
      tpu.wait_dma2 semaphore(%run_scoped3A_48 : memref<!tpu.dma_semaphore, #tpu.memory_space<semaphore_mem>>) src(%arg3 : memref<10240xf32, #tpu.memory_space<hbm>>) dst(%arg6 : memref<10240xf32, #tpu.memory_space<vmem>>)
      tpu.yield
    }) : () -> ()
    %mul3A = arith.constant 160 : i32
    %mul3A_0 = arith.muli %arg1, %mul3A : i32
    "tpu.region"() ({
      %run_scoped3A_48 = tpu.sem_alloc : memref<!tpu.dma_semaphore, #tpu.memory_space<semaphore_mem>>
      %dma_start3A = arith.constant 0 : i32
      %dma_start3A_49 = tpu.memref_slice %arg2[%mul3A_0, %dma_start3A] : memref<2560x128xi32, #tpu.memory_space<hbm>> -> memref<160x128xi32, #tpu.memory_space<hbm>>
      %dma_start3A_50 = arith.constant 0 : i32
      %dma_start3A_51 = tpu.memref_slice %arg2[%mul3A_0, %dma_start3A_50] : memref<2560x128xi32, #tpu.memory_space<hbm>> -> memref<160x128xi32, #tpu.memory_space<hbm>>
      tpu.enqueue_dma source(%dma_start3A_51 : memref<160x128xi32, #tpu.memory_space<hbm>>) target(%arg7 : memref<160x128xi32, #tpu.memory_space<vmem>>) target_semaphore(%run_scoped3A_48 : memref<!tpu.dma_semaphore, #tpu.memory_space<semaphore_mem>>)
      %dma_wait3A = arith.constant 0 : i32
      %dma_wait3A_52 = tpu.memref_slice %arg2[%mul3A_0, %dma_wait3A] : memref<2560x128xi32, #tpu.memory_space<hbm>> -> memref<160x128xi32, #tpu.memory_space<hbm>>
      %dma_wait3A_53 = arith.constant 0 : i32
      %dma_wait3A_54 = tpu.memref_slice %arg2[%mul3A_0, %dma_wait3A_53] : memref<2560x128xi32, #tpu.memory_space<hbm>> -> memref<160x128xi32, #tpu.memory_space<hbm>>
      tpu.wait_dma2 semaphore(%run_scoped3A_48 : memref<!tpu.dma_semaphore, #tpu.memory_space<semaphore_mem>>) src(%dma_wait3A_54 : memref<160x128xi32, #tpu.memory_space<hbm>>) dst(%arg7 : memref<160x128xi32, #tpu.memory_space<vmem>>)
      tpu.yield
    }) : () -> ()
    %broadcast_in_dim3A = arith.constant 1.000000e+00 : f32
    %broadcast_in_dim3A_1 = vector.broadcast %broadcast_in_dim3A : f32 to vector<16xf32>
    %scan3A = arith.constant 0 : i32
    %scan3A_2 = arith.constant 0 : i32
    %scan3A_3 = arith.constant 1280 : i32
    %scan3A_4 = arith.addi %scan3A_2, %scan3A_3 : i32
    %scan3A_5 = arith.constant 1 : i32
    scf.for %scan3A_48 = %scan3A_2 to %scan3A_4 step %scan3A_5  : i32 {
      %jit3A = arith.constant 8 : i32
      %div3A = arith.divsi %scan3A_48, %jit3A : i32
      %sign3A = arith.constant 0 : i32
      %sign3A_49 = arith.cmpi sgt, %scan3A_48, %sign3A : i32
      %sign3A_50 = arith.extui %sign3A_49 : i1 to i32
      %sign3A_51 = arith.constant 0 : i32
      %sign3A_52 = arith.cmpi slt, %scan3A_48, %sign3A_51 : i32
      %sign3A_53 = arith.extui %sign3A_52 : i1 to i32
      %sign3A_54 = arith.subi %sign3A_50, %sign3A_53 : i32
      %sign3A_55 = arith.constant 0 : i32
      %sign3A_56 = arith.cmpi sgt, %jit3A, %sign3A_55 : i32
      %sign3A_57 = arith.extui %sign3A_56 : i1 to i32
      %sign3A_58 = arith.constant 0 : i32
      %sign3A_59 = arith.cmpi slt, %jit3A, %sign3A_58 : i32
      %sign3A_60 = arith.extui %sign3A_59 : i1 to i32
      %sign3A_61 = arith.subi %sign3A_57, %sign3A_60 : i32
      %ne3A = arith.cmpi ne, %sign3A_54, %sign3A_61 : i32
      %rem3A = arith.remsi %scan3A_48, %jit3A : i32
      %ne3A_62 = arith.constant 0 : i32
      %ne3A_63 = arith.cmpi ne, %rem3A, %ne3A_62 : i32
      %and3A = arith.andi %ne3A, %ne3A_63 : i1
      %sub3A = arith.constant 1 : i32
      %sub3A_64 = arith.subi %div3A, %sub3A : i32
      %select_n3A = arith.select %and3A, %sub3A_64, %div3A : i32
      %jit3A_65 = arith.constant 8 : i32
      %eq3A_66 = arith.constant 0 : i32
      %eq3A_67 = arith.cmpi eq, %jit3A_65, %eq3A_66 : i32
      %jit3A_68 = arith.constant 1 : i32
      %select_n3A_69 = arith.select %eq3A_67, %jit3A_68, %jit3A_65 : i32
      %rem3A_70 = arith.remsi %scan3A_48, %select_n3A_69 : i32
      %ne3A_71 = arith.constant 0 : i32
      %ne3A_72 = arith.cmpi ne, %rem3A_70, %ne3A_71 : i32
      %lt3A = arith.constant 0 : i32
      %lt3A_73 = arith.cmpi slt, %rem3A_70, %lt3A : i32
      %lt3A_74 = arith.constant 0 : i32
      %lt3A_75 = arith.cmpi slt, %select_n3A_69, %lt3A_74 : i32
      %ne3A_76 = arith.xori %lt3A_73, %lt3A_75 : i1
      %and3A_77 = arith.andi %ne3A_76, %ne3A_72 : i1
      %add3A = arith.addi %rem3A_70, %select_n3A_69 : i32
      %select_n3A_78 = arith.select %and3A_77, %add3A, %rem3A_70 : i32
      %mul3A_79 = arith.constant 16 : i32
      %mul3A_80 = arith.muli %select_n3A_78, %mul3A_79 : i32
      %get3A = arith.index_cast %select_n3A : i32 to index
      %get3A_81 = arith.index_cast %mul3A_80 : i32 to index
      %get3A_82 = tpu.vector_load %arg7[%get3A, %get3A_81] {strides = array<i32>} : memref<160x128xi32, #tpu.memory_space<vmem>>, vector<16xi32>,
      tpu.vector_store_idx %arg6[%get3A_82], %broadcast_in_dim3A_1 {add = true} : memref<10240xf32, #tpu.memory_space<vmem>>[vector<16xi32>], vector<16xf32>,
    }
    %scan3A_6 = arith.constant 1280 : i32
    "tpu.region"() ({
      %run_scoped3A_48 = tpu.sem_alloc : memref<!tpu.dma_semaphore, #tpu.memory_space<semaphore_mem>>
      %dma_start3A = arith.constant 0 : i32
      %dma_start3A_49 = tpu.memref_slice %arg5[%arg1, %dma_start3A] : memref<16x10240xf32, #tpu.memory_space<hbm>> -> memref<1x10240xf32, #tpu.memory_space<hbm>>
      %dma_start3A_50 = tpu.memref_squeeze %dma_start3A_49 : memref<1x10240xf32, #tpu.memory_space<hbm>> -> memref<10240xf32, #tpu.memory_space<hbm>>
      %dma_start3A_51 = arith.constant 0 : i32
      %dma_start3A_52 = tpu.memref_slice %arg5[%arg1, %dma_start3A_51] : memref<16x10240xf32, #tpu.memory_space<hbm>> -> memref<1x10240xf32, #tpu.memory_space<hbm>>
      %dma_start3A_53 = tpu.memref_squeeze %dma_start3A_52 : memref<1x10240xf32, #tpu.memory_space<hbm>> -> memref<10240xf32, #tpu.memory_space<hbm>>
      tpu.enqueue_dma source(%arg6 : memref<10240xf32, #tpu.memory_space<vmem>>) target(%dma_start3A_53 : memref<10240xf32, #tpu.memory_space<hbm>>) target_semaphore(%run_scoped3A_48 : memref<!tpu.dma_semaphore, #tpu.memory_space<semaphore_mem>>)
      %dma_wait3A = arith.constant 0 : i32
      %dma_wait3A_54 = tpu.memref_slice %arg5[%arg1, %dma_wait3A] : memref<16x10240xf32, #tpu.memory_space<hbm>> -> memref<1x10240xf32, #tpu.memory_space<hbm>>
      %dma_wait3A_55 = tpu.memref_squeeze %dma_wait3A_54 : memref<1x10240xf32, #tpu.memory_space<hbm>> -> memref<10240xf32, #tpu.memory_space<hbm>>
      %dma_wait3A_56 = arith.constant 0 : i32
      %dma_wait3A_57 = tpu.memref_slice %arg5[%arg1, %dma_wait3A_56] : memref<16x10240xf32, #tpu.memory_space<hbm>> -> memref<1x10240xf32, #tpu.memory_space<hbm>>
      %dma_wait3A_58 = tpu.memref_squeeze %dma_wait3A_57 : memref<1x10240xf32, #tpu.memory_space<hbm>> -> memref<10240xf32, #tpu.memory_space<hbm>>
      tpu.wait_dma2 semaphore(%run_scoped3A_48 : memref<!tpu.dma_semaphore, #tpu.memory_space<semaphore_mem>>) src(%arg6 : memref<10240xf32, #tpu.memory_space<vmem>>) dst(%dma_wait3A_58 : memref<10240xf32, #tpu.memory_space<hbm>>)
      tpu.yield
    }) : () -> ()
    %barrier3A = arith.constant 0 : index
    tpu.barrier barrier_id(%barrier3A)
    %mul3A_7 = arith.constant 640 : i32
    %mul3A_8 = arith.muli %arg1, %mul3A_7 : i32
    %run_scoped3A = arith.constant 0 : i32
    %run_scoped3A_9 = arith.constant 0 : i32
    "tpu.region"() ({
      %run_scoped3A_48 = tpu.sem_alloc : memref<!tpu.dma_semaphore, #tpu.memory_space<semaphore_mem>>
      %dma_start3A = arith.constant 0 : i32
      %dma_start3A_49 = tpu.memref_slice %arg8[%run_scoped3A_9, %dma_start3A] : memref<16x640xf32, #tpu.memory_space<vmem>> -> memref<1x640xf32, #tpu.memory_space<vmem>>
      %dma_start3A_50 = tpu.memref_squeeze %dma_start3A_49 : memref<1x640xf32, #tpu.memory_space<vmem>> -> memref<640xf32, #tpu.memory_space<vmem>>
      %dma_start3A_51 = tpu.memref_slice %arg5[%run_scoped3A, %mul3A_8] : memref<16x10240xf32, #tpu.memory_space<hbm>> -> memref<1x640xf32, #tpu.memory_space<hbm>>
      %dma_start3A_52 = tpu.memref_squeeze %dma_start3A_51 : memref<1x640xf32, #tpu.memory_space<hbm>> -> memref<640xf32, #tpu.memory_space<hbm>>
      %dma_start3A_53 = arith.constant 0 : i32
      %dma_start3A_54 = tpu.memref_slice %arg8[%run_scoped3A_9, %dma_start3A_53] : memref<16x640xf32, #tpu.memory_space<vmem>> -> memref<1x640xf32, #tpu.memory_space<vmem>>
      %dma_start3A_55 = tpu.memref_squeeze %dma_start3A_54 : memref<1x640xf32, #tpu.memory_space<vmem>> -> memref<640xf32, #tpu.memory_space<vmem>>
      %dma_start3A_56 = tpu.memref_slice %arg5[%run_scoped3A, %mul3A_8] : memref<16x10240xf32, #tpu.memory_space<hbm>> -> memref<1x640xf32, #tpu.memory_space<hbm>>
      %dma_start3A_57 = tpu.memref_squeeze %dma_start3A_56 : memref<1x640xf32, #tpu.memory_space<hbm>> -> memref<640xf32, #tpu.memory_space<hbm>>
      tpu.enqueue_dma source(%dma_start3A_57 : memref<640xf32, #tpu.memory_space<hbm>>) target(%dma_start3A_55 : memref<640xf32, #tpu.memory_space<vmem>>) target_semaphore(%run_scoped3A_48 : memref<!tpu.dma_semaphore, #tpu.memory_space<semaphore_mem>>)
      %dma_wait3A = arith.constant 0 : i32
      %dma_wait3A_58 = tpu.memref_slice %arg8[%run_scoped3A_9, %dma_wait3A] : memref<16x640xf32, #tpu.memory_space<vmem>> -> memref<1x640xf32, #tpu.memory_space<vmem>>
      %dma_wait3A_59 = tpu.memref_squeeze %dma_wait3A_58 : memref<1x640xf32, #tpu.memory_space<vmem>> -> memref<640xf32, #tpu.memory_space<vmem>>
      %dma_wait3A_60 = tpu.memref_slice %arg5[%run_scoped3A, %mul3A_8] : memref<16x10240xf32, #tpu.memory_space<hbm>> -> memref<1x640xf32, #tpu.memory_space<hbm>>
      %dma_wait3A_61 = tpu.memref_squeeze %dma_wait3A_60 : memref<1x640xf32, #tpu.memory_space<hbm>> -> memref<640xf32, #tpu.memory_space<hbm>>
      %dma_wait3A_62 = arith.constant 0 : i32
      %dma_wait3A_63 = tpu.memref_slice %arg8[%run_scoped3A_9, %dma_wait3A_62] : memref<16x640xf32, #tpu.memory_space<vmem>> -> memref<1x640xf32, #tpu.memory_space<vmem>>
      %dma_wait3A_64 = tpu.memref_squeeze %dma_wait3A_63 : memref<1x640xf32, #tpu.memory_space<vmem>> -> memref<640xf32, #tpu.memory_space<vmem>>
      %dma_wait3A_65 = tpu.memref_slice %arg5[%run_scoped3A, %mul3A_8] : memref<16x10240xf32, #tpu.memory_space<hbm>> -> memref<1x640xf32, #tpu.memory_space<hbm>>
      %dma_wait3A_66 = tpu.memref_squeeze %dma_wait3A_65 : memref<1x640xf32, #tpu.memory_space<hbm>> -> memref<640xf32, #tpu.memory_space<hbm>>
      tpu.wait_dma2 semaphore(%run_scoped3A_48 : memref<!tpu.dma_semaphore, #tpu.memory_space<semaphore_mem>>) src(%dma_wait3A_66 : memref<640xf32, #tpu.memory_space<hbm>>) dst(%dma_wait3A_64 : memref<640xf32, #tpu.memory_space<vmem>>)
      tpu.yield
    }) : () -> ()
    %run_scoped3A_10 = arith.constant 1 : i32
    %run_scoped3A_11 = arith.constant 1 : i32
    "tpu.region"() ({
      %run_scoped3A_48 = tpu.sem_alloc : memref<!tpu.dma_semaphore, #tpu.memory_space<semaphore_mem>>
      %dma_start3A = arith.constant 0 : i32
      %dma_start3A_49 = tpu.memref_slice %arg8[%run_scoped3A_11, %dma_start3A] : memref<16x640xf32, #tpu.memory_space<vmem>> -> memref<1x640xf32, #tpu.memory_space<vmem>>
      %dma_start3A_50 = tpu.memref_squeeze %dma_start3A_49 : memref<1x640xf32, #tpu.memory_space<vmem>> -> memref<640xf32, #tpu.memory_space<vmem>>
      %dma_start3A_51 = tpu.memref_slice %arg5[%run_scoped3A_10, %mul3A_8] : memref<16x10240xf32, #tpu.memory_space<hbm>> -> memref<1x640xf32, #tpu.memory_space<hbm>>
      %dma_start3A_52 = tpu.memref_squeeze %dma_start3A_51 : memref<1x640xf32, #tpu.memory_space<hbm>> -> memref<640xf32, #tpu.memory_space<hbm>>
      %dma_start3A_53 = arith.constant 0 : i32
      %dma_start3A_54 = tpu.memref_slice %arg8[%run_scoped3A_11, %dma_start3A_53] : memref<16x640xf32, #tpu.memory_space<vmem>> -> memref<1x640xf32, #tpu.memory_space<vmem>>
      %dma_start3A_55 = tpu.memref_squeeze %dma_start3A_54 : memref<1x640xf32, #tpu.memory_space<vmem>> -> memref<640xf32, #tpu.memory_space<vmem>>
      %dma_start3A_56 = tpu.memref_slice %arg5[%run_scoped3A_10, %mul3A_8] : memref<16x10240xf32, #tpu.memory_space<hbm>> -> memref<1x640xf32, #tpu.memory_space<hbm>>
      %dma_start3A_57 = tpu.memref_squeeze %dma_start3A_56 : memref<1x640xf32, #tpu.memory_space<hbm>> -> memref<640xf32, #tpu.memory_space<hbm>>
      tpu.enqueue_dma source(%dma_start3A_57 : memref<640xf32, #tpu.memory_space<hbm>>) target(%dma_start3A_55 : memref<640xf32, #tpu.memory_space<vmem>>) target_semaphore(%run_scoped3A_48 : memref<!tpu.dma_semaphore, #tpu.memory_space<semaphore_mem>>)
      %dma_wait3A = arith.constant 0 : i32
      %dma_wait3A_58 = tpu.memref_slice %arg8[%run_scoped3A_11, %dma_wait3A] : memref<16x640xf32, #tpu.memory_space<vmem>> -> memref<1x640xf32, #tpu.memory_space<vmem>>
      %dma_wait3A_59 = tpu.memref_squeeze %dma_wait3A_58 : memref<1x640xf32, #tpu.memory_space<vmem>> -> memref<640xf32, #tpu.memory_space<vmem>>
      %dma_wait3A_60 = tpu.memref_slice %arg5[%run_scoped3A_10, %mul3A_8] : memref<16x10240xf32, #tpu.memory_space<hbm>> -> memref<1x640xf32, #tpu.memory_space<hbm>>
      %dma_wait3A_61 = tpu.memref_squeeze %dma_wait3A_60 : memref<1x640xf32, #tpu.memory_space<hbm>> -> memref<640xf32, #tpu.memory_space<hbm>>
      %dma_wait3A_62 = arith.constant 0 : i32
      %dma_wait3A_63 = tpu.memref_slice %arg8[%run_scoped3A_11, %dma_wait3A_62] : memref<16x640xf32, #tpu.memory_space<vmem>> -> memref<1x640xf32, #tpu.memory_space<vmem>>
      %dma_wait3A_64 = tpu.memref_squeeze %dma_wait3A_63 : memref<1x640xf32, #tpu.memory_space<vmem>> -> memref<640xf32, #tpu.memory_space<vmem>>
      %dma_wait3A_65 = tpu.memref_slice %arg5[%run_scoped3A_10, %mul3A_8] : memref<16x10240xf32, #tpu.memory_space<hbm>> -> memref<1x640xf32, #tpu.memory_space<hbm>>
      %dma_wait3A_66 = tpu.memref_squeeze %dma_wait3A_65 : memref<1x640xf32, #tpu.memory_space<hbm>> -> memref<640xf32, #tpu.memory_space<hbm>>
      tpu.wait_dma2 semaphore(%run_scoped3A_48 : memref<!tpu.dma_semaphore, #tpu.memory_space<semaphore_mem>>) src(%dma_wait3A_66 : memref<640xf32, #tpu.memory_space<hbm>>) dst(%dma_wait3A_64 : memref<640xf32, #tpu.memory_space<vmem>>)
      tpu.yield
    }) : () -> ()
    %run_scoped3A_12 = arith.constant 2 : i32
    %run_scoped3A_13 = arith.constant 2 : i32
    "tpu.region"() ({
      %run_scoped3A_48 = tpu.sem_alloc : memref<!tpu.dma_semaphore, #tpu.memory_space<semaphore_mem>>
      %dma_start3A = arith.constant 0 : i32
      %dma_start3A_49 = tpu.memref_slice %arg8[%run_scoped3A_13, %dma_start3A] : memref<16x640xf32, #tpu.memory_space<vmem>> -> memref<1x640xf32, #tpu.memory_space<vmem>>
      %dma_start3A_50 = tpu.memref_squeeze %dma_start3A_49 : memref<1x640xf32, #tpu.memory_space<vmem>> -> memref<640xf32, #tpu.memory_space<vmem>>
      %dma_start3A_51 = tpu.memref_slice %arg5[%run_scoped3A_12, %mul3A_8] : memref<16x10240xf32, #tpu.memory_space<hbm>> -> memref<1x640xf32, #tpu.memory_space<hbm>>
      %dma_start3A_52 = tpu.memref_squeeze %dma_start3A_51 : memref<1x640xf32, #tpu.memory_space<hbm>> -> memref<640xf32, #tpu.memory_space<hbm>>
      %dma_start3A_53 = arith.constant 0 : i32
      %dma_start3A_54 = tpu.memref_slice %arg8[%run_scoped3A_13, %dma_start3A_53] : memref<16x640xf32, #tpu.memory_space<vmem>> -> memref<1x640xf32, #tpu.memory_space<vmem>>
      %dma_start3A_55 = tpu.memref_squeeze %dma_start3A_54 : memref<1x640xf32, #tpu.memory_space<vmem>> -> memref<640xf32, #tpu.memory_space<vmem>>
      %dma_start3A_56 = tpu.memref_slice %arg5[%run_scoped3A_12, %mul3A_8] : memref<16x10240xf32, #tpu.memory_space<hbm>> -> memref<1x640xf32, #tpu.memory_space<hbm>>
      %dma_start3A_57 = tpu.memref_squeeze %dma_start3A_56 : memref<1x640xf32, #tpu.memory_space<hbm>> -> memref<640xf32, #tpu.memory_space<hbm>>
      tpu.enqueue_dma source(%dma_start3A_57 : memref<640xf32, #tpu.memory_space<hbm>>) target(%dma_start3A_55 : memref<640xf32, #tpu.memory_space<vmem>>) target_semaphore(%run_scoped3A_48 : memref<!tpu.dma_semaphore, #tpu.memory_space<semaphore_mem>>)
      %dma_wait3A = arith.constant 0 : i32
      %dma_wait3A_58 = tpu.memref_slice %arg8[%run_scoped3A_13, %dma_wait3A] : memref<16x640xf32, #tpu.memory_space<vmem>> -> memref<1x640xf32, #tpu.memory_space<vmem>>
      %dma_wait3A_59 = tpu.memref_squeeze %dma_wait3A_58 : memref<1x640xf32, #tpu.memory_space<vmem>> -> memref<640xf32, #tpu.memory_space<vmem>>
      %dma_wait3A_60 = tpu.memref_slice %arg5[%run_scoped3A_12, %mul3A_8] : memref<16x10240xf32, #tpu.memory_space<hbm>> -> memref<1x640xf32, #tpu.memory_space<hbm>>
      %dma_wait3A_61 = tpu.memref_squeeze %dma_wait3A_60 : memref<1x640xf32, #tpu.memory_space<hbm>> -> memref<640xf32, #tpu.memory_space<hbm>>
      %dma_wait3A_62 = arith.constant 0 : i32
      %dma_wait3A_63 = tpu.memref_slice %arg8[%run_scoped3A_13, %dma_wait3A_62] : memref<16x640xf32, #tpu.memory_space<vmem>> -> memref<1x640xf32, #tpu.memory_space<vmem>>
      %dma_wait3A_64 = tpu.memref_squeeze %dma_wait3A_63 : memref<1x640xf32, #tpu.memory_space<vmem>> -> memref<640xf32, #tpu.memory_space<vmem>>
      %dma_wait3A_65 = tpu.memref_slice %arg5[%run_scoped3A_12, %mul3A_8] : memref<16x10240xf32, #tpu.memory_space<hbm>> -> memref<1x640xf32, #tpu.memory_space<hbm>>
      %dma_wait3A_66 = tpu.memref_squeeze %dma_wait3A_65 : memref<1x640xf32, #tpu.memory_space<hbm>> -> memref<640xf32, #tpu.memory_space<hbm>>
      tpu.wait_dma2 semaphore(%run_scoped3A_48 : memref<!tpu.dma_semaphore, #tpu.memory_space<semaphore_mem>>) src(%dma_wait3A_66 : memref<640xf32, #tpu.memory_space<hbm>>) dst(%dma_wait3A_64 : memref<640xf32, #tpu.memory_space<vmem>>)
      tpu.yield
    }) : () -> ()
    %run_scoped3A_14 = arith.constant 3 : i32
    %run_scoped3A_15 = arith.constant 3 : i32
    "tpu.region"() ({
      %run_scoped3A_48 = tpu.sem_alloc : memref<!tpu.dma_semaphore, #tpu.memory_space<semaphore_mem>>
      %dma_start3A = arith.constant 0 : i32
      %dma_start3A_49 = tpu.memref_slice %arg8[%run_scoped3A_15, %dma_start3A] : memref<16x640xf32, #tpu.memory_space<vmem>> -> memref<1x640xf32, #tpu.memory_space<vmem>>
      %dma_start3A_50 = tpu.memref_squeeze %dma_start3A_49 : memref<1x640xf32, #tpu.memory_space<vmem>> -> memref<640xf32, #tpu.memory_space<vmem>>
      %dma_start3A_51 = tpu.memref_slice %arg5[%run_scoped3A_14, %mul3A_8] : memref<16x10240xf32, #tpu.memory_space<hbm>> -> memref<1x640xf32, #tpu.memory_space<hbm>>
      %dma_start3A_52 = tpu.memref_squeeze %dma_start3A_51 : memref<1x640xf32, #tpu.memory_space<hbm>> -> memref<640xf32, #tpu.memory_space<hbm>>
      %dma_start3A_53 = arith.constant 0 : i32
      %dma_start3A_54 = tpu.memref_slice %arg8[%run_scoped3A_15, %dma_start3A_53] : memref<16x640xf32, #tpu.memory_space<vmem>> -> memref<1x640xf32, #tpu.memory_space<vmem>>
      %dma_start3A_55 = tpu.memref_squeeze %dma_start3A_54 : memref<1x640xf32, #tpu.memory_space<vmem>> -> memref<640xf32, #tpu.memory_space<vmem>>
      %dma_start3A_56 = tpu.memref_slice %arg5[%run_scoped3A_14, %mul3A_8] : memref<16x10240xf32, #tpu.memory_space<hbm>> -> memref<1x640xf32, #tpu.memory_space<hbm>>
      %dma_start3A_57 = tpu.memref_squeeze %dma_start3A_56 : memref<1x640xf32, #tpu.memory_space<hbm>> -> memref<640xf32, #tpu.memory_space<hbm>>
      tpu.enqueue_dma source(%dma_start3A_57 : memref<640xf32, #tpu.memory_space<hbm>>) target(%dma_start3A_55 : memref<640xf32, #tpu.memory_space<vmem>>) target_semaphore(%run_scoped3A_48 : memref<!tpu.dma_semaphore, #tpu.memory_space<semaphore_mem>>)
      %dma_wait3A = arith.constant 0 : i32
      %dma_wait3A_58 = tpu.memref_slice %arg8[%run_scoped3A_15, %dma_wait3A] : memref<16x640xf32, #tpu.memory_space<vmem>> -> memref<1x640xf32, #tpu.memory_space<vmem>>
      %dma_wait3A_59 = tpu.memref_squeeze %dma_wait3A_58 : memref<1x640xf32, #tpu.memory_space<vmem>> -> memref<640xf32, #tpu.memory_space<vmem>>
      %dma_wait3A_60 = tpu.memref_slice %arg5[%run_scoped3A_14, %mul3A_8] : memref<16x10240xf32, #tpu.memory_space<hbm>> -> memref<1x640xf32, #tpu.memory_space<hbm>>
      %dma_wait3A_61 = tpu.memref_squeeze %dma_wait3A_60 : memref<1x640xf32, #tpu.memory_space<hbm>> -> memref<640xf32, #tpu.memory_space<hbm>>
      %dma_wait3A_62 = arith.constant 0 : i32
      %dma_wait3A_63 = tpu.memref_slice %arg8[%run_scoped3A_15, %dma_wait3A_62] : memref<16x640xf32, #tpu.memory_space<vmem>> -> memref<1x640xf32, #tpu.memory_space<vmem>>
      %dma_wait3A_64 = tpu.memref_squeeze %dma_wait3A_63 : memref<1x640xf32, #tpu.memory_space<vmem>> -> memref<640xf32, #tpu.memory_space<vmem>>
      %dma_wait3A_65 = tpu.memref_slice %arg5[%run_scoped3A_14, %mul3A_8] : memref<16x10240xf32, #tpu.memory_space<hbm>> -> memref<1x640xf32, #tpu.memory_space<hbm>>
      %dma_wait3A_66 = tpu.memref_squeeze %dma_wait3A_65 : memref<1x640xf32, #tpu.memory_space<hbm>> -> memref<640xf32, #tpu.memory_space<hbm>>
      tpu.wait_dma2 semaphore(%run_scoped3A_48 : memref<!tpu.dma_semaphore, #tpu.memory_space<semaphore_mem>>) src(%dma_wait3A_66 : memref<640xf32, #tpu.memory_space<hbm>>) dst(%dma_wait3A_64 : memref<640xf32, #tpu.memory_space<vmem>>)
      tpu.yield
    }) : () -> ()
    %run_scoped3A_16 = arith.constant 4 : i32
    %run_scoped3A_17 = arith.constant 4 : i32
    "tpu.region"() ({
      %run_scoped3A_48 = tpu.sem_alloc : memref<!tpu.dma_semaphore, #tpu.memory_space<semaphore_mem>>
      %dma_start3A = arith.constant 0 : i32
      %dma_start3A_49 = tpu.memref_slice %arg8[%run_scoped3A_17, %dma_start3A] : memref<16x640xf32, #tpu.memory_space<vmem>> -> memref<1x640xf32, #tpu.memory_space<vmem>>
      %dma_start3A_50 = tpu.memref_squeeze %dma_start3A_49 : memref<1x640xf32, #tpu.memory_space<vmem>> -> memref<640xf32, #tpu.memory_space<vmem>>
      %dma_start3A_51 = tpu.memref_slice %arg5[%run_scoped3A_16, %mul3A_8] : memref<16x10240xf32, #tpu.memory_space<hbm>> -> memref<1x640xf32, #tpu.memory_space<hbm>>
      %dma_start3A_52 = tpu.memref_squeeze %dma_start3A_51 : memref<1x640xf32, #tpu.memory_space<hbm>> -> memref<640xf32, #tpu.memory_space<hbm>>
      %dma_start3A_53 = arith.constant 0 : i32
      %dma_start3A_54 = tpu.memref_slice %arg8[%run_scoped3A_17, %dma_start3A_53] : memref<16x640xf32, #tpu.memory_space<vmem>> -> memref<1x640xf32, #tpu.memory_space<vmem>>
      %dma_start3A_55 = tpu.memref_squeeze %dma_start3A_54 : memref<1x640xf32, #tpu.memory_space<vmem>> -> memref<640xf32, #tpu.memory_space<vmem>>
      %dma_start3A_56 = tpu.memref_slice %arg5[%run_scoped3A_16, %mul3A_8] : memref<16x10240xf32, #tpu.memory_space<hbm>> -> memref<1x640xf32, #tpu.memory_space<hbm>>
      %dma_start3A_57 = tpu.memref_squeeze %dma_start3A_56 : memref<1x640xf32, #tpu.memory_space<hbm>> -> memref<640xf32, #tpu.memory_space<hbm>>
      tpu.enqueue_dma source(%dma_start3A_57 : memref<640xf32, #tpu.memory_space<hbm>>) target(%dma_start3A_55 : memref<640xf32, #tpu.memory_space<vmem>>) target_semaphore(%run_scoped3A_48 : memref<!tpu.dma_semaphore, #tpu.memory_space<semaphore_mem>>)
      %dma_wait3A = arith.constant 0 : i32
      %dma_wait3A_58 = tpu.memref_slice %arg8[%run_scoped3A_17, %dma_wait3A] : memref<16x640xf32, #tpu.memory_space<vmem>> -> memref<1x640xf32, #tpu.memory_space<vmem>>
      %dma_wait3A_59 = tpu.memref_squeeze %dma_wait3A_58 : memref<1x640xf32, #tpu.memory_space<vmem>> -> memref<640xf32, #tpu.memory_space<vmem>>
      %dma_wait3A_60 = tpu.memref_slice %arg5[%run_scoped3A_16, %mul3A_8] : memref<16x10240xf32, #tpu.memory_space<hbm>> -> memref<1x640xf32, #tpu.memory_space<hbm>>
      %dma_wait3A_61 = tpu.memref_squeeze %dma_wait3A_60 : memref<1x640xf32, #tpu.memory_space<hbm>> -> memref<640xf32, #tpu.memory_space<hbm>>
      %dma_wait3A_62 = arith.constant 0 : i32
      %dma_wait3A_63 = tpu.memref_slice %arg8[%run_scoped3A_17, %dma_wait3A_62] : memref<16x640xf32, #tpu.memory_space<vmem>> -> memref<1x640xf32, #tpu.memory_space<vmem>>
      %dma_wait3A_64 = tpu.memref_squeeze %dma_wait3A_63 : memref<1x640xf32, #tpu.memory_space<vmem>> -> memref<640xf32, #tpu.memory_space<vmem>>
      %dma_wait3A_65 = tpu.memref_slice %arg5[%run_scoped3A_16, %mul3A_8] : memref<16x10240xf32, #tpu.memory_space<hbm>> -> memref<1x640xf32, #tpu.memory_space<hbm>>
      %dma_wait3A_66 = tpu.memref_squeeze %dma_wait3A_65 : memref<1x640xf32, #tpu.memory_space<hbm>> -> memref<640xf32, #tpu.memory_space<hbm>>
      tpu.wait_dma2 semaphore(%run_scoped3A_48 : memref<!tpu.dma_semaphore, #tpu.memory_space<semaphore_mem>>) src(%dma_wait3A_66 : memref<640xf32, #tpu.memory_space<hbm>>) dst(%dma_wait3A_64 : memref<640xf32, #tpu.memory_space<vmem>>)
      tpu.yield
    }) : () -> ()
    %run_scoped3A_18 = arith.constant 5 : i32
    %run_scoped3A_19 = arith.constant 5 : i32
    "tpu.region"() ({
      %run_scoped3A_48 = tpu.sem_alloc : memref<!tpu.dma_semaphore, #tpu.memory_space<semaphore_mem>>
      %dma_start3A = arith.constant 0 : i32
      %dma_start3A_49 = tpu.memref_slice %arg8[%run_scoped3A_19, %dma_start3A] : memref<16x640xf32, #tpu.memory_space<vmem>> -> memref<1x640xf32, #tpu.memory_space<vmem>>
      %dma_start3A_50 = tpu.memref_squeeze %dma_start3A_49 : memref<1x640xf32, #tpu.memory_space<vmem>> -> memref<640xf32, #tpu.memory_space<vmem>>
      %dma_start3A_51 = tpu.memref_slice %arg5[%run_scoped3A_18, %mul3A_8] : memref<16x10240xf32, #tpu.memory_space<hbm>> -> memref<1x640xf32, #tpu.memory_space<hbm>>
      %dma_start3A_52 = tpu.memref_squeeze %dma_start3A_51 : memref<1x640xf32, #tpu.memory_space<hbm>> -> memref<640xf32, #tpu.memory_space<hbm>>
      %dma_start3A_53 = arith.constant 0 : i32
      %dma_start3A_54 = tpu.memref_slice %arg8[%run_scoped3A_19, %dma_start3A_53] : memref<16x640xf32, #tpu.memory_space<vmem>> -> memref<1x640xf32, #tpu.memory_space<vmem>>
      %dma_start3A_55 = tpu.memref_squeeze %dma_start3A_54 : memref<1x640xf32, #tpu.memory_space<vmem>> -> memref<640xf32, #tpu.memory_space<vmem>>
      %dma_start3A_56 = tpu.memref_slice %arg5[%run_scoped3A_18, %mul3A_8] : memref<16x10240xf32, #tpu.memory_space<hbm>> -> memref<1x640xf32, #tpu.memory_space<hbm>>
      %dma_start3A_57 = tpu.memref_squeeze %dma_start3A_56 : memref<1x640xf32, #tpu.memory_space<hbm>> -> memref<640xf32, #tpu.memory_space<hbm>>
      tpu.enqueue_dma source(%dma_start3A_57 : memref<640xf32, #tpu.memory_space<hbm>>) target(%dma_start3A_55 : memref<640xf32, #tpu.memory_space<vmem>>) target_semaphore(%run_scoped3A_48 : memref<!tpu.dma_semaphore, #tpu.memory_space<semaphore_mem>>)
      %dma_wait3A = arith.constant 0 : i32
      %dma_wait3A_58 = tpu.memref_slice %arg8[%run_scoped3A_19, %dma_wait3A] : memref<16x640xf32, #tpu.memory_space<vmem>> -> memref<1x640xf32, #tpu.memory_space<vmem>>
      %dma_wait3A_59 = tpu.memref_squeeze %dma_wait3A_58 : memref<1x640xf32, #tpu.memory_space<vmem>> -> memref<640xf32, #tpu.memory_space<vmem>>
      %dma_wait3A_60 = tpu.memref_slice %arg5[%run_scoped3A_18, %mul3A_8] : memref<16x10240xf32, #tpu.memory_space<hbm>> -> memref<1x640xf32, #tpu.memory_space<hbm>>
      %dma_wait3A_61 = tpu.memref_squeeze %dma_wait3A_60 : memref<1x640xf32, #tpu.memory_space<hbm>> -> memref<640xf32, #tpu.memory_space<hbm>>
      %dma_wait3A_62 = arith.constant 0 : i32
      %dma_wait3A_63 = tpu.memref_slice %arg8[%run_scoped3A_19, %dma_wait3A_62] : memref<16x640xf32, #tpu.memory_space<vmem>> -> memref<1x640xf32, #tpu.memory_space<vmem>>
      %dma_wait3A_64 = tpu.memref_squeeze %dma_wait3A_63 : memref<1x640xf32, #tpu.memory_space<vmem>> -> memref<640xf32, #tpu.memory_space<vmem>>
      %dma_wait3A_65 = tpu.memref_slice %arg5[%run_scoped3A_18, %mul3A_8] : memref<16x10240xf32, #tpu.memory_space<hbm>> -> memref<1x640xf32, #tpu.memory_space<hbm>>
      %dma_wait3A_66 = tpu.memref_squeeze %dma_wait3A_65 : memref<1x640xf32, #tpu.memory_space<hbm>> -> memref<640xf32, #tpu.memory_space<hbm>>
      tpu.wait_dma2 semaphore(%run_scoped3A_48 : memref<!tpu.dma_semaphore, #tpu.memory_space<semaphore_mem>>) src(%dma_wait3A_66 : memref<640xf32, #tpu.memory_space<hbm>>) dst(%dma_wait3A_64 : memref<640xf32, #tpu.memory_space<vmem>>)
      tpu.yield
    }) : () -> ()
    %run_scoped3A_20 = arith.constant 6 : i32
    %run_scoped3A_21 = arith.constant 6 : i32
    "tpu.region"() ({
      %run_scoped3A_48 = tpu.sem_alloc : memref<!tpu.dma_semaphore, #tpu.memory_space<semaphore_mem>>
      %dma_start3A = arith.constant 0 : i32
      %dma_start3A_49 = tpu.memref_slice %arg8[%run_scoped3A_21, %dma_start3A] : memref<16x640xf32, #tpu.memory_space<vmem>> -> memref<1x640xf32, #tpu.memory_space<vmem>>
      %dma_start3A_50 = tpu.memref_squeeze %dma_start3A_49 : memref<1x640xf32, #tpu.memory_space<vmem>> -> memref<640xf32, #tpu.memory_space<vmem>>
      %dma_start3A_51 = tpu.memref_slice %arg5[%run_scoped3A_20, %mul3A_8] : memref<16x10240xf32, #tpu.memory_space<hbm>> -> memref<1x640xf32, #tpu.memory_space<hbm>>
      %dma_start3A_52 = tpu.memref_squeeze %dma_start3A_51 : memref<1x640xf32, #tpu.memory_space<hbm>> -> memref<640xf32, #tpu.memory_space<hbm>>
      %dma_start3A_53 = arith.constant 0 : i32
      %dma_start3A_54 = tpu.memref_slice %arg8[%run_scoped3A_21, %dma_start3A_53] : memref<16x640xf32, #tpu.memory_space<vmem>> -> memref<1x640xf32, #tpu.memory_space<vmem>>
      %dma_start3A_55 = tpu.memref_squeeze %dma_start3A_54 : memref<1x640xf32, #tpu.memory_space<vmem>> -> memref<640xf32, #tpu.memory_space<vmem>>
      %dma_start3A_56 = tpu.memref_slice %arg5[%run_scoped3A_20, %mul3A_8] : memref<16x10240xf32, #tpu.memory_space<hbm>> -> memref<1x640xf32, #tpu.memory_space<hbm>>
      %dma_start3A_57 = tpu.memref_squeeze %dma_start3A_56 : memref<1x640xf32, #tpu.memory_space<hbm>> -> memref<640xf32, #tpu.memory_space<hbm>>
      tpu.enqueue_dma source(%dma_start3A_57 : memref<640xf32, #tpu.memory_space<hbm>>) target(%dma_start3A_55 : memref<640xf32, #tpu.memory_space<vmem>>) target_semaphore(%run_scoped3A_48 : memref<!tpu.dma_semaphore, #tpu.memory_space<semaphore_mem>>)
      %dma_wait3A = arith.constant 0 : i32
      %dma_wait3A_58 = tpu.memref_slice %arg8[%run_scoped3A_21, %dma_wait3A] : memref<16x640xf32, #tpu.memory_space<vmem>> -> memref<1x640xf32, #tpu.memory_space<vmem>>
      %dma_wait3A_59 = tpu.memref_squeeze %dma_wait3A_58 : memref<1x640xf32, #tpu.memory_space<vmem>> -> memref<640xf32, #tpu.memory_space<vmem>>
      %dma_wait3A_60 = tpu.memref_slice %arg5[%run_scoped3A_20, %mul3A_8] : memref<16x10240xf32, #tpu.memory_space<hbm>> -> memref<1x640xf32, #tpu.memory_space<hbm>>
      %dma_wait3A_61 = tpu.memref_squeeze %dma_wait3A_60 : memref<1x640xf32, #tpu.memory_space<hbm>> -> memref<640xf32, #tpu.memory_space<hbm>>
      %dma_wait3A_62 = arith.constant 0 : i32
      %dma_wait3A_63 = tpu.memref_slice %arg8[%run_scoped3A_21, %dma_wait3A_62] : memref<16x640xf32, #tpu.memory_space<vmem>> -> memref<1x640xf32, #tpu.memory_space<vmem>>
      %dma_wait3A_64 = tpu.memref_squeeze %dma_wait3A_63 : memref<1x640xf32, #tpu.memory_space<vmem>> -> memref<640xf32, #tpu.memory_space<vmem>>
      %dma_wait3A_65 = tpu.memref_slice %arg5[%run_scoped3A_20, %mul3A_8] : memref<16x10240xf32, #tpu.memory_space<hbm>> -> memref<1x640xf32, #tpu.memory_space<hbm>>
      %dma_wait3A_66 = tpu.memref_squeeze %dma_wait3A_65 : memref<1x640xf32, #tpu.memory_space<hbm>> -> memref<640xf32, #tpu.memory_space<hbm>>
      tpu.wait_dma2 semaphore(%run_scoped3A_48 : memref<!tpu.dma_semaphore, #tpu.memory_space<semaphore_mem>>) src(%dma_wait3A_66 : memref<640xf32, #tpu.memory_space<hbm>>) dst(%dma_wait3A_64 : memref<640xf32, #tpu.memory_space<vmem>>)
      tpu.yield
    }) : () -> ()
    %run_scoped3A_22 = arith.constant 7 : i32
    %run_scoped3A_23 = arith.constant 7 : i32
    "tpu.region"() ({
      %run_scoped3A_48 = tpu.sem_alloc : memref<!tpu.dma_semaphore, #tpu.memory_space<semaphore_mem>>
      %dma_start3A = arith.constant 0 : i32
      %dma_start3A_49 = tpu.memref_slice %arg8[%run_scoped3A_23, %dma_start3A] : memref<16x640xf32, #tpu.memory_space<vmem>> -> memref<1x640xf32, #tpu.memory_space<vmem>>
      %dma_start3A_50 = tpu.memref_squeeze %dma_start3A_49 : memref<1x640xf32, #tpu.memory_space<vmem>> -> memref<640xf32, #tpu.memory_space<vmem>>
      %dma_start3A_51 = tpu.memref_slice %arg5[%run_scoped3A_22, %mul3A_8] : memref<16x10240xf32, #tpu.memory_space<hbm>> -> memref<1x640xf32, #tpu.memory_space<hbm>>
      %dma_start3A_52 = tpu.memref_squeeze %dma_start3A_51 : memref<1x640xf32, #tpu.memory_space<hbm>> -> memref<640xf32, #tpu.memory_space<hbm>>
      %dma_start3A_53 = arith.constant 0 : i32
      %dma_start3A_54 = tpu.memref_slice %arg8[%run_scoped3A_23, %dma_start3A_53] : memref<16x640xf32, #tpu.memory_space<vmem>> -> memref<1x640xf32, #tpu.memory_space<vmem>>
      %dma_start3A_55 = tpu.memref_squeeze %dma_start3A_54 : memref<1x640xf32, #tpu.memory_space<vmem>> -> memref<640xf32, #tpu.memory_space<vmem>>
      %dma_start3A_56 = tpu.memref_slice %arg5[%run_scoped3A_22, %mul3A_8] : memref<16x10240xf32, #tpu.memory_space<hbm>> -> memref<1x640xf32, #tpu.memory_space<hbm>>
      %dma_start3A_57 = tpu.memref_squeeze %dma_start3A_56 : memref<1x640xf32, #tpu.memory_space<hbm>> -> memref<640xf32, #tpu.memory_space<hbm>>
      tpu.enqueue_dma source(%dma_start3A_57 : memref<640xf32, #tpu.memory_space<hbm>>) target(%dma_start3A_55 : memref<640xf32, #tpu.memory_space<vmem>>) target_semaphore(%run_scoped3A_48 : memref<!tpu.dma_semaphore, #tpu.memory_space<semaphore_mem>>)
      %dma_wait3A = arith.constant 0 : i32
      %dma_wait3A_58 = tpu.memref_slice %arg8[%run_scoped3A_23, %dma_wait3A] : memref<16x640xf32, #tpu.memory_space<vmem>> -> memref<1x640xf32, #tpu.memory_space<vmem>>
      %dma_wait3A_59 = tpu.memref_squeeze %dma_wait3A_58 : memref<1x640xf32, #tpu.memory_space<vmem>> -> memref<640xf32, #tpu.memory_space<vmem>>
      %dma_wait3A_60 = tpu.memref_slice %arg5[%run_scoped3A_22, %mul3A_8] : memref<16x10240xf32, #tpu.memory_space<hbm>> -> memref<1x640xf32, #tpu.memory_space<hbm>>
      %dma_wait3A_61 = tpu.memref_squeeze %dma_wait3A_60 : memref<1x640xf32, #tpu.memory_space<hbm>> -> memref<640xf32, #tpu.memory_space<hbm>>
      %dma_wait3A_62 = arith.constant 0 : i32
      %dma_wait3A_63 = tpu.memref_slice %arg8[%run_scoped3A_23, %dma_wait3A_62] : memref<16x640xf32, #tpu.memory_space<vmem>> -> memref<1x640xf32, #tpu.memory_space<vmem>>
      %dma_wait3A_64 = tpu.memref_squeeze %dma_wait3A_63 : memref<1x640xf32, #tpu.memory_space<vmem>> -> memref<640xf32, #tpu.memory_space<vmem>>
      %dma_wait3A_65 = tpu.memref_slice %arg5[%run_scoped3A_22, %mul3A_8] : memref<16x10240xf32, #tpu.memory_space<hbm>> -> memref<1x640xf32, #tpu.memory_space<hbm>>
      %dma_wait3A_66 = tpu.memref_squeeze %dma_wait3A_65 : memref<1x640xf32, #tpu.memory_space<hbm>> -> memref<640xf32, #tpu.memory_space<hbm>>
      tpu.wait_dma2 semaphore(%run_scoped3A_48 : memref<!tpu.dma_semaphore, #tpu.memory_space<semaphore_mem>>) src(%dma_wait3A_66 : memref<640xf32, #tpu.memory_space<hbm>>) dst(%dma_wait3A_64 : memref<640xf32, #tpu.memory_space<vmem>>)
      tpu.yield
    }) : () -> ()
    %run_scoped3A_24 = arith.constant 8 : i32
    %run_scoped3A_25 = arith.constant 8 : i32
    "tpu.region"() ({
      %run_scoped3A_48 = tpu.sem_alloc : memref<!tpu.dma_semaphore, #tpu.memory_space<semaphore_mem>>
      %dma_start3A = arith.constant 0 : i32
      %dma_start3A_49 = tpu.memref_slice %arg8[%run_scoped3A_25, %dma_start3A] : memref<16x640xf32, #tpu.memory_space<vmem>> -> memref<1x640xf32, #tpu.memory_space<vmem>>
      %dma_start3A_50 = tpu.memref_squeeze %dma_start3A_49 : memref<1x640xf32, #tpu.memory_space<vmem>> -> memref<640xf32, #tpu.memory_space<vmem>>
      %dma_start3A_51 = tpu.memref_slice %arg5[%run_scoped3A_24, %mul3A_8] : memref<16x10240xf32, #tpu.memory_space<hbm>> -> memref<1x640xf32, #tpu.memory_space<hbm>>
      %dma_start3A_52 = tpu.memref_squeeze %dma_start3A_51 : memref<1x640xf32, #tpu.memory_space<hbm>> -> memref<640xf32, #tpu.memory_space<hbm>>
      %dma_start3A_53 = arith.constant 0 : i32
      %dma_start3A_54 = tpu.memref_slice %arg8[%run_scoped3A_25, %dma_start3A_53] : memref<16x640xf32, #tpu.memory_space<vmem>> -> memref<1x640xf32, #tpu.memory_space<vmem>>
      %dma_start3A_55 = tpu.memref_squeeze %dma_start3A_54 : memref<1x640xf32, #tpu.memory_space<vmem>> -> memref<640xf32, #tpu.memory_space<vmem>>
      %dma_start3A_56 = tpu.memref_slice %arg5[%run_scoped3A_24, %mul3A_8] : memref<16x10240xf32, #tpu.memory_space<hbm>> -> memref<1x640xf32, #tpu.memory_space<hbm>>
      %dma_start3A_57 = tpu.memref_squeeze %dma_start3A_56 : memref<1x640xf32, #tpu.memory_space<hbm>> -> memref<640xf32, #tpu.memory_space<hbm>>
      tpu.enqueue_dma source(%dma_start3A_57 : memref<640xf32, #tpu.memory_space<hbm>>) target(%dma_start3A_55 : memref<640xf32, #tpu.memory_space<vmem>>) target_semaphore(%run_scoped3A_48 : memref<!tpu.dma_semaphore, #tpu.memory_space<semaphore_mem>>)
      %dma_wait3A = arith.constant 0 : i32
      %dma_wait3A_58 = tpu.memref_slice %arg8[%run_scoped3A_25, %dma_wait3A] : memref<16x640xf32, #tpu.memory_space<vmem>> -> memref<1x640xf32, #tpu.memory_space<vmem>>
      %dma_wait3A_59 = tpu.memref_squeeze %dma_wait3A_58 : memref<1x640xf32, #tpu.memory_space<vmem>> -> memref<640xf32, #tpu.memory_space<vmem>>
      %dma_wait3A_60 = tpu.memref_slice %arg5[%run_scoped3A_24, %mul3A_8] : memref<16x10240xf32, #tpu.memory_space<hbm>> -> memref<1x640xf32, #tpu.memory_space<hbm>>
      %dma_wait3A_61 = tpu.memref_squeeze %dma_wait3A_60 : memref<1x640xf32, #tpu.memory_space<hbm>> -> memref<640xf32, #tpu.memory_space<hbm>>
      %dma_wait3A_62 = arith.constant 0 : i32
      %dma_wait3A_63 = tpu.memref_slice %arg8[%run_scoped3A_25, %dma_wait3A_62] : memref<16x640xf32, #tpu.memory_space<vmem>> -> memref<1x640xf32, #tpu.memory_space<vmem>>
      %dma_wait3A_64 = tpu.memref_squeeze %dma_wait3A_63 : memref<1x640xf32, #tpu.memory_space<vmem>> -> memref<640xf32, #tpu.memory_space<vmem>>
      %dma_wait3A_65 = tpu.memref_slice %arg5[%run_scoped3A_24, %mul3A_8] : memref<16x10240xf32, #tpu.memory_space<hbm>> -> memref<1x640xf32, #tpu.memory_space<hbm>>
      %dma_wait3A_66 = tpu.memref_squeeze %dma_wait3A_65 : memref<1x640xf32, #tpu.memory_space<hbm>> -> memref<640xf32, #tpu.memory_space<hbm>>
      tpu.wait_dma2 semaphore(%run_scoped3A_48 : memref<!tpu.dma_semaphore, #tpu.memory_space<semaphore_mem>>) src(%dma_wait3A_66 : memref<640xf32, #tpu.memory_space<hbm>>) dst(%dma_wait3A_64 : memref<640xf32, #tpu.memory_space<vmem>>)
      tpu.yield
    }) : () -> ()
    %run_scoped3A_26 = arith.constant 9 : i32
    %run_scoped3A_27 = arith.constant 9 : i32
    "tpu.region"() ({
      %run_scoped3A_48 = tpu.sem_alloc : memref<!tpu.dma_semaphore, #tpu.memory_space<semaphore_mem>>
      %dma_start3A = arith.constant 0 : i32
      %dma_start3A_49 = tpu.memref_slice %arg8[%run_scoped3A_27, %dma_start3A] : memref<16x640xf32, #tpu.memory_space<vmem>> -> memref<1x640xf32, #tpu.memory_space<vmem>>
      %dma_start3A_50 = tpu.memref_squeeze %dma_start3A_49 : memref<1x640xf32, #tpu.memory_space<vmem>> -> memref<640xf32, #tpu.memory_space<vmem>>
      %dma_start3A_51 = tpu.memref_slice %arg5[%run_scoped3A_26, %mul3A_8] : memref<16x10240xf32, #tpu.memory_space<hbm>> -> memref<1x640xf32, #tpu.memory_space<hbm>>
      %dma_start3A_52 = tpu.memref_squeeze %dma_start3A_51 : memref<1x640xf32, #tpu.memory_space<hbm>> -> memref<640xf32, #tpu.memory_space<hbm>>
      %dma_start3A_53 = arith.constant 0 : i32
      %dma_start3A_54 = tpu.memref_slice %arg8[%run_scoped3A_27, %dma_start3A_53] : memref<16x640xf32, #tpu.memory_space<vmem>> -> memref<1x640xf32, #tpu.memory_space<vmem>>
      %dma_start3A_55 = tpu.memref_squeeze %dma_start3A_54 : memref<1x640xf32, #tpu.memory_space<vmem>> -> memref<640xf32, #tpu.memory_space<vmem>>
      %dma_start3A_56 = tpu.memref_slice %arg5[%run_scoped3A_26, %mul3A_8] : memref<16x10240xf32, #tpu.memory_space<hbm>> -> memref<1x640xf32, #tpu.memory_space<hbm>>
      %dma_start3A_57 = tpu.memref_squeeze %dma_start3A_56 : memref<1x640xf32, #tpu.memory_space<hbm>> -> memref<640xf32, #tpu.memory_space<hbm>>
      tpu.enqueue_dma source(%dma_start3A_57 : memref<640xf32, #tpu.memory_space<hbm>>) target(%dma_start3A_55 : memref<640xf32, #tpu.memory_space<vmem>>) target_semaphore(%run_scoped3A_48 : memref<!tpu.dma_semaphore, #tpu.memory_space<semaphore_mem>>)
      %dma_wait3A = arith.constant 0 : i32
      %dma_wait3A_58 = tpu.memref_slice %arg8[%run_scoped3A_27, %dma_wait3A] : memref<16x640xf32, #tpu.memory_space<vmem>> -> memref<1x640xf32, #tpu.memory_space<vmem>>
      %dma_wait3A_59 = tpu.memref_squeeze %dma_wait3A_58 : memref<1x640xf32, #tpu.memory_space<vmem>> -> memref<640xf32, #tpu.memory_space<vmem>>
      %dma_wait3A_60 = tpu.memref_slice %arg5[%run_scoped3A_26, %mul3A_8] : memref<16x10240xf32, #tpu.memory_space<hbm>> -> memref<1x640xf32, #tpu.memory_space<hbm>>
      %dma_wait3A_61 = tpu.memref_squeeze %dma_wait3A_60 : memref<1x640xf32, #tpu.memory_space<hbm>> -> memref<640xf32, #tpu.memory_space<hbm>>
      %dma_wait3A_62 = arith.constant 0 : i32
      %dma_wait3A_63 = tpu.memref_slice %arg8[%run_scoped3A_27, %dma_wait3A_62] : memref<16x640xf32, #tpu.memory_space<vmem>> -> memref<1x640xf32, #tpu.memory_space<vmem>>
      %dma_wait3A_64 = tpu.memref_squeeze %dma_wait3A_63 : memref<1x640xf32, #tpu.memory_space<vmem>> -> memref<640xf32, #tpu.memory_space<vmem>>
      %dma_wait3A_65 = tpu.memref_slice %arg5[%run_scoped3A_26, %mul3A_8] : memref<16x10240xf32, #tpu.memory_space<hbm>> -> memref<1x640xf32, #tpu.memory_space<hbm>>
      %dma_wait3A_66 = tpu.memref_squeeze %dma_wait3A_65 : memref<1x640xf32, #tpu.memory_space<hbm>> -> memref<640xf32, #tpu.memory_space<hbm>>
      tpu.wait_dma2 semaphore(%run_scoped3A_48 : memref<!tpu.dma_semaphore, #tpu.memory_space<semaphore_mem>>) src(%dma_wait3A_66 : memref<640xf32, #tpu.memory_space<hbm>>) dst(%dma_wait3A_64 : memref<640xf32, #tpu.memory_space<vmem>>)
      tpu.yield
    }) : () -> ()
    %run_scoped3A_28 = arith.constant 10 : i32
    %run_scoped3A_29 = arith.constant 10 : i32
    "tpu.region"() ({
      %run_scoped3A_48 = tpu.sem_alloc : memref<!tpu.dma_semaphore, #tpu.memory_space<semaphore_mem>>
      %dma_start3A = arith.constant 0 : i32
      %dma_start3A_49 = tpu.memref_slice %arg8[%run_scoped3A_29, %dma_start3A] : memref<16x640xf32, #tpu.memory_space<vmem>> -> memref<1x640xf32, #tpu.memory_space<vmem>>
      %dma_start3A_50 = tpu.memref_squeeze %dma_start3A_49 : memref<1x640xf32, #tpu.memory_space<vmem>> -> memref<640xf32, #tpu.memory_space<vmem>>
      %dma_start3A_51 = tpu.memref_slice %arg5[%run_scoped3A_28, %mul3A_8] : memref<16x10240xf32, #tpu.memory_space<hbm>> -> memref<1x640xf32, #tpu.memory_space<hbm>>
      %dma_start3A_52 = tpu.memref_squeeze %dma_start3A_51 : memref<1x640xf32, #tpu.memory_space<hbm>> -> memref<640xf32, #tpu.memory_space<hbm>>
      %dma_start3A_53 = arith.constant 0 : i32
      %dma_start3A_54 = tpu.memref_slice %arg8[%run_scoped3A_29, %dma_start3A_53] : memref<16x640xf32, #tpu.memory_space<vmem>> -> memref<1x640xf32, #tpu.memory_space<vmem>>
      %dma_start3A_55 = tpu.memref_squeeze %dma_start3A_54 : memref<1x640xf32, #tpu.memory_space<vmem>> -> memref<640xf32, #tpu.memory_space<vmem>>
      %dma_start3A_56 = tpu.memref_slice %arg5[%run_scoped3A_28, %mul3A_8] : memref<16x10240xf32, #tpu.memory_space<hbm>> -> memref<1x640xf32, #tpu.memory_space<hbm>>
      %dma_start3A_57 = tpu.memref_squeeze %dma_start3A_56 : memref<1x640xf32, #tpu.memory_space<hbm>> -> memref<640xf32, #tpu.memory_space<hbm>>
      tpu.enqueue_dma source(%dma_start3A_57 : memref<640xf32, #tpu.memory_space<hbm>>) target(%dma_start3A_55 : memref<640xf32, #tpu.memory_space<vmem>>) target_semaphore(%run_scoped3A_48 : memref<!tpu.dma_semaphore, #tpu.memory_space<semaphore_mem>>)
      %dma_wait3A = arith.constant 0 : i32
      %dma_wait3A_58 = tpu.memref_slice %arg8[%run_scoped3A_29, %dma_wait3A] : memref<16x640xf32, #tpu.memory_space<vmem>> -> memref<1x640xf32, #tpu.memory_space<vmem>>
      %dma_wait3A_59 = tpu.memref_squeeze %dma_wait3A_58 : memref<1x640xf32, #tpu.memory_space<vmem>> -> memref<640xf32, #tpu.memory_space<vmem>>
      %dma_wait3A_60 = tpu.memref_slice %arg5[%run_scoped3A_28, %mul3A_8] : memref<16x10240xf32, #tpu.memory_space<hbm>> -> memref<1x640xf32, #tpu.memory_space<hbm>>
      %dma_wait3A_61 = tpu.memref_squeeze %dma_wait3A_60 : memref<1x640xf32, #tpu.memory_space<hbm>> -> memref<640xf32, #tpu.memory_space<hbm>>
      %dma_wait3A_62 = arith.constant 0 : i32
      %dma_wait3A_63 = tpu.memref_slice %arg8[%run_scoped3A_29, %dma_wait3A_62] : memref<16x640xf32, #tpu.memory_space<vmem>> -> memref<1x640xf32, #tpu.memory_space<vmem>>
      %dma_wait3A_64 = tpu.memref_squeeze %dma_wait3A_63 : memref<1x640xf32, #tpu.memory_space<vmem>> -> memref<640xf32, #tpu.memory_space<vmem>>
      %dma_wait3A_65 = tpu.memref_slice %arg5[%run_scoped3A_28, %mul3A_8] : memref<16x10240xf32, #tpu.memory_space<hbm>> -> memref<1x640xf32, #tpu.memory_space<hbm>>
      %dma_wait3A_66 = tpu.memref_squeeze %dma_wait3A_65 : memref<1x640xf32, #tpu.memory_space<hbm>> -> memref<640xf32, #tpu.memory_space<hbm>>
      tpu.wait_dma2 semaphore(%run_scoped3A_48 : memref<!tpu.dma_semaphore, #tpu.memory_space<semaphore_mem>>) src(%dma_wait3A_66 : memref<640xf32, #tpu.memory_space<hbm>>) dst(%dma_wait3A_64 : memref<640xf32, #tpu.memory_space<vmem>>)
      tpu.yield
    }) : () -> ()
    %run_scoped3A_30 = arith.constant 11 : i32
    %run_scoped3A_31 = arith.constant 11 : i32
    "tpu.region"() ({
      %run_scoped3A_48 = tpu.sem_alloc : memref<!tpu.dma_semaphore, #tpu.memory_space<semaphore_mem>>
      %dma_start3A = arith.constant 0 : i32
      %dma_start3A_49 = tpu.memref_slice %arg8[%run_scoped3A_31, %dma_start3A] : memref<16x640xf32, #tpu.memory_space<vmem>> -> memref<1x640xf32, #tpu.memory_space<vmem>>
      %dma_start3A_50 = tpu.memref_squeeze %dma_start3A_49 : memref<1x640xf32, #tpu.memory_space<vmem>> -> memref<640xf32, #tpu.memory_space<vmem>>
      %dma_start3A_51 = tpu.memref_slice %arg5[%run_scoped3A_30, %mul3A_8] : memref<16x10240xf32, #tpu.memory_space<hbm>> -> memref<1x640xf32, #tpu.memory_space<hbm>>
      %dma_start3A_52 = tpu.memref_squeeze %dma_start3A_51 : memref<1x640xf32, #tpu.memory_space<hbm>> -> memref<640xf32, #tpu.memory_space<hbm>>
      %dma_start3A_53 = arith.constant 0 : i32
      %dma_start3A_54 = tpu.memref_slice %arg8[%run_scoped3A_31, %dma_start3A_53] : memref<16x640xf32, #tpu.memory_space<vmem>> -> memref<1x640xf32, #tpu.memory_space<vmem>>
      %dma_start3A_55 = tpu.memref_squeeze %dma_start3A_54 : memref<1x640xf32, #tpu.memory_space<vmem>> -> memref<640xf32, #tpu.memory_space<vmem>>
      %dma_start3A_56 = tpu.memref_slice %arg5[%run_scoped3A_30, %mul3A_8] : memref<16x10240xf32, #tpu.memory_space<hbm>> -> memref<1x640xf32, #tpu.memory_space<hbm>>
      %dma_start3A_57 = tpu.memref_squeeze %dma_start3A_56 : memref<1x640xf32, #tpu.memory_space<hbm>> -> memref<640xf32, #tpu.memory_space<hbm>>
      tpu.enqueue_dma source(%dma_start3A_57 : memref<640xf32, #tpu.memory_space<hbm>>) target(%dma_start3A_55 : memref<640xf32, #tpu.memory_space<vmem>>) target_semaphore(%run_scoped3A_48 : memref<!tpu.dma_semaphore, #tpu.memory_space<semaphore_mem>>)
      %dma_wait3A = arith.constant 0 : i32
      %dma_wait3A_58 = tpu.memref_slice %arg8[%run_scoped3A_31, %dma_wait3A] : memref<16x640xf32, #tpu.memory_space<vmem>> -> memref<1x640xf32, #tpu.memory_space<vmem>>
      %dma_wait3A_59 = tpu.memref_squeeze %dma_wait3A_58 : memref<1x640xf32, #tpu.memory_space<vmem>> -> memref<640xf32, #tpu.memory_space<vmem>>
      %dma_wait3A_60 = tpu.memref_slice %arg5[%run_scoped3A_30, %mul3A_8] : memref<16x10240xf32, #tpu.memory_space<hbm>> -> memref<1x640xf32, #tpu.memory_space<hbm>>
      %dma_wait3A_61 = tpu.memref_squeeze %dma_wait3A_60 : memref<1x640xf32, #tpu.memory_space<hbm>> -> memref<640xf32, #tpu.memory_space<hbm>>
      %dma_wait3A_62 = arith.constant 0 : i32
      %dma_wait3A_63 = tpu.memref_slice %arg8[%run_scoped3A_31, %dma_wait3A_62] : memref<16x640xf32, #tpu.memory_space<vmem>> -> memref<1x640xf32, #tpu.memory_space<vmem>>
      %dma_wait3A_64 = tpu.memref_squeeze %dma_wait3A_63 : memref<1x640xf32, #tpu.memory_space<vmem>> -> memref<640xf32, #tpu.memory_space<vmem>>
      %dma_wait3A_65 = tpu.memref_slice %arg5[%run_scoped3A_30, %mul3A_8] : memref<16x10240xf32, #tpu.memory_space<hbm>> -> memref<1x640xf32, #tpu.memory_space<hbm>>
      %dma_wait3A_66 = tpu.memref_squeeze %dma_wait3A_65 : memref<1x640xf32, #tpu.memory_space<hbm>> -> memref<640xf32, #tpu.memory_space<hbm>>
      tpu.wait_dma2 semaphore(%run_scoped3A_48 : memref<!tpu.dma_semaphore, #tpu.memory_space<semaphore_mem>>) src(%dma_wait3A_66 : memref<640xf32, #tpu.memory_space<hbm>>) dst(%dma_wait3A_64 : memref<640xf32, #tpu.memory_space<vmem>>)
      tpu.yield
    }) : () -> ()
    %run_scoped3A_32 = arith.constant 12 : i32
    %run_scoped3A_33 = arith.constant 12 : i32
    "tpu.region"() ({
      %run_scoped3A_48 = tpu.sem_alloc : memref<!tpu.dma_semaphore, #tpu.memory_space<semaphore_mem>>
      %dma_start3A = arith.constant 0 : i32
      %dma_start3A_49 = tpu.memref_slice %arg8[%run_scoped3A_33, %dma_start3A] : memref<16x640xf32, #tpu.memory_space<vmem>> -> memref<1x640xf32, #tpu.memory_space<vmem>>
      %dma_start3A_50 = tpu.memref_squeeze %dma_start3A_49 : memref<1x640xf32, #tpu.memory_space<vmem>> -> memref<640xf32, #tpu.memory_space<vmem>>
      %dma_start3A_51 = tpu.memref_slice %arg5[%run_scoped3A_32, %mul3A_8] : memref<16x10240xf32, #tpu.memory_space<hbm>> -> memref<1x640xf32, #tpu.memory_space<hbm>>
      %dma_start3A_52 = tpu.memref_squeeze %dma_start3A_51 : memref<1x640xf32, #tpu.memory_space<hbm>> -> memref<640xf32, #tpu.memory_space<hbm>>
      %dma_start3A_53 = arith.constant 0 : i32
      %dma_start3A_54 = tpu.memref_slice %arg8[%run_scoped3A_33, %dma_start3A_53] : memref<16x640xf32, #tpu.memory_space<vmem>> -> memref<1x640xf32, #tpu.memory_space<vmem>>
      %dma_start3A_55 = tpu.memref_squeeze %dma_start3A_54 : memref<1x640xf32, #tpu.memory_space<vmem>> -> memref<640xf32, #tpu.memory_space<vmem>>
      %dma_start3A_56 = tpu.memref_slice %arg5[%run_scoped3A_32, %mul3A_8] : memref<16x10240xf32, #tpu.memory_space<hbm>> -> memref<1x640xf32, #tpu.memory_space<hbm>>
      %dma_start3A_57 = tpu.memref_squeeze %dma_start3A_56 : memref<1x640xf32, #tpu.memory_space<hbm>> -> memref<640xf32, #tpu.memory_space<hbm>>
      tpu.enqueue_dma source(%dma_start3A_57 : memref<640xf32, #tpu.memory_space<hbm>>) target(%dma_start3A_55 : memref<640xf32, #tpu.memory_space<vmem>>) target_semaphore(%run_scoped3A_48 : memref<!tpu.dma_semaphore, #tpu.memory_space<semaphore_mem>>)
      %dma_wait3A = arith.constant 0 : i32
      %dma_wait3A_58 = tpu.memref_slice %arg8[%run_scoped3A_33, %dma_wait3A] : memref<16x640xf32, #tpu.memory_space<vmem>> -> memref<1x640xf32, #tpu.memory_space<vmem>>
      %dma_wait3A_59 = tpu.memref_squeeze %dma_wait3A_58 : memref<1x640xf32, #tpu.memory_space<vmem>> -> memref<640xf32, #tpu.memory_space<vmem>>
      %dma_wait3A_60 = tpu.memref_slice %arg5[%run_scoped3A_32, %mul3A_8] : memref<16x10240xf32, #tpu.memory_space<hbm>> -> memref<1x640xf32, #tpu.memory_space<hbm>>
      %dma_wait3A_61 = tpu.memref_squeeze %dma_wait3A_60 : memref<1x640xf32, #tpu.memory_space<hbm>> -> memref<640xf32, #tpu.memory_space<hbm>>
      %dma_wait3A_62 = arith.constant 0 : i32
      %dma_wait3A_63 = tpu.memref_slice %arg8[%run_scoped3A_33, %dma_wait3A_62] : memref<16x640xf32, #tpu.memory_space<vmem>> -> memref<1x640xf32, #tpu.memory_space<vmem>>
      %dma_wait3A_64 = tpu.memref_squeeze %dma_wait3A_63 : memref<1x640xf32, #tpu.memory_space<vmem>> -> memref<640xf32, #tpu.memory_space<vmem>>
      %dma_wait3A_65 = tpu.memref_slice %arg5[%run_scoped3A_32, %mul3A_8] : memref<16x10240xf32, #tpu.memory_space<hbm>> -> memref<1x640xf32, #tpu.memory_space<hbm>>
      %dma_wait3A_66 = tpu.memref_squeeze %dma_wait3A_65 : memref<1x640xf32, #tpu.memory_space<hbm>> -> memref<640xf32, #tpu.memory_space<hbm>>
      tpu.wait_dma2 semaphore(%run_scoped3A_48 : memref<!tpu.dma_semaphore, #tpu.memory_space<semaphore_mem>>) src(%dma_wait3A_66 : memref<640xf32, #tpu.memory_space<hbm>>) dst(%dma_wait3A_64 : memref<640xf32, #tpu.memory_space<vmem>>)
      tpu.yield
    }) : () -> ()
    %run_scoped3A_34 = arith.constant 13 : i32
    %run_scoped3A_35 = arith.constant 13 : i32
    "tpu.region"() ({
      %run_scoped3A_48 = tpu.sem_alloc : memref<!tpu.dma_semaphore, #tpu.memory_space<semaphore_mem>>
      %dma_start3A = arith.constant 0 : i32
      %dma_start3A_49 = tpu.memref_slice %arg8[%run_scoped3A_35, %dma_start3A] : memref<16x640xf32, #tpu.memory_space<vmem>> -> memref<1x640xf32, #tpu.memory_space<vmem>>
      %dma_start3A_50 = tpu.memref_squeeze %dma_start3A_49 : memref<1x640xf32, #tpu.memory_space<vmem>> -> memref<640xf32, #tpu.memory_space<vmem>>
      %dma_start3A_51 = tpu.memref_slice %arg5[%run_scoped3A_34, %mul3A_8] : memref<16x10240xf32, #tpu.memory_space<hbm>> -> memref<1x640xf32, #tpu.memory_space<hbm>>
      %dma_start3A_52 = tpu.memref_squeeze %dma_start3A_51 : memref<1x640xf32, #tpu.memory_space<hbm>> -> memref<640xf32, #tpu.memory_space<hbm>>
      %dma_start3A_53 = arith.constant 0 : i32
      %dma_start3A_54 = tpu.memref_slice %arg8[%run_scoped3A_35, %dma_start3A_53] : memref<16x640xf32, #tpu.memory_space<vmem>> -> memref<1x640xf32, #tpu.memory_space<vmem>>
      %dma_start3A_55 = tpu.memref_squeeze %dma_start3A_54 : memref<1x640xf32, #tpu.memory_space<vmem>> -> memref<640xf32, #tpu.memory_space<vmem>>
      %dma_start3A_56 = tpu.memref_slice %arg5[%run_scoped3A_34, %mul3A_8] : memref<16x10240xf32, #tpu.memory_space<hbm>> -> memref<1x640xf32, #tpu.memory_space<hbm>>
      %dma_start3A_57 = tpu.memref_squeeze %dma_start3A_56 : memref<1x640xf32, #tpu.memory_space<hbm>> -> memref<640xf32, #tpu.memory_space<hbm>>
      tpu.enqueue_dma source(%dma_start3A_57 : memref<640xf32, #tpu.memory_space<hbm>>) target(%dma_start3A_55 : memref<640xf32, #tpu.memory_space<vmem>>) target_semaphore(%run_scoped3A_48 : memref<!tpu.dma_semaphore, #tpu.memory_space<semaphore_mem>>)
      %dma_wait3A = arith.constant 0 : i32
      %dma_wait3A_58 = tpu.memref_slice %arg8[%run_scoped3A_35, %dma_wait3A] : memref<16x640xf32, #tpu.memory_space<vmem>> -> memref<1x640xf32, #tpu.memory_space<vmem>>
      %dma_wait3A_59 = tpu.memref_squeeze %dma_wait3A_58 : memref<1x640xf32, #tpu.memory_space<vmem>> -> memref<640xf32, #tpu.memory_space<vmem>>
      %dma_wait3A_60 = tpu.memref_slice %arg5[%run_scoped3A_34, %mul3A_8] : memref<16x10240xf32, #tpu.memory_space<hbm>> -> memref<1x640xf32, #tpu.memory_space<hbm>>
      %dma_wait3A_61 = tpu.memref_squeeze %dma_wait3A_60 : memref<1x640xf32, #tpu.memory_space<hbm>> -> memref<640xf32, #tpu.memory_space<hbm>>
      %dma_wait3A_62 = arith.constant 0 : i32
      %dma_wait3A_63 = tpu.memref_slice %arg8[%run_scoped3A_35, %dma_wait3A_62] : memref<16x640xf32, #tpu.memory_space<vmem>> -> memref<1x640xf32, #tpu.memory_space<vmem>>
      %dma_wait3A_64 = tpu.memref_squeeze %dma_wait3A_63 : memref<1x640xf32, #tpu.memory_space<vmem>> -> memref<640xf32, #tpu.memory_space<vmem>>
      %dma_wait3A_65 = tpu.memref_slice %arg5[%run_scoped3A_34, %mul3A_8] : memref<16x10240xf32, #tpu.memory_space<hbm>> -> memref<1x640xf32, #tpu.memory_space<hbm>>
      %dma_wait3A_66 = tpu.memref_squeeze %dma_wait3A_65 : memref<1x640xf32, #tpu.memory_space<hbm>> -> memref<640xf32, #tpu.memory_space<hbm>>
      tpu.wait_dma2 semaphore(%run_scoped3A_48 : memref<!tpu.dma_semaphore, #tpu.memory_space<semaphore_mem>>) src(%dma_wait3A_66 : memref<640xf32, #tpu.memory_space<hbm>>) dst(%dma_wait3A_64 : memref<640xf32, #tpu.memory_space<vmem>>)
      tpu.yield
    }) : () -> ()
    %run_scoped3A_36 = arith.constant 14 : i32
    %run_scoped3A_37 = arith.constant 14 : i32
    "tpu.region"() ({
      %run_scoped3A_48 = tpu.sem_alloc : memref<!tpu.dma_semaphore, #tpu.memory_space<semaphore_mem>>
      %dma_start3A = arith.constant 0 : i32
      %dma_start3A_49 = tpu.memref_slice %arg8[%run_scoped3A_37, %dma_start3A] : memref<16x640xf32, #tpu.memory_space<vmem>> -> memref<1x640xf32, #tpu.memory_space<vmem>>
      %dma_start3A_50 = tpu.memref_squeeze %dma_start3A_49 : memref<1x640xf32, #tpu.memory_space<vmem>> -> memref<640xf32, #tpu.memory_space<vmem>>
      %dma_start3A_51 = tpu.memref_slice %arg5[%run_scoped3A_36, %mul3A_8] : memref<16x10240xf32, #tpu.memory_space<hbm>> -> memref<1x640xf32, #tpu.memory_space<hbm>>
      %dma_start3A_52 = tpu.memref_squeeze %dma_start3A_51 : memref<1x640xf32, #tpu.memory_space<hbm>> -> memref<640xf32, #tpu.memory_space<hbm>>
      %dma_start3A_53 = arith.constant 0 : i32
      %dma_start3A_54 = tpu.memref_slice %arg8[%run_scoped3A_37, %dma_start3A_53] : memref<16x640xf32, #tpu.memory_space<vmem>> -> memref<1x640xf32, #tpu.memory_space<vmem>>
      %dma_start3A_55 = tpu.memref_squeeze %dma_start3A_54 : memref<1x640xf32, #tpu.memory_space<vmem>> -> memref<640xf32, #tpu.memory_space<vmem>>
      %dma_start3A_56 = tpu.memref_slice %arg5[%run_scoped3A_36, %mul3A_8] : memref<16x10240xf32, #tpu.memory_space<hbm>> -> memref<1x640xf32, #tpu.memory_space<hbm>>
      %dma_start3A_57 = tpu.memref_squeeze %dma_start3A_56 : memref<1x640xf32, #tpu.memory_space<hbm>> -> memref<640xf32, #tpu.memory_space<hbm>>
      tpu.enqueue_dma source(%dma_start3A_57 : memref<640xf32, #tpu.memory_space<hbm>>) target(%dma_start3A_55 : memref<640xf32, #tpu.memory_space<vmem>>) target_semaphore(%run_scoped3A_48 : memref<!tpu.dma_semaphore, #tpu.memory_space<semaphore_mem>>)
      %dma_wait3A = arith.constant 0 : i32
      %dma_wait3A_58 = tpu.memref_slice %arg8[%run_scoped3A_37, %dma_wait3A] : memref<16x640xf32, #tpu.memory_space<vmem>> -> memref<1x640xf32, #tpu.memory_space<vmem>>
      %dma_wait3A_59 = tpu.memref_squeeze %dma_wait3A_58 : memref<1x640xf32, #tpu.memory_space<vmem>> -> memref<640xf32, #tpu.memory_space<vmem>>
      %dma_wait3A_60 = tpu.memref_slice %arg5[%run_scoped3A_36, %mul3A_8] : memref<16x10240xf32, #tpu.memory_space<hbm>> -> memref<1x640xf32, #tpu.memory_space<hbm>>
      %dma_wait3A_61 = tpu.memref_squeeze %dma_wait3A_60 : memref<1x640xf32, #tpu.memory_space<hbm>> -> memref<640xf32, #tpu.memory_space<hbm>>
      %dma_wait3A_62 = arith.constant 0 : i32
      %dma_wait3A_63 = tpu.memref_slice %arg8[%run_scoped3A_37, %dma_wait3A_62] : memref<16x640xf32, #tpu.memory_space<vmem>> -> memref<1x640xf32, #tpu.memory_space<vmem>>
      %dma_wait3A_64 = tpu.memref_squeeze %dma_wait3A_63 : memref<1x640xf32, #tpu.memory_space<vmem>> -> memref<640xf32, #tpu.memory_space<vmem>>
      %dma_wait3A_65 = tpu.memref_slice %arg5[%run_scoped3A_36, %mul3A_8] : memref<16x10240xf32, #tpu.memory_space<hbm>> -> memref<1x640xf32, #tpu.memory_space<hbm>>
      %dma_wait3A_66 = tpu.memref_squeeze %dma_wait3A_65 : memref<1x640xf32, #tpu.memory_space<hbm>> -> memref<640xf32, #tpu.memory_space<hbm>>
      tpu.wait_dma2 semaphore(%run_scoped3A_48 : memref<!tpu.dma_semaphore, #tpu.memory_space<semaphore_mem>>) src(%dma_wait3A_66 : memref<640xf32, #tpu.memory_space<hbm>>) dst(%dma_wait3A_64 : memref<640xf32, #tpu.memory_space<vmem>>)
      tpu.yield
    }) : () -> ()
    %run_scoped3A_38 = arith.constant 15 : i32
    %run_scoped3A_39 = arith.constant 15 : i32
    "tpu.region"() ({
      %run_scoped3A_48 = tpu.sem_alloc : memref<!tpu.dma_semaphore, #tpu.memory_space<semaphore_mem>>
      %dma_start3A = arith.constant 0 : i32
      %dma_start3A_49 = tpu.memref_slice %arg8[%run_scoped3A_39, %dma_start3A] : memref<16x640xf32, #tpu.memory_space<vmem>> -> memref<1x640xf32, #tpu.memory_space<vmem>>
      %dma_start3A_50 = tpu.memref_squeeze %dma_start3A_49 : memref<1x640xf32, #tpu.memory_space<vmem>> -> memref<640xf32, #tpu.memory_space<vmem>>
      %dma_start3A_51 = tpu.memref_slice %arg5[%run_scoped3A_38, %mul3A_8] : memref<16x10240xf32, #tpu.memory_space<hbm>> -> memref<1x640xf32, #tpu.memory_space<hbm>>
      %dma_start3A_52 = tpu.memref_squeeze %dma_start3A_51 : memref<1x640xf32, #tpu.memory_space<hbm>> -> memref<640xf32, #tpu.memory_space<hbm>>
      %dma_start3A_53 = arith.constant 0 : i32
      %dma_start3A_54 = tpu.memref_slice %arg8[%run_scoped3A_39, %dma_start3A_53] : memref<16x640xf32, #tpu.memory_space<vmem>> -> memref<1x640xf32, #tpu.memory_space<vmem>>
      %dma_start3A_55 = tpu.memref_squeeze %dma_start3A_54 : memref<1x640xf32, #tpu.memory_space<vmem>> -> memref<640xf32, #tpu.memory_space<vmem>>
      %dma_start3A_56 = tpu.memref_slice %arg5[%run_scoped3A_38, %mul3A_8] : memref<16x10240xf32, #tpu.memory_space<hbm>> -> memref<1x640xf32, #tpu.memory_space<hbm>>
      %dma_start3A_57 = tpu.memref_squeeze %dma_start3A_56 : memref<1x640xf32, #tpu.memory_space<hbm>> -> memref<640xf32, #tpu.memory_space<hbm>>
      tpu.enqueue_dma source(%dma_start3A_57 : memref<640xf32, #tpu.memory_space<hbm>>) target(%dma_start3A_55 : memref<640xf32, #tpu.memory_space<vmem>>) target_semaphore(%run_scoped3A_48 : memref<!tpu.dma_semaphore, #tpu.memory_space<semaphore_mem>>)
      %dma_wait3A = arith.constant 0 : i32
      %dma_wait3A_58 = tpu.memref_slice %arg8[%run_scoped3A_39, %dma_wait3A] : memref<16x640xf32, #tpu.memory_space<vmem>> -> memref<1x640xf32, #tpu.memory_space<vmem>>
      %dma_wait3A_59 = tpu.memref_squeeze %dma_wait3A_58 : memref<1x640xf32, #tpu.memory_space<vmem>> -> memref<640xf32, #tpu.memory_space<vmem>>
      %dma_wait3A_60 = tpu.memref_slice %arg5[%run_scoped3A_38, %mul3A_8] : memref<16x10240xf32, #tpu.memory_space<hbm>> -> memref<1x640xf32, #tpu.memory_space<hbm>>
      %dma_wait3A_61 = tpu.memref_squeeze %dma_wait3A_60 : memref<1x640xf32, #tpu.memory_space<hbm>> -> memref<640xf32, #tpu.memory_space<hbm>>
      %dma_wait3A_62 = arith.constant 0 : i32
      %dma_wait3A_63 = tpu.memref_slice %arg8[%run_scoped3A_39, %dma_wait3A_62] : memref<16x640xf32, #tpu.memory_space<vmem>> -> memref<1x640xf32, #tpu.memory_space<vmem>>
      %dma_wait3A_64 = tpu.memref_squeeze %dma_wait3A_63 : memref<1x640xf32, #tpu.memory_space<vmem>> -> memref<640xf32, #tpu.memory_space<vmem>>
      %dma_wait3A_65 = tpu.memref_slice %arg5[%run_scoped3A_38, %mul3A_8] : memref<16x10240xf32, #tpu.memory_space<hbm>> -> memref<1x640xf32, #tpu.memory_space<hbm>>
      %dma_wait3A_66 = tpu.memref_squeeze %dma_wait3A_65 : memref<1x640xf32, #tpu.memory_space<hbm>> -> memref<640xf32, #tpu.memory_space<hbm>>
      tpu.wait_dma2 semaphore(%run_scoped3A_48 : memref<!tpu.dma_semaphore, #tpu.memory_space<semaphore_mem>>) src(%dma_wait3A_66 : memref<640xf32, #tpu.memory_space<hbm>>) dst(%dma_wait3A_64 : memref<640xf32, #tpu.memory_space<vmem>>)
      tpu.yield
    }) : () -> ()
    %scan3A_40 = arith.constant 0 : i32
    %scan3A_41 = arith.constant 0 : i32
    %scan3A_42 = arith.constant 40 : i32
    %scan3A_43 = arith.addi %scan3A_41, %scan3A_42 : i32
    %scan3A_44 = arith.constant 1 : i32
    scf.for %scan3A_48 = %scan3A_41 to %scan3A_43 step %scan3A_44  : i32 {
      %mul3A_49 = arith.constant 16 : i32
      %mul3A_50 = arith.muli %scan3A_48, %mul3A_49 : i32
      %get3A = arith.constant 0 : i32
      %get3A_51 = arith.index_cast %get3A : i32 to index
      %get3A_52 = arith.index_cast %mul3A_50 : i32 to index
      %get3A_53 = tpu.vector_load %arg8[%get3A_51, %get3A_52] {strides = array<i32>} : memref<16x640xf32, #tpu.memory_space<vmem>>, vector<16xf32>,
      %mul3A_54 = arith.constant 16 : i32
      %mul3A_55 = arith.muli %scan3A_48, %mul3A_54 : i32
      %get3A_56 = arith.constant 1 : i32
      %get3A_57 = arith.index_cast %get3A_56 : i32 to index
      %get3A_58 = arith.index_cast %mul3A_55 : i32 to index
      %get3A_59 = tpu.vector_load %arg8[%get3A_57, %get3A_58] {strides = array<i32>} : memref<16x640xf32, #tpu.memory_space<vmem>>, vector<16xf32>,
      %add3A = arith.addf %get3A_53, %get3A_59 : vector<16xf32>
      %mul3A_60 = arith.constant 16 : i32
      %mul3A_61 = arith.muli %scan3A_48, %mul3A_60 : i32
      %get3A_62 = arith.constant 2 : i32
      %get3A_63 = arith.index_cast %get3A_62 : i32 to index
      %get3A_64 = arith.index_cast %mul3A_61 : i32 to index
      %get3A_65 = tpu.vector_load %arg8[%get3A_63, %get3A_64] {strides = array<i32>} : memref<16x640xf32, #tpu.memory_space<vmem>>, vector<16xf32>,
      %add3A_66 = arith.addf %add3A, %get3A_65 : vector<16xf32>
      %mul3A_67 = arith.constant 16 : i32
      %mul3A_68 = arith.muli %scan3A_48, %mul3A_67 : i32
      %get3A_69 = arith.constant 3 : i32
      %get3A_70 = arith.index_cast %get3A_69 : i32 to index
      %get3A_71 = arith.index_cast %mul3A_68 : i32 to index
      %get3A_72 = tpu.vector_load %arg8[%get3A_70, %get3A_71] {strides = array<i32>} : memref<16x640xf32, #tpu.memory_space<vmem>>, vector<16xf32>,
      %add3A_73 = arith.addf %add3A_66, %get3A_72 : vector<16xf32>
      %mul3A_74 = arith.constant 16 : i32
      %mul3A_75 = arith.muli %scan3A_48, %mul3A_74 : i32
      %get3A_76 = arith.constant 4 : i32
      %get3A_77 = arith.index_cast %get3A_76 : i32 to index
      %get3A_78 = arith.index_cast %mul3A_75 : i32 to index
      %get3A_79 = tpu.vector_load %arg8[%get3A_77, %get3A_78] {strides = array<i32>} : memref<16x640xf32, #tpu.memory_space<vmem>>, vector<16xf32>,
      %add3A_80 = arith.addf %add3A_73, %get3A_79 : vector<16xf32>
      %mul3A_81 = arith.constant 16 : i32
      %mul3A_82 = arith.muli %scan3A_48, %mul3A_81 : i32
      %get3A_83 = arith.constant 5 : i32
      %get3A_84 = arith.index_cast %get3A_83 : i32 to index
      %get3A_85 = arith.index_cast %mul3A_82 : i32 to index
      %get3A_86 = tpu.vector_load %arg8[%get3A_84, %get3A_85] {strides = array<i32>} : memref<16x640xf32, #tpu.memory_space<vmem>>, vector<16xf32>,
      %add3A_87 = arith.addf %add3A_80, %get3A_86 : vector<16xf32>
      %mul3A_88 = arith.constant 16 : i32
      %mul3A_89 = arith.muli %scan3A_48, %mul3A_88 : i32
      %get3A_90 = arith.constant 6 : i32
      %get3A_91 = arith.index_cast %get3A_90 : i32 to index
      %get3A_92 = arith.index_cast %mul3A_89 : i32 to index
      %get3A_93 = tpu.vector_load %arg8[%get3A_91, %get3A_92] {strides = array<i32>} : memref<16x640xf32, #tpu.memory_space<vmem>>, vector<16xf32>,
      %add3A_94 = arith.addf %add3A_87, %get3A_93 : vector<16xf32>
      %mul3A_95 = arith.constant 16 : i32
      %mul3A_96 = arith.muli %scan3A_48, %mul3A_95 : i32
      %get3A_97 = arith.constant 7 : i32
      %get3A_98 = arith.index_cast %get3A_97 : i32 to index
      %get3A_99 = arith.index_cast %mul3A_96 : i32 to index
      %get3A_100 = tpu.vector_load %arg8[%get3A_98, %get3A_99] {strides = array<i32>} : memref<16x640xf32, #tpu.memory_space<vmem>>, vector<16xf32>,
      %add3A_101 = arith.addf %add3A_94, %get3A_100 : vector<16xf32>
      %mul3A_102 = arith.constant 16 : i32
      %mul3A_103 = arith.muli %scan3A_48, %mul3A_102 : i32
      %get3A_104 = arith.constant 8 : i32
      %get3A_105 = arith.index_cast %get3A_104 : i32 to index
      %get3A_106 = arith.index_cast %mul3A_103 : i32 to index
      %get3A_107 = tpu.vector_load %arg8[%get3A_105, %get3A_106] {strides = array<i32>} : memref<16x640xf32, #tpu.memory_space<vmem>>, vector<16xf32>,
      %add3A_108 = arith.addf %add3A_101, %get3A_107 : vector<16xf32>
      %mul3A_109 = arith.constant 16 : i32
      %mul3A_110 = arith.muli %scan3A_48, %mul3A_109 : i32
      %get3A_111 = arith.constant 9 : i32
      %get3A_112 = arith.index_cast %get3A_111 : i32 to index
      %get3A_113 = arith.index_cast %mul3A_110 : i32 to index
      %get3A_114 = tpu.vector_load %arg8[%get3A_112, %get3A_113] {strides = array<i32>} : memref<16x640xf32, #tpu.memory_space<vmem>>, vector<16xf32>,
      %add3A_115 = arith.addf %add3A_108, %get3A_114 : vector<16xf32>
      %mul3A_116 = arith.constant 16 : i32
      %mul3A_117 = arith.muli %scan3A_48, %mul3A_116 : i32
      %get3A_118 = arith.constant 10 : i32
      %get3A_119 = arith.index_cast %get3A_118 : i32 to index
      %get3A_120 = arith.index_cast %mul3A_117 : i32 to index
      %get3A_121 = tpu.vector_load %arg8[%get3A_119, %get3A_120] {strides = array<i32>} : memref<16x640xf32, #tpu.memory_space<vmem>>, vector<16xf32>,
      %add3A_122 = arith.addf %add3A_115, %get3A_121 : vector<16xf32>
      %mul3A_123 = arith.constant 16 : i32
      %mul3A_124 = arith.muli %scan3A_48, %mul3A_123 : i32
      %get3A_125 = arith.constant 11 : i32
      %get3A_126 = arith.index_cast %get3A_125 : i32 to index
      %get3A_127 = arith.index_cast %mul3A_124 : i32 to index
      %get3A_128 = tpu.vector_load %arg8[%get3A_126, %get3A_127] {strides = array<i32>} : memref<16x640xf32, #tpu.memory_space<vmem>>, vector<16xf32>,
      %add3A_129 = arith.addf %add3A_122, %get3A_128 : vector<16xf32>
      %mul3A_130 = arith.constant 16 : i32
      %mul3A_131 = arith.muli %scan3A_48, %mul3A_130 : i32
      %get3A_132 = arith.constant 12 : i32
      %get3A_133 = arith.index_cast %get3A_132 : i32 to index
      %get3A_134 = arith.index_cast %mul3A_131 : i32 to index
      %get3A_135 = tpu.vector_load %arg8[%get3A_133, %get3A_134] {strides = array<i32>} : memref<16x640xf32, #tpu.memory_space<vmem>>, vector<16xf32>,
      %add3A_136 = arith.addf %add3A_129, %get3A_135 : vector<16xf32>
      %mul3A_137 = arith.constant 16 : i32
      %mul3A_138 = arith.muli %scan3A_48, %mul3A_137 : i32
      %get3A_139 = arith.constant 13 : i32
      %get3A_140 = arith.index_cast %get3A_139 : i32 to index
      %get3A_141 = arith.index_cast %mul3A_138 : i32 to index
      %get3A_142 = tpu.vector_load %arg8[%get3A_140, %get3A_141] {strides = array<i32>} : memref<16x640xf32, #tpu.memory_space<vmem>>, vector<16xf32>,
      %add3A_143 = arith.addf %add3A_136, %get3A_142 : vector<16xf32>
      %mul3A_144 = arith.constant 16 : i32
      %mul3A_145 = arith.muli %scan3A_48, %mul3A_144 : i32
      %get3A_146 = arith.constant 14 : i32
      %get3A_147 = arith.index_cast %get3A_146 : i32 to index
      %get3A_148 = arith.index_cast %mul3A_145 : i32 to index
      %get3A_149 = tpu.vector_load %arg8[%get3A_147, %get3A_148] {strides = array<i32>} : memref<16x640xf32, #tpu.memory_space<vmem>>, vector<16xf32>,
      %add3A_150 = arith.addf %add3A_143, %get3A_149 : vector<16xf32>
      %mul3A_151 = arith.constant 16 : i32
      %mul3A_152 = arith.muli %scan3A_48, %mul3A_151 : i32
      %get3A_153 = arith.constant 15 : i32
      %get3A_154 = arith.index_cast %get3A_153 : i32 to index
      %get3A_155 = arith.index_cast %mul3A_152 : i32 to index
      %get3A_156 = tpu.vector_load %arg8[%get3A_154, %get3A_155] {strides = array<i32>} : memref<16x640xf32, #tpu.memory_space<vmem>>, vector<16xf32>,
      %add3A_157 = arith.addf %add3A_150, %get3A_156 : vector<16xf32>
      %mul3A_158 = arith.constant 16 : i32
      %mul3A_159 = arith.muli %scan3A_48, %mul3A_158 : i32
      %swap3A = arith.index_cast %mul3A_159 : i32 to index
      %swap3A_160 = tpu.vector_load %arg9[%swap3A] {strides = array<i32>} : memref<640xf32, #tpu.memory_space<vmem>>, vector<16xf32>,
      tpu.vector_store %arg9[%swap3A], %add3A_157 {strides = array<i32>} : memref<640xf32, #tpu.memory_space<vmem>>, vector<16xf32>,
    }
    %scan3A_45 = arith.constant 40 : i32
    %eq3A = arith.constant 0 : i32
    %eq3A_46 = arith.cmpi eq, %arg0, %eq3A : i32
    %convert_element_type3A = arith.extui %eq3A_46 : i1 to i32
    %cond3A = arith.constant 0 : i32
    %cond3A_47 = arith.cmpi ne, %convert_element_type3A, %cond3A : i32
    scf.if %cond3A_47 {
      %scan3A_48 = arith.constant 0 : i32
      %scan3A_49 = arith.constant 0 : i32
      %scan3A_50 = arith.constant 20 : i32
      %scan3A_51 = arith.addi %scan3A_49, %scan3A_50 : i32
      %scan3A_52 = arith.constant 1 : i32
      scf.for %scan3A_63 = %scan3A_49 to %scan3A_51 step %scan3A_52  : i32 {
        %mul3A_64 = arith.constant 16 : i32
        %mul3A_65 = arith.muli %scan3A_63, %mul3A_64 : i32
        %add3A_66 = arith.constant 0 : i32
        %add3A_67 = arith.addi %add3A_66, %mul3A_65 : i32
        %get3A = arith.index_cast %add3A_67 : i32 to index
        %get3A_68 = tpu.vector_load %arg9[%get3A] {strides = array<i32>} : memref<640xf32, #tpu.memory_space<vmem>>, vector<16xf32>,
        %max3A = arith.constant 1.000000e+00 : f32
        %max3A_69 = vector.broadcast %max3A : f32 to vector<16xf32>
        %max3A_70 = arith.maximumf %get3A_68, %max3A_69 : vector<16xf32>
        %div3A = arith.constant 1.000000e+00 : f32
        %div3A_71 = vector.broadcast %div3A : f32 to vector<16xf32>
        %div3A_72 = arith.divf %div3A_71, %max3A_70 : vector<16xf32>
        %slice3A = vector.extract_strided_slice %div3A_72 {offsets = [0], sizes = [1], strides = [1]} : vector<16xf32> to vector<1xf32>
        %squeeze3A = vector.extract %slice3A[0] : f32 from vector<1xf32>
        %broadcast_in_dim3A_73 = vector.broadcast %squeeze3A : f32 to vector<16xf32>
        %mul3A_74 = arith.constant 16 : i32
        %mul3A_75 = arith.muli %scan3A_63, %mul3A_74 : i32
        %add3A_76 = arith.constant 0 : i32
        %add3A_77 = arith.addi %mul3A_75, %add3A_76 : i32
        %swap3A = arith.index_cast %add3A_77 : i32 to index
        %swap3A_78 = arith.constant 0 : index
        %swap3A_79 = tpu.vector_load %arg10[%swap3A, %swap3A_78] {strides = array<i32>} : memref<320x128xf32, #tpu.memory_space<vmem>>, vector<16xf32>,
        tpu.vector_store %arg10[%swap3A, %swap3A_78], %broadcast_in_dim3A_73 {strides = array<i32>} : memref<320x128xf32, #tpu.memory_space<vmem>>, vector<16xf32>,
        %mul3A_80 = arith.constant 16 : i32
        %mul3A_81 = arith.muli %scan3A_63, %mul3A_80 : i32
        %add3A_82 = arith.constant 0 : i32
        %add3A_83 = arith.addi %mul3A_81, %add3A_82 : i32
        %swap3A_84 = arith.index_cast %add3A_83 : i32 to index
        %swap3A_85 = arith.constant 16 : index
        %swap3A_86 = tpu.vector_load %arg10[%swap3A_84, %swap3A_85] {strides = array<i32>} : memref<320x128xf32, #tpu.memory_space<vmem>>, vector<16xf32>,
        tpu.vector_store %arg10[%swap3A_84, %swap3A_85], %broadcast_in_dim3A_73 {strides = array<i32>} : memref<320x128xf32, #tpu.memory_space<vmem>>, vector<16xf32>,
        %mul3A_87 = arith.constant 16 : i32
        %mul3A_88 = arith.muli %scan3A_63, %mul3A_87 : i32
        %add3A_89 = arith.constant 0 : i32
        %add3A_90 = arith.addi %mul3A_88, %add3A_89 : i32
        %swap3A_91 = arith.index_cast %add3A_90 : i32 to index
        %swap3A_92 = arith.constant 32 : index
        %swap3A_93 = tpu.vector_load %arg10[%swap3A_91, %swap3A_92] {strides = array<i32>} : memref<320x128xf32, #tpu.memory_space<vmem>>, vector<16xf32>,
        tpu.vector_store %arg10[%swap3A_91, %swap3A_92], %broadcast_in_dim3A_73 {strides = array<i32>} : memref<320x128xf32, #tpu.memory_space<vmem>>, vector<16xf32>,
        %mul3A_94 = arith.constant 16 : i32
        %mul3A_95 = arith.muli %scan3A_63, %mul3A_94 : i32
        %add3A_96 = arith.constant 0 : i32
        %add3A_97 = arith.addi %mul3A_95, %add3A_96 : i32
        %swap3A_98 = arith.index_cast %add3A_97 : i32 to index
        %swap3A_99 = arith.constant 48 : index
        %swap3A_100 = tpu.vector_load %arg10[%swap3A_98, %swap3A_99] {strides = array<i32>} : memref<320x128xf32, #tpu.memory_space<vmem>>, vector<16xf32>,
        tpu.vector_store %arg10[%swap3A_98, %swap3A_99], %broadcast_in_dim3A_73 {strides = array<i32>} : memref<320x128xf32, #tpu.memory_space<vmem>>, vector<16xf32>,
        %mul3A_101 = arith.constant 16 : i32
        %mul3A_102 = arith.muli %scan3A_63, %mul3A_101 : i32
        %add3A_103 = arith.constant 0 : i32
        %add3A_104 = arith.addi %mul3A_102, %add3A_103 : i32
        %swap3A_105 = arith.index_cast %add3A_104 : i32 to index
        %swap3A_106 = arith.constant 64 : index
        %swap3A_107 = tpu.vector_load %arg10[%swap3A_105, %swap3A_106] {strides = array<i32>} : memref<320x128xf32, #tpu.memory_space<vmem>>, vector<16xf32>,
        tpu.vector_store %arg10[%swap3A_105, %swap3A_106], %broadcast_in_dim3A_73 {strides = array<i32>} : memref<320x128xf32, #tpu.memory_space<vmem>>, vector<16xf32>,
        %mul3A_108 = arith.constant 16 : i32
        %mul3A_109 = arith.muli %scan3A_63, %mul3A_108 : i32
        %add3A_110 = arith.constant 0 : i32
        %add3A_111 = arith.addi %mul3A_109, %add3A_110 : i32
        %swap3A_112 = arith.index_cast %add3A_111 : i32 to index
        %swap3A_113 = arith.constant 80 : index
        %swap3A_114 = tpu.vector_load %arg10[%swap3A_112, %swap3A_113] {strides = array<i32>} : memref<320x128xf32, #tpu.memory_space<vmem>>, vector<16xf32>,
        tpu.vector_store %arg10[%swap3A_112, %swap3A_113], %broadcast_in_dim3A_73 {strides = array<i32>} : memref<320x128xf32, #tpu.memory_space<vmem>>, vector<16xf32>,
        %mul3A_115 = arith.constant 16 : i32
        %mul3A_116 = arith.muli %scan3A_63, %mul3A_115 : i32
        %add3A_117 = arith.constant 0 : i32
        %add3A_118 = arith.addi %mul3A_116, %add3A_117 : i32
        %swap3A_119 = arith.index_cast %add3A_118 : i32 to index
        %swap3A_120 = arith.constant 96 : index
        %swap3A_121 = tpu.vector_load %arg10[%swap3A_119, %swap3A_120] {strides = array<i32>} : memref<320x128xf32, #tpu.memory_space<vmem>>, vector<16xf32>,
        tpu.vector_store %arg10[%swap3A_119, %swap3A_120], %broadcast_in_dim3A_73 {strides = array<i32>} : memref<320x128xf32, #tpu.memory_space<vmem>>, vector<16xf32>,
        %mul3A_122 = arith.constant 16 : i32
        %mul3A_123 = arith.muli %scan3A_63, %mul3A_122 : i32
        %add3A_124 = arith.constant 0 : i32
        %add3A_125 = arith.addi %mul3A_123, %add3A_124 : i32
        %swap3A_126 = arith.index_cast %add3A_125 : i32 to index
        %swap3A_127 = arith.constant 112 : index
        %swap3A_128 = tpu.vector_load %arg10[%swap3A_126, %swap3A_127] {strides = array<i32>} : memref<320x128xf32, #tpu.memory_space<vmem>>, vector<16xf32>,
        tpu.vector_store %arg10[%swap3A_126, %swap3A_127], %broadcast_in_dim3A_73 {strides = array<i32>} : memref<320x128xf32, #tpu.memory_space<vmem>>, vector<16xf32>,
        %slice3A_129 = vector.extract_strided_slice %div3A_72 {offsets = [1], sizes = [1], strides = [1]} : vector<16xf32> to vector<1xf32>
        %squeeze3A_130 = vector.extract %slice3A_129[0] : f32 from vector<1xf32>
        %broadcast_in_dim3A_131 = vector.broadcast %squeeze3A_130 : f32 to vector<16xf32>
        %mul3A_132 = arith.constant 16 : i32
        %mul3A_133 = arith.muli %scan3A_63, %mul3A_132 : i32
        %add3A_134 = arith.constant 1 : i32
        %add3A_135 = arith.addi %mul3A_133, %add3A_134 : i32
        %swap3A_136 = arith.index_cast %add3A_135 : i32 to index
        %swap3A_137 = arith.constant 0 : index
        %swap3A_138 = tpu.vector_load %arg10[%swap3A_136, %swap3A_137] {strides = array<i32>} : memref<320x128xf32, #tpu.memory_space<vmem>>, vector<16xf32>,
        tpu.vector_store %arg10[%swap3A_136, %swap3A_137], %broadcast_in_dim3A_131 {strides = array<i32>} : memref<320x128xf32, #tpu.memory_space<vmem>>, vector<16xf32>,
        %mul3A_139 = arith.constant 16 : i32
        %mul3A_140 = arith.muli %scan3A_63, %mul3A_139 : i32
        %add3A_141 = arith.constant 1 : i32
        %add3A_142 = arith.addi %mul3A_140, %add3A_141 : i32
        %swap3A_143 = arith.index_cast %add3A_142 : i32 to index
        %swap3A_144 = arith.constant 16 : index
        %swap3A_145 = tpu.vector_load %arg10[%swap3A_143, %swap3A_144] {strides = array<i32>} : memref<320x128xf32, #tpu.memory_space<vmem>>, vector<16xf32>,
        tpu.vector_store %arg10[%swap3A_143, %swap3A_144], %broadcast_in_dim3A_131 {strides = array<i32>} : memref<320x128xf32, #tpu.memory_space<vmem>>, vector<16xf32>,
        %mul3A_146 = arith.constant 16 : i32
        %mul3A_147 = arith.muli %scan3A_63, %mul3A_146 : i32
        %add3A_148 = arith.constant 1 : i32
        %add3A_149 = arith.addi %mul3A_147, %add3A_148 : i32
        %swap3A_150 = arith.index_cast %add3A_149 : i32 to index
        %swap3A_151 = arith.constant 32 : index
        %swap3A_152 = tpu.vector_load %arg10[%swap3A_150, %swap3A_151] {strides = array<i32>} : memref<320x128xf32, #tpu.memory_space<vmem>>, vector<16xf32>,
        tpu.vector_store %arg10[%swap3A_150, %swap3A_151], %broadcast_in_dim3A_131 {strides = array<i32>} : memref<320x128xf32, #tpu.memory_space<vmem>>, vector<16xf32>,
        %mul3A_153 = arith.constant 16 : i32
        %mul3A_154 = arith.muli %scan3A_63, %mul3A_153 : i32
        %add3A_155 = arith.constant 1 : i32
        %add3A_156 = arith.addi %mul3A_154, %add3A_155 : i32
        %swap3A_157 = arith.index_cast %add3A_156 : i32 to index
        %swap3A_158 = arith.constant 48 : index
        %swap3A_159 = tpu.vector_load %arg10[%swap3A_157, %swap3A_158] {strides = array<i32>} : memref<320x128xf32, #tpu.memory_space<vmem>>, vector<16xf32>,
        tpu.vector_store %arg10[%swap3A_157, %swap3A_158], %broadcast_in_dim3A_131 {strides = array<i32>} : memref<320x128xf32, #tpu.memory_space<vmem>>, vector<16xf32>,
        %mul3A_160 = arith.constant 16 : i32
        %mul3A_161 = arith.muli %scan3A_63, %mul3A_160 : i32
        %add3A_162 = arith.constant 1 : i32
        %add3A_163 = arith.addi %mul3A_161, %add3A_162 : i32
        %swap3A_164 = arith.index_cast %add3A_163 : i32 to index
        %swap3A_165 = arith.constant 64 : index
        %swap3A_166 = tpu.vector_load %arg10[%swap3A_164, %swap3A_165] {strides = array<i32>} : memref<320x128xf32, #tpu.memory_space<vmem>>, vector<16xf32>,
        tpu.vector_store %arg10[%swap3A_164, %swap3A_165], %broadcast_in_dim3A_131 {strides = array<i32>} : memref<320x128xf32, #tpu.memory_space<vmem>>, vector<16xf32>,
        %mul3A_167 = arith.constant 16 : i32
        %mul3A_168 = arith.muli %scan3A_63, %mul3A_167 : i32
        %add3A_169 = arith.constant 1 : i32
        %add3A_170 = arith.addi %mul3A_168, %add3A_169 : i32
        %swap3A_171 = arith.index_cast %add3A_170 : i32 to index
        %swap3A_172 = arith.constant 80 : index
        %swap3A_173 = tpu.vector_load %arg10[%swap3A_171, %swap3A_172] {strides = array<i32>} : memref<320x128xf32, #tpu.memory_space<vmem>>, vector<16xf32>,
        tpu.vector_store %arg10[%swap3A_171, %swap3A_172], %broadcast_in_dim3A_131 {strides = array<i32>} : memref<320x128xf32, #tpu.memory_space<vmem>>, vector<16xf32>,
        %mul3A_174 = arith.constant 16 : i32
        %mul3A_175 = arith.muli %scan3A_63, %mul3A_174 : i32
        %add3A_176 = arith.constant 1 : i32
        %add3A_177 = arith.addi %mul3A_175, %add3A_176 : i32
        %swap3A_178 = arith.index_cast %add3A_177 : i32 to index
        %swap3A_179 = arith.constant 96 : index
        %swap3A_180 = tpu.vector_load %arg10[%swap3A_178, %swap3A_179] {strides = array<i32>} : memref<320x128xf32, #tpu.memory_space<vmem>>, vector<16xf32>,
        tpu.vector_store %arg10[%swap3A_178, %swap3A_179], %broadcast_in_dim3A_131 {strides = array<i32>} : memref<320x128xf32, #tpu.memory_space<vmem>>, vector<16xf32>,
        %mul3A_181 = arith.constant 16 : i32
        %mul3A_182 = arith.muli %scan3A_63, %mul3A_181 : i32
        %add3A_183 = arith.constant 1 : i32
        %add3A_184 = arith.addi %mul3A_182, %add3A_183 : i32
        %swap3A_185 = arith.index_cast %add3A_184 : i32 to index
        %swap3A_186 = arith.constant 112 : index
        %swap3A_187 = tpu.vector_load %arg10[%swap3A_185, %swap3A_186] {strides = array<i32>} : memref<320x128xf32, #tpu.memory_space<vmem>>, vector<16xf32>,
        tpu.vector_store %arg10[%swap3A_185, %swap3A_186], %broadcast_in_dim3A_131 {strides = array<i32>} : memref<320x128xf32, #tpu.memory_space<vmem>>, vector<16xf32>,
        %slice3A_188 = vector.extract_strided_slice %div3A_72 {offsets = [2], sizes = [1], strides = [1]} : vector<16xf32> to vector<1xf32>
        %squeeze3A_189 = vector.extract %slice3A_188[0] : f32 from vector<1xf32>
        %broadcast_in_dim3A_190 = vector.broadcast %squeeze3A_189 : f32 to vector<16xf32>
        %mul3A_191 = arith.constant 16 : i32
        %mul3A_192 = arith.muli %scan3A_63, %mul3A_191 : i32
        %add3A_193 = arith.constant 2 : i32
        %add3A_194 = arith.addi %mul3A_192, %add3A_193 : i32
        %swap3A_195 = arith.index_cast %add3A_194 : i32 to index
        %swap3A_196 = arith.constant 0 : index
        %swap3A_197 = tpu.vector_load %arg10[%swap3A_195, %swap3A_196] {strides = array<i32>} : memref<320x128xf32, #tpu.memory_space<vmem>>, vector<16xf32>,
        tpu.vector_store %arg10[%swap3A_195, %swap3A_196], %broadcast_in_dim3A_190 {strides = array<i32>} : memref<320x128xf32, #tpu.memory_space<vmem>>, vector<16xf32>,
        %mul3A_198 = arith.constant 16 : i32
        %mul3A_199 = arith.muli %scan3A_63, %mul3A_198 : i32
        %add3A_200 = arith.constant 2 : i32
        %add3A_201 = arith.addi %mul3A_199, %add3A_200 : i32
        %swap3A_202 = arith.index_cast %add3A_201 : i32 to index
        %swap3A_203 = arith.constant 16 : index
        %swap3A_204 = tpu.vector_load %arg10[%swap3A_202, %swap3A_203] {strides = array<i32>} : memref<320x128xf32, #tpu.memory_space<vmem>>, vector<16xf32>,
        tpu.vector_store %arg10[%swap3A_202, %swap3A_203], %broadcast_in_dim3A_190 {strides = array<i32>} : memref<320x128xf32, #tpu.memory_space<vmem>>, vector<16xf32>,
        %mul3A_205 = arith.constant 16 : i32
        %mul3A_206 = arith.muli %scan3A_63, %mul3A_205 : i32
        %add3A_207 = arith.constant 2 : i32
        %add3A_208 = arith.addi %mul3A_206, %add3A_207 : i32
        %swap3A_209 = arith.index_cast %add3A_208 : i32 to index
        %swap3A_210 = arith.constant 32 : index
        %swap3A_211 = tpu.vector_load %arg10[%swap3A_209, %swap3A_210] {strides = array<i32>} : memref<320x128xf32, #tpu.memory_space<vmem>>, vector<16xf32>,
        tpu.vector_store %arg10[%swap3A_209, %swap3A_210], %broadcast_in_dim3A_190 {strides = array<i32>} : memref<320x128xf32, #tpu.memory_space<vmem>>, vector<16xf32>,
        %mul3A_212 = arith.constant 16 : i32
        %mul3A_213 = arith.muli %scan3A_63, %mul3A_212 : i32
        %add3A_214 = arith.constant 2 : i32
        %add3A_215 = arith.addi %mul3A_213, %add3A_214 : i32
        %swap3A_216 = arith.index_cast %add3A_215 : i32 to index
        %swap3A_217 = arith.constant 48 : index
        %swap3A_218 = tpu.vector_load %arg10[%swap3A_216, %swap3A_217] {strides = array<i32>} : memref<320x128xf32, #tpu.memory_space<vmem>>, vector<16xf32>,
        tpu.vector_store %arg10[%swap3A_216, %swap3A_217], %broadcast_in_dim3A_190 {strides = array<i32>} : memref<320x128xf32, #tpu.memory_space<vmem>>, vector<16xf32>,
        %mul3A_219 = arith.constant 16 : i32
        %mul3A_220 = arith.muli %scan3A_63, %mul3A_219 : i32
        %add3A_221 = arith.constant 2 : i32
        %add3A_222 = arith.addi %mul3A_220, %add3A_221 : i32
        %swap3A_223 = arith.index_cast %add3A_222 : i32 to index
        %swap3A_224 = arith.constant 64 : index
        %swap3A_225 = tpu.vector_load %arg10[%swap3A_223, %swap3A_224] {strides = array<i32>} : memref<320x128xf32, #tpu.memory_space<vmem>>, vector<16xf32>,
        tpu.vector_store %arg10[%swap3A_223, %swap3A_224], %broadcast_in_dim3A_190 {strides = array<i32>} : memref<320x128xf32, #tpu.memory_space<vmem>>, vector<16xf32>,
        %mul3A_226 = arith.constant 16 : i32
        %mul3A_227 = arith.muli %scan3A_63, %mul3A_226 : i32
        %add3A_228 = arith.constant 2 : i32
        %add3A_229 = arith.addi %mul3A_227, %add3A_228 : i32
        %swap3A_230 = arith.index_cast %add3A_229 : i32 to index
        %swap3A_231 = arith.constant 80 : index
        %swap3A_232 = tpu.vector_load %arg10[%swap3A_230, %swap3A_231] {strides = array<i32>} : memref<320x128xf32, #tpu.memory_space<vmem>>, vector<16xf32>,
        tpu.vector_store %arg10[%swap3A_230, %swap3A_231], %broadcast_in_dim3A_190 {strides = array<i32>} : memref<320x128xf32, #tpu.memory_space<vmem>>, vector<16xf32>,
        %mul3A_233 = arith.constant 16 : i32
        %mul3A_234 = arith.muli %scan3A_63, %mul3A_233 : i32
        %add3A_235 = arith.constant 2 : i32
        %add3A_236 = arith.addi %mul3A_234, %add3A_235 : i32
        %swap3A_237 = arith.index_cast %add3A_236 : i32 to index
        %swap3A_238 = arith.constant 96 : index
        %swap3A_239 = tpu.vector_load %arg10[%swap3A_237, %swap3A_238] {strides = array<i32>} : memref<320x128xf32, #tpu.memory_space<vmem>>, vector<16xf32>,
        tpu.vector_store %arg10[%swap3A_237, %swap3A_238], %broadcast_in_dim3A_190 {strides = array<i32>} : memref<320x128xf32, #tpu.memory_space<vmem>>, vector<16xf32>,
        %mul3A_240 = arith.constant 16 : i32
        %mul3A_241 = arith.muli %scan3A_63, %mul3A_240 : i32
        %add3A_242 = arith.constant 2 : i32
        %add3A_243 = arith.addi %mul3A_241, %add3A_242 : i32
        %swap3A_244 = arith.index_cast %add3A_243 : i32 to index
        %swap3A_245 = arith.constant 112 : index
        %swap3A_246 = tpu.vector_load %arg10[%swap3A_244, %swap3A_245] {strides = array<i32>} : memref<320x128xf32, #tpu.memory_space<vmem>>, vector<16xf32>,
        tpu.vector_store %arg10[%swap3A_244, %swap3A_245], %broadcast_in_dim3A_190 {strides = array<i32>} : memref<320x128xf32, #tpu.memory_space<vmem>>, vector<16xf32>,
        %slice3A_247 = vector.extract_strided_slice %div3A_72 {offsets = [3], sizes = [1], strides = [1]} : vector<16xf32> to vector<1xf32>
        %squeeze3A_248 = vector.extract %slice3A_247[0] : f32 from vector<1xf32>
        %broadcast_in_dim3A_249 = vector.broadcast %squeeze3A_248 : f32 to vector<16xf32>
        %mul3A_250 = arith.constant 16 : i32
        %mul3A_251 = arith.muli %scan3A_63, %mul3A_250 : i32
        %add3A_252 = arith.constant 3 : i32
        %add3A_253 = arith.addi %mul3A_251, %add3A_252 : i32
        %swap3A_254 = arith.index_cast %add3A_253 : i32 to index
        %swap3A_255 = arith.constant 0 : index
        %swap3A_256 = tpu.vector_load %arg10[%swap3A_254, %swap3A_255] {strides = array<i32>} : memref<320x128xf32, #tpu.memory_space<vmem>>, vector<16xf32>,
        tpu.vector_store %arg10[%swap3A_254, %swap3A_255], %broadcast_in_dim3A_249 {strides = array<i32>} : memref<320x128xf32, #tpu.memory_space<vmem>>, vector<16xf32>,
        %mul3A_257 = arith.constant 16 : i32
        %mul3A_258 = arith.muli %scan3A_63, %mul3A_257 : i32
        %add3A_259 = arith.constant 3 : i32
        %add3A_260 = arith.addi %mul3A_258, %add3A_259 : i32
        %swap3A_261 = arith.index_cast %add3A_260 : i32 to index
        %swap3A_262 = arith.constant 16 : index
        %swap3A_263 = tpu.vector_load %arg10[%swap3A_261, %swap3A_262] {strides = array<i32>} : memref<320x128xf32, #tpu.memory_space<vmem>>, vector<16xf32>,
        tpu.vector_store %arg10[%swap3A_261, %swap3A_262], %broadcast_in_dim3A_249 {strides = array<i32>} : memref<320x128xf32, #tpu.memory_space<vmem>>, vector<16xf32>,
        %mul3A_264 = arith.constant 16 : i32
        %mul3A_265 = arith.muli %scan3A_63, %mul3A_264 : i32
        %add3A_266 = arith.constant 3 : i32
        %add3A_267 = arith.addi %mul3A_265, %add3A_266 : i32
        %swap3A_268 = arith.index_cast %add3A_267 : i32 to index
        %swap3A_269 = arith.constant 32 : index
        %swap3A_270 = tpu.vector_load %arg10[%swap3A_268, %swap3A_269] {strides = array<i32>} : memref<320x128xf32, #tpu.memory_space<vmem>>, vector<16xf32>,
        tpu.vector_store %arg10[%swap3A_268, %swap3A_269], %broadcast_in_dim3A_249 {strides = array<i32>} : memref<320x128xf32, #tpu.memory_space<vmem>>, vector<16xf32>,
        %mul3A_271 = arith.constant 16 : i32
        %mul3A_272 = arith.muli %scan3A_63, %mul3A_271 : i32
        %add3A_273 = arith.constant 3 : i32
        %add3A_274 = arith.addi %mul3A_272, %add3A_273 : i32
        %swap3A_275 = arith.index_cast %add3A_274 : i32 to index
        %swap3A_276 = arith.constant 48 : index
        %swap3A_277 = tpu.vector_load %arg10[%swap3A_275, %swap3A_276] {strides = array<i32>} : memref<320x128xf32, #tpu.memory_space<vmem>>, vector<16xf32>,
        tpu.vector_store %arg10[%swap3A_275, %swap3A_276], %broadcast_in_dim3A_249 {strides = array<i32>} : memref<320x128xf32, #tpu.memory_space<vmem>>, vector<16xf32>,
        %mul3A_278 = arith.constant 16 : i32
        %mul3A_279 = arith.muli %scan3A_63, %mul3A_278 : i32
        %add3A_280 = arith.constant 3 : i32
        %add3A_281 = arith.addi %mul3A_279, %add3A_280 : i32
        %swap3A_282 = arith.index_cast %add3A_281 : i32 to index
        %swap3A_283 = arith.constant 64 : index
        %swap3A_284 = tpu.vector_load %arg10[%swap3A_282, %swap3A_283] {strides = array<i32>} : memref<320x128xf32, #tpu.memory_space<vmem>>, vector<16xf32>,
        tpu.vector_store %arg10[%swap3A_282, %swap3A_283], %broadcast_in_dim3A_249 {strides = array<i32>} : memref<320x128xf32, #tpu.memory_space<vmem>>, vector<16xf32>,
        %mul3A_285 = arith.constant 16 : i32
        %mul3A_286 = arith.muli %scan3A_63, %mul3A_285 : i32
        %add3A_287 = arith.constant 3 : i32
        %add3A_288 = arith.addi %mul3A_286, %add3A_287 : i32
        %swap3A_289 = arith.index_cast %add3A_288 : i32 to index
        %swap3A_290 = arith.constant 80 : index
        %swap3A_291 = tpu.vector_load %arg10[%swap3A_289, %swap3A_290] {strides = array<i32>} : memref<320x128xf32, #tpu.memory_space<vmem>>, vector<16xf32>,
        tpu.vector_store %arg10[%swap3A_289, %swap3A_290], %broadcast_in_dim3A_249 {strides = array<i32>} : memref<320x128xf32, #tpu.memory_space<vmem>>, vector<16xf32>,
        %mul3A_292 = arith.constant 16 : i32
        %mul3A_293 = arith.muli %scan3A_63, %mul3A_292 : i32
        %add3A_294 = arith.constant 3 : i32
        %add3A_295 = arith.addi %mul3A_293, %add3A_294 : i32
        %swap3A_296 = arith.index_cast %add3A_295 : i32 to index
        %swap3A_297 = arith.constant 96 : index
        %swap3A_298 = tpu.vector_load %arg10[%swap3A_296, %swap3A_297] {strides = array<i32>} : memref<320x128xf32, #tpu.memory_space<vmem>>, vector<16xf32>,
        tpu.vector_store %arg10[%swap3A_296, %swap3A_297], %broadcast_in_dim3A_249 {strides = array<i32>} : memref<320x128xf32, #tpu.memory_space<vmem>>, vector<16xf32>,
        %mul3A_299 = arith.constant 16 : i32
        %mul3A_300 = arith.muli %scan3A_63, %mul3A_299 : i32
        %add3A_301 = arith.constant 3 : i32
        %add3A_302 = arith.addi %mul3A_300, %add3A_301 : i32
        %swap3A_303 = arith.index_cast %add3A_302 : i32 to index
        %swap3A_304 = arith.constant 112 : index
        %swap3A_305 = tpu.vector_load %arg10[%swap3A_303, %swap3A_304] {strides = array<i32>} : memref<320x128xf32, #tpu.memory_space<vmem>>, vector<16xf32>,
        tpu.vector_store %arg10[%swap3A_303, %swap3A_304], %broadcast_in_dim3A_249 {strides = array<i32>} : memref<320x128xf32, #tpu.memory_space<vmem>>, vector<16xf32>,
        %slice3A_306 = vector.extract_strided_slice %div3A_72 {offsets = [4], sizes = [1], strides = [1]} : vector<16xf32> to vector<1xf32>
        %squeeze3A_307 = vector.extract %slice3A_306[0] : f32 from vector<1xf32>
        %broadcast_in_dim3A_308 = vector.broadcast %squeeze3A_307 : f32 to vector<16xf32>
        %mul3A_309 = arith.constant 16 : i32
        %mul3A_310 = arith.muli %scan3A_63, %mul3A_309 : i32
        %add3A_311 = arith.constant 4 : i32
        %add3A_312 = arith.addi %mul3A_310, %add3A_311 : i32
        %swap3A_313 = arith.index_cast %add3A_312 : i32 to index
        %swap3A_314 = arith.constant 0 : index
        %swap3A_315 = tpu.vector_load %arg10[%swap3A_313, %swap3A_314] {strides = array<i32>} : memref<320x128xf32, #tpu.memory_space<vmem>>, vector<16xf32>,
        tpu.vector_store %arg10[%swap3A_313, %swap3A_314], %broadcast_in_dim3A_308 {strides = array<i32>} : memref<320x128xf32, #tpu.memory_space<vmem>>, vector<16xf32>,
        %mul3A_316 = arith.constant 16 : i32
        %mul3A_317 = arith.muli %scan3A_63, %mul3A_316 : i32
        %add3A_318 = arith.constant 4 : i32
        %add3A_319 = arith.addi %mul3A_317, %add3A_318 : i32
        %swap3A_320 = arith.index_cast %add3A_319 : i32 to index
        %swap3A_321 = arith.constant 16 : index
        %swap3A_322 = tpu.vector_load %arg10[%swap3A_320, %swap3A_321] {strides = array<i32>} : memref<320x128xf32, #tpu.memory_space<vmem>>, vector<16xf32>,
        tpu.vector_store %arg10[%swap3A_320, %swap3A_321], %broadcast_in_dim3A_308 {strides = array<i32>} : memref<320x128xf32, #tpu.memory_space<vmem>>, vector<16xf32>,
        %mul3A_323 = arith.constant 16 : i32
        %mul3A_324 = arith.muli %scan3A_63, %mul3A_323 : i32
        %add3A_325 = arith.constant 4 : i32
        %add3A_326 = arith.addi %mul3A_324, %add3A_325 : i32
        %swap3A_327 = arith.index_cast %add3A_326 : i32 to index
        %swap3A_328 = arith.constant 32 : index
        %swap3A_329 = tpu.vector_load %arg10[%swap3A_327, %swap3A_328] {strides = array<i32>} : memref<320x128xf32, #tpu.memory_space<vmem>>, vector<16xf32>,
        tpu.vector_store %arg10[%swap3A_327, %swap3A_328], %broadcast_in_dim3A_308 {strides = array<i32>} : memref<320x128xf32, #tpu.memory_space<vmem>>, vector<16xf32>,
        %mul3A_330 = arith.constant 16 : i32
        %mul3A_331 = arith.muli %scan3A_63, %mul3A_330 : i32
        %add3A_332 = arith.constant 4 : i32
        %add3A_333 = arith.addi %mul3A_331, %add3A_332 : i32
        %swap3A_334 = arith.index_cast %add3A_333 : i32 to index
        %swap3A_335 = arith.constant 48 : index
        %swap3A_336 = tpu.vector_load %arg10[%swap3A_334, %swap3A_335] {strides = array<i32>} : memref<320x128xf32, #tpu.memory_space<vmem>>, vector<16xf32>,
        tpu.vector_store %arg10[%swap3A_334, %swap3A_335], %broadcast_in_dim3A_308 {strides = array<i32>} : memref<320x128xf32, #tpu.memory_space<vmem>>, vector<16xf32>,
        %mul3A_337 = arith.constant 16 : i32
        %mul3A_338 = arith.muli %scan3A_63, %mul3A_337 : i32
        %add3A_339 = arith.constant 4 : i32
        %add3A_340 = arith.addi %mul3A_338, %add3A_339 : i32
        %swap3A_341 = arith.index_cast %add3A_340 : i32 to index
        %swap3A_342 = arith.constant 64 : index
        %swap3A_343 = tpu.vector_load %arg10[%swap3A_341, %swap3A_342] {strides = array<i32>} : memref<320x128xf32, #tpu.memory_space<vmem>>, vector<16xf32>,
        tpu.vector_store %arg10[%swap3A_341, %swap3A_342], %broadcast_in_dim3A_308 {strides = array<i32>} : memref<320x128xf32, #tpu.memory_space<vmem>>, vector<16xf32>,
        %mul3A_344 = arith.constant 16 : i32
        %mul3A_345 = arith.muli %scan3A_63, %mul3A_344 : i32
        %add3A_346 = arith.constant 4 : i32
        %add3A_347 = arith.addi %mul3A_345, %add3A_346 : i32
        %swap3A_348 = arith.index_cast %add3A_347 : i32 to index
        %swap3A_349 = arith.constant 80 : index
        %swap3A_350 = tpu.vector_load %arg10[%swap3A_348, %swap3A_349] {strides = array<i32>} : memref<320x128xf32, #tpu.memory_space<vmem>>, vector<16xf32>,
        tpu.vector_store %arg10[%swap3A_348, %swap3A_349], %broadcast_in_dim3A_308 {strides = array<i32>} : memref<320x128xf32, #tpu.memory_space<vmem>>, vector<16xf32>,
        %mul3A_351 = arith.constant 16 : i32
        %mul3A_352 = arith.muli %scan3A_63, %mul3A_351 : i32
        %add3A_353 = arith.constant 4 : i32
        %add3A_354 = arith.addi %mul3A_352, %add3A_353 : i32
        %swap3A_355 = arith.index_cast %add3A_354 : i32 to index
        %swap3A_356 = arith.constant 96 : index
        %swap3A_357 = tpu.vector_load %arg10[%swap3A_355, %swap3A_356] {strides = array<i32>} : memref<320x128xf32, #tpu.memory_space<vmem>>, vector<16xf32>,
        tpu.vector_store %arg10[%swap3A_355, %swap3A_356], %broadcast_in_dim3A_308 {strides = array<i32>} : memref<320x128xf32, #tpu.memory_space<vmem>>, vector<16xf32>,
        %mul3A_358 = arith.constant 16 : i32
        %mul3A_359 = arith.muli %scan3A_63, %mul3A_358 : i32
        %add3A_360 = arith.constant 4 : i32
        %add3A_361 = arith.addi %mul3A_359, %add3A_360 : i32
        %swap3A_362 = arith.index_cast %add3A_361 : i32 to index
        %swap3A_363 = arith.constant 112 : index
        %swap3A_364 = tpu.vector_load %arg10[%swap3A_362, %swap3A_363] {strides = array<i32>} : memref<320x128xf32, #tpu.memory_space<vmem>>, vector<16xf32>,
        tpu.vector_store %arg10[%swap3A_362, %swap3A_363], %broadcast_in_dim3A_308 {strides = array<i32>} : memref<320x128xf32, #tpu.memory_space<vmem>>, vector<16xf32>,
        %slice3A_365 = vector.extract_strided_slice %div3A_72 {offsets = [5], sizes = [1], strides = [1]} : vector<16xf32> to vector<1xf32>
        %squeeze3A_366 = vector.extract %slice3A_365[0] : f32 from vector<1xf32>
        %broadcast_in_dim3A_367 = vector.broadcast %squeeze3A_366 : f32 to vector<16xf32>
        %mul3A_368 = arith.constant 16 : i32
        %mul3A_369 = arith.muli %scan3A_63, %mul3A_368 : i32
        %add3A_370 = arith.constant 5 : i32
        %add3A_371 = arith.addi %mul3A_369, %add3A_370 : i32
        %swap3A_372 = arith.index_cast %add3A_371 : i32 to index
        %swap3A_373 = arith.constant 0 : index
        %swap3A_374 = tpu.vector_load %arg10[%swap3A_372, %swap3A_373] {strides = array<i32>} : memref<320x128xf32, #tpu.memory_space<vmem>>, vector<16xf32>,
        tpu.vector_store %arg10[%swap3A_372, %swap3A_373], %broadcast_in_dim3A_367 {strides = array<i32>} : memref<320x128xf32, #tpu.memory_space<vmem>>, vector<16xf32>,
        %mul3A_375 = arith.constant 16 : i32
        %mul3A_376 = arith.muli %scan3A_63, %mul3A_375 : i32
        %add3A_377 = arith.constant 5 : i32
        %add3A_378 = arith.addi %mul3A_376, %add3A_377 : i32
        %swap3A_379 = arith.index_cast %add3A_378 : i32 to index
        %swap3A_380 = arith.constant 16 : index
        %swap3A_381 = tpu.vector_load %arg10[%swap3A_379, %swap3A_380] {strides = array<i32>} : memref<320x128xf32, #tpu.memory_space<vmem>>, vector<16xf32>,
        tpu.vector_store %arg10[%swap3A_379, %swap3A_380], %broadcast_in_dim3A_367 {strides = array<i32>} : memref<320x128xf32, #tpu.memory_space<vmem>>, vector<16xf32>,
        %mul3A_382 = arith.constant 16 : i32
        %mul3A_383 = arith.muli %scan3A_63, %mul3A_382 : i32
        %add3A_384 = arith.constant 5 : i32
        %add3A_385 = arith.addi %mul3A_383, %add3A_384 : i32
        %swap3A_386 = arith.index_cast %add3A_385 : i32 to index
        %swap3A_387 = arith.constant 32 : index
        %swap3A_388 = tpu.vector_load %arg10[%swap3A_386, %swap3A_387] {strides = array<i32>} : memref<320x128xf32, #tpu.memory_space<vmem>>, vector<16xf32>,
        tpu.vector_store %arg10[%swap3A_386, %swap3A_387], %broadcast_in_dim3A_367 {strides = array<i32>} : memref<320x128xf32, #tpu.memory_space<vmem>>, vector<16xf32>,
        %mul3A_389 = arith.constant 16 : i32
        %mul3A_390 = arith.muli %scan3A_63, %mul3A_389 : i32
        %add3A_391 = arith.constant 5 : i32
        %add3A_392 = arith.addi %mul3A_390, %add3A_391 : i32
        %swap3A_393 = arith.index_cast %add3A_392 : i32 to index
        %swap3A_394 = arith.constant 48 : index
        %swap3A_395 = tpu.vector_load %arg10[%swap3A_393, %swap3A_394] {strides = array<i32>} : memref<320x128xf32, #tpu.memory_space<vmem>>, vector<16xf32>,
        tpu.vector_store %arg10[%swap3A_393, %swap3A_394], %broadcast_in_dim3A_367 {strides = array<i32>} : memref<320x128xf32, #tpu.memory_space<vmem>>, vector<16xf32>,
        %mul3A_396 = arith.constant 16 : i32
        %mul3A_397 = arith.muli %scan3A_63, %mul3A_396 : i32
        %add3A_398 = arith.constant 5 : i32
        %add3A_399 = arith.addi %mul3A_397, %add3A_398 : i32
        %swap3A_400 = arith.index_cast %add3A_399 : i32 to index
        %swap3A_401 = arith.constant 64 : index
        %swap3A_402 = tpu.vector_load %arg10[%swap3A_400, %swap3A_401] {strides = array<i32>} : memref<320x128xf32, #tpu.memory_space<vmem>>, vector<16xf32>,
        tpu.vector_store %arg10[%swap3A_400, %swap3A_401], %broadcast_in_dim3A_367 {strides = array<i32>} : memref<320x128xf32, #tpu.memory_space<vmem>>, vector<16xf32>,
        %mul3A_403 = arith.constant 16 : i32
        %mul3A_404 = arith.muli %scan3A_63, %mul3A_403 : i32
        %add3A_405 = arith.constant 5 : i32
        %add3A_406 = arith.addi %mul3A_404, %add3A_405 : i32
        %swap3A_407 = arith.index_cast %add3A_406 : i32 to index
        %swap3A_408 = arith.constant 80 : index
        %swap3A_409 = tpu.vector_load %arg10[%swap3A_407, %swap3A_408] {strides = array<i32>} : memref<320x128xf32, #tpu.memory_space<vmem>>, vector<16xf32>,
        tpu.vector_store %arg10[%swap3A_407, %swap3A_408], %broadcast_in_dim3A_367 {strides = array<i32>} : memref<320x128xf32, #tpu.memory_space<vmem>>, vector<16xf32>,
        %mul3A_410 = arith.constant 16 : i32
        %mul3A_411 = arith.muli %scan3A_63, %mul3A_410 : i32
        %add3A_412 = arith.constant 5 : i32
        %add3A_413 = arith.addi %mul3A_411, %add3A_412 : i32
        %swap3A_414 = arith.index_cast %add3A_413 : i32 to index
        %swap3A_415 = arith.constant 96 : index
        %swap3A_416 = tpu.vector_load %arg10[%swap3A_414, %swap3A_415] {strides = array<i32>} : memref<320x128xf32, #tpu.memory_space<vmem>>, vector<16xf32>,
        tpu.vector_store %arg10[%swap3A_414, %swap3A_415], %broadcast_in_dim3A_367 {strides = array<i32>} : memref<320x128xf32, #tpu.memory_space<vmem>>, vector<16xf32>,
        %mul3A_417 = arith.constant 16 : i32
        %mul3A_418 = arith.muli %scan3A_63, %mul3A_417 : i32
        %add3A_419 = arith.constant 5 : i32
        %add3A_420 = arith.addi %mul3A_418, %add3A_419 : i32
        %swap3A_421 = arith.index_cast %add3A_420 : i32 to index
        %swap3A_422 = arith.constant 112 : index
        %swap3A_423 = tpu.vector_load %arg10[%swap3A_421, %swap3A_422] {strides = array<i32>} : memref<320x128xf32, #tpu.memory_space<vmem>>, vector<16xf32>,
        tpu.vector_store %arg10[%swap3A_421, %swap3A_422], %broadcast_in_dim3A_367 {strides = array<i32>} : memref<320x128xf32, #tpu.memory_space<vmem>>, vector<16xf32>,
        %slice3A_424 = vector.extract_strided_slice %div3A_72 {offsets = [6], sizes = [1], strides = [1]} : vector<16xf32> to vector<1xf32>
        %squeeze3A_425 = vector.extract %slice3A_424[0] : f32 from vector<1xf32>
        %broadcast_in_dim3A_426 = vector.broadcast %squeeze3A_425 : f32 to vector<16xf32>
        %mul3A_427 = arith.constant 16 : i32
        %mul3A_428 = arith.muli %scan3A_63, %mul3A_427 : i32
        %add3A_429 = arith.constant 6 : i32
        %add3A_430 = arith.addi %mul3A_428, %add3A_429 : i32
        %swap3A_431 = arith.index_cast %add3A_430 : i32 to index
        %swap3A_432 = arith.constant 0 : index
        %swap3A_433 = tpu.vector_load %arg10[%swap3A_431, %swap3A_432] {strides = array<i32>} : memref<320x128xf32, #tpu.memory_space<vmem>>, vector<16xf32>,
        tpu.vector_store %arg10[%swap3A_431, %swap3A_432], %broadcast_in_dim3A_426 {strides = array<i32>} : memref<320x128xf32, #tpu.memory_space<vmem>>, vector<16xf32>,
        %mul3A_434 = arith.constant 16 : i32
        %mul3A_435 = arith.muli %scan3A_63, %mul3A_434 : i32
        %add3A_436 = arith.constant 6 : i32
        %add3A_437 = arith.addi %mul3A_435, %add3A_436 : i32
        %swap3A_438 = arith.index_cast %add3A_437 : i32 to index
        %swap3A_439 = arith.constant 16 : index
        %swap3A_440 = tpu.vector_load %arg10[%swap3A_438, %swap3A_439] {strides = array<i32>} : memref<320x128xf32, #tpu.memory_space<vmem>>, vector<16xf32>,
        tpu.vector_store %arg10[%swap3A_438, %swap3A_439], %broadcast_in_dim3A_426 {strides = array<i32>} : memref<320x128xf32, #tpu.memory_space<vmem>>, vector<16xf32>,
        %mul3A_441 = arith.constant 16 : i32
        %mul3A_442 = arith.muli %scan3A_63, %mul3A_441 : i32
        %add3A_443 = arith.constant 6 : i32
        %add3A_444 = arith.addi %mul3A_442, %add3A_443 : i32
        %swap3A_445 = arith.index_cast %add3A_444 : i32 to index
        %swap3A_446 = arith.constant 32 : index
        %swap3A_447 = tpu.vector_load %arg10[%swap3A_445, %swap3A_446] {strides = array<i32>} : memref<320x128xf32, #tpu.memory_space<vmem>>, vector<16xf32>,
        tpu.vector_store %arg10[%swap3A_445, %swap3A_446], %broadcast_in_dim3A_426 {strides = array<i32>} : memref<320x128xf32, #tpu.memory_space<vmem>>, vector<16xf32>,
        %mul3A_448 = arith.constant 16 : i32
        %mul3A_449 = arith.muli %scan3A_63, %mul3A_448 : i32
        %add3A_450 = arith.constant 6 : i32
        %add3A_451 = arith.addi %mul3A_449, %add3A_450 : i32
        %swap3A_452 = arith.index_cast %add3A_451 : i32 to index
        %swap3A_453 = arith.constant 48 : index
        %swap3A_454 = tpu.vector_load %arg10[%swap3A_452, %swap3A_453] {strides = array<i32>} : memref<320x128xf32, #tpu.memory_space<vmem>>, vector<16xf32>,
        tpu.vector_store %arg10[%swap3A_452, %swap3A_453], %broadcast_in_dim3A_426 {strides = array<i32>} : memref<320x128xf32, #tpu.memory_space<vmem>>, vector<16xf32>,
        %mul3A_455 = arith.constant 16 : i32
        %mul3A_456 = arith.muli %scan3A_63, %mul3A_455 : i32
        %add3A_457 = arith.constant 6 : i32
        %add3A_458 = arith.addi %mul3A_456, %add3A_457 : i32
        %swap3A_459 = arith.index_cast %add3A_458 : i32 to index
        %swap3A_460 = arith.constant 64 : index
        %swap3A_461 = tpu.vector_load %arg10[%swap3A_459, %swap3A_460] {strides = array<i32>} : memref<320x128xf32, #tpu.memory_space<vmem>>, vector<16xf32>,
        tpu.vector_store %arg10[%swap3A_459, %swap3A_460], %broadcast_in_dim3A_426 {strides = array<i32>} : memref<320x128xf32, #tpu.memory_space<vmem>>, vector<16xf32>,
        %mul3A_462 = arith.constant 16 : i32
        %mul3A_463 = arith.muli %scan3A_63, %mul3A_462 : i32
        %add3A_464 = arith.constant 6 : i32
        %add3A_465 = arith.addi %mul3A_463, %add3A_464 : i32
        %swap3A_466 = arith.index_cast %add3A_465 : i32 to index
        %swap3A_467 = arith.constant 80 : index
        %swap3A_468 = tpu.vector_load %arg10[%swap3A_466, %swap3A_467] {strides = array<i32>} : memref<320x128xf32, #tpu.memory_space<vmem>>, vector<16xf32>,
        tpu.vector_store %arg10[%swap3A_466, %swap3A_467], %broadcast_in_dim3A_426 {strides = array<i32>} : memref<320x128xf32, #tpu.memory_space<vmem>>, vector<16xf32>,
        %mul3A_469 = arith.constant 16 : i32
        %mul3A_470 = arith.muli %scan3A_63, %mul3A_469 : i32
        %add3A_471 = arith.constant 6 : i32
        %add3A_472 = arith.addi %mul3A_470, %add3A_471 : i32
        %swap3A_473 = arith.index_cast %add3A_472 : i32 to index
        %swap3A_474 = arith.constant 96 : index
        %swap3A_475 = tpu.vector_load %arg10[%swap3A_473, %swap3A_474] {strides = array<i32>} : memref<320x128xf32, #tpu.memory_space<vmem>>, vector<16xf32>,
        tpu.vector_store %arg10[%swap3A_473, %swap3A_474], %broadcast_in_dim3A_426 {strides = array<i32>} : memref<320x128xf32, #tpu.memory_space<vmem>>, vector<16xf32>,
        %mul3A_476 = arith.constant 16 : i32
        %mul3A_477 = arith.muli %scan3A_63, %mul3A_476 : i32
        %add3A_478 = arith.constant 6 : i32
        %add3A_479 = arith.addi %mul3A_477, %add3A_478 : i32
        %swap3A_480 = arith.index_cast %add3A_479 : i32 to index
        %swap3A_481 = arith.constant 112 : index
        %swap3A_482 = tpu.vector_load %arg10[%swap3A_480, %swap3A_481] {strides = array<i32>} : memref<320x128xf32, #tpu.memory_space<vmem>>, vector<16xf32>,
        tpu.vector_store %arg10[%swap3A_480, %swap3A_481], %broadcast_in_dim3A_426 {strides = array<i32>} : memref<320x128xf32, #tpu.memory_space<vmem>>, vector<16xf32>,
        %slice3A_483 = vector.extract_strided_slice %div3A_72 {offsets = [7], sizes = [1], strides = [1]} : vector<16xf32> to vector<1xf32>
        %squeeze3A_484 = vector.extract %slice3A_483[0] : f32 from vector<1xf32>
        %broadcast_in_dim3A_485 = vector.broadcast %squeeze3A_484 : f32 to vector<16xf32>
        %mul3A_486 = arith.constant 16 : i32
        %mul3A_487 = arith.muli %scan3A_63, %mul3A_486 : i32
        %add3A_488 = arith.constant 7 : i32
        %add3A_489 = arith.addi %mul3A_487, %add3A_488 : i32
        %swap3A_490 = arith.index_cast %add3A_489 : i32 to index
        %swap3A_491 = arith.constant 0 : index
        %swap3A_492 = tpu.vector_load %arg10[%swap3A_490, %swap3A_491] {strides = array<i32>} : memref<320x128xf32, #tpu.memory_space<vmem>>, vector<16xf32>,
        tpu.vector_store %arg10[%swap3A_490, %swap3A_491], %broadcast_in_dim3A_485 {strides = array<i32>} : memref<320x128xf32, #tpu.memory_space<vmem>>, vector<16xf32>,
        %mul3A_493 = arith.constant 16 : i32
        %mul3A_494 = arith.muli %scan3A_63, %mul3A_493 : i32
        %add3A_495 = arith.constant 7 : i32
        %add3A_496 = arith.addi %mul3A_494, %add3A_495 : i32
        %swap3A_497 = arith.index_cast %add3A_496 : i32 to index
        %swap3A_498 = arith.constant 16 : index
        %swap3A_499 = tpu.vector_load %arg10[%swap3A_497, %swap3A_498] {strides = array<i32>} : memref<320x128xf32, #tpu.memory_space<vmem>>, vector<16xf32>,
        tpu.vector_store %arg10[%swap3A_497, %swap3A_498], %broadcast_in_dim3A_485 {strides = array<i32>} : memref<320x128xf32, #tpu.memory_space<vmem>>, vector<16xf32>,
        %mul3A_500 = arith.constant 16 : i32
        %mul3A_501 = arith.muli %scan3A_63, %mul3A_500 : i32
        %add3A_502 = arith.constant 7 : i32
        %add3A_503 = arith.addi %mul3A_501, %add3A_502 : i32
        %swap3A_504 = arith.index_cast %add3A_503 : i32 to index
        %swap3A_505 = arith.constant 32 : index
        %swap3A_506 = tpu.vector_load %arg10[%swap3A_504, %swap3A_505] {strides = array<i32>} : memref<320x128xf32, #tpu.memory_space<vmem>>, vector<16xf32>,
        tpu.vector_store %arg10[%swap3A_504, %swap3A_505], %broadcast_in_dim3A_485 {strides = array<i32>} : memref<320x128xf32, #tpu.memory_space<vmem>>, vector<16xf32>,
        %mul3A_507 = arith.constant 16 : i32
        %mul3A_508 = arith.muli %scan3A_63, %mul3A_507 : i32
        %add3A_509 = arith.constant 7 : i32
        %add3A_510 = arith.addi %mul3A_508, %add3A_509 : i32
        %swap3A_511 = arith.index_cast %add3A_510 : i32 to index
        %swap3A_512 = arith.constant 48 : index
        %swap3A_513 = tpu.vector_load %arg10[%swap3A_511, %swap3A_512] {strides = array<i32>} : memref<320x128xf32, #tpu.memory_space<vmem>>, vector<16xf32>,
        tpu.vector_store %arg10[%swap3A_511, %swap3A_512], %broadcast_in_dim3A_485 {strides = array<i32>} : memref<320x128xf32, #tpu.memory_space<vmem>>, vector<16xf32>,
        %mul3A_514 = arith.constant 16 : i32
        %mul3A_515 = arith.muli %scan3A_63, %mul3A_514 : i32
        %add3A_516 = arith.constant 7 : i32
        %add3A_517 = arith.addi %mul3A_515, %add3A_516 : i32
        %swap3A_518 = arith.index_cast %add3A_517 : i32 to index
        %swap3A_519 = arith.constant 64 : index
        %swap3A_520 = tpu.vector_load %arg10[%swap3A_518, %swap3A_519] {strides = array<i32>} : memref<320x128xf32, #tpu.memory_space<vmem>>, vector<16xf32>,
        tpu.vector_store %arg10[%swap3A_518, %swap3A_519], %broadcast_in_dim3A_485 {strides = array<i32>} : memref<320x128xf32, #tpu.memory_space<vmem>>, vector<16xf32>,
        %mul3A_521 = arith.constant 16 : i32
        %mul3A_522 = arith.muli %scan3A_63, %mul3A_521 : i32
        %add3A_523 = arith.constant 7 : i32
        %add3A_524 = arith.addi %mul3A_522, %add3A_523 : i32
        %swap3A_525 = arith.index_cast %add3A_524 : i32 to index
        %swap3A_526 = arith.constant 80 : index
        %swap3A_527 = tpu.vector_load %arg10[%swap3A_525, %swap3A_526] {strides = array<i32>} : memref<320x128xf32, #tpu.memory_space<vmem>>, vector<16xf32>,
        tpu.vector_store %arg10[%swap3A_525, %swap3A_526], %broadcast_in_dim3A_485 {strides = array<i32>} : memref<320x128xf32, #tpu.memory_space<vmem>>, vector<16xf32>,
        %mul3A_528 = arith.constant 16 : i32
        %mul3A_529 = arith.muli %scan3A_63, %mul3A_528 : i32
        %add3A_530 = arith.constant 7 : i32
        %add3A_531 = arith.addi %mul3A_529, %add3A_530 : i32
        %swap3A_532 = arith.index_cast %add3A_531 : i32 to index
        %swap3A_533 = arith.constant 96 : index
        %swap3A_534 = tpu.vector_load %arg10[%swap3A_532, %swap3A_533] {strides = array<i32>} : memref<320x128xf32, #tpu.memory_space<vmem>>, vector<16xf32>,
        tpu.vector_store %arg10[%swap3A_532, %swap3A_533], %broadcast_in_dim3A_485 {strides = array<i32>} : memref<320x128xf32, #tpu.memory_space<vmem>>, vector<16xf32>,
        %mul3A_535 = arith.constant 16 : i32
        %mul3A_536 = arith.muli %scan3A_63, %mul3A_535 : i32
        %add3A_537 = arith.constant 7 : i32
        %add3A_538 = arith.addi %mul3A_536, %add3A_537 : i32
        %swap3A_539 = arith.index_cast %add3A_538 : i32 to index
        %swap3A_540 = arith.constant 112 : index
        %swap3A_541 = tpu.vector_load %arg10[%swap3A_539, %swap3A_540] {strides = array<i32>} : memref<320x128xf32, #tpu.memory_space<vmem>>, vector<16xf32>,
        tpu.vector_store %arg10[%swap3A_539, %swap3A_540], %broadcast_in_dim3A_485 {strides = array<i32>} : memref<320x128xf32, #tpu.memory_space<vmem>>, vector<16xf32>,
        %slice3A_542 = vector.extract_strided_slice %div3A_72 {offsets = [8], sizes = [1], strides = [1]} : vector<16xf32> to vector<1xf32>
        %squeeze3A_543 = vector.extract %slice3A_542[0] : f32 from vector<1xf32>
        %broadcast_in_dim3A_544 = vector.broadcast %squeeze3A_543 : f32 to vector<16xf32>
        %mul3A_545 = arith.constant 16 : i32
        %mul3A_546 = arith.muli %scan3A_63, %mul3A_545 : i32
        %add3A_547 = arith.constant 8 : i32
        %add3A_548 = arith.addi %mul3A_546, %add3A_547 : i32
        %swap3A_549 = arith.index_cast %add3A_548 : i32 to index
        %swap3A_550 = arith.constant 0 : index
        %swap3A_551 = tpu.vector_load %arg10[%swap3A_549, %swap3A_550] {strides = array<i32>} : memref<320x128xf32, #tpu.memory_space<vmem>>, vector<16xf32>,
        tpu.vector_store %arg10[%swap3A_549, %swap3A_550], %broadcast_in_dim3A_544 {strides = array<i32>} : memref<320x128xf32, #tpu.memory_space<vmem>>, vector<16xf32>,
        %mul3A_552 = arith.constant 16 : i32
        %mul3A_553 = arith.muli %scan3A_63, %mul3A_552 : i32
        %add3A_554 = arith.constant 8 : i32
        %add3A_555 = arith.addi %mul3A_553, %add3A_554 : i32
        %swap3A_556 = arith.index_cast %add3A_555 : i32 to index
        %swap3A_557 = arith.constant 16 : index
        %swap3A_558 = tpu.vector_load %arg10[%swap3A_556, %swap3A_557] {strides = array<i32>} : memref<320x128xf32, #tpu.memory_space<vmem>>, vector<16xf32>,
        tpu.vector_store %arg10[%swap3A_556, %swap3A_557], %broadcast_in_dim3A_544 {strides = array<i32>} : memref<320x128xf32, #tpu.memory_space<vmem>>, vector<16xf32>,
        %mul3A_559 = arith.constant 16 : i32
        %mul3A_560 = arith.muli %scan3A_63, %mul3A_559 : i32
        %add3A_561 = arith.constant 8 : i32
        %add3A_562 = arith.addi %mul3A_560, %add3A_561 : i32
        %swap3A_563 = arith.index_cast %add3A_562 : i32 to index
        %swap3A_564 = arith.constant 32 : index
        %swap3A_565 = tpu.vector_load %arg10[%swap3A_563, %swap3A_564] {strides = array<i32>} : memref<320x128xf32, #tpu.memory_space<vmem>>, vector<16xf32>,
        tpu.vector_store %arg10[%swap3A_563, %swap3A_564], %broadcast_in_dim3A_544 {strides = array<i32>} : memref<320x128xf32, #tpu.memory_space<vmem>>, vector<16xf32>,
        %mul3A_566 = arith.constant 16 : i32
        %mul3A_567 = arith.muli %scan3A_63, %mul3A_566 : i32
        %add3A_568 = arith.constant 8 : i32
        %add3A_569 = arith.addi %mul3A_567, %add3A_568 : i32
        %swap3A_570 = arith.index_cast %add3A_569 : i32 to index
        %swap3A_571 = arith.constant 48 : index
        %swap3A_572 = tpu.vector_load %arg10[%swap3A_570, %swap3A_571] {strides = array<i32>} : memref<320x128xf32, #tpu.memory_space<vmem>>, vector<16xf32>,
        tpu.vector_store %arg10[%swap3A_570, %swap3A_571], %broadcast_in_dim3A_544 {strides = array<i32>} : memref<320x128xf32, #tpu.memory_space<vmem>>, vector<16xf32>,
        %mul3A_573 = arith.constant 16 : i32
        %mul3A_574 = arith.muli %scan3A_63, %mul3A_573 : i32
        %add3A_575 = arith.constant 8 : i32
        %add3A_576 = arith.addi %mul3A_574, %add3A_575 : i32
        %swap3A_577 = arith.index_cast %add3A_576 : i32 to index
        %swap3A_578 = arith.constant 64 : index
        %swap3A_579 = tpu.vector_load %arg10[%swap3A_577, %swap3A_578] {strides = array<i32>} : memref<320x128xf32, #tpu.memory_space<vmem>>, vector<16xf32>,
        tpu.vector_store %arg10[%swap3A_577, %swap3A_578], %broadcast_in_dim3A_544 {strides = array<i32>} : memref<320x128xf32, #tpu.memory_space<vmem>>, vector<16xf32>,
        %mul3A_580 = arith.constant 16 : i32
        %mul3A_581 = arith.muli %scan3A_63, %mul3A_580 : i32
        %add3A_582 = arith.constant 8 : i32
        %add3A_583 = arith.addi %mul3A_581, %add3A_582 : i32
        %swap3A_584 = arith.index_cast %add3A_583 : i32 to index
        %swap3A_585 = arith.constant 80 : index
        %swap3A_586 = tpu.vector_load %arg10[%swap3A_584, %swap3A_585] {strides = array<i32>} : memref<320x128xf32, #tpu.memory_space<vmem>>, vector<16xf32>,
        tpu.vector_store %arg10[%swap3A_584, %swap3A_585], %broadcast_in_dim3A_544 {strides = array<i32>} : memref<320x128xf32, #tpu.memory_space<vmem>>, vector<16xf32>,
        %mul3A_587 = arith.constant 16 : i32
        %mul3A_588 = arith.muli %scan3A_63, %mul3A_587 : i32
        %add3A_589 = arith.constant 8 : i32
        %add3A_590 = arith.addi %mul3A_588, %add3A_589 : i32
        %swap3A_591 = arith.index_cast %add3A_590 : i32 to index
        %swap3A_592 = arith.constant 96 : index
        %swap3A_593 = tpu.vector_load %arg10[%swap3A_591, %swap3A_592] {strides = array<i32>} : memref<320x128xf32, #tpu.memory_space<vmem>>, vector<16xf32>,
        tpu.vector_store %arg10[%swap3A_591, %swap3A_592], %broadcast_in_dim3A_544 {strides = array<i32>} : memref<320x128xf32, #tpu.memory_space<vmem>>, vector<16xf32>,
        %mul3A_594 = arith.constant 16 : i32
        %mul3A_595 = arith.muli %scan3A_63, %mul3A_594 : i32
        %add3A_596 = arith.constant 8 : i32
        %add3A_597 = arith.addi %mul3A_595, %add3A_596 : i32
        %swap3A_598 = arith.index_cast %add3A_597 : i32 to index
        %swap3A_599 = arith.constant 112 : index
        %swap3A_600 = tpu.vector_load %arg10[%swap3A_598, %swap3A_599] {strides = array<i32>} : memref<320x128xf32, #tpu.memory_space<vmem>>, vector<16xf32>,
        tpu.vector_store %arg10[%swap3A_598, %swap3A_599], %broadcast_in_dim3A_544 {strides = array<i32>} : memref<320x128xf32, #tpu.memory_space<vmem>>, vector<16xf32>,
        %slice3A_601 = vector.extract_strided_slice %div3A_72 {offsets = [9], sizes = [1], strides = [1]} : vector<16xf32> to vector<1xf32>
        %squeeze3A_602 = vector.extract %slice3A_601[0] : f32 from vector<1xf32>
        %broadcast_in_dim3A_603 = vector.broadcast %squeeze3A_602 : f32 to vector<16xf32>
        %mul3A_604 = arith.constant 16 : i32
        %mul3A_605 = arith.muli %scan3A_63, %mul3A_604 : i32
        %add3A_606 = arith.constant 9 : i32
        %add3A_607 = arith.addi %mul3A_605, %add3A_606 : i32
        %swap3A_608 = arith.index_cast %add3A_607 : i32 to index
        %swap3A_609 = arith.constant 0 : index
        %swap3A_610 = tpu.vector_load %arg10[%swap3A_608, %swap3A_609] {strides = array<i32>} : memref<320x128xf32, #tpu.memory_space<vmem>>, vector<16xf32>,
        tpu.vector_store %arg10[%swap3A_608, %swap3A_609], %broadcast_in_dim3A_603 {strides = array<i32>} : memref<320x128xf32, #tpu.memory_space<vmem>>, vector<16xf32>,
        %mul3A_611 = arith.constant 16 : i32
        %mul3A_612 = arith.muli %scan3A_63, %mul3A_611 : i32
        %add3A_613 = arith.constant 9 : i32
        %add3A_614 = arith.addi %mul3A_612, %add3A_613 : i32
        %swap3A_615 = arith.index_cast %add3A_614 : i32 to index
        %swap3A_616 = arith.constant 16 : index
        %swap3A_617 = tpu.vector_load %arg10[%swap3A_615, %swap3A_616] {strides = array<i32>} : memref<320x128xf32, #tpu.memory_space<vmem>>, vector<16xf32>,
        tpu.vector_store %arg10[%swap3A_615, %swap3A_616], %broadcast_in_dim3A_603 {strides = array<i32>} : memref<320x128xf32, #tpu.memory_space<vmem>>, vector<16xf32>,
        %mul3A_618 = arith.constant 16 : i32
        %mul3A_619 = arith.muli %scan3A_63, %mul3A_618 : i32
        %add3A_620 = arith.constant 9 : i32
        %add3A_621 = arith.addi %mul3A_619, %add3A_620 : i32
        %swap3A_622 = arith.index_cast %add3A_621 : i32 to index
        %swap3A_623 = arith.constant 32 : index
        %swap3A_624 = tpu.vector_load %arg10[%swap3A_622, %swap3A_623] {strides = array<i32>} : memref<320x128xf32, #tpu.memory_space<vmem>>, vector<16xf32>,
        tpu.vector_store %arg10[%swap3A_622, %swap3A_623], %broadcast_in_dim3A_603 {strides = array<i32>} : memref<320x128xf32, #tpu.memory_space<vmem>>, vector<16xf32>,
        %mul3A_625 = arith.constant 16 : i32
        %mul3A_626 = arith.muli %scan3A_63, %mul3A_625 : i32
        %add3A_627 = arith.constant 9 : i32
        %add3A_628 = arith.addi %mul3A_626, %add3A_627 : i32
        %swap3A_629 = arith.index_cast %add3A_628 : i32 to index
        %swap3A_630 = arith.constant 48 : index
        %swap3A_631 = tpu.vector_load %arg10[%swap3A_629, %swap3A_630] {strides = array<i32>} : memref<320x128xf32, #tpu.memory_space<vmem>>, vector<16xf32>,
        tpu.vector_store %arg10[%swap3A_629, %swap3A_630], %broadcast_in_dim3A_603 {strides = array<i32>} : memref<320x128xf32, #tpu.memory_space<vmem>>, vector<16xf32>,
        %mul3A_632 = arith.constant 16 : i32
        %mul3A_633 = arith.muli %scan3A_63, %mul3A_632 : i32
        %add3A_634 = arith.constant 9 : i32
        %add3A_635 = arith.addi %mul3A_633, %add3A_634 : i32
        %swap3A_636 = arith.index_cast %add3A_635 : i32 to index
        %swap3A_637 = arith.constant 64 : index
        %swap3A_638 = tpu.vector_load %arg10[%swap3A_636, %swap3A_637] {strides = array<i32>} : memref<320x128xf32, #tpu.memory_space<vmem>>, vector<16xf32>,
        tpu.vector_store %arg10[%swap3A_636, %swap3A_637], %broadcast_in_dim3A_603 {strides = array<i32>} : memref<320x128xf32, #tpu.memory_space<vmem>>, vector<16xf32>,
        %mul3A_639 = arith.constant 16 : i32
        %mul3A_640 = arith.muli %scan3A_63, %mul3A_639 : i32
        %add3A_641 = arith.constant 9 : i32
        %add3A_642 = arith.addi %mul3A_640, %add3A_641 : i32
        %swap3A_643 = arith.index_cast %add3A_642 : i32 to index
        %swap3A_644 = arith.constant 80 : index
        %swap3A_645 = tpu.vector_load %arg10[%swap3A_643, %swap3A_644] {strides = array<i32>} : memref<320x128xf32, #tpu.memory_space<vmem>>, vector<16xf32>,
        tpu.vector_store %arg10[%swap3A_643, %swap3A_644], %broadcast_in_dim3A_603 {strides = array<i32>} : memref<320x128xf32, #tpu.memory_space<vmem>>, vector<16xf32>,
        %mul3A_646 = arith.constant 16 : i32
        %mul3A_647 = arith.muli %scan3A_63, %mul3A_646 : i32
        %add3A_648 = arith.constant 9 : i32
        %add3A_649 = arith.addi %mul3A_647, %add3A_648 : i32
        %swap3A_650 = arith.index_cast %add3A_649 : i32 to index
        %swap3A_651 = arith.constant 96 : index
        %swap3A_652 = tpu.vector_load %arg10[%swap3A_650, %swap3A_651] {strides = array<i32>} : memref<320x128xf32, #tpu.memory_space<vmem>>, vector<16xf32>,
        tpu.vector_store %arg10[%swap3A_650, %swap3A_651], %broadcast_in_dim3A_603 {strides = array<i32>} : memref<320x128xf32, #tpu.memory_space<vmem>>, vector<16xf32>,
        %mul3A_653 = arith.constant 16 : i32
        %mul3A_654 = arith.muli %scan3A_63, %mul3A_653 : i32
        %add3A_655 = arith.constant 9 : i32
        %add3A_656 = arith.addi %mul3A_654, %add3A_655 : i32
        %swap3A_657 = arith.index_cast %add3A_656 : i32 to index
        %swap3A_658 = arith.constant 112 : index
        %swap3A_659 = tpu.vector_load %arg10[%swap3A_657, %swap3A_658] {strides = array<i32>} : memref<320x128xf32, #tpu.memory_space<vmem>>, vector<16xf32>,
        tpu.vector_store %arg10[%swap3A_657, %swap3A_658], %broadcast_in_dim3A_603 {strides = array<i32>} : memref<320x128xf32, #tpu.memory_space<vmem>>, vector<16xf32>,
        %slice3A_660 = vector.extract_strided_slice %div3A_72 {offsets = [10], sizes = [1], strides = [1]} : vector<16xf32> to vector<1xf32>
        %squeeze3A_661 = vector.extract %slice3A_660[0] : f32 from vector<1xf32>
        %broadcast_in_dim3A_662 = vector.broadcast %squeeze3A_661 : f32 to vector<16xf32>
        %mul3A_663 = arith.constant 16 : i32
        %mul3A_664 = arith.muli %scan3A_63, %mul3A_663 : i32
        %add3A_665 = arith.constant 10 : i32
        %add3A_666 = arith.addi %mul3A_664, %add3A_665 : i32
        %swap3A_667 = arith.index_cast %add3A_666 : i32 to index
        %swap3A_668 = arith.constant 0 : index
        %swap3A_669 = tpu.vector_load %arg10[%swap3A_667, %swap3A_668] {strides = array<i32>} : memref<320x128xf32, #tpu.memory_space<vmem>>, vector<16xf32>,
        tpu.vector_store %arg10[%swap3A_667, %swap3A_668], %broadcast_in_dim3A_662 {strides = array<i32>} : memref<320x128xf32, #tpu.memory_space<vmem>>, vector<16xf32>,
        %mul3A_670 = arith.constant 16 : i32
        %mul3A_671 = arith.muli %scan3A_63, %mul3A_670 : i32
        %add3A_672 = arith.constant 10 : i32
        %add3A_673 = arith.addi %mul3A_671, %add3A_672 : i32
        %swap3A_674 = arith.index_cast %add3A_673 : i32 to index
        %swap3A_675 = arith.constant 16 : index
        %swap3A_676 = tpu.vector_load %arg10[%swap3A_674, %swap3A_675] {strides = array<i32>} : memref<320x128xf32, #tpu.memory_space<vmem>>, vector<16xf32>,
        tpu.vector_store %arg10[%swap3A_674, %swap3A_675], %broadcast_in_dim3A_662 {strides = array<i32>} : memref<320x128xf32, #tpu.memory_space<vmem>>, vector<16xf32>,
        %mul3A_677 = arith.constant 16 : i32
        %mul3A_678 = arith.muli %scan3A_63, %mul3A_677 : i32
        %add3A_679 = arith.constant 10 : i32
        %add3A_680 = arith.addi %mul3A_678, %add3A_679 : i32
        %swap3A_681 = arith.index_cast %add3A_680 : i32 to index
        %swap3A_682 = arith.constant 32 : index
        %swap3A_683 = tpu.vector_load %arg10[%swap3A_681, %swap3A_682] {strides = array<i32>} : memref<320x128xf32, #tpu.memory_space<vmem>>, vector<16xf32>,
        tpu.vector_store %arg10[%swap3A_681, %swap3A_682], %broadcast_in_dim3A_662 {strides = array<i32>} : memref<320x128xf32, #tpu.memory_space<vmem>>, vector<16xf32>,
        %mul3A_684 = arith.constant 16 : i32
        %mul3A_685 = arith.muli %scan3A_63, %mul3A_684 : i32
        %add3A_686 = arith.constant 10 : i32
        %add3A_687 = arith.addi %mul3A_685, %add3A_686 : i32
        %swap3A_688 = arith.index_cast %add3A_687 : i32 to index
        %swap3A_689 = arith.constant 48 : index
        %swap3A_690 = tpu.vector_load %arg10[%swap3A_688, %swap3A_689] {strides = array<i32>} : memref<320x128xf32, #tpu.memory_space<vmem>>, vector<16xf32>,
        tpu.vector_store %arg10[%swap3A_688, %swap3A_689], %broadcast_in_dim3A_662 {strides = array<i32>} : memref<320x128xf32, #tpu.memory_space<vmem>>, vector<16xf32>,
        %mul3A_691 = arith.constant 16 : i32
        %mul3A_692 = arith.muli %scan3A_63, %mul3A_691 : i32
        %add3A_693 = arith.constant 10 : i32
        %add3A_694 = arith.addi %mul3A_692, %add3A_693 : i32
        %swap3A_695 = arith.index_cast %add3A_694 : i32 to index
        %swap3A_696 = arith.constant 64 : index
        %swap3A_697 = tpu.vector_load %arg10[%swap3A_695, %swap3A_696] {strides = array<i32>} : memref<320x128xf32, #tpu.memory_space<vmem>>, vector<16xf32>,
        tpu.vector_store %arg10[%swap3A_695, %swap3A_696], %broadcast_in_dim3A_662 {strides = array<i32>} : memref<320x128xf32, #tpu.memory_space<vmem>>, vector<16xf32>,
        %mul3A_698 = arith.constant 16 : i32
        %mul3A_699 = arith.muli %scan3A_63, %mul3A_698 : i32
        %add3A_700 = arith.constant 10 : i32
        %add3A_701 = arith.addi %mul3A_699, %add3A_700 : i32
        %swap3A_702 = arith.index_cast %add3A_701 : i32 to index
        %swap3A_703 = arith.constant 80 : index
        %swap3A_704 = tpu.vector_load %arg10[%swap3A_702, %swap3A_703] {strides = array<i32>} : memref<320x128xf32, #tpu.memory_space<vmem>>, vector<16xf32>,
        tpu.vector_store %arg10[%swap3A_702, %swap3A_703], %broadcast_in_dim3A_662 {strides = array<i32>} : memref<320x128xf32, #tpu.memory_space<vmem>>, vector<16xf32>,
        %mul3A_705 = arith.constant 16 : i32
        %mul3A_706 = arith.muli %scan3A_63, %mul3A_705 : i32
        %add3A_707 = arith.constant 10 : i32
        %add3A_708 = arith.addi %mul3A_706, %add3A_707 : i32
        %swap3A_709 = arith.index_cast %add3A_708 : i32 to index
        %swap3A_710 = arith.constant 96 : index
        %swap3A_711 = tpu.vector_load %arg10[%swap3A_709, %swap3A_710] {strides = array<i32>} : memref<320x128xf32, #tpu.memory_space<vmem>>, vector<16xf32>,
        tpu.vector_store %arg10[%swap3A_709, %swap3A_710], %broadcast_in_dim3A_662 {strides = array<i32>} : memref<320x128xf32, #tpu.memory_space<vmem>>, vector<16xf32>,
        %mul3A_712 = arith.constant 16 : i32
        %mul3A_713 = arith.muli %scan3A_63, %mul3A_712 : i32
        %add3A_714 = arith.constant 10 : i32
        %add3A_715 = arith.addi %mul3A_713, %add3A_714 : i32
        %swap3A_716 = arith.index_cast %add3A_715 : i32 to index
        %swap3A_717 = arith.constant 112 : index
        %swap3A_718 = tpu.vector_load %arg10[%swap3A_716, %swap3A_717] {strides = array<i32>} : memref<320x128xf32, #tpu.memory_space<vmem>>, vector<16xf32>,
        tpu.vector_store %arg10[%swap3A_716, %swap3A_717], %broadcast_in_dim3A_662 {strides = array<i32>} : memref<320x128xf32, #tpu.memory_space<vmem>>, vector<16xf32>,
        %slice3A_719 = vector.extract_strided_slice %div3A_72 {offsets = [11], sizes = [1], strides = [1]} : vector<16xf32> to vector<1xf32>
        %squeeze3A_720 = vector.extract %slice3A_719[0] : f32 from vector<1xf32>
        %broadcast_in_dim3A_721 = vector.broadcast %squeeze3A_720 : f32 to vector<16xf32>
        %mul3A_722 = arith.constant 16 : i32
        %mul3A_723 = arith.muli %scan3A_63, %mul3A_722 : i32
        %add3A_724 = arith.constant 11 : i32
        %add3A_725 = arith.addi %mul3A_723, %add3A_724 : i32
        %swap3A_726 = arith.index_cast %add3A_725 : i32 to index
        %swap3A_727 = arith.constant 0 : index
        %swap3A_728 = tpu.vector_load %arg10[%swap3A_726, %swap3A_727] {strides = array<i32>} : memref<320x128xf32, #tpu.memory_space<vmem>>, vector<16xf32>,
        tpu.vector_store %arg10[%swap3A_726, %swap3A_727], %broadcast_in_dim3A_721 {strides = array<i32>} : memref<320x128xf32, #tpu.memory_space<vmem>>, vector<16xf32>,
        %mul3A_729 = arith.constant 16 : i32
        %mul3A_730 = arith.muli %scan3A_63, %mul3A_729 : i32
        %add3A_731 = arith.constant 11 : i32
        %add3A_732 = arith.addi %mul3A_730, %add3A_731 : i32
        %swap3A_733 = arith.index_cast %add3A_732 : i32 to index
        %swap3A_734 = arith.constant 16 : index
        %swap3A_735 = tpu.vector_load %arg10[%swap3A_733, %swap3A_734] {strides = array<i32>} : memref<320x128xf32, #tpu.memory_space<vmem>>, vector<16xf32>,
        tpu.vector_store %arg10[%swap3A_733, %swap3A_734], %broadcast_in_dim3A_721 {strides = array<i32>} : memref<320x128xf32, #tpu.memory_space<vmem>>, vector<16xf32>,
        %mul3A_736 = arith.constant 16 : i32
        %mul3A_737 = arith.muli %scan3A_63, %mul3A_736 : i32
        %add3A_738 = arith.constant 11 : i32
        %add3A_739 = arith.addi %mul3A_737, %add3A_738 : i32
        %swap3A_740 = arith.index_cast %add3A_739 : i32 to index
        %swap3A_741 = arith.constant 32 : index
        %swap3A_742 = tpu.vector_load %arg10[%swap3A_740, %swap3A_741] {strides = array<i32>} : memref<320x128xf32, #tpu.memory_space<vmem>>, vector<16xf32>,
        tpu.vector_store %arg10[%swap3A_740, %swap3A_741], %broadcast_in_dim3A_721 {strides = array<i32>} : memref<320x128xf32, #tpu.memory_space<vmem>>, vector<16xf32>,
        %mul3A_743 = arith.constant 16 : i32
        %mul3A_744 = arith.muli %scan3A_63, %mul3A_743 : i32
        %add3A_745 = arith.constant 11 : i32
        %add3A_746 = arith.addi %mul3A_744, %add3A_745 : i32
        %swap3A_747 = arith.index_cast %add3A_746 : i32 to index
        %swap3A_748 = arith.constant 48 : index
        %swap3A_749 = tpu.vector_load %arg10[%swap3A_747, %swap3A_748] {strides = array<i32>} : memref<320x128xf32, #tpu.memory_space<vmem>>, vector<16xf32>,
        tpu.vector_store %arg10[%swap3A_747, %swap3A_748], %broadcast_in_dim3A_721 {strides = array<i32>} : memref<320x128xf32, #tpu.memory_space<vmem>>, vector<16xf32>,
        %mul3A_750 = arith.constant 16 : i32
        %mul3A_751 = arith.muli %scan3A_63, %mul3A_750 : i32
        %add3A_752 = arith.constant 11 : i32
        %add3A_753 = arith.addi %mul3A_751, %add3A_752 : i32
        %swap3A_754 = arith.index_cast %add3A_753 : i32 to index
        %swap3A_755 = arith.constant 64 : index
        %swap3A_756 = tpu.vector_load %arg10[%swap3A_754, %swap3A_755] {strides = array<i32>} : memref<320x128xf32, #tpu.memory_space<vmem>>, vector<16xf32>,
        tpu.vector_store %arg10[%swap3A_754, %swap3A_755], %broadcast_in_dim3A_721 {strides = array<i32>} : memref<320x128xf32, #tpu.memory_space<vmem>>, vector<16xf32>,
        %mul3A_757 = arith.constant 16 : i32
        %mul3A_758 = arith.muli %scan3A_63, %mul3A_757 : i32
        %add3A_759 = arith.constant 11 : i32
        %add3A_760 = arith.addi %mul3A_758, %add3A_759 : i32
        %swap3A_761 = arith.index_cast %add3A_760 : i32 to index
        %swap3A_762 = arith.constant 80 : index
        %swap3A_763 = tpu.vector_load %arg10[%swap3A_761, %swap3A_762] {strides = array<i32>} : memref<320x128xf32, #tpu.memory_space<vmem>>, vector<16xf32>,
        tpu.vector_store %arg10[%swap3A_761, %swap3A_762], %broadcast_in_dim3A_721 {strides = array<i32>} : memref<320x128xf32, #tpu.memory_space<vmem>>, vector<16xf32>,
        %mul3A_764 = arith.constant 16 : i32
        %mul3A_765 = arith.muli %scan3A_63, %mul3A_764 : i32
        %add3A_766 = arith.constant 11 : i32
        %add3A_767 = arith.addi %mul3A_765, %add3A_766 : i32
        %swap3A_768 = arith.index_cast %add3A_767 : i32 to index
        %swap3A_769 = arith.constant 96 : index
        %swap3A_770 = tpu.vector_load %arg10[%swap3A_768, %swap3A_769] {strides = array<i32>} : memref<320x128xf32, #tpu.memory_space<vmem>>, vector<16xf32>,
        tpu.vector_store %arg10[%swap3A_768, %swap3A_769], %broadcast_in_dim3A_721 {strides = array<i32>} : memref<320x128xf32, #tpu.memory_space<vmem>>, vector<16xf32>,
        %mul3A_771 = arith.constant 16 : i32
        %mul3A_772 = arith.muli %scan3A_63, %mul3A_771 : i32
        %add3A_773 = arith.constant 11 : i32
        %add3A_774 = arith.addi %mul3A_772, %add3A_773 : i32
        %swap3A_775 = arith.index_cast %add3A_774 : i32 to index
        %swap3A_776 = arith.constant 112 : index
        %swap3A_777 = tpu.vector_load %arg10[%swap3A_775, %swap3A_776] {strides = array<i32>} : memref<320x128xf32, #tpu.memory_space<vmem>>, vector<16xf32>,
        tpu.vector_store %arg10[%swap3A_775, %swap3A_776], %broadcast_in_dim3A_721 {strides = array<i32>} : memref<320x128xf32, #tpu.memory_space<vmem>>, vector<16xf32>,
        %slice3A_778 = vector.extract_strided_slice %div3A_72 {offsets = [12], sizes = [1], strides = [1]} : vector<16xf32> to vector<1xf32>
        %squeeze3A_779 = vector.extract %slice3A_778[0] : f32 from vector<1xf32>
        %broadcast_in_dim3A_780 = vector.broadcast %squeeze3A_779 : f32 to vector<16xf32>
        %mul3A_781 = arith.constant 16 : i32
        %mul3A_782 = arith.muli %scan3A_63, %mul3A_781 : i32
        %add3A_783 = arith.constant 12 : i32
        %add3A_784 = arith.addi %mul3A_782, %add3A_783 : i32
        %swap3A_785 = arith.index_cast %add3A_784 : i32 to index
        %swap3A_786 = arith.constant 0 : index
        %swap3A_787 = tpu.vector_load %arg10[%swap3A_785, %swap3A_786] {strides = array<i32>} : memref<320x128xf32, #tpu.memory_space<vmem>>, vector<16xf32>,
        tpu.vector_store %arg10[%swap3A_785, %swap3A_786], %broadcast_in_dim3A_780 {strides = array<i32>} : memref<320x128xf32, #tpu.memory_space<vmem>>, vector<16xf32>,
        %mul3A_788 = arith.constant 16 : i32
        %mul3A_789 = arith.muli %scan3A_63, %mul3A_788 : i32
        %add3A_790 = arith.constant 12 : i32
        %add3A_791 = arith.addi %mul3A_789, %add3A_790 : i32
        %swap3A_792 = arith.index_cast %add3A_791 : i32 to index
        %swap3A_793 = arith.constant 16 : index
        %swap3A_794 = tpu.vector_load %arg10[%swap3A_792, %swap3A_793] {strides = array<i32>} : memref<320x128xf32, #tpu.memory_space<vmem>>, vector<16xf32>,
        tpu.vector_store %arg10[%swap3A_792, %swap3A_793], %broadcast_in_dim3A_780 {strides = array<i32>} : memref<320x128xf32, #tpu.memory_space<vmem>>, vector<16xf32>,
        %mul3A_795 = arith.constant 16 : i32
        %mul3A_796 = arith.muli %scan3A_63, %mul3A_795 : i32
        %add3A_797 = arith.constant 12 : i32
        %add3A_798 = arith.addi %mul3A_796, %add3A_797 : i32
        %swap3A_799 = arith.index_cast %add3A_798 : i32 to index
        %swap3A_800 = arith.constant 32 : index
        %swap3A_801 = tpu.vector_load %arg10[%swap3A_799, %swap3A_800] {strides = array<i32>} : memref<320x128xf32, #tpu.memory_space<vmem>>, vector<16xf32>,
        tpu.vector_store %arg10[%swap3A_799, %swap3A_800], %broadcast_in_dim3A_780 {strides = array<i32>} : memref<320x128xf32, #tpu.memory_space<vmem>>, vector<16xf32>,
        %mul3A_802 = arith.constant 16 : i32
        %mul3A_803 = arith.muli %scan3A_63, %mul3A_802 : i32
        %add3A_804 = arith.constant 12 : i32
        %add3A_805 = arith.addi %mul3A_803, %add3A_804 : i32
        %swap3A_806 = arith.index_cast %add3A_805 : i32 to index
        %swap3A_807 = arith.constant 48 : index
        %swap3A_808 = tpu.vector_load %arg10[%swap3A_806, %swap3A_807] {strides = array<i32>} : memref<320x128xf32, #tpu.memory_space<vmem>>, vector<16xf32>,
        tpu.vector_store %arg10[%swap3A_806, %swap3A_807], %broadcast_in_dim3A_780 {strides = array<i32>} : memref<320x128xf32, #tpu.memory_space<vmem>>, vector<16xf32>,
        %mul3A_809 = arith.constant 16 : i32
        %mul3A_810 = arith.muli %scan3A_63, %mul3A_809 : i32
        %add3A_811 = arith.constant 12 : i32
        %add3A_812 = arith.addi %mul3A_810, %add3A_811 : i32
        %swap3A_813 = arith.index_cast %add3A_812 : i32 to index
        %swap3A_814 = arith.constant 64 : index
        %swap3A_815 = tpu.vector_load %arg10[%swap3A_813, %swap3A_814] {strides = array<i32>} : memref<320x128xf32, #tpu.memory_space<vmem>>, vector<16xf32>,
        tpu.vector_store %arg10[%swap3A_813, %swap3A_814], %broadcast_in_dim3A_780 {strides = array<i32>} : memref<320x128xf32, #tpu.memory_space<vmem>>, vector<16xf32>,
        %mul3A_816 = arith.constant 16 : i32
        %mul3A_817 = arith.muli %scan3A_63, %mul3A_816 : i32
        %add3A_818 = arith.constant 12 : i32
        %add3A_819 = arith.addi %mul3A_817, %add3A_818 : i32
        %swap3A_820 = arith.index_cast %add3A_819 : i32 to index
        %swap3A_821 = arith.constant 80 : index
        %swap3A_822 = tpu.vector_load %arg10[%swap3A_820, %swap3A_821] {strides = array<i32>} : memref<320x128xf32, #tpu.memory_space<vmem>>, vector<16xf32>,
        tpu.vector_store %arg10[%swap3A_820, %swap3A_821], %broadcast_in_dim3A_780 {strides = array<i32>} : memref<320x128xf32, #tpu.memory_space<vmem>>, vector<16xf32>,
        %mul3A_823 = arith.constant 16 : i32
        %mul3A_824 = arith.muli %scan3A_63, %mul3A_823 : i32
        %add3A_825 = arith.constant 12 : i32
        %add3A_826 = arith.addi %mul3A_824, %add3A_825 : i32
        %swap3A_827 = arith.index_cast %add3A_826 : i32 to index
        %swap3A_828 = arith.constant 96 : index
        %swap3A_829 = tpu.vector_load %arg10[%swap3A_827, %swap3A_828] {strides = array<i32>} : memref<320x128xf32, #tpu.memory_space<vmem>>, vector<16xf32>,
        tpu.vector_store %arg10[%swap3A_827, %swap3A_828], %broadcast_in_dim3A_780 {strides = array<i32>} : memref<320x128xf32, #tpu.memory_space<vmem>>, vector<16xf32>,
        %mul3A_830 = arith.constant 16 : i32
        %mul3A_831 = arith.muli %scan3A_63, %mul3A_830 : i32
        %add3A_832 = arith.constant 12 : i32
        %add3A_833 = arith.addi %mul3A_831, %add3A_832 : i32
        %swap3A_834 = arith.index_cast %add3A_833 : i32 to index
        %swap3A_835 = arith.constant 112 : index
        %swap3A_836 = tpu.vector_load %arg10[%swap3A_834, %swap3A_835] {strides = array<i32>} : memref<320x128xf32, #tpu.memory_space<vmem>>, vector<16xf32>,
        tpu.vector_store %arg10[%swap3A_834, %swap3A_835], %broadcast_in_dim3A_780 {strides = array<i32>} : memref<320x128xf32, #tpu.memory_space<vmem>>, vector<16xf32>,
        %slice3A_837 = vector.extract_strided_slice %div3A_72 {offsets = [13], sizes = [1], strides = [1]} : vector<16xf32> to vector<1xf32>
        %squeeze3A_838 = vector.extract %slice3A_837[0] : f32 from vector<1xf32>
        %broadcast_in_dim3A_839 = vector.broadcast %squeeze3A_838 : f32 to vector<16xf32>
        %mul3A_840 = arith.constant 16 : i32
        %mul3A_841 = arith.muli %scan3A_63, %mul3A_840 : i32
        %add3A_842 = arith.constant 13 : i32
        %add3A_843 = arith.addi %mul3A_841, %add3A_842 : i32
        %swap3A_844 = arith.index_cast %add3A_843 : i32 to index
        %swap3A_845 = arith.constant 0 : index
        %swap3A_846 = tpu.vector_load %arg10[%swap3A_844, %swap3A_845] {strides = array<i32>} : memref<320x128xf32, #tpu.memory_space<vmem>>, vector<16xf32>,
        tpu.vector_store %arg10[%swap3A_844, %swap3A_845], %broadcast_in_dim3A_839 {strides = array<i32>} : memref<320x128xf32, #tpu.memory_space<vmem>>, vector<16xf32>,
        %mul3A_847 = arith.constant 16 : i32
        %mul3A_848 = arith.muli %scan3A_63, %mul3A_847 : i32
        %add3A_849 = arith.constant 13 : i32
        %add3A_850 = arith.addi %mul3A_848, %add3A_849 : i32
        %swap3A_851 = arith.index_cast %add3A_850 : i32 to index
        %swap3A_852 = arith.constant 16 : index
        %swap3A_853 = tpu.vector_load %arg10[%swap3A_851, %swap3A_852] {strides = array<i32>} : memref<320x128xf32, #tpu.memory_space<vmem>>, vector<16xf32>,
        tpu.vector_store %arg10[%swap3A_851, %swap3A_852], %broadcast_in_dim3A_839 {strides = array<i32>} : memref<320x128xf32, #tpu.memory_space<vmem>>, vector<16xf32>,
        %mul3A_854 = arith.constant 16 : i32
        %mul3A_855 = arith.muli %scan3A_63, %mul3A_854 : i32
        %add3A_856 = arith.constant 13 : i32
        %add3A_857 = arith.addi %mul3A_855, %add3A_856 : i32
        %swap3A_858 = arith.index_cast %add3A_857 : i32 to index
        %swap3A_859 = arith.constant 32 : index
        %swap3A_860 = tpu.vector_load %arg10[%swap3A_858, %swap3A_859] {strides = array<i32>} : memref<320x128xf32, #tpu.memory_space<vmem>>, vector<16xf32>,
        tpu.vector_store %arg10[%swap3A_858, %swap3A_859], %broadcast_in_dim3A_839 {strides = array<i32>} : memref<320x128xf32, #tpu.memory_space<vmem>>, vector<16xf32>,
        %mul3A_861 = arith.constant 16 : i32
        %mul3A_862 = arith.muli %scan3A_63, %mul3A_861 : i32
        %add3A_863 = arith.constant 13 : i32
        %add3A_864 = arith.addi %mul3A_862, %add3A_863 : i32
        %swap3A_865 = arith.index_cast %add3A_864 : i32 to index
        %swap3A_866 = arith.constant 48 : index
        %swap3A_867 = tpu.vector_load %arg10[%swap3A_865, %swap3A_866] {strides = array<i32>} : memref<320x128xf32, #tpu.memory_space<vmem>>, vector<16xf32>,
        tpu.vector_store %arg10[%swap3A_865, %swap3A_866], %broadcast_in_dim3A_839 {strides = array<i32>} : memref<320x128xf32, #tpu.memory_space<vmem>>, vector<16xf32>,
        %mul3A_868 = arith.constant 16 : i32
        %mul3A_869 = arith.muli %scan3A_63, %mul3A_868 : i32
        %add3A_870 = arith.constant 13 : i32
        %add3A_871 = arith.addi %mul3A_869, %add3A_870 : i32
        %swap3A_872 = arith.index_cast %add3A_871 : i32 to index
        %swap3A_873 = arith.constant 64 : index
        %swap3A_874 = tpu.vector_load %arg10[%swap3A_872, %swap3A_873] {strides = array<i32>} : memref<320x128xf32, #tpu.memory_space<vmem>>, vector<16xf32>,
        tpu.vector_store %arg10[%swap3A_872, %swap3A_873], %broadcast_in_dim3A_839 {strides = array<i32>} : memref<320x128xf32, #tpu.memory_space<vmem>>, vector<16xf32>,
        %mul3A_875 = arith.constant 16 : i32
        %mul3A_876 = arith.muli %scan3A_63, %mul3A_875 : i32
        %add3A_877 = arith.constant 13 : i32
        %add3A_878 = arith.addi %mul3A_876, %add3A_877 : i32
        %swap3A_879 = arith.index_cast %add3A_878 : i32 to index
        %swap3A_880 = arith.constant 80 : index
        %swap3A_881 = tpu.vector_load %arg10[%swap3A_879, %swap3A_880] {strides = array<i32>} : memref<320x128xf32, #tpu.memory_space<vmem>>, vector<16xf32>,
        tpu.vector_store %arg10[%swap3A_879, %swap3A_880], %broadcast_in_dim3A_839 {strides = array<i32>} : memref<320x128xf32, #tpu.memory_space<vmem>>, vector<16xf32>,
        %mul3A_882 = arith.constant 16 : i32
        %mul3A_883 = arith.muli %scan3A_63, %mul3A_882 : i32
        %add3A_884 = arith.constant 13 : i32
        %add3A_885 = arith.addi %mul3A_883, %add3A_884 : i32
        %swap3A_886 = arith.index_cast %add3A_885 : i32 to index
        %swap3A_887 = arith.constant 96 : index
        %swap3A_888 = tpu.vector_load %arg10[%swap3A_886, %swap3A_887] {strides = array<i32>} : memref<320x128xf32, #tpu.memory_space<vmem>>, vector<16xf32>,
        tpu.vector_store %arg10[%swap3A_886, %swap3A_887], %broadcast_in_dim3A_839 {strides = array<i32>} : memref<320x128xf32, #tpu.memory_space<vmem>>, vector<16xf32>,
        %mul3A_889 = arith.constant 16 : i32
        %mul3A_890 = arith.muli %scan3A_63, %mul3A_889 : i32
        %add3A_891 = arith.constant 13 : i32
        %add3A_892 = arith.addi %mul3A_890, %add3A_891 : i32
        %swap3A_893 = arith.index_cast %add3A_892 : i32 to index
        %swap3A_894 = arith.constant 112 : index
        %swap3A_895 = tpu.vector_load %arg10[%swap3A_893, %swap3A_894] {strides = array<i32>} : memref<320x128xf32, #tpu.memory_space<vmem>>, vector<16xf32>,
        tpu.vector_store %arg10[%swap3A_893, %swap3A_894], %broadcast_in_dim3A_839 {strides = array<i32>} : memref<320x128xf32, #tpu.memory_space<vmem>>, vector<16xf32>,
        %slice3A_896 = vector.extract_strided_slice %div3A_72 {offsets = [14], sizes = [1], strides = [1]} : vector<16xf32> to vector<1xf32>
        %squeeze3A_897 = vector.extract %slice3A_896[0] : f32 from vector<1xf32>
        %broadcast_in_dim3A_898 = vector.broadcast %squeeze3A_897 : f32 to vector<16xf32>
        %mul3A_899 = arith.constant 16 : i32
        %mul3A_900 = arith.muli %scan3A_63, %mul3A_899 : i32
        %add3A_901 = arith.constant 14 : i32
        %add3A_902 = arith.addi %mul3A_900, %add3A_901 : i32
        %swap3A_903 = arith.index_cast %add3A_902 : i32 to index
        %swap3A_904 = arith.constant 0 : index
        %swap3A_905 = tpu.vector_load %arg10[%swap3A_903, %swap3A_904] {strides = array<i32>} : memref<320x128xf32, #tpu.memory_space<vmem>>, vector<16xf32>,
        tpu.vector_store %arg10[%swap3A_903, %swap3A_904], %broadcast_in_dim3A_898 {strides = array<i32>} : memref<320x128xf32, #tpu.memory_space<vmem>>, vector<16xf32>,
        %mul3A_906 = arith.constant 16 : i32
        %mul3A_907 = arith.muli %scan3A_63, %mul3A_906 : i32
        %add3A_908 = arith.constant 14 : i32
        %add3A_909 = arith.addi %mul3A_907, %add3A_908 : i32
        %swap3A_910 = arith.index_cast %add3A_909 : i32 to index
        %swap3A_911 = arith.constant 16 : index
        %swap3A_912 = tpu.vector_load %arg10[%swap3A_910, %swap3A_911] {strides = array<i32>} : memref<320x128xf32, #tpu.memory_space<vmem>>, vector<16xf32>,
        tpu.vector_store %arg10[%swap3A_910, %swap3A_911], %broadcast_in_dim3A_898 {strides = array<i32>} : memref<320x128xf32, #tpu.memory_space<vmem>>, vector<16xf32>,
        %mul3A_913 = arith.constant 16 : i32
        %mul3A_914 = arith.muli %scan3A_63, %mul3A_913 : i32
        %add3A_915 = arith.constant 14 : i32
        %add3A_916 = arith.addi %mul3A_914, %add3A_915 : i32
        %swap3A_917 = arith.index_cast %add3A_916 : i32 to index
        %swap3A_918 = arith.constant 32 : index
        %swap3A_919 = tpu.vector_load %arg10[%swap3A_917, %swap3A_918] {strides = array<i32>} : memref<320x128xf32, #tpu.memory_space<vmem>>, vector<16xf32>,
        tpu.vector_store %arg10[%swap3A_917, %swap3A_918], %broadcast_in_dim3A_898 {strides = array<i32>} : memref<320x128xf32, #tpu.memory_space<vmem>>, vector<16xf32>,
        %mul3A_920 = arith.constant 16 : i32
        %mul3A_921 = arith.muli %scan3A_63, %mul3A_920 : i32
        %add3A_922 = arith.constant 14 : i32
        %add3A_923 = arith.addi %mul3A_921, %add3A_922 : i32
        %swap3A_924 = arith.index_cast %add3A_923 : i32 to index
        %swap3A_925 = arith.constant 48 : index
        %swap3A_926 = tpu.vector_load %arg10[%swap3A_924, %swap3A_925] {strides = array<i32>} : memref<320x128xf32, #tpu.memory_space<vmem>>, vector<16xf32>,
        tpu.vector_store %arg10[%swap3A_924, %swap3A_925], %broadcast_in_dim3A_898 {strides = array<i32>} : memref<320x128xf32, #tpu.memory_space<vmem>>, vector<16xf32>,
        %mul3A_927 = arith.constant 16 : i32
        %mul3A_928 = arith.muli %scan3A_63, %mul3A_927 : i32
        %add3A_929 = arith.constant 14 : i32
        %add3A_930 = arith.addi %mul3A_928, %add3A_929 : i32
        %swap3A_931 = arith.index_cast %add3A_930 : i32 to index
        %swap3A_932 = arith.constant 64 : index
        %swap3A_933 = tpu.vector_load %arg10[%swap3A_931, %swap3A_932] {strides = array<i32>} : memref<320x128xf32, #tpu.memory_space<vmem>>, vector<16xf32>,
        tpu.vector_store %arg10[%swap3A_931, %swap3A_932], %broadcast_in_dim3A_898 {strides = array<i32>} : memref<320x128xf32, #tpu.memory_space<vmem>>, vector<16xf32>,
        %mul3A_934 = arith.constant 16 : i32
        %mul3A_935 = arith.muli %scan3A_63, %mul3A_934 : i32
        %add3A_936 = arith.constant 14 : i32
        %add3A_937 = arith.addi %mul3A_935, %add3A_936 : i32
        %swap3A_938 = arith.index_cast %add3A_937 : i32 to index
        %swap3A_939 = arith.constant 80 : index
        %swap3A_940 = tpu.vector_load %arg10[%swap3A_938, %swap3A_939] {strides = array<i32>} : memref<320x128xf32, #tpu.memory_space<vmem>>, vector<16xf32>,
        tpu.vector_store %arg10[%swap3A_938, %swap3A_939], %broadcast_in_dim3A_898 {strides = array<i32>} : memref<320x128xf32, #tpu.memory_space<vmem>>, vector<16xf32>,
        %mul3A_941 = arith.constant 16 : i32
        %mul3A_942 = arith.muli %scan3A_63, %mul3A_941 : i32
        %add3A_943 = arith.constant 14 : i32
        %add3A_944 = arith.addi %mul3A_942, %add3A_943 : i32
        %swap3A_945 = arith.index_cast %add3A_944 : i32 to index
        %swap3A_946 = arith.constant 96 : index
        %swap3A_947 = tpu.vector_load %arg10[%swap3A_945, %swap3A_946] {strides = array<i32>} : memref<320x128xf32, #tpu.memory_space<vmem>>, vector<16xf32>,
        tpu.vector_store %arg10[%swap3A_945, %swap3A_946], %broadcast_in_dim3A_898 {strides = array<i32>} : memref<320x128xf32, #tpu.memory_space<vmem>>, vector<16xf32>,
        %mul3A_948 = arith.constant 16 : i32
        %mul3A_949 = arith.muli %scan3A_63, %mul3A_948 : i32
        %add3A_950 = arith.constant 14 : i32
        %add3A_951 = arith.addi %mul3A_949, %add3A_950 : i32
        %swap3A_952 = arith.index_cast %add3A_951 : i32 to index
        %swap3A_953 = arith.constant 112 : index
        %swap3A_954 = tpu.vector_load %arg10[%swap3A_952, %swap3A_953] {strides = array<i32>} : memref<320x128xf32, #tpu.memory_space<vmem>>, vector<16xf32>,
        tpu.vector_store %arg10[%swap3A_952, %swap3A_953], %broadcast_in_dim3A_898 {strides = array<i32>} : memref<320x128xf32, #tpu.memory_space<vmem>>, vector<16xf32>,
        %slice3A_955 = vector.extract_strided_slice %div3A_72 {offsets = [15], sizes = [1], strides = [1]} : vector<16xf32> to vector<1xf32>
        %squeeze3A_956 = vector.extract %slice3A_955[0] : f32 from vector<1xf32>
        %broadcast_in_dim3A_957 = vector.broadcast %squeeze3A_956 : f32 to vector<16xf32>
        %mul3A_958 = arith.constant 16 : i32
        %mul3A_959 = arith.muli %scan3A_63, %mul3A_958 : i32
        %add3A_960 = arith.constant 15 : i32
        %add3A_961 = arith.addi %mul3A_959, %add3A_960 : i32
        %swap3A_962 = arith.index_cast %add3A_961 : i32 to index
        %swap3A_963 = arith.constant 0 : index
        %swap3A_964 = tpu.vector_load %arg10[%swap3A_962, %swap3A_963] {strides = array<i32>} : memref<320x128xf32, #tpu.memory_space<vmem>>, vector<16xf32>,
        tpu.vector_store %arg10[%swap3A_962, %swap3A_963], %broadcast_in_dim3A_957 {strides = array<i32>} : memref<320x128xf32, #tpu.memory_space<vmem>>, vector<16xf32>,
        %mul3A_965 = arith.constant 16 : i32
        %mul3A_966 = arith.muli %scan3A_63, %mul3A_965 : i32
        %add3A_967 = arith.constant 15 : i32
        %add3A_968 = arith.addi %mul3A_966, %add3A_967 : i32
        %swap3A_969 = arith.index_cast %add3A_968 : i32 to index
        %swap3A_970 = arith.constant 16 : index
        %swap3A_971 = tpu.vector_load %arg10[%swap3A_969, %swap3A_970] {strides = array<i32>} : memref<320x128xf32, #tpu.memory_space<vmem>>, vector<16xf32>,
        tpu.vector_store %arg10[%swap3A_969, %swap3A_970], %broadcast_in_dim3A_957 {strides = array<i32>} : memref<320x128xf32, #tpu.memory_space<vmem>>, vector<16xf32>,
        %mul3A_972 = arith.constant 16 : i32
        %mul3A_973 = arith.muli %scan3A_63, %mul3A_972 : i32
        %add3A_974 = arith.constant 15 : i32
        %add3A_975 = arith.addi %mul3A_973, %add3A_974 : i32
        %swap3A_976 = arith.index_cast %add3A_975 : i32 to index
        %swap3A_977 = arith.constant 32 : index
        %swap3A_978 = tpu.vector_load %arg10[%swap3A_976, %swap3A_977] {strides = array<i32>} : memref<320x128xf32, #tpu.memory_space<vmem>>, vector<16xf32>,
        tpu.vector_store %arg10[%swap3A_976, %swap3A_977], %broadcast_in_dim3A_957 {strides = array<i32>} : memref<320x128xf32, #tpu.memory_space<vmem>>, vector<16xf32>,
        %mul3A_979 = arith.constant 16 : i32
        %mul3A_980 = arith.muli %scan3A_63, %mul3A_979 : i32
        %add3A_981 = arith.constant 15 : i32
        %add3A_982 = arith.addi %mul3A_980, %add3A_981 : i32
        %swap3A_983 = arith.index_cast %add3A_982 : i32 to index
        %swap3A_984 = arith.constant 48 : index
        %swap3A_985 = tpu.vector_load %arg10[%swap3A_983, %swap3A_984] {strides = array<i32>} : memref<320x128xf32, #tpu.memory_space<vmem>>, vector<16xf32>,
        tpu.vector_store %arg10[%swap3A_983, %swap3A_984], %broadcast_in_dim3A_957 {strides = array<i32>} : memref<320x128xf32, #tpu.memory_space<vmem>>, vector<16xf32>,
        %mul3A_986 = arith.constant 16 : i32
        %mul3A_987 = arith.muli %scan3A_63, %mul3A_986 : i32
        %add3A_988 = arith.constant 15 : i32
        %add3A_989 = arith.addi %mul3A_987, %add3A_988 : i32
        %swap3A_990 = arith.index_cast %add3A_989 : i32 to index
        %swap3A_991 = arith.constant 64 : index
        %swap3A_992 = tpu.vector_load %arg10[%swap3A_990, %swap3A_991] {strides = array<i32>} : memref<320x128xf32, #tpu.memory_space<vmem>>, vector<16xf32>,
        tpu.vector_store %arg10[%swap3A_990, %swap3A_991], %broadcast_in_dim3A_957 {strides = array<i32>} : memref<320x128xf32, #tpu.memory_space<vmem>>, vector<16xf32>,
        %mul3A_993 = arith.constant 16 : i32
        %mul3A_994 = arith.muli %scan3A_63, %mul3A_993 : i32
        %add3A_995 = arith.constant 15 : i32
        %add3A_996 = arith.addi %mul3A_994, %add3A_995 : i32
        %swap3A_997 = arith.index_cast %add3A_996 : i32 to index
        %swap3A_998 = arith.constant 80 : index
        %swap3A_999 = tpu.vector_load %arg10[%swap3A_997, %swap3A_998] {strides = array<i32>} : memref<320x128xf32, #tpu.memory_space<vmem>>, vector<16xf32>,
        tpu.vector_store %arg10[%swap3A_997, %swap3A_998], %broadcast_in_dim3A_957 {strides = array<i32>} : memref<320x128xf32, #tpu.memory_space<vmem>>, vector<16xf32>,
        %mul3A_1000 = arith.constant 16 : i32
        %mul3A_1001 = arith.muli %scan3A_63, %mul3A_1000 : i32
        %add3A_1002 = arith.constant 15 : i32
        %add3A_1003 = arith.addi %mul3A_1001, %add3A_1002 : i32
        %swap3A_1004 = arith.index_cast %add3A_1003 : i32 to index
        %swap3A_1005 = arith.constant 96 : index
        %swap3A_1006 = tpu.vector_load %arg10[%swap3A_1004, %swap3A_1005] {strides = array<i32>} : memref<320x128xf32, #tpu.memory_space<vmem>>, vector<16xf32>,
        tpu.vector_store %arg10[%swap3A_1004, %swap3A_1005], %broadcast_in_dim3A_957 {strides = array<i32>} : memref<320x128xf32, #tpu.memory_space<vmem>>, vector<16xf32>,
        %mul3A_1007 = arith.constant 16 : i32
        %mul3A_1008 = arith.muli %scan3A_63, %mul3A_1007 : i32
        %add3A_1009 = arith.constant 15 : i32
        %add3A_1010 = arith.addi %mul3A_1008, %add3A_1009 : i32
        %swap3A_1011 = arith.index_cast %add3A_1010 : i32 to index
        %swap3A_1012 = arith.constant 112 : index
        %swap3A_1013 = tpu.vector_load %arg10[%swap3A_1011, %swap3A_1012] {strides = array<i32>} : memref<320x128xf32, #tpu.memory_space<vmem>>, vector<16xf32>,
        tpu.vector_store %arg10[%swap3A_1011, %swap3A_1012], %broadcast_in_dim3A_957 {strides = array<i32>} : memref<320x128xf32, #tpu.memory_space<vmem>>, vector<16xf32>,
      }
      %scan3A_53 = arith.constant 20 : i32
      %add3A = arith.constant 0 : i32
      %add3A_54 = arith.addi %mul3A_8, %add3A : i32
      "tpu.region"() ({
        %run_scoped3A_63 = tpu.sem_alloc : memref<!tpu.dma_semaphore, #tpu.memory_space<semaphore_mem>>
        %dma_start3A = arith.constant 0 : i32
        %dma_start3A_64 = tpu.memref_slice %arg4[%add3A_54, %dma_start3A] : memref<10240x128xf32, #tpu.memory_space<hbm>> -> memref<320x128xf32, #tpu.memory_space<hbm>>
        %dma_start3A_65 = arith.constant 0 : i32
        %dma_start3A_66 = tpu.memref_slice %arg4[%add3A_54, %dma_start3A_65] : memref<10240x128xf32, #tpu.memory_space<hbm>> -> memref<320x128xf32, #tpu.memory_space<hbm>>
        tpu.enqueue_dma source(%arg10 : memref<320x128xf32, #tpu.memory_space<vmem>>) target(%dma_start3A_66 : memref<320x128xf32, #tpu.memory_space<hbm>>) target_semaphore(%run_scoped3A_63 : memref<!tpu.dma_semaphore, #tpu.memory_space<semaphore_mem>>)
        %dma_wait3A = arith.constant 0 : i32
        %dma_wait3A_67 = tpu.memref_slice %arg4[%add3A_54, %dma_wait3A] : memref<10240x128xf32, #tpu.memory_space<hbm>> -> memref<320x128xf32, #tpu.memory_space<hbm>>
        %dma_wait3A_68 = arith.constant 0 : i32
        %dma_wait3A_69 = tpu.memref_slice %arg4[%add3A_54, %dma_wait3A_68] : memref<10240x128xf32, #tpu.memory_space<hbm>> -> memref<320x128xf32, #tpu.memory_space<hbm>>
        tpu.wait_dma2 semaphore(%run_scoped3A_63 : memref<!tpu.dma_semaphore, #tpu.memory_space<semaphore_mem>>) src(%arg10 : memref<320x128xf32, #tpu.memory_space<vmem>>) dst(%dma_wait3A_69 : memref<320x128xf32, #tpu.memory_space<hbm>>)
        tpu.yield
      }) : () -> ()
      %scan3A_55 = arith.constant 0 : i32
      %scan3A_56 = arith.constant 0 : i32
      %scan3A_57 = arith.constant 20 : i32
      %scan3A_58 = arith.addi %scan3A_56, %scan3A_57 : i32
      %scan3A_59 = arith.constant 1 : i32
      scf.for %scan3A_63 = %scan3A_56 to %scan3A_58 step %scan3A_59  : i32 {
        %mul3A_64 = arith.constant 16 : i32
        %mul3A_65 = arith.muli %scan3A_63, %mul3A_64 : i32
        %add3A_66 = arith.constant 320 : i32
        %add3A_67 = arith.addi %add3A_66, %mul3A_65 : i32
        %get3A = arith.index_cast %add3A_67 : i32 to index
        %get3A_68 = tpu.vector_load %arg9[%get3A] {strides = array<i32>} : memref<640xf32, #tpu.memory_space<vmem>>, vector<16xf32>,
        %max3A = arith.constant 1.000000e+00 : f32
        %max3A_69 = vector.broadcast %max3A : f32 to vector<16xf32>
        %max3A_70 = arith.maximumf %get3A_68, %max3A_69 : vector<16xf32>
        %div3A = arith.constant 1.000000e+00 : f32
        %div3A_71 = vector.broadcast %div3A : f32 to vector<16xf32>
        %div3A_72 = arith.divf %div3A_71, %max3A_70 : vector<16xf32>
        %slice3A = vector.extract_strided_slice %div3A_72 {offsets = [0], sizes = [1], strides = [1]} : vector<16xf32> to vector<1xf32>
        %squeeze3A = vector.extract %slice3A[0] : f32 from vector<1xf32>
        %broadcast_in_dim3A_73 = vector.broadcast %squeeze3A : f32 to vector<16xf32>
        %mul3A_74 = arith.constant 16 : i32
        %mul3A_75 = arith.muli %scan3A_63, %mul3A_74 : i32
        %add3A_76 = arith.constant 0 : i32
        %add3A_77 = arith.addi %mul3A_75, %add3A_76 : i32
        %swap3A = arith.index_cast %add3A_77 : i32 to index
        %swap3A_78 = arith.constant 0 : index
        %swap3A_79 = tpu.vector_load %arg10[%swap3A, %swap3A_78] {strides = array<i32>} : memref<320x128xf32, #tpu.memory_space<vmem>>, vector<16xf32>,
        tpu.vector_store %arg10[%swap3A, %swap3A_78], %broadcast_in_dim3A_73 {strides = array<i32>} : memref<320x128xf32, #tpu.memory_space<vmem>>, vector<16xf32>,
        %mul3A_80 = arith.constant 16 : i32
        %mul3A_81 = arith.muli %scan3A_63, %mul3A_80 : i32
        %add3A_82 = arith.constant 0 : i32
        %add3A_83 = arith.addi %mul3A_81, %add3A_82 : i32
        %swap3A_84 = arith.index_cast %add3A_83 : i32 to index
        %swap3A_85 = arith.constant 16 : index
        %swap3A_86 = tpu.vector_load %arg10[%swap3A_84, %swap3A_85] {strides = array<i32>} : memref<320x128xf32, #tpu.memory_space<vmem>>, vector<16xf32>,
        tpu.vector_store %arg10[%swap3A_84, %swap3A_85], %broadcast_in_dim3A_73 {strides = array<i32>} : memref<320x128xf32, #tpu.memory_space<vmem>>, vector<16xf32>,
        %mul3A_87 = arith.constant 16 : i32
        %mul3A_88 = arith.muli %scan3A_63, %mul3A_87 : i32
        %add3A_89 = arith.constant 0 : i32
        %add3A_90 = arith.addi %mul3A_88, %add3A_89 : i32
        %swap3A_91 = arith.index_cast %add3A_90 : i32 to index
        %swap3A_92 = arith.constant 32 : index
        %swap3A_93 = tpu.vector_load %arg10[%swap3A_91, %swap3A_92] {strides = array<i32>} : memref<320x128xf32, #tpu.memory_space<vmem>>, vector<16xf32>,
        tpu.vector_store %arg10[%swap3A_91, %swap3A_92], %broadcast_in_dim3A_73 {strides = array<i32>} : memref<320x128xf32, #tpu.memory_space<vmem>>, vector<16xf32>,
        %mul3A_94 = arith.constant 16 : i32
        %mul3A_95 = arith.muli %scan3A_63, %mul3A_94 : i32
        %add3A_96 = arith.constant 0 : i32
        %add3A_97 = arith.addi %mul3A_95, %add3A_96 : i32
        %swap3A_98 = arith.index_cast %add3A_97 : i32 to index
        %swap3A_99 = arith.constant 48 : index
        %swap3A_100 = tpu.vector_load %arg10[%swap3A_98, %swap3A_99] {strides = array<i32>} : memref<320x128xf32, #tpu.memory_space<vmem>>, vector<16xf32>,
        tpu.vector_store %arg10[%swap3A_98, %swap3A_99], %broadcast_in_dim3A_73 {strides = array<i32>} : memref<320x128xf32, #tpu.memory_space<vmem>>, vector<16xf32>,
        %mul3A_101 = arith.constant 16 : i32
        %mul3A_102 = arith.muli %scan3A_63, %mul3A_101 : i32
        %add3A_103 = arith.constant 0 : i32
        %add3A_104 = arith.addi %mul3A_102, %add3A_103 : i32
        %swap3A_105 = arith.index_cast %add3A_104 : i32 to index
        %swap3A_106 = arith.constant 64 : index
        %swap3A_107 = tpu.vector_load %arg10[%swap3A_105, %swap3A_106] {strides = array<i32>} : memref<320x128xf32, #tpu.memory_space<vmem>>, vector<16xf32>,
        tpu.vector_store %arg10[%swap3A_105, %swap3A_106], %broadcast_in_dim3A_73 {strides = array<i32>} : memref<320x128xf32, #tpu.memory_space<vmem>>, vector<16xf32>,
        %mul3A_108 = arith.constant 16 : i32
        %mul3A_109 = arith.muli %scan3A_63, %mul3A_108 : i32
        %add3A_110 = arith.constant 0 : i32
        %add3A_111 = arith.addi %mul3A_109, %add3A_110 : i32
        %swap3A_112 = arith.index_cast %add3A_111 : i32 to index
        %swap3A_113 = arith.constant 80 : index
        %swap3A_114 = tpu.vector_load %arg10[%swap3A_112, %swap3A_113] {strides = array<i32>} : memref<320x128xf32, #tpu.memory_space<vmem>>, vector<16xf32>,
        tpu.vector_store %arg10[%swap3A_112, %swap3A_113], %broadcast_in_dim3A_73 {strides = array<i32>} : memref<320x128xf32, #tpu.memory_space<vmem>>, vector<16xf32>,
        %mul3A_115 = arith.constant 16 : i32
        %mul3A_116 = arith.muli %scan3A_63, %mul3A_115 : i32
        %add3A_117 = arith.constant 0 : i32
        %add3A_118 = arith.addi %mul3A_116, %add3A_117 : i32
        %swap3A_119 = arith.index_cast %add3A_118 : i32 to index
        %swap3A_120 = arith.constant 96 : index
        %swap3A_121 = tpu.vector_load %arg10[%swap3A_119, %swap3A_120] {strides = array<i32>} : memref<320x128xf32, #tpu.memory_space<vmem>>, vector<16xf32>,
        tpu.vector_store %arg10[%swap3A_119, %swap3A_120], %broadcast_in_dim3A_73 {strides = array<i32>} : memref<320x128xf32, #tpu.memory_space<vmem>>, vector<16xf32>,
        %mul3A_122 = arith.constant 16 : i32
        %mul3A_123 = arith.muli %scan3A_63, %mul3A_122 : i32
        %add3A_124 = arith.constant 0 : i32
        %add3A_125 = arith.addi %mul3A_123, %add3A_124 : i32
        %swap3A_126 = arith.index_cast %add3A_125 : i32 to index
        %swap3A_127 = arith.constant 112 : index
        %swap3A_128 = tpu.vector_load %arg10[%swap3A_126, %swap3A_127] {strides = array<i32>} : memref<320x128xf32, #tpu.memory_space<vmem>>, vector<16xf32>,
        tpu.vector_store %arg10[%swap3A_126, %swap3A_127], %broadcast_in_dim3A_73 {strides = array<i32>} : memref<320x128xf32, #tpu.memory_space<vmem>>, vector<16xf32>,
        %slice3A_129 = vector.extract_strided_slice %div3A_72 {offsets = [1], sizes = [1], strides = [1]} : vector<16xf32> to vector<1xf32>
        %squeeze3A_130 = vector.extract %slice3A_129[0] : f32 from vector<1xf32>
        %broadcast_in_dim3A_131 = vector.broadcast %squeeze3A_130 : f32 to vector<16xf32>
        %mul3A_132 = arith.constant 16 : i32
        %mul3A_133 = arith.muli %scan3A_63, %mul3A_132 : i32
        %add3A_134 = arith.constant 1 : i32
        %add3A_135 = arith.addi %mul3A_133, %add3A_134 : i32
        %swap3A_136 = arith.index_cast %add3A_135 : i32 to index
        %swap3A_137 = arith.constant 0 : index
        %swap3A_138 = tpu.vector_load %arg10[%swap3A_136, %swap3A_137] {strides = array<i32>} : memref<320x128xf32, #tpu.memory_space<vmem>>, vector<16xf32>,
        tpu.vector_store %arg10[%swap3A_136, %swap3A_137], %broadcast_in_dim3A_131 {strides = array<i32>} : memref<320x128xf32, #tpu.memory_space<vmem>>, vector<16xf32>,
        %mul3A_139 = arith.constant 16 : i32
        %mul3A_140 = arith.muli %scan3A_63, %mul3A_139 : i32
        %add3A_141 = arith.constant 1 : i32
        %add3A_142 = arith.addi %mul3A_140, %add3A_141 : i32
        %swap3A_143 = arith.index_cast %add3A_142 : i32 to index
        %swap3A_144 = arith.constant 16 : index
        %swap3A_145 = tpu.vector_load %arg10[%swap3A_143, %swap3A_144] {strides = array<i32>} : memref<320x128xf32, #tpu.memory_space<vmem>>, vector<16xf32>,
        tpu.vector_store %arg10[%swap3A_143, %swap3A_144], %broadcast_in_dim3A_131 {strides = array<i32>} : memref<320x128xf32, #tpu.memory_space<vmem>>, vector<16xf32>,
        %mul3A_146 = arith.constant 16 : i32
        %mul3A_147 = arith.muli %scan3A_63, %mul3A_146 : i32
        %add3A_148 = arith.constant 1 : i32
        %add3A_149 = arith.addi %mul3A_147, %add3A_148 : i32
        %swap3A_150 = arith.index_cast %add3A_149 : i32 to index
        %swap3A_151 = arith.constant 32 : index
        %swap3A_152 = tpu.vector_load %arg10[%swap3A_150, %swap3A_151] {strides = array<i32>} : memref<320x128xf32, #tpu.memory_space<vmem>>, vector<16xf32>,
        tpu.vector_store %arg10[%swap3A_150, %swap3A_151], %broadcast_in_dim3A_131 {strides = array<i32>} : memref<320x128xf32, #tpu.memory_space<vmem>>, vector<16xf32>,
        %mul3A_153 = arith.constant 16 : i32
        %mul3A_154 = arith.muli %scan3A_63, %mul3A_153 : i32
        %add3A_155 = arith.constant 1 : i32
        %add3A_156 = arith.addi %mul3A_154, %add3A_155 : i32
        %swap3A_157 = arith.index_cast %add3A_156 : i32 to index
        %swap3A_158 = arith.constant 48 : index
        %swap3A_159 = tpu.vector_load %arg10[%swap3A_157, %swap3A_158] {strides = array<i32>} : memref<320x128xf32, #tpu.memory_space<vmem>>, vector<16xf32>,
        tpu.vector_store %arg10[%swap3A_157, %swap3A_158], %broadcast_in_dim3A_131 {strides = array<i32>} : memref<320x128xf32, #tpu.memory_space<vmem>>, vector<16xf32>,
        %mul3A_160 = arith.constant 16 : i32
        %mul3A_161 = arith.muli %scan3A_63, %mul3A_160 : i32
        %add3A_162 = arith.constant 1 : i32
        %add3A_163 = arith.addi %mul3A_161, %add3A_162 : i32
        %swap3A_164 = arith.index_cast %add3A_163 : i32 to index
        %swap3A_165 = arith.constant 64 : index
        %swap3A_166 = tpu.vector_load %arg10[%swap3A_164, %swap3A_165] {strides = array<i32>} : memref<320x128xf32, #tpu.memory_space<vmem>>, vector<16xf32>,
        tpu.vector_store %arg10[%swap3A_164, %swap3A_165], %broadcast_in_dim3A_131 {strides = array<i32>} : memref<320x128xf32, #tpu.memory_space<vmem>>, vector<16xf32>,
        %mul3A_167 = arith.constant 16 : i32
        %mul3A_168 = arith.muli %scan3A_63, %mul3A_167 : i32
        %add3A_169 = arith.constant 1 : i32
        %add3A_170 = arith.addi %mul3A_168, %add3A_169 : i32
        %swap3A_171 = arith.index_cast %add3A_170 : i32 to index
        %swap3A_172 = arith.constant 80 : index
        %swap3A_173 = tpu.vector_load %arg10[%swap3A_171, %swap3A_172] {strides = array<i32>} : memref<320x128xf32, #tpu.memory_space<vmem>>, vector<16xf32>,
        tpu.vector_store %arg10[%swap3A_171, %swap3A_172], %broadcast_in_dim3A_131 {strides = array<i32>} : memref<320x128xf32, #tpu.memory_space<vmem>>, vector<16xf32>,
        %mul3A_174 = arith.constant 16 : i32
        %mul3A_175 = arith.muli %scan3A_63, %mul3A_174 : i32
        %add3A_176 = arith.constant 1 : i32
        %add3A_177 = arith.addi %mul3A_175, %add3A_176 : i32
        %swap3A_178 = arith.index_cast %add3A_177 : i32 to index
        %swap3A_179 = arith.constant 96 : index
        %swap3A_180 = tpu.vector_load %arg10[%swap3A_178, %swap3A_179] {strides = array<i32>} : memref<320x128xf32, #tpu.memory_space<vmem>>, vector<16xf32>,
        tpu.vector_store %arg10[%swap3A_178, %swap3A_179], %broadcast_in_dim3A_131 {strides = array<i32>} : memref<320x128xf32, #tpu.memory_space<vmem>>, vector<16xf32>,
        %mul3A_181 = arith.constant 16 : i32
        %mul3A_182 = arith.muli %scan3A_63, %mul3A_181 : i32
        %add3A_183 = arith.constant 1 : i32
        %add3A_184 = arith.addi %mul3A_182, %add3A_183 : i32
        %swap3A_185 = arith.index_cast %add3A_184 : i32 to index
        %swap3A_186 = arith.constant 112 : index
        %swap3A_187 = tpu.vector_load %arg10[%swap3A_185, %swap3A_186] {strides = array<i32>} : memref<320x128xf32, #tpu.memory_space<vmem>>, vector<16xf32>,
        tpu.vector_store %arg10[%swap3A_185, %swap3A_186], %broadcast_in_dim3A_131 {strides = array<i32>} : memref<320x128xf32, #tpu.memory_space<vmem>>, vector<16xf32>,
        %slice3A_188 = vector.extract_strided_slice %div3A_72 {offsets = [2], sizes = [1], strides = [1]} : vector<16xf32> to vector<1xf32>
        %squeeze3A_189 = vector.extract %slice3A_188[0] : f32 from vector<1xf32>
        %broadcast_in_dim3A_190 = vector.broadcast %squeeze3A_189 : f32 to vector<16xf32>
        %mul3A_191 = arith.constant 16 : i32
        %mul3A_192 = arith.muli %scan3A_63, %mul3A_191 : i32
        %add3A_193 = arith.constant 2 : i32
        %add3A_194 = arith.addi %mul3A_192, %add3A_193 : i32
        %swap3A_195 = arith.index_cast %add3A_194 : i32 to index
        %swap3A_196 = arith.constant 0 : index
        %swap3A_197 = tpu.vector_load %arg10[%swap3A_195, %swap3A_196] {strides = array<i32>} : memref<320x128xf32, #tpu.memory_space<vmem>>, vector<16xf32>,
        tpu.vector_store %arg10[%swap3A_195, %swap3A_196], %broadcast_in_dim3A_190 {strides = array<i32>} : memref<320x128xf32, #tpu.memory_space<vmem>>, vector<16xf32>,
        %mul3A_198 = arith.constant 16 : i32
        %mul3A_199 = arith.muli %scan3A_63, %mul3A_198 : i32
        %add3A_200 = arith.constant 2 : i32
        %add3A_201 = arith.addi %mul3A_199, %add3A_200 : i32
        %swap3A_202 = arith.index_cast %add3A_201 : i32 to index
        %swap3A_203 = arith.constant 16 : index
        %swap3A_204 = tpu.vector_load %arg10[%swap3A_202, %swap3A_203] {strides = array<i32>} : memref<320x128xf32, #tpu.memory_space<vmem>>, vector<16xf32>,
        tpu.vector_store %arg10[%swap3A_202, %swap3A_203], %broadcast_in_dim3A_190 {strides = array<i32>} : memref<320x128xf32, #tpu.memory_space<vmem>>, vector<16xf32>,
        %mul3A_205 = arith.constant 16 : i32
        %mul3A_206 = arith.muli %scan3A_63, %mul3A_205 : i32
        %add3A_207 = arith.constant 2 : i32
        %add3A_208 = arith.addi %mul3A_206, %add3A_207 : i32
        %swap3A_209 = arith.index_cast %add3A_208 : i32 to index
        %swap3A_210 = arith.constant 32 : index
        %swap3A_211 = tpu.vector_load %arg10[%swap3A_209, %swap3A_210] {strides = array<i32>} : memref<320x128xf32, #tpu.memory_space<vmem>>, vector<16xf32>,
        tpu.vector_store %arg10[%swap3A_209, %swap3A_210], %broadcast_in_dim3A_190 {strides = array<i32>} : memref<320x128xf32, #tpu.memory_space<vmem>>, vector<16xf32>,
        %mul3A_212 = arith.constant 16 : i32
        %mul3A_213 = arith.muli %scan3A_63, %mul3A_212 : i32
        %add3A_214 = arith.constant 2 : i32
        %add3A_215 = arith.addi %mul3A_213, %add3A_214 : i32
        %swap3A_216 = arith.index_cast %add3A_215 : i32 to index
        %swap3A_217 = arith.constant 48 : index
        %swap3A_218 = tpu.vector_load %arg10[%swap3A_216, %swap3A_217] {strides = array<i32>} : memref<320x128xf32, #tpu.memory_space<vmem>>, vector<16xf32>,
        tpu.vector_store %arg10[%swap3A_216, %swap3A_217], %broadcast_in_dim3A_190 {strides = array<i32>} : memref<320x128xf32, #tpu.memory_space<vmem>>, vector<16xf32>,
        %mul3A_219 = arith.constant 16 : i32
        %mul3A_220 = arith.muli %scan3A_63, %mul3A_219 : i32
        %add3A_221 = arith.constant 2 : i32
        %add3A_222 = arith.addi %mul3A_220, %add3A_221 : i32
        %swap3A_223 = arith.index_cast %add3A_222 : i32 to index
        %swap3A_224 = arith.constant 64 : index
        %swap3A_225 = tpu.vector_load %arg10[%swap3A_223, %swap3A_224] {strides = array<i32>} : memref<320x128xf32, #tpu.memory_space<vmem>>, vector<16xf32>,
        tpu.vector_store %arg10[%swap3A_223, %swap3A_224], %broadcast_in_dim3A_190 {strides = array<i32>} : memref<320x128xf32, #tpu.memory_space<vmem>>, vector<16xf32>,
        %mul3A_226 = arith.constant 16 : i32
        %mul3A_227 = arith.muli %scan3A_63, %mul3A_226 : i32
        %add3A_228 = arith.constant 2 : i32
        %add3A_229 = arith.addi %mul3A_227, %add3A_228 : i32
        %swap3A_230 = arith.index_cast %add3A_229 : i32 to index
        %swap3A_231 = arith.constant 80 : index
        %swap3A_232 = tpu.vector_load %arg10[%swap3A_230, %swap3A_231] {strides = array<i32>} : memref<320x128xf32, #tpu.memory_space<vmem>>, vector<16xf32>,
        tpu.vector_store %arg10[%swap3A_230, %swap3A_231], %broadcast_in_dim3A_190 {strides = array<i32>} : memref<320x128xf32, #tpu.memory_space<vmem>>, vector<16xf32>,
        %mul3A_233 = arith.constant 16 : i32
        %mul3A_234 = arith.muli %scan3A_63, %mul3A_233 : i32
        %add3A_235 = arith.constant 2 : i32
        %add3A_236 = arith.addi %mul3A_234, %add3A_235 : i32
        %swap3A_237 = arith.index_cast %add3A_236 : i32 to index
        %swap3A_238 = arith.constant 96 : index
        %swap3A_239 = tpu.vector_load %arg10[%swap3A_237, %swap3A_238] {strides = array<i32>} : memref<320x128xf32, #tpu.memory_space<vmem>>, vector<16xf32>,
        tpu.vector_store %arg10[%swap3A_237, %swap3A_238], %broadcast_in_dim3A_190 {strides = array<i32>} : memref<320x128xf32, #tpu.memory_space<vmem>>, vector<16xf32>,
        %mul3A_240 = arith.constant 16 : i32
        %mul3A_241 = arith.muli %scan3A_63, %mul3A_240 : i32
        %add3A_242 = arith.constant 2 : i32
        %add3A_243 = arith.addi %mul3A_241, %add3A_242 : i32
        %swap3A_244 = arith.index_cast %add3A_243 : i32 to index
        %swap3A_245 = arith.constant 112 : index
        %swap3A_246 = tpu.vector_load %arg10[%swap3A_244, %swap3A_245] {strides = array<i32>} : memref<320x128xf32, #tpu.memory_space<vmem>>, vector<16xf32>,
        tpu.vector_store %arg10[%swap3A_244, %swap3A_245], %broadcast_in_dim3A_190 {strides = array<i32>} : memref<320x128xf32, #tpu.memory_space<vmem>>, vector<16xf32>,
        %slice3A_247 = vector.extract_strided_slice %div3A_72 {offsets = [3], sizes = [1], strides = [1]} : vector<16xf32> to vector<1xf32>
        %squeeze3A_248 = vector.extract %slice3A_247[0] : f32 from vector<1xf32>
        %broadcast_in_dim3A_249 = vector.broadcast %squeeze3A_248 : f32 to vector<16xf32>
        %mul3A_250 = arith.constant 16 : i32
        %mul3A_251 = arith.muli %scan3A_63, %mul3A_250 : i32
        %add3A_252 = arith.constant 3 : i32
        %add3A_253 = arith.addi %mul3A_251, %add3A_252 : i32
        %swap3A_254 = arith.index_cast %add3A_253 : i32 to index
        %swap3A_255 = arith.constant 0 : index
        %swap3A_256 = tpu.vector_load %arg10[%swap3A_254, %swap3A_255] {strides = array<i32>} : memref<320x128xf32, #tpu.memory_space<vmem>>, vector<16xf32>,
        tpu.vector_store %arg10[%swap3A_254, %swap3A_255], %broadcast_in_dim3A_249 {strides = array<i32>} : memref<320x128xf32, #tpu.memory_space<vmem>>, vector<16xf32>,
        %mul3A_257 = arith.constant 16 : i32
        %mul3A_258 = arith.muli %scan3A_63, %mul3A_257 : i32
        %add3A_259 = arith.constant 3 : i32
        %add3A_260 = arith.addi %mul3A_258, %add3A_259 : i32
        %swap3A_261 = arith.index_cast %add3A_260 : i32 to index
        %swap3A_262 = arith.constant 16 : index
        %swap3A_263 = tpu.vector_load %arg10[%swap3A_261, %swap3A_262] {strides = array<i32>} : memref<320x128xf32, #tpu.memory_space<vmem>>, vector<16xf32>,
        tpu.vector_store %arg10[%swap3A_261, %swap3A_262], %broadcast_in_dim3A_249 {strides = array<i32>} : memref<320x128xf32, #tpu.memory_space<vmem>>, vector<16xf32>,
        %mul3A_264 = arith.constant 16 : i32
        %mul3A_265 = arith.muli %scan3A_63, %mul3A_264 : i32
        %add3A_266 = arith.constant 3 : i32
        %add3A_267 = arith.addi %mul3A_265, %add3A_266 : i32
        %swap3A_268 = arith.index_cast %add3A_267 : i32 to index
        %swap3A_269 = arith.constant 32 : index
        %swap3A_270 = tpu.vector_load %arg10[%swap3A_268, %swap3A_269] {strides = array<i32>} : memref<320x128xf32, #tpu.memory_space<vmem>>, vector<16xf32>,
        tpu.vector_store %arg10[%swap3A_268, %swap3A_269], %broadcast_in_dim3A_249 {strides = array<i32>} : memref<320x128xf32, #tpu.memory_space<vmem>>, vector<16xf32>,
        %mul3A_271 = arith.constant 16 : i32
        %mul3A_272 = arith.muli %scan3A_63, %mul3A_271 : i32
        %add3A_273 = arith.constant 3 : i32
        %add3A_274 = arith.addi %mul3A_272, %add3A_273 : i32
        %swap3A_275 = arith.index_cast %add3A_274 : i32 to index
        %swap3A_276 = arith.constant 48 : index
        %swap3A_277 = tpu.vector_load %arg10[%swap3A_275, %swap3A_276] {strides = array<i32>} : memref<320x128xf32, #tpu.memory_space<vmem>>, vector<16xf32>,
        tpu.vector_store %arg10[%swap3A_275, %swap3A_276], %broadcast_in_dim3A_249 {strides = array<i32>} : memref<320x128xf32, #tpu.memory_space<vmem>>, vector<16xf32>,
        %mul3A_278 = arith.constant 16 : i32
        %mul3A_279 = arith.muli %scan3A_63, %mul3A_278 : i32
        %add3A_280 = arith.constant 3 : i32
        %add3A_281 = arith.addi %mul3A_279, %add3A_280 : i32
        %swap3A_282 = arith.index_cast %add3A_281 : i32 to index
        %swap3A_283 = arith.constant 64 : index
        %swap3A_284 = tpu.vector_load %arg10[%swap3A_282, %swap3A_283] {strides = array<i32>} : memref<320x128xf32, #tpu.memory_space<vmem>>, vector<16xf32>,
        tpu.vector_store %arg10[%swap3A_282, %swap3A_283], %broadcast_in_dim3A_249 {strides = array<i32>} : memref<320x128xf32, #tpu.memory_space<vmem>>, vector<16xf32>,
        %mul3A_285 = arith.constant 16 : i32
        %mul3A_286 = arith.muli %scan3A_63, %mul3A_285 : i32
        %add3A_287 = arith.constant 3 : i32
        %add3A_288 = arith.addi %mul3A_286, %add3A_287 : i32
        %swap3A_289 = arith.index_cast %add3A_288 : i32 to index
        %swap3A_290 = arith.constant 80 : index
        %swap3A_291 = tpu.vector_load %arg10[%swap3A_289, %swap3A_290] {strides = array<i32>} : memref<320x128xf32, #tpu.memory_space<vmem>>, vector<16xf32>,
        tpu.vector_store %arg10[%swap3A_289, %swap3A_290], %broadcast_in_dim3A_249 {strides = array<i32>} : memref<320x128xf32, #tpu.memory_space<vmem>>, vector<16xf32>,
        %mul3A_292 = arith.constant 16 : i32
        %mul3A_293 = arith.muli %scan3A_63, %mul3A_292 : i32
        %add3A_294 = arith.constant 3 : i32
        %add3A_295 = arith.addi %mul3A_293, %add3A_294 : i32
        %swap3A_296 = arith.index_cast %add3A_295 : i32 to index
        %swap3A_297 = arith.constant 96 : index
        %swap3A_298 = tpu.vector_load %arg10[%swap3A_296, %swap3A_297] {strides = array<i32>} : memref<320x128xf32, #tpu.memory_space<vmem>>, vector<16xf32>,
        tpu.vector_store %arg10[%swap3A_296, %swap3A_297], %broadcast_in_dim3A_249 {strides = array<i32>} : memref<320x128xf32, #tpu.memory_space<vmem>>, vector<16xf32>,
        %mul3A_299 = arith.constant 16 : i32
        %mul3A_300 = arith.muli %scan3A_63, %mul3A_299 : i32
        %add3A_301 = arith.constant 3 : i32
        %add3A_302 = arith.addi %mul3A_300, %add3A_301 : i32
        %swap3A_303 = arith.index_cast %add3A_302 : i32 to index
        %swap3A_304 = arith.constant 112 : index
        %swap3A_305 = tpu.vector_load %arg10[%swap3A_303, %swap3A_304] {strides = array<i32>} : memref<320x128xf32, #tpu.memory_space<vmem>>, vector<16xf32>,
        tpu.vector_store %arg10[%swap3A_303, %swap3A_304], %broadcast_in_dim3A_249 {strides = array<i32>} : memref<320x128xf32, #tpu.memory_space<vmem>>, vector<16xf32>,
        %slice3A_306 = vector.extract_strided_slice %div3A_72 {offsets = [4], sizes = [1], strides = [1]} : vector<16xf32> to vector<1xf32>
        %squeeze3A_307 = vector.extract %slice3A_306[0] : f32 from vector<1xf32>
        %broadcast_in_dim3A_308 = vector.broadcast %squeeze3A_307 : f32 to vector<16xf32>
        %mul3A_309 = arith.constant 16 : i32
        %mul3A_310 = arith.muli %scan3A_63, %mul3A_309 : i32
        %add3A_311 = arith.constant 4 : i32
        %add3A_312 = arith.addi %mul3A_310, %add3A_311 : i32
        %swap3A_313 = arith.index_cast %add3A_312 : i32 to index
        %swap3A_314 = arith.constant 0 : index
        %swap3A_315 = tpu.vector_load %arg10[%swap3A_313, %swap3A_314] {strides = array<i32>} : memref<320x128xf32, #tpu.memory_space<vmem>>, vector<16xf32>,
        tpu.vector_store %arg10[%swap3A_313, %swap3A_314], %broadcast_in_dim3A_308 {strides = array<i32>} : memref<320x128xf32, #tpu.memory_space<vmem>>, vector<16xf32>,
        %mul3A_316 = arith.constant 16 : i32
        %mul3A_317 = arith.muli %scan3A_63, %mul3A_316 : i32
        %add3A_318 = arith.constant 4 : i32
        %add3A_319 = arith.addi %mul3A_317, %add3A_318 : i32
        %swap3A_320 = arith.index_cast %add3A_319 : i32 to index
        %swap3A_321 = arith.constant 16 : index
        %swap3A_322 = tpu.vector_load %arg10[%swap3A_320, %swap3A_321] {strides = array<i32>} : memref<320x128xf32, #tpu.memory_space<vmem>>, vector<16xf32>,
        tpu.vector_store %arg10[%swap3A_320, %swap3A_321], %broadcast_in_dim3A_308 {strides = array<i32>} : memref<320x128xf32, #tpu.memory_space<vmem>>, vector<16xf32>,
        %mul3A_323 = arith.constant 16 : i32
        %mul3A_324 = arith.muli %scan3A_63, %mul3A_323 : i32
        %add3A_325 = arith.constant 4 : i32
        %add3A_326 = arith.addi %mul3A_324, %add3A_325 : i32
        %swap3A_327 = arith.index_cast %add3A_326 : i32 to index
        %swap3A_328 = arith.constant 32 : index
        %swap3A_329 = tpu.vector_load %arg10[%swap3A_327, %swap3A_328] {strides = array<i32>} : memref<320x128xf32, #tpu.memory_space<vmem>>, vector<16xf32>,
        tpu.vector_store %arg10[%swap3A_327, %swap3A_328], %broadcast_in_dim3A_308 {strides = array<i32>} : memref<320x128xf32, #tpu.memory_space<vmem>>, vector<16xf32>,
        %mul3A_330 = arith.constant 16 : i32
        %mul3A_331 = arith.muli %scan3A_63, %mul3A_330 : i32
        %add3A_332 = arith.constant 4 : i32
        %add3A_333 = arith.addi %mul3A_331, %add3A_332 : i32
        %swap3A_334 = arith.index_cast %add3A_333 : i32 to index
        %swap3A_335 = arith.constant 48 : index
        %swap3A_336 = tpu.vector_load %arg10[%swap3A_334, %swap3A_335] {strides = array<i32>} : memref<320x128xf32, #tpu.memory_space<vmem>>, vector<16xf32>,
        tpu.vector_store %arg10[%swap3A_334, %swap3A_335], %broadcast_in_dim3A_308 {strides = array<i32>} : memref<320x128xf32, #tpu.memory_space<vmem>>, vector<16xf32>,
        %mul3A_337 = arith.constant 16 : i32
        %mul3A_338 = arith.muli %scan3A_63, %mul3A_337 : i32
        %add3A_339 = arith.constant 4 : i32
        %add3A_340 = arith.addi %mul3A_338, %add3A_339 : i32
        %swap3A_341 = arith.index_cast %add3A_340 : i32 to index
        %swap3A_342 = arith.constant 64 : index
        %swap3A_343 = tpu.vector_load %arg10[%swap3A_341, %swap3A_342] {strides = array<i32>} : memref<320x128xf32, #tpu.memory_space<vmem>>, vector<16xf32>,
        tpu.vector_store %arg10[%swap3A_341, %swap3A_342], %broadcast_in_dim3A_308 {strides = array<i32>} : memref<320x128xf32, #tpu.memory_space<vmem>>, vector<16xf32>,
        %mul3A_344 = arith.constant 16 : i32
        %mul3A_345 = arith.muli %scan3A_63, %mul3A_344 : i32
        %add3A_346 = arith.constant 4 : i32
        %add3A_347 = arith.addi %mul3A_345, %add3A_346 : i32
        %swap3A_348 = arith.index_cast %add3A_347 : i32 to index
        %swap3A_349 = arith.constant 80 : index
        %swap3A_350 = tpu.vector_load %arg10[%swap3A_348, %swap3A_349] {strides = array<i32>} : memref<320x128xf32, #tpu.memory_space<vmem>>, vector<16xf32>,
        tpu.vector_store %arg10[%swap3A_348, %swap3A_349], %broadcast_in_dim3A_308 {strides = array<i32>} : memref<320x128xf32, #tpu.memory_space<vmem>>, vector<16xf32>,
        %mul3A_351 = arith.constant 16 : i32
        %mul3A_352 = arith.muli %scan3A_63, %mul3A_351 : i32
        %add3A_353 = arith.constant 4 : i32
        %add3A_354 = arith.addi %mul3A_352, %add3A_353 : i32
        %swap3A_355 = arith.index_cast %add3A_354 : i32 to index
        %swap3A_356 = arith.constant 96 : index
        %swap3A_357 = tpu.vector_load %arg10[%swap3A_355, %swap3A_356] {strides = array<i32>} : memref<320x128xf32, #tpu.memory_space<vmem>>, vector<16xf32>,
        tpu.vector_store %arg10[%swap3A_355, %swap3A_356], %broadcast_in_dim3A_308 {strides = array<i32>} : memref<320x128xf32, #tpu.memory_space<vmem>>, vector<16xf32>,
        %mul3A_358 = arith.constant 16 : i32
        %mul3A_359 = arith.muli %scan3A_63, %mul3A_358 : i32
        %add3A_360 = arith.constant 4 : i32
        %add3A_361 = arith.addi %mul3A_359, %add3A_360 : i32
        %swap3A_362 = arith.index_cast %add3A_361 : i32 to index
        %swap3A_363 = arith.constant 112 : index
        %swap3A_364 = tpu.vector_load %arg10[%swap3A_362, %swap3A_363] {strides = array<i32>} : memref<320x128xf32, #tpu.memory_space<vmem>>, vector<16xf32>,
        tpu.vector_store %arg10[%swap3A_362, %swap3A_363], %broadcast_in_dim3A_308 {strides = array<i32>} : memref<320x128xf32, #tpu.memory_space<vmem>>, vector<16xf32>,
        %slice3A_365 = vector.extract_strided_slice %div3A_72 {offsets = [5], sizes = [1], strides = [1]} : vector<16xf32> to vector<1xf32>
        %squeeze3A_366 = vector.extract %slice3A_365[0] : f32 from vector<1xf32>
        %broadcast_in_dim3A_367 = vector.broadcast %squeeze3A_366 : f32 to vector<16xf32>
        %mul3A_368 = arith.constant 16 : i32
        %mul3A_369 = arith.muli %scan3A_63, %mul3A_368 : i32
        %add3A_370 = arith.constant 5 : i32
        %add3A_371 = arith.addi %mul3A_369, %add3A_370 : i32
        %swap3A_372 = arith.index_cast %add3A_371 : i32 to index
        %swap3A_373 = arith.constant 0 : index
        %swap3A_374 = tpu.vector_load %arg10[%swap3A_372, %swap3A_373] {strides = array<i32>} : memref<320x128xf32, #tpu.memory_space<vmem>>, vector<16xf32>,
        tpu.vector_store %arg10[%swap3A_372, %swap3A_373], %broadcast_in_dim3A_367 {strides = array<i32>} : memref<320x128xf32, #tpu.memory_space<vmem>>, vector<16xf32>,
        %mul3A_375 = arith.constant 16 : i32
        %mul3A_376 = arith.muli %scan3A_63, %mul3A_375 : i32
        %add3A_377 = arith.constant 5 : i32
        %add3A_378 = arith.addi %mul3A_376, %add3A_377 : i32
        %swap3A_379 = arith.index_cast %add3A_378 : i32 to index
        %swap3A_380 = arith.constant 16 : index
        %swap3A_381 = tpu.vector_load %arg10[%swap3A_379, %swap3A_380] {strides = array<i32>} : memref<320x128xf32, #tpu.memory_space<vmem>>, vector<16xf32>,
        tpu.vector_store %arg10[%swap3A_379, %swap3A_380], %broadcast_in_dim3A_367 {strides = array<i32>} : memref<320x128xf32, #tpu.memory_space<vmem>>, vector<16xf32>,
        %mul3A_382 = arith.constant 16 : i32
        %mul3A_383 = arith.muli %scan3A_63, %mul3A_382 : i32
        %add3A_384 = arith.constant 5 : i32
        %add3A_385 = arith.addi %mul3A_383, %add3A_384 : i32
        %swap3A_386 = arith.index_cast %add3A_385 : i32 to index
        %swap3A_387 = arith.constant 32 : index
        %swap3A_388 = tpu.vector_load %arg10[%swap3A_386, %swap3A_387] {strides = array<i32>} : memref<320x128xf32, #tpu.memory_space<vmem>>, vector<16xf32>,
        tpu.vector_store %arg10[%swap3A_386, %swap3A_387], %broadcast_in_dim3A_367 {strides = array<i32>} : memref<320x128xf32, #tpu.memory_space<vmem>>, vector<16xf32>,
        %mul3A_389 = arith.constant 16 : i32
        %mul3A_390 = arith.muli %scan3A_63, %mul3A_389 : i32
        %add3A_391 = arith.constant 5 : i32
        %add3A_392 = arith.addi %mul3A_390, %add3A_391 : i32
        %swap3A_393 = arith.index_cast %add3A_392 : i32 to index
        %swap3A_394 = arith.constant 48 : index
        %swap3A_395 = tpu.vector_load %arg10[%swap3A_393, %swap3A_394] {strides = array<i32>} : memref<320x128xf32, #tpu.memory_space<vmem>>, vector<16xf32>,
        tpu.vector_store %arg10[%swap3A_393, %swap3A_394], %broadcast_in_dim3A_367 {strides = array<i32>} : memref<320x128xf32, #tpu.memory_space<vmem>>, vector<16xf32>,
        %mul3A_396 = arith.constant 16 : i32
        %mul3A_397 = arith.muli %scan3A_63, %mul3A_396 : i32
        %add3A_398 = arith.constant 5 : i32
        %add3A_399 = arith.addi %mul3A_397, %add3A_398 : i32
        %swap3A_400 = arith.index_cast %add3A_399 : i32 to index
        %swap3A_401 = arith.constant 64 : index
        %swap3A_402 = tpu.vector_load %arg10[%swap3A_400, %swap3A_401] {strides = array<i32>} : memref<320x128xf32, #tpu.memory_space<vmem>>, vector<16xf32>,
        tpu.vector_store %arg10[%swap3A_400, %swap3A_401], %broadcast_in_dim3A_367 {strides = array<i32>} : memref<320x128xf32, #tpu.memory_space<vmem>>, vector<16xf32>,
        %mul3A_403 = arith.constant 16 : i32
        %mul3A_404 = arith.muli %scan3A_63, %mul3A_403 : i32
        %add3A_405 = arith.constant 5 : i32
        %add3A_406 = arith.addi %mul3A_404, %add3A_405 : i32
        %swap3A_407 = arith.index_cast %add3A_406 : i32 to index
        %swap3A_408 = arith.constant 80 : index
        %swap3A_409 = tpu.vector_load %arg10[%swap3A_407, %swap3A_408] {strides = array<i32>} : memref<320x128xf32, #tpu.memory_space<vmem>>, vector<16xf32>,
        tpu.vector_store %arg10[%swap3A_407, %swap3A_408], %broadcast_in_dim3A_367 {strides = array<i32>} : memref<320x128xf32, #tpu.memory_space<vmem>>, vector<16xf32>,
        %mul3A_410 = arith.constant 16 : i32
        %mul3A_411 = arith.muli %scan3A_63, %mul3A_410 : i32
        %add3A_412 = arith.constant 5 : i32
        %add3A_413 = arith.addi %mul3A_411, %add3A_412 : i32
        %swap3A_414 = arith.index_cast %add3A_413 : i32 to index
        %swap3A_415 = arith.constant 96 : index
        %swap3A_416 = tpu.vector_load %arg10[%swap3A_414, %swap3A_415] {strides = array<i32>} : memref<320x128xf32, #tpu.memory_space<vmem>>, vector<16xf32>,
        tpu.vector_store %arg10[%swap3A_414, %swap3A_415], %broadcast_in_dim3A_367 {strides = array<i32>} : memref<320x128xf32, #tpu.memory_space<vmem>>, vector<16xf32>,
        %mul3A_417 = arith.constant 16 : i32
        %mul3A_418 = arith.muli %scan3A_63, %mul3A_417 : i32
        %add3A_419 = arith.constant 5 : i32
        %add3A_420 = arith.addi %mul3A_418, %add3A_419 : i32
        %swap3A_421 = arith.index_cast %add3A_420 : i32 to index
        %swap3A_422 = arith.constant 112 : index
        %swap3A_423 = tpu.vector_load %arg10[%swap3A_421, %swap3A_422] {strides = array<i32>} : memref<320x128xf32, #tpu.memory_space<vmem>>, vector<16xf32>,
        tpu.vector_store %arg10[%swap3A_421, %swap3A_422], %broadcast_in_dim3A_367 {strides = array<i32>} : memref<320x128xf32, #tpu.memory_space<vmem>>, vector<16xf32>,
        %slice3A_424 = vector.extract_strided_slice %div3A_72 {offsets = [6], sizes = [1], strides = [1]} : vector<16xf32> to vector<1xf32>
        %squeeze3A_425 = vector.extract %slice3A_424[0] : f32 from vector<1xf32>
        %broadcast_in_dim3A_426 = vector.broadcast %squeeze3A_425 : f32 to vector<16xf32>
        %mul3A_427 = arith.constant 16 : i32
        %mul3A_428 = arith.muli %scan3A_63, %mul3A_427 : i32
        %add3A_429 = arith.constant 6 : i32
        %add3A_430 = arith.addi %mul3A_428, %add3A_429 : i32
        %swap3A_431 = arith.index_cast %add3A_430 : i32 to index
        %swap3A_432 = arith.constant 0 : index
        %swap3A_433 = tpu.vector_load %arg10[%swap3A_431, %swap3A_432] {strides = array<i32>} : memref<320x128xf32, #tpu.memory_space<vmem>>, vector<16xf32>,
        tpu.vector_store %arg10[%swap3A_431, %swap3A_432], %broadcast_in_dim3A_426 {strides = array<i32>} : memref<320x128xf32, #tpu.memory_space<vmem>>, vector<16xf32>,
        %mul3A_434 = arith.constant 16 : i32
        %mul3A_435 = arith.muli %scan3A_63, %mul3A_434 : i32
        %add3A_436 = arith.constant 6 : i32
        %add3A_437 = arith.addi %mul3A_435, %add3A_436 : i32
        %swap3A_438 = arith.index_cast %add3A_437 : i32 to index
        %swap3A_439 = arith.constant 16 : index
        %swap3A_440 = tpu.vector_load %arg10[%swap3A_438, %swap3A_439] {strides = array<i32>} : memref<320x128xf32, #tpu.memory_space<vmem>>, vector<16xf32>,
        tpu.vector_store %arg10[%swap3A_438, %swap3A_439], %broadcast_in_dim3A_426 {strides = array<i32>} : memref<320x128xf32, #tpu.memory_space<vmem>>, vector<16xf32>,
        %mul3A_441 = arith.constant 16 : i32
        %mul3A_442 = arith.muli %scan3A_63, %mul3A_441 : i32
        %add3A_443 = arith.constant 6 : i32
        %add3A_444 = arith.addi %mul3A_442, %add3A_443 : i32
        %swap3A_445 = arith.index_cast %add3A_444 : i32 to index
        %swap3A_446 = arith.constant 32 : index
        %swap3A_447 = tpu.vector_load %arg10[%swap3A_445, %swap3A_446] {strides = array<i32>} : memref<320x128xf32, #tpu.memory_space<vmem>>, vector<16xf32>,
        tpu.vector_store %arg10[%swap3A_445, %swap3A_446], %broadcast_in_dim3A_426 {strides = array<i32>} : memref<320x128xf32, #tpu.memory_space<vmem>>, vector<16xf32>,
        %mul3A_448 = arith.constant 16 : i32
        %mul3A_449 = arith.muli %scan3A_63, %mul3A_448 : i32
        %add3A_450 = arith.constant 6 : i32
        %add3A_451 = arith.addi %mul3A_449, %add3A_450 : i32
        %swap3A_452 = arith.index_cast %add3A_451 : i32 to index
        %swap3A_453 = arith.constant 48 : index
        %swap3A_454 = tpu.vector_load %arg10[%swap3A_452, %swap3A_453] {strides = array<i32>} : memref<320x128xf32, #tpu.memory_space<vmem>>, vector<16xf32>,
        tpu.vector_store %arg10[%swap3A_452, %swap3A_453], %broadcast_in_dim3A_426 {strides = array<i32>} : memref<320x128xf32, #tpu.memory_space<vmem>>, vector<16xf32>,
        %mul3A_455 = arith.constant 16 : i32
        %mul3A_456 = arith.muli %scan3A_63, %mul3A_455 : i32
        %add3A_457 = arith.constant 6 : i32
        %add3A_458 = arith.addi %mul3A_456, %add3A_457 : i32
        %swap3A_459 = arith.index_cast %add3A_458 : i32 to index
        %swap3A_460 = arith.constant 64 : index
        %swap3A_461 = tpu.vector_load %arg10[%swap3A_459, %swap3A_460] {strides = array<i32>} : memref<320x128xf32, #tpu.memory_space<vmem>>, vector<16xf32>,
        tpu.vector_store %arg10[%swap3A_459, %swap3A_460], %broadcast_in_dim3A_426 {strides = array<i32>} : memref<320x128xf32, #tpu.memory_space<vmem>>, vector<16xf32>,
        %mul3A_462 = arith.constant 16 : i32
        %mul3A_463 = arith.muli %scan3A_63, %mul3A_462 : i32
        %add3A_464 = arith.constant 6 : i32
        %add3A_465 = arith.addi %mul3A_463, %add3A_464 : i32
        %swap3A_466 = arith.index_cast %add3A_465 : i32 to index
        %swap3A_467 = arith.constant 80 : index
        %swap3A_468 = tpu.vector_load %arg10[%swap3A_466, %swap3A_467] {strides = array<i32>} : memref<320x128xf32, #tpu.memory_space<vmem>>, vector<16xf32>,
        tpu.vector_store %arg10[%swap3A_466, %swap3A_467], %broadcast_in_dim3A_426 {strides = array<i32>} : memref<320x128xf32, #tpu.memory_space<vmem>>, vector<16xf32>,
        %mul3A_469 = arith.constant 16 : i32
        %mul3A_470 = arith.muli %scan3A_63, %mul3A_469 : i32
        %add3A_471 = arith.constant 6 : i32
        %add3A_472 = arith.addi %mul3A_470, %add3A_471 : i32
        %swap3A_473 = arith.index_cast %add3A_472 : i32 to index
        %swap3A_474 = arith.constant 96 : index
        %swap3A_475 = tpu.vector_load %arg10[%swap3A_473, %swap3A_474] {strides = array<i32>} : memref<320x128xf32, #tpu.memory_space<vmem>>, vector<16xf32>,
        tpu.vector_store %arg10[%swap3A_473, %swap3A_474], %broadcast_in_dim3A_426 {strides = array<i32>} : memref<320x128xf32, #tpu.memory_space<vmem>>, vector<16xf32>,
        %mul3A_476 = arith.constant 16 : i32
        %mul3A_477 = arith.muli %scan3A_63, %mul3A_476 : i32
        %add3A_478 = arith.constant 6 : i32
        %add3A_479 = arith.addi %mul3A_477, %add3A_478 : i32
        %swap3A_480 = arith.index_cast %add3A_479 : i32 to index
        %swap3A_481 = arith.constant 112 : index
        %swap3A_482 = tpu.vector_load %arg10[%swap3A_480, %swap3A_481] {strides = array<i32>} : memref<320x128xf32, #tpu.memory_space<vmem>>, vector<16xf32>,
        tpu.vector_store %arg10[%swap3A_480, %swap3A_481], %broadcast_in_dim3A_426 {strides = array<i32>} : memref<320x128xf32, #tpu.memory_space<vmem>>, vector<16xf32>,
        %slice3A_483 = vector.extract_strided_slice %div3A_72 {offsets = [7], sizes = [1], strides = [1]} : vector<16xf32> to vector<1xf32>
        %squeeze3A_484 = vector.extract %slice3A_483[0] : f32 from vector<1xf32>
        %broadcast_in_dim3A_485 = vector.broadcast %squeeze3A_484 : f32 to vector<16xf32>
        %mul3A_486 = arith.constant 16 : i32
        %mul3A_487 = arith.muli %scan3A_63, %mul3A_486 : i32
        %add3A_488 = arith.constant 7 : i32
        %add3A_489 = arith.addi %mul3A_487, %add3A_488 : i32
        %swap3A_490 = arith.index_cast %add3A_489 : i32 to index
        %swap3A_491 = arith.constant 0 : index
        %swap3A_492 = tpu.vector_load %arg10[%swap3A_490, %swap3A_491] {strides = array<i32>} : memref<320x128xf32, #tpu.memory_space<vmem>>, vector<16xf32>,
        tpu.vector_store %arg10[%swap3A_490, %swap3A_491], %broadcast_in_dim3A_485 {strides = array<i32>} : memref<320x128xf32, #tpu.memory_space<vmem>>, vector<16xf32>,
        %mul3A_493 = arith.constant 16 : i32
        %mul3A_494 = arith.muli %scan3A_63, %mul3A_493 : i32
        %add3A_495 = arith.constant 7 : i32
        %add3A_496 = arith.addi %mul3A_494, %add3A_495 : i32
        %swap3A_497 = arith.index_cast %add3A_496 : i32 to index
        %swap3A_498 = arith.constant 16 : index
        %swap3A_499 = tpu.vector_load %arg10[%swap3A_497, %swap3A_498] {strides = array<i32>} : memref<320x128xf32, #tpu.memory_space<vmem>>, vector<16xf32>,
        tpu.vector_store %arg10[%swap3A_497, %swap3A_498], %broadcast_in_dim3A_485 {strides = array<i32>} : memref<320x128xf32, #tpu.memory_space<vmem>>, vector<16xf32>,
        %mul3A_500 = arith.constant 16 : i32
        %mul3A_501 = arith.muli %scan3A_63, %mul3A_500 : i32
        %add3A_502 = arith.constant 7 : i32
        %add3A_503 = arith.addi %mul3A_501, %add3A_502 : i32
        %swap3A_504 = arith.index_cast %add3A_503 : i32 to index
        %swap3A_505 = arith.constant 32 : index
        %swap3A_506 = tpu.vector_load %arg10[%swap3A_504, %swap3A_505] {strides = array<i32>} : memref<320x128xf32, #tpu.memory_space<vmem>>, vector<16xf32>,
        tpu.vector_store %arg10[%swap3A_504, %swap3A_505], %broadcast_in_dim3A_485 {strides = array<i32>} : memref<320x128xf32, #tpu.memory_space<vmem>>, vector<16xf32>,
        %mul3A_507 = arith.constant 16 : i32
        %mul3A_508 = arith.muli %scan3A_63, %mul3A_507 : i32
        %add3A_509 = arith.constant 7 : i32
        %add3A_510 = arith.addi %mul3A_508, %add3A_509 : i32
        %swap3A_511 = arith.index_cast %add3A_510 : i32 to index
        %swap3A_512 = arith.constant 48 : index
        %swap3A_513 = tpu.vector_load %arg10[%swap3A_511, %swap3A_512] {strides = array<i32>} : memref<320x128xf32, #tpu.memory_space<vmem>>, vector<16xf32>,
        tpu.vector_store %arg10[%swap3A_511, %swap3A_512], %broadcast_in_dim3A_485 {strides = array<i32>} : memref<320x128xf32, #tpu.memory_space<vmem>>, vector<16xf32>,
        %mul3A_514 = arith.constant 16 : i32
        %mul3A_515 = arith.muli %scan3A_63, %mul3A_514 : i32
        %add3A_516 = arith.constant 7 : i32
        %add3A_517 = arith.addi %mul3A_515, %add3A_516 : i32
        %swap3A_518 = arith.index_cast %add3A_517 : i32 to index
        %swap3A_519 = arith.constant 64 : index
        %swap3A_520 = tpu.vector_load %arg10[%swap3A_518, %swap3A_519] {strides = array<i32>} : memref<320x128xf32, #tpu.memory_space<vmem>>, vector<16xf32>,
        tpu.vector_store %arg10[%swap3A_518, %swap3A_519], %broadcast_in_dim3A_485 {strides = array<i32>} : memref<320x128xf32, #tpu.memory_space<vmem>>, vector<16xf32>,
        %mul3A_521 = arith.constant 16 : i32
        %mul3A_522 = arith.muli %scan3A_63, %mul3A_521 : i32
        %add3A_523 = arith.constant 7 : i32
        %add3A_524 = arith.addi %mul3A_522, %add3A_523 : i32
        %swap3A_525 = arith.index_cast %add3A_524 : i32 to index
        %swap3A_526 = arith.constant 80 : index
        %swap3A_527 = tpu.vector_load %arg10[%swap3A_525, %swap3A_526] {strides = array<i32>} : memref<320x128xf32, #tpu.memory_space<vmem>>, vector<16xf32>,
        tpu.vector_store %arg10[%swap3A_525, %swap3A_526], %broadcast_in_dim3A_485 {strides = array<i32>} : memref<320x128xf32, #tpu.memory_space<vmem>>, vector<16xf32>,
        %mul3A_528 = arith.constant 16 : i32
        %mul3A_529 = arith.muli %scan3A_63, %mul3A_528 : i32
        %add3A_530 = arith.constant 7 : i32
        %add3A_531 = arith.addi %mul3A_529, %add3A_530 : i32
        %swap3A_532 = arith.index_cast %add3A_531 : i32 to index
        %swap3A_533 = arith.constant 96 : index
        %swap3A_534 = tpu.vector_load %arg10[%swap3A_532, %swap3A_533] {strides = array<i32>} : memref<320x128xf32, #tpu.memory_space<vmem>>, vector<16xf32>,
        tpu.vector_store %arg10[%swap3A_532, %swap3A_533], %broadcast_in_dim3A_485 {strides = array<i32>} : memref<320x128xf32, #tpu.memory_space<vmem>>, vector<16xf32>,
        %mul3A_535 = arith.constant 16 : i32
        %mul3A_536 = arith.muli %scan3A_63, %mul3A_535 : i32
        %add3A_537 = arith.constant 7 : i32
        %add3A_538 = arith.addi %mul3A_536, %add3A_537 : i32
        %swap3A_539 = arith.index_cast %add3A_538 : i32 to index
        %swap3A_540 = arith.constant 112 : index
        %swap3A_541 = tpu.vector_load %arg10[%swap3A_539, %swap3A_540] {strides = array<i32>} : memref<320x128xf32, #tpu.memory_space<vmem>>, vector<16xf32>,
        tpu.vector_store %arg10[%swap3A_539, %swap3A_540], %broadcast_in_dim3A_485 {strides = array<i32>} : memref<320x128xf32, #tpu.memory_space<vmem>>, vector<16xf32>,
        %slice3A_542 = vector.extract_strided_slice %div3A_72 {offsets = [8], sizes = [1], strides = [1]} : vector<16xf32> to vector<1xf32>
        %squeeze3A_543 = vector.extract %slice3A_542[0] : f32 from vector<1xf32>
        %broadcast_in_dim3A_544 = vector.broadcast %squeeze3A_543 : f32 to vector<16xf32>
        %mul3A_545 = arith.constant 16 : i32
        %mul3A_546 = arith.muli %scan3A_63, %mul3A_545 : i32
        %add3A_547 = arith.constant 8 : i32
        %add3A_548 = arith.addi %mul3A_546, %add3A_547 : i32
        %swap3A_549 = arith.index_cast %add3A_548 : i32 to index
        %swap3A_550 = arith.constant 0 : index
        %swap3A_551 = tpu.vector_load %arg10[%swap3A_549, %swap3A_550] {strides = array<i32>} : memref<320x128xf32, #tpu.memory_space<vmem>>, vector<16xf32>,
        tpu.vector_store %arg10[%swap3A_549, %swap3A_550], %broadcast_in_dim3A_544 {strides = array<i32>} : memref<320x128xf32, #tpu.memory_space<vmem>>, vector<16xf32>,
        %mul3A_552 = arith.constant 16 : i32
        %mul3A_553 = arith.muli %scan3A_63, %mul3A_552 : i32
        %add3A_554 = arith.constant 8 : i32
        %add3A_555 = arith.addi %mul3A_553, %add3A_554 : i32
        %swap3A_556 = arith.index_cast %add3A_555 : i32 to index
        %swap3A_557 = arith.constant 16 : index
        %swap3A_558 = tpu.vector_load %arg10[%swap3A_556, %swap3A_557] {strides = array<i32>} : memref<320x128xf32, #tpu.memory_space<vmem>>, vector<16xf32>,
        tpu.vector_store %arg10[%swap3A_556, %swap3A_557], %broadcast_in_dim3A_544 {strides = array<i32>} : memref<320x128xf32, #tpu.memory_space<vmem>>, vector<16xf32>,
        %mul3A_559 = arith.constant 16 : i32
        %mul3A_560 = arith.muli %scan3A_63, %mul3A_559 : i32
        %add3A_561 = arith.constant 8 : i32
        %add3A_562 = arith.addi %mul3A_560, %add3A_561 : i32
        %swap3A_563 = arith.index_cast %add3A_562 : i32 to index
        %swap3A_564 = arith.constant 32 : index
        %swap3A_565 = tpu.vector_load %arg10[%swap3A_563, %swap3A_564] {strides = array<i32>} : memref<320x128xf32, #tpu.memory_space<vmem>>, vector<16xf32>,
        tpu.vector_store %arg10[%swap3A_563, %swap3A_564], %broadcast_in_dim3A_544 {strides = array<i32>} : memref<320x128xf32, #tpu.memory_space<vmem>>, vector<16xf32>,
        %mul3A_566 = arith.constant 16 : i32
        %mul3A_567 = arith.muli %scan3A_63, %mul3A_566 : i32
        %add3A_568 = arith.constant 8 : i32
        %add3A_569 = arith.addi %mul3A_567, %add3A_568 : i32
        %swap3A_570 = arith.index_cast %add3A_569 : i32 to index
        %swap3A_571 = arith.constant 48 : index
        %swap3A_572 = tpu.vector_load %arg10[%swap3A_570, %swap3A_571] {strides = array<i32>} : memref<320x128xf32, #tpu.memory_space<vmem>>, vector<16xf32>,
        tpu.vector_store %arg10[%swap3A_570, %swap3A_571], %broadcast_in_dim3A_544 {strides = array<i32>} : memref<320x128xf32, #tpu.memory_space<vmem>>, vector<16xf32>,
        %mul3A_573 = arith.constant 16 : i32
        %mul3A_574 = arith.muli %scan3A_63, %mul3A_573 : i32
        %add3A_575 = arith.constant 8 : i32
        %add3A_576 = arith.addi %mul3A_574, %add3A_575 : i32
        %swap3A_577 = arith.index_cast %add3A_576 : i32 to index
        %swap3A_578 = arith.constant 64 : index
        %swap3A_579 = tpu.vector_load %arg10[%swap3A_577, %swap3A_578] {strides = array<i32>} : memref<320x128xf32, #tpu.memory_space<vmem>>, vector<16xf32>,
        tpu.vector_store %arg10[%swap3A_577, %swap3A_578], %broadcast_in_dim3A_544 {strides = array<i32>} : memref<320x128xf32, #tpu.memory_space<vmem>>, vector<16xf32>,
        %mul3A_580 = arith.constant 16 : i32
        %mul3A_581 = arith.muli %scan3A_63, %mul3A_580 : i32
        %add3A_582 = arith.constant 8 : i32
        %add3A_583 = arith.addi %mul3A_581, %add3A_582 : i32
        %swap3A_584 = arith.index_cast %add3A_583 : i32 to index
        %swap3A_585 = arith.constant 80 : index
        %swap3A_586 = tpu.vector_load %arg10[%swap3A_584, %swap3A_585] {strides = array<i32>} : memref<320x128xf32, #tpu.memory_space<vmem>>, vector<16xf32>,
        tpu.vector_store %arg10[%swap3A_584, %swap3A_585], %broadcast_in_dim3A_544 {strides = array<i32>} : memref<320x128xf32, #tpu.memory_space<vmem>>, vector<16xf32>,
        %mul3A_587 = arith.constant 16 : i32
        %mul3A_588 = arith.muli %scan3A_63, %mul3A_587 : i32
        %add3A_589 = arith.constant 8 : i32
        %add3A_590 = arith.addi %mul3A_588, %add3A_589 : i32
        %swap3A_591 = arith.index_cast %add3A_590 : i32 to index
        %swap3A_592 = arith.constant 96 : index
        %swap3A_593 = tpu.vector_load %arg10[%swap3A_591, %swap3A_592] {strides = array<i32>} : memref<320x128xf32, #tpu.memory_space<vmem>>, vector<16xf32>,
        tpu.vector_store %arg10[%swap3A_591, %swap3A_592], %broadcast_in_dim3A_544 {strides = array<i32>} : memref<320x128xf32, #tpu.memory_space<vmem>>, vector<16xf32>,
        %mul3A_594 = arith.constant 16 : i32
        %mul3A_595 = arith.muli %scan3A_63, %mul3A_594 : i32
        %add3A_596 = arith.constant 8 : i32
        %add3A_597 = arith.addi %mul3A_595, %add3A_596 : i32
        %swap3A_598 = arith.index_cast %add3A_597 : i32 to index
        %swap3A_599 = arith.constant 112 : index
        %swap3A_600 = tpu.vector_load %arg10[%swap3A_598, %swap3A_599] {strides = array<i32>} : memref<320x128xf32, #tpu.memory_space<vmem>>, vector<16xf32>,
        tpu.vector_store %arg10[%swap3A_598, %swap3A_599], %broadcast_in_dim3A_544 {strides = array<i32>} : memref<320x128xf32, #tpu.memory_space<vmem>>, vector<16xf32>,
        %slice3A_601 = vector.extract_strided_slice %div3A_72 {offsets = [9], sizes = [1], strides = [1]} : vector<16xf32> to vector<1xf32>
        %squeeze3A_602 = vector.extract %slice3A_601[0] : f32 from vector<1xf32>
        %broadcast_in_dim3A_603 = vector.broadcast %squeeze3A_602 : f32 to vector<16xf32>
        %mul3A_604 = arith.constant 16 : i32
        %mul3A_605 = arith.muli %scan3A_63, %mul3A_604 : i32
        %add3A_606 = arith.constant 9 : i32
        %add3A_607 = arith.addi %mul3A_605, %add3A_606 : i32
        %swap3A_608 = arith.index_cast %add3A_607 : i32 to index
        %swap3A_609 = arith.constant 0 : index
        %swap3A_610 = tpu.vector_load %arg10[%swap3A_608, %swap3A_609] {strides = array<i32>} : memref<320x128xf32, #tpu.memory_space<vmem>>, vector<16xf32>,
        tpu.vector_store %arg10[%swap3A_608, %swap3A_609], %broadcast_in_dim3A_603 {strides = array<i32>} : memref<320x128xf32, #tpu.memory_space<vmem>>, vector<16xf32>,
        %mul3A_611 = arith.constant 16 : i32
        %mul3A_612 = arith.muli %scan3A_63, %mul3A_611 : i32
        %add3A_613 = arith.constant 9 : i32
        %add3A_614 = arith.addi %mul3A_612, %add3A_613 : i32
        %swap3A_615 = arith.index_cast %add3A_614 : i32 to index
        %swap3A_616 = arith.constant 16 : index
        %swap3A_617 = tpu.vector_load %arg10[%swap3A_615, %swap3A_616] {strides = array<i32>} : memref<320x128xf32, #tpu.memory_space<vmem>>, vector<16xf32>,
        tpu.vector_store %arg10[%swap3A_615, %swap3A_616], %broadcast_in_dim3A_603 {strides = array<i32>} : memref<320x128xf32, #tpu.memory_space<vmem>>, vector<16xf32>,
        %mul3A_618 = arith.constant 16 : i32
        %mul3A_619 = arith.muli %scan3A_63, %mul3A_618 : i32
        %add3A_620 = arith.constant 9 : i32
        %add3A_621 = arith.addi %mul3A_619, %add3A_620 : i32
        %swap3A_622 = arith.index_cast %add3A_621 : i32 to index
        %swap3A_623 = arith.constant 32 : index
        %swap3A_624 = tpu.vector_load %arg10[%swap3A_622, %swap3A_623] {strides = array<i32>} : memref<320x128xf32, #tpu.memory_space<vmem>>, vector<16xf32>,
        tpu.vector_store %arg10[%swap3A_622, %swap3A_623], %broadcast_in_dim3A_603 {strides = array<i32>} : memref<320x128xf32, #tpu.memory_space<vmem>>, vector<16xf32>,
        %mul3A_625 = arith.constant 16 : i32
        %mul3A_626 = arith.muli %scan3A_63, %mul3A_625 : i32
        %add3A_627 = arith.constant 9 : i32
        %add3A_628 = arith.addi %mul3A_626, %add3A_627 : i32
        %swap3A_629 = arith.index_cast %add3A_628 : i32 to index
        %swap3A_630 = arith.constant 48 : index
        %swap3A_631 = tpu.vector_load %arg10[%swap3A_629, %swap3A_630] {strides = array<i32>} : memref<320x128xf32, #tpu.memory_space<vmem>>, vector<16xf32>,
        tpu.vector_store %arg10[%swap3A_629, %swap3A_630], %broadcast_in_dim3A_603 {strides = array<i32>} : memref<320x128xf32, #tpu.memory_space<vmem>>, vector<16xf32>,
        %mul3A_632 = arith.constant 16 : i32
        %mul3A_633 = arith.muli %scan3A_63, %mul3A_632 : i32
        %add3A_634 = arith.constant 9 : i32
        %add3A_635 = arith.addi %mul3A_633, %add3A_634 : i32
        %swap3A_636 = arith.index_cast %add3A_635 : i32 to index
        %swap3A_637 = arith.constant 64 : index
        %swap3A_638 = tpu.vector_load %arg10[%swap3A_636, %swap3A_637] {strides = array<i32>} : memref<320x128xf32, #tpu.memory_space<vmem>>, vector<16xf32>,
        tpu.vector_store %arg10[%swap3A_636, %swap3A_637], %broadcast_in_dim3A_603 {strides = array<i32>} : memref<320x128xf32, #tpu.memory_space<vmem>>, vector<16xf32>,
        %mul3A_639 = arith.constant 16 : i32
        %mul3A_640 = arith.muli %scan3A_63, %mul3A_639 : i32
        %add3A_641 = arith.constant 9 : i32
        %add3A_642 = arith.addi %mul3A_640, %add3A_641 : i32
        %swap3A_643 = arith.index_cast %add3A_642 : i32 to index
        %swap3A_644 = arith.constant 80 : index
        %swap3A_645 = tpu.vector_load %arg10[%swap3A_643, %swap3A_644] {strides = array<i32>} : memref<320x128xf32, #tpu.memory_space<vmem>>, vector<16xf32>,
        tpu.vector_store %arg10[%swap3A_643, %swap3A_644], %broadcast_in_dim3A_603 {strides = array<i32>} : memref<320x128xf32, #tpu.memory_space<vmem>>, vector<16xf32>,
        %mul3A_646 = arith.constant 16 : i32
        %mul3A_647 = arith.muli %scan3A_63, %mul3A_646 : i32
        %add3A_648 = arith.constant 9 : i32
        %add3A_649 = arith.addi %mul3A_647, %add3A_648 : i32
        %swap3A_650 = arith.index_cast %add3A_649 : i32 to index
        %swap3A_651 = arith.constant 96 : index
        %swap3A_652 = tpu.vector_load %arg10[%swap3A_650, %swap3A_651] {strides = array<i32>} : memref<320x128xf32, #tpu.memory_space<vmem>>, vector<16xf32>,
        tpu.vector_store %arg10[%swap3A_650, %swap3A_651], %broadcast_in_dim3A_603 {strides = array<i32>} : memref<320x128xf32, #tpu.memory_space<vmem>>, vector<16xf32>,
        %mul3A_653 = arith.constant 16 : i32
        %mul3A_654 = arith.muli %scan3A_63, %mul3A_653 : i32
        %add3A_655 = arith.constant 9 : i32
        %add3A_656 = arith.addi %mul3A_654, %add3A_655 : i32
        %swap3A_657 = arith.index_cast %add3A_656 : i32 to index
        %swap3A_658 = arith.constant 112 : index
        %swap3A_659 = tpu.vector_load %arg10[%swap3A_657, %swap3A_658] {strides = array<i32>} : memref<320x128xf32, #tpu.memory_space<vmem>>, vector<16xf32>,
        tpu.vector_store %arg10[%swap3A_657, %swap3A_658], %broadcast_in_dim3A_603 {strides = array<i32>} : memref<320x128xf32, #tpu.memory_space<vmem>>, vector<16xf32>,
        %slice3A_660 = vector.extract_strided_slice %div3A_72 {offsets = [10], sizes = [1], strides = [1]} : vector<16xf32> to vector<1xf32>
        %squeeze3A_661 = vector.extract %slice3A_660[0] : f32 from vector<1xf32>
        %broadcast_in_dim3A_662 = vector.broadcast %squeeze3A_661 : f32 to vector<16xf32>
        %mul3A_663 = arith.constant 16 : i32
        %mul3A_664 = arith.muli %scan3A_63, %mul3A_663 : i32
        %add3A_665 = arith.constant 10 : i32
        %add3A_666 = arith.addi %mul3A_664, %add3A_665 : i32
        %swap3A_667 = arith.index_cast %add3A_666 : i32 to index
        %swap3A_668 = arith.constant 0 : index
        %swap3A_669 = tpu.vector_load %arg10[%swap3A_667, %swap3A_668] {strides = array<i32>} : memref<320x128xf32, #tpu.memory_space<vmem>>, vector<16xf32>,
        tpu.vector_store %arg10[%swap3A_667, %swap3A_668], %broadcast_in_dim3A_662 {strides = array<i32>} : memref<320x128xf32, #tpu.memory_space<vmem>>, vector<16xf32>,
        %mul3A_670 = arith.constant 16 : i32
        %mul3A_671 = arith.muli %scan3A_63, %mul3A_670 : i32
        %add3A_672 = arith.constant 10 : i32
        %add3A_673 = arith.addi %mul3A_671, %add3A_672 : i32
        %swap3A_674 = arith.index_cast %add3A_673 : i32 to index
        %swap3A_675 = arith.constant 16 : index
        %swap3A_676 = tpu.vector_load %arg10[%swap3A_674, %swap3A_675] {strides = array<i32>} : memref<320x128xf32, #tpu.memory_space<vmem>>, vector<16xf32>,
        tpu.vector_store %arg10[%swap3A_674, %swap3A_675], %broadcast_in_dim3A_662 {strides = array<i32>} : memref<320x128xf32, #tpu.memory_space<vmem>>, vector<16xf32>,
        %mul3A_677 = arith.constant 16 : i32
        %mul3A_678 = arith.muli %scan3A_63, %mul3A_677 : i32
        %add3A_679 = arith.constant 10 : i32
        %add3A_680 = arith.addi %mul3A_678, %add3A_679 : i32
        %swap3A_681 = arith.index_cast %add3A_680 : i32 to index
        %swap3A_682 = arith.constant 32 : index
        %swap3A_683 = tpu.vector_load %arg10[%swap3A_681, %swap3A_682] {strides = array<i32>} : memref<320x128xf32, #tpu.memory_space<vmem>>, vector<16xf32>,
        tpu.vector_store %arg10[%swap3A_681, %swap3A_682], %broadcast_in_dim3A_662 {strides = array<i32>} : memref<320x128xf32, #tpu.memory_space<vmem>>, vector<16xf32>,
        %mul3A_684 = arith.constant 16 : i32
        %mul3A_685 = arith.muli %scan3A_63, %mul3A_684 : i32
        %add3A_686 = arith.constant 10 : i32
        %add3A_687 = arith.addi %mul3A_685, %add3A_686 : i32
        %swap3A_688 = arith.index_cast %add3A_687 : i32 to index
        %swap3A_689 = arith.constant 48 : index
        %swap3A_690 = tpu.vector_load %arg10[%swap3A_688, %swap3A_689] {strides = array<i32>} : memref<320x128xf32, #tpu.memory_space<vmem>>, vector<16xf32>,
        tpu.vector_store %arg10[%swap3A_688, %swap3A_689], %broadcast_in_dim3A_662 {strides = array<i32>} : memref<320x128xf32, #tpu.memory_space<vmem>>, vector<16xf32>,
        %mul3A_691 = arith.constant 16 : i32
        %mul3A_692 = arith.muli %scan3A_63, %mul3A_691 : i32
        %add3A_693 = arith.constant 10 : i32
        %add3A_694 = arith.addi %mul3A_692, %add3A_693 : i32
        %swap3A_695 = arith.index_cast %add3A_694 : i32 to index
        %swap3A_696 = arith.constant 64 : index
        %swap3A_697 = tpu.vector_load %arg10[%swap3A_695, %swap3A_696] {strides = array<i32>} : memref<320x128xf32, #tpu.memory_space<vmem>>, vector<16xf32>,
        tpu.vector_store %arg10[%swap3A_695, %swap3A_696], %broadcast_in_dim3A_662 {strides = array<i32>} : memref<320x128xf32, #tpu.memory_space<vmem>>, vector<16xf32>,
        %mul3A_698 = arith.constant 16 : i32
        %mul3A_699 = arith.muli %scan3A_63, %mul3A_698 : i32
        %add3A_700 = arith.constant 10 : i32
        %add3A_701 = arith.addi %mul3A_699, %add3A_700 : i32
        %swap3A_702 = arith.index_cast %add3A_701 : i32 to index
        %swap3A_703 = arith.constant 80 : index
        %swap3A_704 = tpu.vector_load %arg10[%swap3A_702, %swap3A_703] {strides = array<i32>} : memref<320x128xf32, #tpu.memory_space<vmem>>, vector<16xf32>,
        tpu.vector_store %arg10[%swap3A_702, %swap3A_703], %broadcast_in_dim3A_662 {strides = array<i32>} : memref<320x128xf32, #tpu.memory_space<vmem>>, vector<16xf32>,
        %mul3A_705 = arith.constant 16 : i32
        %mul3A_706 = arith.muli %scan3A_63, %mul3A_705 : i32
        %add3A_707 = arith.constant 10 : i32
        %add3A_708 = arith.addi %mul3A_706, %add3A_707 : i32
        %swap3A_709 = arith.index_cast %add3A_708 : i32 to index
        %swap3A_710 = arith.constant 96 : index
        %swap3A_711 = tpu.vector_load %arg10[%swap3A_709, %swap3A_710] {strides = array<i32>} : memref<320x128xf32, #tpu.memory_space<vmem>>, vector<16xf32>,
        tpu.vector_store %arg10[%swap3A_709, %swap3A_710], %broadcast_in_dim3A_662 {strides = array<i32>} : memref<320x128xf32, #tpu.memory_space<vmem>>, vector<16xf32>,
        %mul3A_712 = arith.constant 16 : i32
        %mul3A_713 = arith.muli %scan3A_63, %mul3A_712 : i32
        %add3A_714 = arith.constant 10 : i32
        %add3A_715 = arith.addi %mul3A_713, %add3A_714 : i32
        %swap3A_716 = arith.index_cast %add3A_715 : i32 to index
        %swap3A_717 = arith.constant 112 : index
        %swap3A_718 = tpu.vector_load %arg10[%swap3A_716, %swap3A_717] {strides = array<i32>} : memref<320x128xf32, #tpu.memory_space<vmem>>, vector<16xf32>,
        tpu.vector_store %arg10[%swap3A_716, %swap3A_717], %broadcast_in_dim3A_662 {strides = array<i32>} : memref<320x128xf32, #tpu.memory_space<vmem>>, vector<16xf32>,
        %slice3A_719 = vector.extract_strided_slice %div3A_72 {offsets = [11], sizes = [1], strides = [1]} : vector<16xf32> to vector<1xf32>
        %squeeze3A_720 = vector.extract %slice3A_719[0] : f32 from vector<1xf32>
        %broadcast_in_dim3A_721 = vector.broadcast %squeeze3A_720 : f32 to vector<16xf32>
        %mul3A_722 = arith.constant 16 : i32
        %mul3A_723 = arith.muli %scan3A_63, %mul3A_722 : i32
        %add3A_724 = arith.constant 11 : i32
        %add3A_725 = arith.addi %mul3A_723, %add3A_724 : i32
        %swap3A_726 = arith.index_cast %add3A_725 : i32 to index
        %swap3A_727 = arith.constant 0 : index
        %swap3A_728 = tpu.vector_load %arg10[%swap3A_726, %swap3A_727] {strides = array<i32>} : memref<320x128xf32, #tpu.memory_space<vmem>>, vector<16xf32>,
        tpu.vector_store %arg10[%swap3A_726, %swap3A_727], %broadcast_in_dim3A_721 {strides = array<i32>} : memref<320x128xf32, #tpu.memory_space<vmem>>, vector<16xf32>,
        %mul3A_729 = arith.constant 16 : i32
        %mul3A_730 = arith.muli %scan3A_63, %mul3A_729 : i32
        %add3A_731 = arith.constant 11 : i32
        %add3A_732 = arith.addi %mul3A_730, %add3A_731 : i32
        %swap3A_733 = arith.index_cast %add3A_732 : i32 to index
        %swap3A_734 = arith.constant 16 : index
        %swap3A_735 = tpu.vector_load %arg10[%swap3A_733, %swap3A_734] {strides = array<i32>} : memref<320x128xf32, #tpu.memory_space<vmem>>, vector<16xf32>,
        tpu.vector_store %arg10[%swap3A_733, %swap3A_734], %broadcast_in_dim3A_721 {strides = array<i32>} : memref<320x128xf32, #tpu.memory_space<vmem>>, vector<16xf32>,
        %mul3A_736 = arith.constant 16 : i32
        %mul3A_737 = arith.muli %scan3A_63, %mul3A_736 : i32
        %add3A_738 = arith.constant 11 : i32
        %add3A_739 = arith.addi %mul3A_737, %add3A_738 : i32
        %swap3A_740 = arith.index_cast %add3A_739 : i32 to index
        %swap3A_741 = arith.constant 32 : index
        %swap3A_742 = tpu.vector_load %arg10[%swap3A_740, %swap3A_741] {strides = array<i32>} : memref<320x128xf32, #tpu.memory_space<vmem>>, vector<16xf32>,
        tpu.vector_store %arg10[%swap3A_740, %swap3A_741], %broadcast_in_dim3A_721 {strides = array<i32>} : memref<320x128xf32, #tpu.memory_space<vmem>>, vector<16xf32>,
        %mul3A_743 = arith.constant 16 : i32
        %mul3A_744 = arith.muli %scan3A_63, %mul3A_743 : i32
        %add3A_745 = arith.constant 11 : i32
        %add3A_746 = arith.addi %mul3A_744, %add3A_745 : i32
        %swap3A_747 = arith.index_cast %add3A_746 : i32 to index
        %swap3A_748 = arith.constant 48 : index
        %swap3A_749 = tpu.vector_load %arg10[%swap3A_747, %swap3A_748] {strides = array<i32>} : memref<320x128xf32, #tpu.memory_space<vmem>>, vector<16xf32>,
        tpu.vector_store %arg10[%swap3A_747, %swap3A_748], %broadcast_in_dim3A_721 {strides = array<i32>} : memref<320x128xf32, #tpu.memory_space<vmem>>, vector<16xf32>,
        %mul3A_750 = arith.constant 16 : i32
        %mul3A_751 = arith.muli %scan3A_63, %mul3A_750 : i32
        %add3A_752 = arith.constant 11 : i32
        %add3A_753 = arith.addi %mul3A_751, %add3A_752 : i32
        %swap3A_754 = arith.index_cast %add3A_753 : i32 to index
        %swap3A_755 = arith.constant 64 : index
        %swap3A_756 = tpu.vector_load %arg10[%swap3A_754, %swap3A_755] {strides = array<i32>} : memref<320x128xf32, #tpu.memory_space<vmem>>, vector<16xf32>,
        tpu.vector_store %arg10[%swap3A_754, %swap3A_755], %broadcast_in_dim3A_721 {strides = array<i32>} : memref<320x128xf32, #tpu.memory_space<vmem>>, vector<16xf32>,
        %mul3A_757 = arith.constant 16 : i32
        %mul3A_758 = arith.muli %scan3A_63, %mul3A_757 : i32
        %add3A_759 = arith.constant 11 : i32
        %add3A_760 = arith.addi %mul3A_758, %add3A_759 : i32
        %swap3A_761 = arith.index_cast %add3A_760 : i32 to index
        %swap3A_762 = arith.constant 80 : index
        %swap3A_763 = tpu.vector_load %arg10[%swap3A_761, %swap3A_762] {strides = array<i32>} : memref<320x128xf32, #tpu.memory_space<vmem>>, vector<16xf32>,
        tpu.vector_store %arg10[%swap3A_761, %swap3A_762], %broadcast_in_dim3A_721 {strides = array<i32>} : memref<320x128xf32, #tpu.memory_space<vmem>>, vector<16xf32>,
        %mul3A_764 = arith.constant 16 : i32
        %mul3A_765 = arith.muli %scan3A_63, %mul3A_764 : i32
        %add3A_766 = arith.constant 11 : i32
        %add3A_767 = arith.addi %mul3A_765, %add3A_766 : i32
        %swap3A_768 = arith.index_cast %add3A_767 : i32 to index
        %swap3A_769 = arith.constant 96 : index
        %swap3A_770 = tpu.vector_load %arg10[%swap3A_768, %swap3A_769] {strides = array<i32>} : memref<320x128xf32, #tpu.memory_space<vmem>>, vector<16xf32>,
        tpu.vector_store %arg10[%swap3A_768, %swap3A_769], %broadcast_in_dim3A_721 {strides = array<i32>} : memref<320x128xf32, #tpu.memory_space<vmem>>, vector<16xf32>,
        %mul3A_771 = arith.constant 16 : i32
        %mul3A_772 = arith.muli %scan3A_63, %mul3A_771 : i32
        %add3A_773 = arith.constant 11 : i32
        %add3A_774 = arith.addi %mul3A_772, %add3A_773 : i32
        %swap3A_775 = arith.index_cast %add3A_774 : i32 to index
        %swap3A_776 = arith.constant 112 : index
        %swap3A_777 = tpu.vector_load %arg10[%swap3A_775, %swap3A_776] {strides = array<i32>} : memref<320x128xf32, #tpu.memory_space<vmem>>, vector<16xf32>,
        tpu.vector_store %arg10[%swap3A_775, %swap3A_776], %broadcast_in_dim3A_721 {strides = array<i32>} : memref<320x128xf32, #tpu.memory_space<vmem>>, vector<16xf32>,
        %slice3A_778 = vector.extract_strided_slice %div3A_72 {offsets = [12], sizes = [1], strides = [1]} : vector<16xf32> to vector<1xf32>
        %squeeze3A_779 = vector.extract %slice3A_778[0] : f32 from vector<1xf32>
        %broadcast_in_dim3A_780 = vector.broadcast %squeeze3A_779 : f32 to vector<16xf32>
        %mul3A_781 = arith.constant 16 : i32
        %mul3A_782 = arith.muli %scan3A_63, %mul3A_781 : i32
        %add3A_783 = arith.constant 12 : i32
        %add3A_784 = arith.addi %mul3A_782, %add3A_783 : i32
        %swap3A_785 = arith.index_cast %add3A_784 : i32 to index
        %swap3A_786 = arith.constant 0 : index
        %swap3A_787 = tpu.vector_load %arg10[%swap3A_785, %swap3A_786] {strides = array<i32>} : memref<320x128xf32, #tpu.memory_space<vmem>>, vector<16xf32>,
        tpu.vector_store %arg10[%swap3A_785, %swap3A_786], %broadcast_in_dim3A_780 {strides = array<i32>} : memref<320x128xf32, #tpu.memory_space<vmem>>, vector<16xf32>,
        %mul3A_788 = arith.constant 16 : i32
        %mul3A_789 = arith.muli %scan3A_63, %mul3A_788 : i32
        %add3A_790 = arith.constant 12 : i32
        %add3A_791 = arith.addi %mul3A_789, %add3A_790 : i32
        %swap3A_792 = arith.index_cast %add3A_791 : i32 to index
        %swap3A_793 = arith.constant 16 : index
        %swap3A_794 = tpu.vector_load %arg10[%swap3A_792, %swap3A_793] {strides = array<i32>} : memref<320x128xf32, #tpu.memory_space<vmem>>, vector<16xf32>,
        tpu.vector_store %arg10[%swap3A_792, %swap3A_793], %broadcast_in_dim3A_780 {strides = array<i32>} : memref<320x128xf32, #tpu.memory_space<vmem>>, vector<16xf32>,
        %mul3A_795 = arith.constant 16 : i32
        %mul3A_796 = arith.muli %scan3A_63, %mul3A_795 : i32
        %add3A_797 = arith.constant 12 : i32
        %add3A_798 = arith.addi %mul3A_796, %add3A_797 : i32
        %swap3A_799 = arith.index_cast %add3A_798 : i32 to index
        %swap3A_800 = arith.constant 32 : index
        %swap3A_801 = tpu.vector_load %arg10[%swap3A_799, %swap3A_800] {strides = array<i32>} : memref<320x128xf32, #tpu.memory_space<vmem>>, vector<16xf32>,
        tpu.vector_store %arg10[%swap3A_799, %swap3A_800], %broadcast_in_dim3A_780 {strides = array<i32>} : memref<320x128xf32, #tpu.memory_space<vmem>>, vector<16xf32>,
        %mul3A_802 = arith.constant 16 : i32
        %mul3A_803 = arith.muli %scan3A_63, %mul3A_802 : i32
        %add3A_804 = arith.constant 12 : i32
        %add3A_805 = arith.addi %mul3A_803, %add3A_804 : i32
        %swap3A_806 = arith.index_cast %add3A_805 : i32 to index
        %swap3A_807 = arith.constant 48 : index
        %swap3A_808 = tpu.vector_load %arg10[%swap3A_806, %swap3A_807] {strides = array<i32>} : memref<320x128xf32, #tpu.memory_space<vmem>>, vector<16xf32>,
        tpu.vector_store %arg10[%swap3A_806, %swap3A_807], %broadcast_in_dim3A_780 {strides = array<i32>} : memref<320x128xf32, #tpu.memory_space<vmem>>, vector<16xf32>,
        %mul3A_809 = arith.constant 16 : i32
        %mul3A_810 = arith.muli %scan3A_63, %mul3A_809 : i32
        %add3A_811 = arith.constant 12 : i32
        %add3A_812 = arith.addi %mul3A_810, %add3A_811 : i32
        %swap3A_813 = arith.index_cast %add3A_812 : i32 to index
        %swap3A_814 = arith.constant 64 : index
        %swap3A_815 = tpu.vector_load %arg10[%swap3A_813, %swap3A_814] {strides = array<i32>} : memref<320x128xf32, #tpu.memory_space<vmem>>, vector<16xf32>,
        tpu.vector_store %arg10[%swap3A_813, %swap3A_814], %broadcast_in_dim3A_780 {strides = array<i32>} : memref<320x128xf32, #tpu.memory_space<vmem>>, vector<16xf32>,
        %mul3A_816 = arith.constant 16 : i32
        %mul3A_817 = arith.muli %scan3A_63, %mul3A_816 : i32
        %add3A_818 = arith.constant 12 : i32
        %add3A_819 = arith.addi %mul3A_817, %add3A_818 : i32
        %swap3A_820 = arith.index_cast %add3A_819 : i32 to index
        %swap3A_821 = arith.constant 80 : index
        %swap3A_822 = tpu.vector_load %arg10[%swap3A_820, %swap3A_821] {strides = array<i32>} : memref<320x128xf32, #tpu.memory_space<vmem>>, vector<16xf32>,
        tpu.vector_store %arg10[%swap3A_820, %swap3A_821], %broadcast_in_dim3A_780 {strides = array<i32>} : memref<320x128xf32, #tpu.memory_space<vmem>>, vector<16xf32>,
        %mul3A_823 = arith.constant 16 : i32
        %mul3A_824 = arith.muli %scan3A_63, %mul3A_823 : i32
        %add3A_825 = arith.constant 12 : i32
        %add3A_826 = arith.addi %mul3A_824, %add3A_825 : i32
        %swap3A_827 = arith.index_cast %add3A_826 : i32 to index
        %swap3A_828 = arith.constant 96 : index
        %swap3A_829 = tpu.vector_load %arg10[%swap3A_827, %swap3A_828] {strides = array<i32>} : memref<320x128xf32, #tpu.memory_space<vmem>>, vector<16xf32>,
        tpu.vector_store %arg10[%swap3A_827, %swap3A_828], %broadcast_in_dim3A_780 {strides = array<i32>} : memref<320x128xf32, #tpu.memory_space<vmem>>, vector<16xf32>,
        %mul3A_830 = arith.constant 16 : i32
        %mul3A_831 = arith.muli %scan3A_63, %mul3A_830 : i32
        %add3A_832 = arith.constant 12 : i32
        %add3A_833 = arith.addi %mul3A_831, %add3A_832 : i32
        %swap3A_834 = arith.index_cast %add3A_833 : i32 to index
        %swap3A_835 = arith.constant 112 : index
        %swap3A_836 = tpu.vector_load %arg10[%swap3A_834, %swap3A_835] {strides = array<i32>} : memref<320x128xf32, #tpu.memory_space<vmem>>, vector<16xf32>,
        tpu.vector_store %arg10[%swap3A_834, %swap3A_835], %broadcast_in_dim3A_780 {strides = array<i32>} : memref<320x128xf32, #tpu.memory_space<vmem>>, vector<16xf32>,
        %slice3A_837 = vector.extract_strided_slice %div3A_72 {offsets = [13], sizes = [1], strides = [1]} : vector<16xf32> to vector<1xf32>
        %squeeze3A_838 = vector.extract %slice3A_837[0] : f32 from vector<1xf32>
        %broadcast_in_dim3A_839 = vector.broadcast %squeeze3A_838 : f32 to vector<16xf32>
        %mul3A_840 = arith.constant 16 : i32
        %mul3A_841 = arith.muli %scan3A_63, %mul3A_840 : i32
        %add3A_842 = arith.constant 13 : i32
        %add3A_843 = arith.addi %mul3A_841, %add3A_842 : i32
        %swap3A_844 = arith.index_cast %add3A_843 : i32 to index
        %swap3A_845 = arith.constant 0 : index
        %swap3A_846 = tpu.vector_load %arg10[%swap3A_844, %swap3A_845] {strides = array<i32>} : memref<320x128xf32, #tpu.memory_space<vmem>>, vector<16xf32>,
        tpu.vector_store %arg10[%swap3A_844, %swap3A_845], %broadcast_in_dim3A_839 {strides = array<i32>} : memref<320x128xf32, #tpu.memory_space<vmem>>, vector<16xf32>,
        %mul3A_847 = arith.constant 16 : i32
        %mul3A_848 = arith.muli %scan3A_63, %mul3A_847 : i32
        %add3A_849 = arith.constant 13 : i32
        %add3A_850 = arith.addi %mul3A_848, %add3A_849 : i32
        %swap3A_851 = arith.index_cast %add3A_850 : i32 to index
        %swap3A_852 = arith.constant 16 : index
        %swap3A_853 = tpu.vector_load %arg10[%swap3A_851, %swap3A_852] {strides = array<i32>} : memref<320x128xf32, #tpu.memory_space<vmem>>, vector<16xf32>,
        tpu.vector_store %arg10[%swap3A_851, %swap3A_852], %broadcast_in_dim3A_839 {strides = array<i32>} : memref<320x128xf32, #tpu.memory_space<vmem>>, vector<16xf32>,
        %mul3A_854 = arith.constant 16 : i32
        %mul3A_855 = arith.muli %scan3A_63, %mul3A_854 : i32
        %add3A_856 = arith.constant 13 : i32
        %add3A_857 = arith.addi %mul3A_855, %add3A_856 : i32
        %swap3A_858 = arith.index_cast %add3A_857 : i32 to index
        %swap3A_859 = arith.constant 32 : index
        %swap3A_860 = tpu.vector_load %arg10[%swap3A_858, %swap3A_859] {strides = array<i32>} : memref<320x128xf32, #tpu.memory_space<vmem>>, vector<16xf32>,
        tpu.vector_store %arg10[%swap3A_858, %swap3A_859], %broadcast_in_dim3A_839 {strides = array<i32>} : memref<320x128xf32, #tpu.memory_space<vmem>>, vector<16xf32>,
        %mul3A_861 = arith.constant 16 : i32
        %mul3A_862 = arith.muli %scan3A_63, %mul3A_861 : i32
        %add3A_863 = arith.constant 13 : i32
        %add3A_864 = arith.addi %mul3A_862, %add3A_863 : i32
        %swap3A_865 = arith.index_cast %add3A_864 : i32 to index
        %swap3A_866 = arith.constant 48 : index
        %swap3A_867 = tpu.vector_load %arg10[%swap3A_865, %swap3A_866] {strides = array<i32>} : memref<320x128xf32, #tpu.memory_space<vmem>>, vector<16xf32>,
        tpu.vector_store %arg10[%swap3A_865, %swap3A_866], %broadcast_in_dim3A_839 {strides = array<i32>} : memref<320x128xf32, #tpu.memory_space<vmem>>, vector<16xf32>,
        %mul3A_868 = arith.constant 16 : i32
        %mul3A_869 = arith.muli %scan3A_63, %mul3A_868 : i32
        %add3A_870 = arith.constant 13 : i32
        %add3A_871 = arith.addi %mul3A_869, %add3A_870 : i32
        %swap3A_872 = arith.index_cast %add3A_871 : i32 to index
        %swap3A_873 = arith.constant 64 : index
        %swap3A_874 = tpu.vector_load %arg10[%swap3A_872, %swap3A_873] {strides = array<i32>} : memref<320x128xf32, #tpu.memory_space<vmem>>, vector<16xf32>,
        tpu.vector_store %arg10[%swap3A_872, %swap3A_873], %broadcast_in_dim3A_839 {strides = array<i32>} : memref<320x128xf32, #tpu.memory_space<vmem>>, vector<16xf32>,
        %mul3A_875 = arith.constant 16 : i32
        %mul3A_876 = arith.muli %scan3A_63, %mul3A_875 : i32
        %add3A_877 = arith.constant 13 : i32
        %add3A_878 = arith.addi %mul3A_876, %add3A_877 : i32
        %swap3A_879 = arith.index_cast %add3A_878 : i32 to index
        %swap3A_880 = arith.constant 80 : index
        %swap3A_881 = tpu.vector_load %arg10[%swap3A_879, %swap3A_880] {strides = array<i32>} : memref<320x128xf32, #tpu.memory_space<vmem>>, vector<16xf32>,
        tpu.vector_store %arg10[%swap3A_879, %swap3A_880], %broadcast_in_dim3A_839 {strides = array<i32>} : memref<320x128xf32, #tpu.memory_space<vmem>>, vector<16xf32>,
        %mul3A_882 = arith.constant 16 : i32
        %mul3A_883 = arith.muli %scan3A_63, %mul3A_882 : i32
        %add3A_884 = arith.constant 13 : i32
        %add3A_885 = arith.addi %mul3A_883, %add3A_884 : i32
        %swap3A_886 = arith.index_cast %add3A_885 : i32 to index
        %swap3A_887 = arith.constant 96 : index
        %swap3A_888 = tpu.vector_load %arg10[%swap3A_886, %swap3A_887] {strides = array<i32>} : memref<320x128xf32, #tpu.memory_space<vmem>>, vector<16xf32>,
        tpu.vector_store %arg10[%swap3A_886, %swap3A_887], %broadcast_in_dim3A_839 {strides = array<i32>} : memref<320x128xf32, #tpu.memory_space<vmem>>, vector<16xf32>,
        %mul3A_889 = arith.constant 16 : i32
        %mul3A_890 = arith.muli %scan3A_63, %mul3A_889 : i32
        %add3A_891 = arith.constant 13 : i32
        %add3A_892 = arith.addi %mul3A_890, %add3A_891 : i32
        %swap3A_893 = arith.index_cast %add3A_892 : i32 to index
        %swap3A_894 = arith.constant 112 : index
        %swap3A_895 = tpu.vector_load %arg10[%swap3A_893, %swap3A_894] {strides = array<i32>} : memref<320x128xf32, #tpu.memory_space<vmem>>, vector<16xf32>,
        tpu.vector_store %arg10[%swap3A_893, %swap3A_894], %broadcast_in_dim3A_839 {strides = array<i32>} : memref<320x128xf32, #tpu.memory_space<vmem>>, vector<16xf32>,
        %slice3A_896 = vector.extract_strided_slice %div3A_72 {offsets = [14], sizes = [1], strides = [1]} : vector<16xf32> to vector<1xf32>
        %squeeze3A_897 = vector.extract %slice3A_896[0] : f32 from vector<1xf32>
        %broadcast_in_dim3A_898 = vector.broadcast %squeeze3A_897 : f32 to vector<16xf32>
        %mul3A_899 = arith.constant 16 : i32
        %mul3A_900 = arith.muli %scan3A_63, %mul3A_899 : i32
        %add3A_901 = arith.constant 14 : i32
        %add3A_902 = arith.addi %mul3A_900, %add3A_901 : i32
        %swap3A_903 = arith.index_cast %add3A_902 : i32 to index
        %swap3A_904 = arith.constant 0 : index
        %swap3A_905 = tpu.vector_load %arg10[%swap3A_903, %swap3A_904] {strides = array<i32>} : memref<320x128xf32, #tpu.memory_space<vmem>>, vector<16xf32>,
        tpu.vector_store %arg10[%swap3A_903, %swap3A_904], %broadcast_in_dim3A_898 {strides = array<i32>} : memref<320x128xf32, #tpu.memory_space<vmem>>, vector<16xf32>,
        %mul3A_906 = arith.constant 16 : i32
        %mul3A_907 = arith.muli %scan3A_63, %mul3A_906 : i32
        %add3A_908 = arith.constant 14 : i32
        %add3A_909 = arith.addi %mul3A_907, %add3A_908 : i32
        %swap3A_910 = arith.index_cast %add3A_909 : i32 to index
        %swap3A_911 = arith.constant 16 : index
        %swap3A_912 = tpu.vector_load %arg10[%swap3A_910, %swap3A_911] {strides = array<i32>} : memref<320x128xf32, #tpu.memory_space<vmem>>, vector<16xf32>,
        tpu.vector_store %arg10[%swap3A_910, %swap3A_911], %broadcast_in_dim3A_898 {strides = array<i32>} : memref<320x128xf32, #tpu.memory_space<vmem>>, vector<16xf32>,
        %mul3A_913 = arith.constant 16 : i32
        %mul3A_914 = arith.muli %scan3A_63, %mul3A_913 : i32
        %add3A_915 = arith.constant 14 : i32
        %add3A_916 = arith.addi %mul3A_914, %add3A_915 : i32
        %swap3A_917 = arith.index_cast %add3A_916 : i32 to index
        %swap3A_918 = arith.constant 32 : index
        %swap3A_919 = tpu.vector_load %arg10[%swap3A_917, %swap3A_918] {strides = array<i32>} : memref<320x128xf32, #tpu.memory_space<vmem>>, vector<16xf32>,
        tpu.vector_store %arg10[%swap3A_917, %swap3A_918], %broadcast_in_dim3A_898 {strides = array<i32>} : memref<320x128xf32, #tpu.memory_space<vmem>>, vector<16xf32>,
        %mul3A_920 = arith.constant 16 : i32
        %mul3A_921 = arith.muli %scan3A_63, %mul3A_920 : i32
        %add3A_922 = arith.constant 14 : i32
        %add3A_923 = arith.addi %mul3A_921, %add3A_922 : i32
        %swap3A_924 = arith.index_cast %add3A_923 : i32 to index
        %swap3A_925 = arith.constant 48 : index
        %swap3A_926 = tpu.vector_load %arg10[%swap3A_924, %swap3A_925] {strides = array<i32>} : memref<320x128xf32, #tpu.memory_space<vmem>>, vector<16xf32>,
        tpu.vector_store %arg10[%swap3A_924, %swap3A_925], %broadcast_in_dim3A_898 {strides = array<i32>} : memref<320x128xf32, #tpu.memory_space<vmem>>, vector<16xf32>,
        %mul3A_927 = arith.constant 16 : i32
        %mul3A_928 = arith.muli %scan3A_63, %mul3A_927 : i32
        %add3A_929 = arith.constant 14 : i32
        %add3A_930 = arith.addi %mul3A_928, %add3A_929 : i32
        %swap3A_931 = arith.index_cast %add3A_930 : i32 to index
        %swap3A_932 = arith.constant 64 : index
        %swap3A_933 = tpu.vector_load %arg10[%swap3A_931, %swap3A_932] {strides = array<i32>} : memref<320x128xf32, #tpu.memory_space<vmem>>, vector<16xf32>,
        tpu.vector_store %arg10[%swap3A_931, %swap3A_932], %broadcast_in_dim3A_898 {strides = array<i32>} : memref<320x128xf32, #tpu.memory_space<vmem>>, vector<16xf32>,
        %mul3A_934 = arith.constant 16 : i32
        %mul3A_935 = arith.muli %scan3A_63, %mul3A_934 : i32
        %add3A_936 = arith.constant 14 : i32
        %add3A_937 = arith.addi %mul3A_935, %add3A_936 : i32
        %swap3A_938 = arith.index_cast %add3A_937 : i32 to index
        %swap3A_939 = arith.constant 80 : index
        %swap3A_940 = tpu.vector_load %arg10[%swap3A_938, %swap3A_939] {strides = array<i32>} : memref<320x128xf32, #tpu.memory_space<vmem>>, vector<16xf32>,
        tpu.vector_store %arg10[%swap3A_938, %swap3A_939], %broadcast_in_dim3A_898 {strides = array<i32>} : memref<320x128xf32, #tpu.memory_space<vmem>>, vector<16xf32>,
        %mul3A_941 = arith.constant 16 : i32
        %mul3A_942 = arith.muli %scan3A_63, %mul3A_941 : i32
        %add3A_943 = arith.constant 14 : i32
        %add3A_944 = arith.addi %mul3A_942, %add3A_943 : i32
        %swap3A_945 = arith.index_cast %add3A_944 : i32 to index
        %swap3A_946 = arith.constant 96 : index
        %swap3A_947 = tpu.vector_load %arg10[%swap3A_945, %swap3A_946] {strides = array<i32>} : memref<320x128xf32, #tpu.memory_space<vmem>>, vector<16xf32>,
        tpu.vector_store %arg10[%swap3A_945, %swap3A_946], %broadcast_in_dim3A_898 {strides = array<i32>} : memref<320x128xf32, #tpu.memory_space<vmem>>, vector<16xf32>,
        %mul3A_948 = arith.constant 16 : i32
        %mul3A_949 = arith.muli %scan3A_63, %mul3A_948 : i32
        %add3A_950 = arith.constant 14 : i32
        %add3A_951 = arith.addi %mul3A_949, %add3A_950 : i32
        %swap3A_952 = arith.index_cast %add3A_951 : i32 to index
        %swap3A_953 = arith.constant 112 : index
        %swap3A_954 = tpu.vector_load %arg10[%swap3A_952, %swap3A_953] {strides = array<i32>} : memref<320x128xf32, #tpu.memory_space<vmem>>, vector<16xf32>,
        tpu.vector_store %arg10[%swap3A_952, %swap3A_953], %broadcast_in_dim3A_898 {strides = array<i32>} : memref<320x128xf32, #tpu.memory_space<vmem>>, vector<16xf32>,
        %slice3A_955 = vector.extract_strided_slice %div3A_72 {offsets = [15], sizes = [1], strides = [1]} : vector<16xf32> to vector<1xf32>
        %squeeze3A_956 = vector.extract %slice3A_955[0] : f32 from vector<1xf32>
        %broadcast_in_dim3A_957 = vector.broadcast %squeeze3A_956 : f32 to vector<16xf32>
        %mul3A_958 = arith.constant 16 : i32
        %mul3A_959 = arith.muli %scan3A_63, %mul3A_958 : i32
        %add3A_960 = arith.constant 15 : i32
        %add3A_961 = arith.addi %mul3A_959, %add3A_960 : i32
        %swap3A_962 = arith.index_cast %add3A_961 : i32 to index
        %swap3A_963 = arith.constant 0 : index
        %swap3A_964 = tpu.vector_load %arg10[%swap3A_962, %swap3A_963] {strides = array<i32>} : memref<320x128xf32, #tpu.memory_space<vmem>>, vector<16xf32>,
        tpu.vector_store %arg10[%swap3A_962, %swap3A_963], %broadcast_in_dim3A_957 {strides = array<i32>} : memref<320x128xf32, #tpu.memory_space<vmem>>, vector<16xf32>,
        %mul3A_965 = arith.constant 16 : i32
        %mul3A_966 = arith.muli %scan3A_63, %mul3A_965 : i32
        %add3A_967 = arith.constant 15 : i32
        %add3A_968 = arith.addi %mul3A_966, %add3A_967 : i32
        %swap3A_969 = arith.index_cast %add3A_968 : i32 to index
        %swap3A_970 = arith.constant 16 : index
        %swap3A_971 = tpu.vector_load %arg10[%swap3A_969, %swap3A_970] {strides = array<i32>} : memref<320x128xf32, #tpu.memory_space<vmem>>, vector<16xf32>,
        tpu.vector_store %arg10[%swap3A_969, %swap3A_970], %broadcast_in_dim3A_957 {strides = array<i32>} : memref<320x128xf32, #tpu.memory_space<vmem>>, vector<16xf32>,
        %mul3A_972 = arith.constant 16 : i32
        %mul3A_973 = arith.muli %scan3A_63, %mul3A_972 : i32
        %add3A_974 = arith.constant 15 : i32
        %add3A_975 = arith.addi %mul3A_973, %add3A_974 : i32
        %swap3A_976 = arith.index_cast %add3A_975 : i32 to index
        %swap3A_977 = arith.constant 32 : index
        %swap3A_978 = tpu.vector_load %arg10[%swap3A_976, %swap3A_977] {strides = array<i32>} : memref<320x128xf32, #tpu.memory_space<vmem>>, vector<16xf32>,
        tpu.vector_store %arg10[%swap3A_976, %swap3A_977], %broadcast_in_dim3A_957 {strides = array<i32>} : memref<320x128xf32, #tpu.memory_space<vmem>>, vector<16xf32>,
        %mul3A_979 = arith.constant 16 : i32
        %mul3A_980 = arith.muli %scan3A_63, %mul3A_979 : i32
        %add3A_981 = arith.constant 15 : i32
        %add3A_982 = arith.addi %mul3A_980, %add3A_981 : i32
        %swap3A_983 = arith.index_cast %add3A_982 : i32 to index
        %swap3A_984 = arith.constant 48 : index
        %swap3A_985 = tpu.vector_load %arg10[%swap3A_983, %swap3A_984] {strides = array<i32>} : memref<320x128xf32, #tpu.memory_space<vmem>>, vector<16xf32>,
        tpu.vector_store %arg10[%swap3A_983, %swap3A_984], %broadcast_in_dim3A_957 {strides = array<i32>} : memref<320x128xf32, #tpu.memory_space<vmem>>, vector<16xf32>,
        %mul3A_986 = arith.constant 16 : i32
        %mul3A_987 = arith.muli %scan3A_63, %mul3A_986 : i32
        %add3A_988 = arith.constant 15 : i32
        %add3A_989 = arith.addi %mul3A_987, %add3A_988 : i32
        %swap3A_990 = arith.index_cast %add3A_989 : i32 to index
        %swap3A_991 = arith.constant 64 : index
        %swap3A_992 = tpu.vector_load %arg10[%swap3A_990, %swap3A_991] {strides = array<i32>} : memref<320x128xf32, #tpu.memory_space<vmem>>, vector<16xf32>,
        tpu.vector_store %arg10[%swap3A_990, %swap3A_991], %broadcast_in_dim3A_957 {strides = array<i32>} : memref<320x128xf32, #tpu.memory_space<vmem>>, vector<16xf32>,
        %mul3A_993 = arith.constant 16 : i32
        %mul3A_994 = arith.muli %scan3A_63, %mul3A_993 : i32
        %add3A_995 = arith.constant 15 : i32
        %add3A_996 = arith.addi %mul3A_994, %add3A_995 : i32
        %swap3A_997 = arith.index_cast %add3A_996 : i32 to index
        %swap3A_998 = arith.constant 80 : index
        %swap3A_999 = tpu.vector_load %arg10[%swap3A_997, %swap3A_998] {strides = array<i32>} : memref<320x128xf32, #tpu.memory_space<vmem>>, vector<16xf32>,
        tpu.vector_store %arg10[%swap3A_997, %swap3A_998], %broadcast_in_dim3A_957 {strides = array<i32>} : memref<320x128xf32, #tpu.memory_space<vmem>>, vector<16xf32>,
        %mul3A_1000 = arith.constant 16 : i32
        %mul3A_1001 = arith.muli %scan3A_63, %mul3A_1000 : i32
        %add3A_1002 = arith.constant 15 : i32
        %add3A_1003 = arith.addi %mul3A_1001, %add3A_1002 : i32
        %swap3A_1004 = arith.index_cast %add3A_1003 : i32 to index
        %swap3A_1005 = arith.constant 96 : index
        %swap3A_1006 = tpu.vector_load %arg10[%swap3A_1004, %swap3A_1005] {strides = array<i32>} : memref<320x128xf32, #tpu.memory_space<vmem>>, vector<16xf32>,
        tpu.vector_store %arg10[%swap3A_1004, %swap3A_1005], %broadcast_in_dim3A_957 {strides = array<i32>} : memref<320x128xf32, #tpu.memory_space<vmem>>, vector<16xf32>,
        %mul3A_1007 = arith.constant 16 : i32
        %mul3A_1008 = arith.muli %scan3A_63, %mul3A_1007 : i32
        %add3A_1009 = arith.constant 15 : i32
        %add3A_1010 = arith.addi %mul3A_1008, %add3A_1009 : i32
        %swap3A_1011 = arith.index_cast %add3A_1010 : i32 to index
        %swap3A_1012 = arith.constant 112 : index
        %swap3A_1013 = tpu.vector_load %arg10[%swap3A_1011, %swap3A_1012] {strides = array<i32>} : memref<320x128xf32, #tpu.memory_space<vmem>>, vector<16xf32>,
        tpu.vector_store %arg10[%swap3A_1011, %swap3A_1012], %broadcast_in_dim3A_957 {strides = array<i32>} : memref<320x128xf32, #tpu.memory_space<vmem>>, vector<16xf32>,
      }
      %scan3A_60 = arith.constant 20 : i32
      %add3A_61 = arith.constant 320 : i32
      %add3A_62 = arith.addi %mul3A_8, %add3A_61 : i32
      "tpu.region"() ({
        %run_scoped3A_63 = tpu.sem_alloc : memref<!tpu.dma_semaphore, #tpu.memory_space<semaphore_mem>>
        %dma_start3A = arith.constant 0 : i32
        %dma_start3A_64 = tpu.memref_slice %arg4[%add3A_62, %dma_start3A] : memref<10240x128xf32, #tpu.memory_space<hbm>> -> memref<320x128xf32, #tpu.memory_space<hbm>>
        %dma_start3A_65 = arith.constant 0 : i32
        %dma_start3A_66 = tpu.memref_slice %arg4[%add3A_62, %dma_start3A_65] : memref<10240x128xf32, #tpu.memory_space<hbm>> -> memref<320x128xf32, #tpu.memory_space<hbm>>
        tpu.enqueue_dma source(%arg10 : memref<320x128xf32, #tpu.memory_space<vmem>>) target(%dma_start3A_66 : memref<320x128xf32, #tpu.memory_space<hbm>>) target_semaphore(%run_scoped3A_63 : memref<!tpu.dma_semaphore, #tpu.memory_space<semaphore_mem>>)
        %dma_wait3A = arith.constant 0 : i32
        %dma_wait3A_67 = tpu.memref_slice %arg4[%add3A_62, %dma_wait3A] : memref<10240x128xf32, #tpu.memory_space<hbm>> -> memref<320x128xf32, #tpu.memory_space<hbm>>
        %dma_wait3A_68 = arith.constant 0 : i32
        %dma_wait3A_69 = tpu.memref_slice %arg4[%add3A_62, %dma_wait3A_68] : memref<10240x128xf32, #tpu.memory_space<hbm>> -> memref<320x128xf32, #tpu.memory_space<hbm>>
        tpu.wait_dma2 semaphore(%run_scoped3A_63 : memref<!tpu.dma_semaphore, #tpu.memory_space<semaphore_mem>>) src(%arg10 : memref<320x128xf32, #tpu.memory_space<vmem>>) dst(%dma_wait3A_69 : memref<320x128xf32, #tpu.memory_space<hbm>>)
        tpu.yield
      }) : () -> ()
    } else {
    }
    return
  }
}

module attributes {stable_mosaic.version = 14 : i64} {
  func.func @_tc_layer_body(%arg0: i32, %arg1: memref<1000x128xf32, #tpu.memory_space<vmem>>, %arg2: memref<2x1000x128xf32, #tpu.memory_space<vmem>>, %arg3: memref<1000x128xf32, #tpu.memory_space<vmem>>, %arg4: memref<128x128xf32, #tpu.memory_space<vmem>>, %arg5: memref<128x128xf32, #tpu.memory_space<vmem>>, %arg6: memref<1x128xf32, #tpu.memory_space<vmem>>, %arg7: memref<1000x128xf32, #tpu.memory_space<vmem>>) attributes {dimension_semantics = [#tpu.dimension_semantics<arbitrary>], iteration_bounds = array<i64: 10>, scalar_prefetch = 0 : i64, scratch_operands = 0 : i64, tpu.core_type = #tpu.core_type<tc>, window_params = [{transform_indices = @transform_0, window_bounds = array<i64: 1000, 128>}, {transform_indices = @transform_1, window_bounds = array<i64: 2, 1000, 128>}, {transform_indices = @transform_2, window_bounds = array<i64: 1000, 128>}, {pipeline_mode = #tpu.pipeline_mode<synchronous>, transform_indices = @transform_3, window_bounds = array<i64: 128, 128>}, {pipeline_mode = #tpu.pipeline_mode<synchronous>, transform_indices = @transform_4, window_bounds = array<i64: 128, 128>}, {pipeline_mode = #tpu.pipeline_mode<synchronous>, transform_indices = @transform_5, window_bounds = array<i64: 1, 128>}, {transform_indices = @transform_6, window_bounds = array<i64: 1000, 128>}]} {
    %get3A = arith.constant 0 : index
    %get3A_0 = arith.constant 0 : index
    %get3A_1 = arith.constant 0 : index
    %get3A_2 = vector.load %arg2[%get3A, %get3A_0, %get3A_1] : memref<2x1000x128xf32, #tpu.memory_space<vmem>>, vector<1x1000x128xf32>
    %get3A_3 = vector.shape_cast %get3A_2 : vector<1x1000x128xf32> to vector<1000x128xf32>
    %get3A_4 = arith.constant 1 : index
    %get3A_5 = arith.constant 0 : index
    %get3A_6 = arith.constant 0 : index
    %get3A_7 = vector.load %arg2[%get3A_4, %get3A_5, %get3A_6] : memref<2x1000x128xf32, #tpu.memory_space<vmem>>, vector<1x1000x128xf32>
    %get3A_8 = vector.shape_cast %get3A_7 : vector<1x1000x128xf32> to vector<1000x128xf32>
    %add3A = arith.addf %get3A_3, %get3A_8 : vector<1000x128xf32>
    %get3A_9 = arith.constant 0 : index
    %get3A_10 = arith.constant 0 : index
    %get3A_11 = vector.load %arg3[%get3A_9, %get3A_10] : memref<1000x128xf32, #tpu.memory_space<vmem>>, vector<1000x128xf32>
    %mul3A = arith.mulf %add3A, %get3A_11 : vector<1000x128xf32>
    %get3A_12 = arith.constant 0 : index
    %get3A_13 = arith.constant 0 : index
    %get3A_14 = vector.load %arg1[%get3A_12, %get3A_13] : memref<1000x128xf32, #tpu.memory_space<vmem>>, vector<1000x128xf32>
    %get3A_15 = arith.constant 0 : index
    %get3A_16 = arith.constant 0 : index
    %get3A_17 = vector.load %arg4[%get3A_15, %get3A_16] : memref<128x128xf32, #tpu.memory_space<vmem>>, vector<128x128xf32>
    %dot_general3A = arith.constant dense<0.000000e+00> : vector<1000x128xf32>
    %dot_general3A_18 = tpu.matmul %get3A_14, %get3A_17, %dot_general3A {dimension_numbers = #tpu.dot_dimension_numbers<[1], [0], [0], [1], [0, 0, 1, 1], [], []>, transpose_lhs_hint = false} : vector<1000x128xf32>, vector<128x128xf32>, vector<1000x128xf32> -> vector<1000x128xf32>
    %get3A_19 = arith.constant 0 : index
    %get3A_20 = arith.constant 0 : index
    %get3A_21 = vector.load %arg5[%get3A_19, %get3A_20] : memref<128x128xf32, #tpu.memory_space<vmem>>, vector<128x128xf32>
    %dot_general3A_22 = arith.constant dense<0.000000e+00> : vector<1000x128xf32>
    %dot_general3A_23 = tpu.matmul %mul3A, %get3A_21, %dot_general3A_22 {dimension_numbers = #tpu.dot_dimension_numbers<[1], [0], [0], [1], [0, 0, 1, 1], [], []>, transpose_lhs_hint = false} : vector<1000x128xf32>, vector<128x128xf32>, vector<1000x128xf32> -> vector<1000x128xf32>
    %add3A_24 = arith.addf %dot_general3A_18, %dot_general3A_23 : vector<1000x128xf32>
    %get3A_25 = arith.constant 0 : index
    %get3A_26 = arith.constant 0 : index
    %get3A_27 = vector.load %arg6[%get3A_25, %get3A_26] : memref<1x128xf32, #tpu.memory_space<vmem>>, vector<1x128xf32>
    %add3A_28 = vector.broadcast %get3A_27 : vector<1x128xf32> to vector<1000x128xf32>
    %add3A_29 = arith.addf %add3A_24, %add3A_28 : vector<1000x128xf32>
    %max3A = arith.constant 0.000000e+00 : f32
    %max3A_30 = vector.broadcast %max3A : f32 to vector<1000x128xf32>
    %max3A_31 = arith.maximumf %add3A_29, %max3A_30 : vector<1000x128xf32>
    %swap3A = arith.constant 0 : index
    %swap3A_32 = arith.constant 0 : index
    %swap3A_33 = vector.load %arg7[%swap3A, %swap3A_32] : memref<1000x128xf32, #tpu.memory_space<vmem>>, vector<1000x128xf32>
    tpu.vector_store %arg7[%swap3A, %swap3A_32], %max3A_31 {strides = array<i32>} : memref<1000x128xf32, #tpu.memory_space<vmem>>, vector<1000x128xf32>,
    return
  }
  func.func @transform_0(%arg0: i32) -> (i32, i32) {
    %c0_i32 = arith.constant 0 : i32
    %c0_i32_0 = arith.constant 0 : i32
    return %arg0, %c0_i32 : i32, i32
  }
  func.func @transform_1(%arg0: i32) -> (i32, i32, i32) {
    %c0_i32 = arith.constant 0 : i32
    %c0_i32_0 = arith.constant 0 : i32
    %c0_i32_1 = arith.constant 0 : i32
    return %c0_i32, %arg0, %c0_i32_0 : i32, i32, i32
  }
  func.func @transform_2(%arg0: i32) -> (i32, i32) {
    %c0_i32 = arith.constant 0 : i32
    %c0_i32_0 = arith.constant 0 : i32
    return %arg0, %c0_i32 : i32, i32
  }
  func.func @transform_3(%arg0: i32) -> (i32, i32) {
    %c0_i32 = arith.constant 0 : i32
    %c0_i32_0 = arith.constant 0 : i32
    %c0_i32_1 = arith.constant 0 : i32
    return %c0_i32, %c0_i32_0 : i32, i32
  }
  func.func @transform_4(%arg0: i32) -> (i32, i32) {
    %c0_i32 = arith.constant 0 : i32
    %c0_i32_0 = arith.constant 0 : i32
    %c0_i32_1 = arith.constant 0 : i32
    return %c0_i32, %c0_i32_0 : i32, i32
  }
  func.func @transform_5(%arg0: i32) -> (i32, i32) {
    %c0_i32 = arith.constant 0 : i32
    %c0_i32_0 = arith.constant 0 : i32
    %c0_i32_1 = arith.constant 0 : i32
    return %c0_i32, %c0_i32_0 : i32, i32
  }
  func.func @transform_6(%arg0: i32) -> (i32, i32) {
    %c0_i32 = arith.constant 0 : i32
    %c0_i32_0 = arith.constant 0 : i32
    return %arg0, %c0_i32 : i32, i32
  }
}

module attributes {stable_mosaic.version = 14 : i64} {
  func.func @_tc_layer_body(%arg0: i32, %arg1: memref<1000x128xf32, #tpu.memory_space<vmem>>, %arg2: memref<2x1000x128xf32, #tpu.memory_space<vmem>>, %arg3: memref<1000x128xf32, #tpu.memory_space<vmem>>, %arg4: memref<128x128xf32, #tpu.memory_space<vmem>>, %arg5: memref<128x128xf32, #tpu.memory_space<vmem>>, %arg6: memref<1x128xf32, #tpu.memory_space<vmem>>, %arg7: memref<1000x128xf32, #tpu.memory_space<vmem>>) attributes {dimension_semantics = [#tpu.dimension_semantics<arbitrary>], iteration_bounds = array<i64: 10>, scalar_prefetch = 0 : i64, scratch_operands = 0 : i64, tpu.core_type = #tpu.core_type<tc>, window_params = [{transform_indices = @transform_0, window_bounds = array<i64: 1000, 128>}, {transform_indices = @transform_1, window_bounds = array<i64: 2, 1000, 128>}, {transform_indices = @transform_2, window_bounds = array<i64: 1000, 128>}, {pipeline_mode = #tpu.pipeline_mode<synchronous>, transform_indices = @transform_3, window_bounds = array<i64: 128, 128>}, {pipeline_mode = #tpu.pipeline_mode<synchronous>, transform_indices = @transform_4, window_bounds = array<i64: 128, 128>}, {pipeline_mode = #tpu.pipeline_mode<synchronous>, transform_indices = @transform_5, window_bounds = array<i64: 1, 128>}, {transform_indices = @transform_6, window_bounds = array<i64: 1000, 128>}]} {
    %get3A = arith.constant 0 : index
    %get3A_0 = arith.constant 0 : index
    %get3A_1 = arith.constant 0 : index
    %get3A_2 = vector.load %arg2[%get3A, %get3A_0, %get3A_1] : memref<2x1000x128xf32, #tpu.memory_space<vmem>>, vector<1x1000x128xf32>
    %get3A_3 = vector.shape_cast %get3A_2 : vector<1x1000x128xf32> to vector<1000x128xf32>
    %get3A_4 = arith.constant 1 : index
    %get3A_5 = arith.constant 0 : index
    %get3A_6 = arith.constant 0 : index
    %get3A_7 = vector.load %arg2[%get3A_4, %get3A_5, %get3A_6] : memref<2x1000x128xf32, #tpu.memory_space<vmem>>, vector<1x1000x128xf32>
    %get3A_8 = vector.shape_cast %get3A_7 : vector<1x1000x128xf32> to vector<1000x128xf32>
    %add3A = arith.addf %get3A_3, %get3A_8 : vector<1000x128xf32>
    %get3A_9 = arith.constant 0 : index
    %get3A_10 = arith.constant 0 : index
    %get3A_11 = vector.load %arg3[%get3A_9, %get3A_10] : memref<1000x128xf32, #tpu.memory_space<vmem>>, vector<1000x128xf32>
    %mul3A = arith.mulf %add3A, %get3A_11 : vector<1000x128xf32>
    %get3A_12 = arith.constant 0 : index
    %get3A_13 = arith.constant 0 : index
    %get3A_14 = vector.load %arg1[%get3A_12, %get3A_13] : memref<1000x128xf32, #tpu.memory_space<vmem>>, vector<1000x128xf32>
    %get3A_15 = arith.constant 0 : index
    %get3A_16 = arith.constant 0 : index
    %get3A_17 = vector.load %arg4[%get3A_15, %get3A_16] : memref<128x128xf32, #tpu.memory_space<vmem>>, vector<128x128xf32>
    %dot_general3A = arith.constant dense<0.000000e+00> : vector<1000x128xf32>
    %dot_general3A_18 = tpu.matmul %get3A_14, %get3A_17, %dot_general3A {dimension_numbers = #tpu.dot_dimension_numbers<[1], [0], [0], [1], [0, 0, 1, 1], [], []>, transpose_lhs_hint = false} : vector<1000x128xf32>, vector<128x128xf32>, vector<1000x128xf32> -> vector<1000x128xf32>
    %get3A_19 = arith.constant 0 : index
    %get3A_20 = arith.constant 0 : index
    %get3A_21 = vector.load %arg5[%get3A_19, %get3A_20] : memref<128x128xf32, #tpu.memory_space<vmem>>, vector<128x128xf32>
    %dot_general3A_22 = arith.constant dense<0.000000e+00> : vector<1000x128xf32>
    %dot_general3A_23 = tpu.matmul %mul3A, %get3A_21, %dot_general3A_22 {dimension_numbers = #tpu.dot_dimension_numbers<[1], [0], [0], [1], [0, 0, 1, 1], [], []>, transpose_lhs_hint = false} : vector<1000x128xf32>, vector<128x128xf32>, vector<1000x128xf32> -> vector<1000x128xf32>
    %add3A_24 = arith.addf %dot_general3A_18, %dot_general3A_23 : vector<1000x128xf32>
    %get3A_25 = arith.constant 0 : index
    %get3A_26 = arith.constant 0 : index
    %get3A_27 = vector.load %arg6[%get3A_25, %get3A_26] : memref<1x128xf32, #tpu.memory_space<vmem>>, vector<1x128xf32>
    %add3A_28 = vector.broadcast %get3A_27 : vector<1x128xf32> to vector<1000x128xf32>
    %add3A_29 = arith.addf %add3A_24, %add3A_28 : vector<1000x128xf32>
    %max3A = arith.constant 0.000000e+00 : f32
    %max3A_30 = vector.broadcast %max3A : f32 to vector<1000x128xf32>
    %max3A_31 = arith.maximumf %add3A_29, %max3A_30 : vector<1000x128xf32>
    %mul3A_32 = arith.mulf %max3A_31, %max3A_31 : vector<1000x128xf32>
    %reduce_sum3A = arith.constant dense<0.000000e+00> : vector<1000xf32>
    %reduce_sum3A_33 = vector.multi_reduction <add>, %mul3A_32, %reduce_sum3A [1] : vector<1000x128xf32> to vector<1000xf32>
    %broadcast_in_dim3A = vector.shape_cast %reduce_sum3A_33 : vector<1000xf32> to vector<1000x1xf32>
    %sqrt3A = math.sqrt %broadcast_in_dim3A : vector<1000x1xf32>
    %max3A_34 = arith.constant 9.99999996E-13 : f32
    %max3A_35 = vector.broadcast %max3A_34 : f32 to vector<1000x1xf32>
    %max3A_36 = arith.maximumf %sqrt3A, %max3A_35 : vector<1000x1xf32>
    %div3A = vector.broadcast %max3A_36 : vector<1000x1xf32> to vector<1000x128xf32>
    %div3A_37 = arith.divf %max3A_31, %div3A : vector<1000x128xf32>
    %swap3A = arith.constant 0 : index
    %swap3A_38 = arith.constant 0 : index
    %swap3A_39 = vector.load %arg7[%swap3A, %swap3A_38] : memref<1000x128xf32, #tpu.memory_space<vmem>>, vector<1000x128xf32>
    tpu.vector_store %arg7[%swap3A, %swap3A_38], %div3A_37 {strides = array<i32>} : memref<1000x128xf32, #tpu.memory_space<vmem>>, vector<1000x128xf32>,
    return
  }
  func.func @transform_0(%arg0: i32) -> (i32, i32) {
    %c0_i32 = arith.constant 0 : i32
    %c0_i32_0 = arith.constant 0 : i32
    return %arg0, %c0_i32 : i32, i32
  }
  func.func @transform_1(%arg0: i32) -> (i32, i32, i32) {
    %c0_i32 = arith.constant 0 : i32
    %c0_i32_0 = arith.constant 0 : i32
    %c0_i32_1 = arith.constant 0 : i32
    return %c0_i32, %arg0, %c0_i32_0 : i32, i32, i32
  }
  func.func @transform_2(%arg0: i32) -> (i32, i32) {
    %c0_i32 = arith.constant 0 : i32
    %c0_i32_0 = arith.constant 0 : i32
    return %arg0, %c0_i32 : i32, i32
  }
  func.func @transform_3(%arg0: i32) -> (i32, i32) {
    %c0_i32 = arith.constant 0 : i32
    %c0_i32_0 = arith.constant 0 : i32
    %c0_i32_1 = arith.constant 0 : i32
    return %c0_i32, %c0_i32_0 : i32, i32
  }
  func.func @transform_4(%arg0: i32) -> (i32, i32) {
    %c0_i32 = arith.constant 0 : i32
    %c0_i32_0 = arith.constant 0 : i32
    %c0_i32_1 = arith.constant 0 : i32
    return %c0_i32, %c0_i32_0 : i32, i32
  }
  func.func @transform_5(%arg0: i32) -> (i32, i32) {
    %c0_i32 = arith.constant 0 : i32
    %c0_i32_0 = arith.constant 0 : i32
    %c0_i32_1 = arith.constant 0 : i32
    return %c0_i32, %c0_i32_0 : i32, i32
  }
  func.func @transform_6(%arg0: i32) -> (i32, i32) {
    %c0_i32 = arith.constant 0 : i32
    %c0_i32_0 = arith.constant 0 : i32
    return %arg0, %c0_i32 : i32, i32
  }
}

</mosaic_0001>

<sc_bundles>
// kernel: kernel.10.cloned.1.call-start
scs
__scs_entry_jumppad:
0x0: {  	(pc) =	sbr.rel $0x88, $3  }
0x1: {  	(tag) =	ssettag $0x0;
	lr =	simm.s32 $0x1  }
0x2: {  	[smem:$0x3F99] =	sst lr;
	_ =	strace $0xD0000000  }
0x3: {  	_ = 	snop  }
0x4: {  	_ = 	snop  }
0x5: {  	_ = 	snop  }
0x6: {  	_ = 	snop  }
0x7: {  	_ = 	snop  }
__scs_overlays_trampoline_lowered:
0x8: {  	[smem:$0x3FA8] =	sst s0  }
0x9: {  	[smem:$0x3FA9] =	sst s1  }
0xa: {  	[smem:$0x3FAA] =	sst s2  }
0xb: {  	[smem:$0x3FAB] =	sst s3  }
0xc: {  	[smem:$0x3FAC] =	sst s4  }
0xd: {  	[smem:$0x3FAD] =	sst s5  }
0xe: {  	[smem:$0x3FAE] =	sst s6  }
0xf: {  	[smem:$0x3FAF] =	sst s7  }
0x10: {  	[smem:$0x3FB0] =	sst s8  }
0x11: {  	[smem:$0x3FB1] =	sst s9;
	s0 =	simm.s32 @!p0 $0x0  }
0x12: {  	s1 =	sld [smem:$0x3F97];
	s0 =	simm.s32 @p0 $0x1  }
0x13: {  	[smem:$0x3FB2] =	sst s0;
	s0 =	simm.s32 @!p1 $0x0  }
0x14: {  	s2 =	sld [smem:$0x3F96];
	s0 =	simm.s32 @p1 $0x1  }
0x15: {  	[smem:$0x3FB3] =	sst s0;
	s0 =	simm.s32 @!p2 $0x0  }
0x16: {  	s3 =	sld [smem:$0x3FDB];
	s0 =	simm.s32 @p2 $0x1  }
0x17: {  	s4 =	simm.s32 $0x1BF5;
	[smem:$0x3FB5] =	sst s0  }
0x18: {  	s0 =	sld [smem:$0x3F98];
	_ =	swait.ge [sflag:s4], $0x0  }
0x19: {  	s7 =	sld [smem:$0x3F99]  }
0x1a: {  	s8 =	sadd.s32 $0xFFFFE003, lr  }
0x1b: {  	s9 =	sadd.s32 $0xFFFFFEF7, lr;
	s5 =	simm.s32 $0xFFFFFFFF;
	p2 =	slt.u32 s8, $0xFFFFF086  }
0x1c: {  	p1 =	slt.u32 s9, $0xF7A;
	s5 =	simm.s32 @!p2 $0x0  }
0x1d: {  	s5 =	simm.s32 @p1 $0x1;
	p0 =	seq.s32 s7, s2  }
0x1e: {  	s7 =	smul.u32 @!p0 $0xF7A, s2;
	p2 =	seq.s32 @!p0 s5, $0x0  }
0x1f: {  	s9 =	smul.u32 $0xF7A, s1;
	s8 =	simm.s32 @!p0 $0x1BF5;
	p2 =	por !p2, p0  }
0x20: {  	[sflag:s8] =	ssyncset.s32 @!p0 $0xFFFFF086;
	s6 =	sadd.s32 @!p0 s3, s7;
	s7 =	simm.s32 @!p0 $0x108  }
0x21: {  	s3 =	sadd.s32 s3, s9;
	s6 =	sadd.s32 @!p0 $0x88, s6;
	s7 =	simm.s32 @p2 $0x1082  }
0x22: {  	[simem:s7], [sflag:s8] =	dma.local @!p0 [hbm:s6], $0xF7A  }
0x23: {  	s9 =	sor.u32 $0xD0000000, s2;
	s6 =	simm.s32 $0x108;
	_ =	swait.ge @!p0 [sflag:s8], $0x0  }
0x24: {  	s3 =	sadd.s32 $0x88, s3;
	s6 =	simm.s32 @!p1 $0x1082;
	[sflag:s4] =	ssyncset.s32 $0xFFFFF086  }
0x25: {  	[simem:s6], [sflag:s4] =	dma.local [hbm:s3], $0xF7A  }
0x26: {  	[smem:$0x3F99] =	sst s1;
	(tag) =	ssettag s2;
	_ =	strace s9  }
0x27: {  	s1 =	sld [smem:$0x3FA9]  }
0x28: {  	s2 =	sld [smem:$0x3FAA]  }
0x29: {  	s4 =	sld [smem:$0x3FAC]  }
0x2a: {  	p0 =	seq.s32 s5, $0x0;
	s5 =	sld [smem:$0x3FAD]  }
0x2b: {  	s6 =	sld [smem:$0x3FAE]  }
0x2c: {  	s7 =	sld [smem:$0x3FAF]  }
0x2d: {  	s3 =	simm.s32 $0x108;
	s8 =	sld [smem:$0x3FB0]  }
0x2e: {  	s3 =	simm.s32 @!p0 $0x1082;
	s9 =	sld [smem:$0x3FB1]  }
0x2f: {  	lr =	sadd.s32 s0, s3;
	s0 =	sld [smem:$0x3FA8]  }
0x30: {  	s3 =	sld [smem:$0x3FAB]  }
0x31: {  	[smem:$0x3FB4] =	sst s10  }
0x32: {  	s10 =	sld [smem:$0x3FB2];
	_ =	sdelay $0x3  }
0x33: {  	p0 =	seq.s32 s10, $0x1;
	s10 =	sld [smem:$0x3FB4];
	_ =	sdelay $0x3  }
0x34: {  	[smem:$0x3FB4] =	sst s10  }
0x35: {  	s10 =	sld [smem:$0x3FB3];
	_ =	sdelay $0x3  }
0x36: {  	p1 =	seq.s32 s10, $0x1;
	s10 =	sld [smem:$0x3FB4];
	_ =	sdelay $0x3  }
0x37: {  	[smem:$0x3FB4] =	sst s10  }
0x38: {  	s10 =	sld [smem:$0x3FB5]  }
0x39: {  	_ = 	snop;
	(pc) =	sbr.ind lr, $3  }
0x3a: {  	_ = 	snop  }
0x3b: {  	_ = 	snop  }
0x3c: {  	p2 =	seq.s32 s10, $0x1;
	s10 =	sld [smem:$0x3FB4]  }
0x3d: {  	_ =	shalt  }
0x3e: {  	_ =	shalt  }
0x3f: {  	_ =	shalt  }
0x40: {  	_ =	shalt  }
0x41: {  	_ =	shalt  }
0x42: {  	_ =	shalt  }
0x43: {  	_ =	shalt  }
0x44: {  	_ =	shalt  }
0x45: {  	_ =	shalt  }
0x46: {  	_ =	shalt  }
0x47: {  	_ =	shalt  }
0x48: {  	_ =	shalt  }
0x49: {  	_ =	shalt  }
0x4a: {  	_ =	shalt  }
0x4b: {  	_ =	shalt  }
0x4c: {  	_ =	shalt  }
0x4d: {  	_ =	shalt  }
0x4e: {  	_ =	shalt  }
0x4f: {  	_ =	shalt  }
0x50: {  	_ =	shalt  }
0x51: {  	_ =	shalt  }
0x52: {  	_ =	shalt  }
0x53: {  	_ =	shalt  }
0x54: {  	_ =	shalt  }
0x55: {  	_ =	shalt  }
0x56: {  	_ =	shalt  }
0x57: {  	_ =	shalt  }
0x58: {  	_ =	shalt  }
0x59: {  	_ =	shalt  }
0x5a: {  	_ =	shalt  }
0x5b: {  	_ =	shalt  }
0x5c: {  	_ =	shalt  }
0x5d: {  	_ =	shalt  }
0x5e: {  	_ =	shalt  }
0x5f: {  	_ =	shalt  }
0x60: {  	_ =	shalt  }
0x61: {  	_ =	shalt  }
0x62: {  	_ =	shalt  }
0x63: {  	_ =	shalt  }
0x64: {  	_ =	shalt  }
0x65: {  	_ =	shalt  }
0x66: {  	_ =	shalt  }
0x67: {  	_ =	shalt  }
0x68: {  	_ =	shalt  }
0x69: {  	_ =	shalt  }
0x6a: {  	_ =	shalt  }
0x6b: {  	_ =	shalt  }
0x6c: {  	_ =	shalt  }
0x6d: {  	_ =	shalt  }
0x6e: {  	_ =	shalt  }
0x6f: {  	_ =	shalt  }
0x70: {  	_ =	shalt  }
0x71: {  	_ =	shalt  }
0x72: {  	_ =	shalt  }
0x73: {  	_ =	shalt  }
0x74: {  	_ =	shalt  }
0x75: {  	_ =	shalt  }
0x76: {  	_ =	shalt  }
0x77: {  	_ =	shalt  }
0x78: {  	_ =	shalt  }
0x79: {  	_ =	shalt  }
0x7a: {  	_ =	shalt  }
0x7b: {  	_ =	shalt  }
0x7c: {  	_ =	shalt  }
0x7d: {  	_ =	shalt  }
0x7e: {  	_ =	shalt  }
0x7f: {  	_ =	shalt  }
0x80: {  	_ =	shalt  }
0x81: {  	_ =	shalt  }
0x82: {  	_ =	shalt  }
0x83: {  	_ =	shalt  }
0x84: {  	_ =	shalt  }
0x85: {  	_ =	shalt  }
0x86: {  	_ =	shalt  }
0x87: {  	_ =	shalt  }
.Lfunc_end0:
.L_simem_size_0:
called_computation.1_lowered:
.L_overlay_start_0:
0x88: {  	s2 =	sld [smem:$0x3FD9]  }
0x89: {  	s3 =	sld [smem:$0x3FFE];
	_ =	sdelay $0x1  }
0x8a: {  	s1 =	srdreg.scid  }
0x8b: {  	s0 =	sand.u32 $0x1, s1  }
0x8c: {  	s17 =	sshll.u32 s0, $0xA;
	s2 =	sadd.s32 s3, s2  }
0x8d: {  	s2 =	sadd.s32 s2, s17  }
0x8e: {  	[smem:$0x3FC0] =	sst s2  }
0x8f: {  	_ = 	snop  }
0x90: {  	s18 =	sld [smem:$0x3FC9];
	(tm) =	ssettm $0x1  }
0x91: {  	s19 =	sld [smem:$0x3FFB];
	_ =	sdelay $0x3  }
0x92: {  	_ =	strace s19  }
0x93: {  	s2 =	sld [smem:$0x3FFC];
	_ =	sdelay $0x3  }
0x94: {  	_ =	strace s2  }
0x95: {  	s2 =	sld [smem:$0x3FFD];
	_ =	sdelay $0x3  }
0x96: {  	_ =	strace s2  }
0x97: {  	_ =	strace $0x8FFFFFFF  }
0x98: {  	s20 =	sld [smem:$0x3FDB];
	_ =	sdelay $0x1  }
0x99: {  	s4 =	simm.s32 $_scs_section_size  }
0x9a: {  	s5 =	simm.s32 $_size__tile_overlayer_lowered;
	s6 =	simm.s32 $_tile_overlayer_lowered  }
0x9b: {  	s7 =	simm.s32 $0x1BFF;
	s21 =	sshll.u32 s6, $0x1;
	s4 =	sadd.s32 s4, s20  }
0x9c: {  	s22 =	simm.s32 $0x0;
	s5 =	sshll.u32 s5, $0x1;
	s6 =	sadd.s32 s21, s4  }
0x9d: {  	[timem:s22], [sflag:s7] =	dma.local [hbm:s6], s5  }
0x9e: {  	_ =	swait.ge [sflag:s7], s5  }
0x9f: {  	s5 =	ssub.s32 $0x0, s5;
	[sflag:s7] =	ssyncset.done $0x0  }
0xa0: {  	[sflag:s7] =	ssyncadd.s32 s5;
	_ =	sdelay $0x1  }
0xa1: {  	s23 =	simm.s32 $0x1B8B  }
0xa2: {  	_ =	swait.ge [sflag:s23], $0x1  }
0xa3: {  	[sflag:s23] =	ssyncset.done $0x0  }
0xa4: {  	[sflag:s23] =	ssyncadd.s32 $0xFFFFFFFF  }
0xa5: {  	s5 =	sld [smem:$0x0]  }
0xa6: {  	s6 =	sand.u32 $0xFFFFFFFE, s1  }
0xa7: {  	p0 =	sne.s32 s1, s6  }
0xa8: {  	s6 =	sshll.u32 @p0 s6, $0xE  }
0xa9: {  	s6 =	sadd.s32 @p0 $0x11B8D, s6;
	s7 =	sshll.u32 @p0 s5, $0x11  }
0xaa: {  	s6 =	sor.u32 @p0 s7, s6  }
0xab: {  	[sflag:s6] =	ssyncadd.remote.s32 @p0 $0x1;
	_ =	sdelay $0x1  }
0xac: {  	s6 =	simm.s32 @p0 $0x1B8D  }
0xad: {  	_ =	swait.eq @p0 [sflag:s6], $0x1  }
0xae: {  	[sflag:s6] =	ssyncadd.s32 @p0 $0xFFFFFFFF  }
0xaf: {  	s7 =	sshll.u32 @!p0 s1, $0xE  }
0xb0: {  	s7 =	sor.u32 @!p0 $0x4000, s7;
	s6 =	simm.s32 @!p0 $0x1B8D  }
0xb1: {  	s5 =	sshll.u32 @!p0 s5, $0x11;
	s7 =	sadd.s32 @!p0 $0x11B8D, s7;
	_ =	swait.eq @!p0 [sflag:s6], $0x1  }
0xb2: {  	s5 =	sor.u32 @!p0 s5, s7;
	[sflag:s6] =	ssyncadd.s32 @!p0 $0xFFFFFFFF  }
0xb3: {  	s25 =	simm.s32 $0x1B8E;
	s24 =	sld [smem:$0x3FFE];
	[sflag:s5] =	ssyncadd.remote.s32 @!p0 $0x1  }
0xb4: {  	s26 =	simm.s32 $execute0_lowered;
	[smem:$0x3FD2] =	sst s25  }
0xb5: {  	s6 =	sshll.u32 s26, $0x1;
	_ =	strace $0x80000049;
	[dreg:$0x1] =	wrdreg $0xFFFFFFFF  }
0xb6: {  	s28 =	simm.s32 $_size_execute0_lowered;
	s4 =	sadd.s32 s4, s6;
	[dreg:$0x0] =	wrdreg $0x0  }
0xb7: {  	s6 =	sshll.u32 s28, $0x1;
	[dreg:$0x2] =	wrdreg s4  }
0xb8: {  	[dreg:$0x3] =	wrdreg s6  }
0xb9: {  	[dreg:$0x4] =	wrdreg $0xC0  }
0xba: {  	_ =	task [dreg:s22], $0x5FFFF  }
0xbb: {  	[dreg:$0x1] =	wrdreg $0xFFFFFFFF  }
0xbc: {  	[dreg:$0x0] =	wrdreg $0x60  }
0xbd: {  	[dreg:$0x2] =	wrdreg s18  }
0xbe: {  	[dreg:$0x3] =	wrdreg s24  }
0xbf: {  	[dreg:$0x4] =	wrdreg $0x88000  }
0xc0: {  	[dreg:$0x5] =	wrdreg $0xA  }
0xc1: {  	_ =	task.clear_ibuf [dreg:s22], $0x6FFFF;
	_ =	strace $0x90000049  }
0xc2: {  	s29 =	simm.s32 $0xA;
	_ =	strace $0x8000004B  }
0xc3: {  	_ =	swait.ge [sflag:s29], $0x1  }
0xc4: {  	[sflag:s29] =	ssyncadd.s32 $0xFFFFFFFF  }
0xc5: {  	_ =	strace $0x9000004B  }
0xc6: {  	_ =	sfence  }
0xc7: {  	s30 =	sld [smem:$0x0];
	_ =	sdelay $0x2  }
0xc8: {  	s31 =	sshll.u32 s1, $0xD;
	s1 =	sshrl.u32 s1, $0x2  }
0xc9: {  	s4 =	sand.u32 $0x4000, s31;
	s1 =	sadd.s32 s1, s30  }
0xca: {  	s0 =	sor.u32 s4, s0;
	s1 =	sshll.u32 s1, $0x11  }
0xcb: {  	s0 =	sor.u32 s1, s0  }
0xcc: {  	s0 =	sadd.s32 $0x8F2B, s0  }
0xcd: {  	[sflag:s0] =	ssyncadd.remote.s32 $0x1  }
0xce: {  	_ =	sfence.sel $0xFFFF  }
0xcf: {  	[dreg:$0x0] =	wrdreg $0xFFFFFFFF;
	(pc) =	sbr.abs _section_cstart, $3  }
0xd0: {  	[dreg:$0x1] =	wrdreg $0xFFFFFFFF  }
0xd1: {  	_ =	task.clear_ibuf [dreg:s22], $0x2FFFF;
	_ =	strace $0x9FFFFFFF  }
0xd2: {  	(tm) =	ssettm $0x7FFFFFFF  }
0xd3: {  	_ =	shalt  }
tec
execute0_lowered:
.L_overlay_start_1:
0x0: {  	(tag) =	ssettag $0x1  }
0x1: {  	s2 =	rddreg [dreg:$0x0]  }
0x2: {  	s0 =	rddreg [dreg:$0x1]  }
0x3: {  	s3 =	rddreg [dreg:$0x2]  }
0x4: {  	s1 =	srdreg.scid;
	s9 =	stileid.u32;
	s4 =	simm.s32 $0x0  }
0x5: {  	s12 =	simm.s32 $0x3;
	s13 =	simm.s32 $0x400;
	s14 =	simm.s32 $0x80  }
0x6: {  	s15 =	simm.s32 $0x800;
	s16 =	simm.s32 $0x4800;
	s17 =	simm.s32 $0x1  }
0x7: {  	s18 =	simm.s32 $0x100;
	s19 =	simm.s32 $0x2;
	s20 =	simm.s32 $0x480  }
0x8: {  	s28 =	simm.s32 $0x300;
	s29 =	simm.s32 $0x680;
	s30 =	simm.s32 $0x380  }
0x9: {  	s31 =	simm.s32 $0x700;
	s1 =	sand.u32 $0x1, s1;
	s5 =	smul.u32 $0x98, s9  }
0xa: {  	s6 =	sshll.u32 s9, $0x3;
	s8 =	smul.u32 $0x14000, s9;
	[smem:$0x7FF] =	sst s4  }
0xb: {  	s22 =	smul.u32 $0x50000, s9;
	s23 =	sadd.s32 $0x3EC00, s0;
	s9 =	sshll.u32 s9, $0x6  }
0xc: {  	s7 =	smul.u32 $0x140000, s1;
	p0 =	seq.s32 s1, $0x0;
	s6 =	sor.u32 $0x980, s6  }
0xd: {  	_ =	strace $0x8000004A;
	[dreg:$0x4] =	wrdreg s23;
	s24 =	ssub.s32 $0x2, s1  }
0xe: {  	s23 =	simm.s32 $0x200;
	s6 =	smov.u32 @p0 s5;
	s25 =	sshrl.u32 s24, $0x1  }
0xf: {  	p0 =	sne.s32 s1, $0x0;
	s1 =	simm.s32 $0x0;
	s5 =	sshll.u32 s6, $0x4  }
0x10: {  	s21 =	sadd.s32 s8, s7;
	s7 =	sshrl.u32 s22, $0x2;
	s8 =	ssub.s32 s24, s25  }
0x11: {  	s22 =	simm.s32 $0x500;
	s24 =	simm.s32 $0x580;
	s25 =	simm.s32 $0x280  }
0x12: {  	s5 =	sadd.s32 s5, s0;
	s6 =	sshrl.u32 s21, $0x3;
	s10 =	sadd.s32 s7, s3  }
0x13: {  	s26 =	smax.u32 s8, $0x1;
	s21 =	simm.s32 $0x180;
	s0 =	sadd.s32 s6, s0  }
0x14: {  	s6 =	sor.u32 $0x1C03, s9;
	[dreg:$0x6] =	wrdreg s26;
	s7 =	sadd.s32 $0x2600, s5  }
0x15: {  	s5 =	sadd.s32 $0xC600, s5;
	s11 =	sshrl.u32 s10, $0x3;
	s0 =	sadd.s32 $0x41400, s0  }
0x16: {  	s26 =	simm.s32 $0x600;
	[dreg:$0x5] =	wrdreg s0;
	s0 =	simm.s32 $0x780  }
.LBB2_1:
0x17: {  	s8 =	rddreg [dreg:$0x4]  }
0x18: {  	[spmem:s11], [sflag:s6] =	dma.local [hbm:s8], $0x2800  }
0x19: {  	_ =	swait.ge [sflag:s12], $0x2800  }
0x1a: {  	[sflag:s12] =	ssyncset.done $0x0  }
0x1b: {  	s10 =	smov.u32 s5;
	[sflag:s12] =	ssyncadd.s32 $0xFFFFD800  }
0x1c: {  	s9 =	smov.u32 s7;
	s8 =	simm.s32 $0x0;
	[bflag:$0x0] =	sbarrier.arrive $0xFFFF  }
.LBB2_2:
0x1d: {  	[tilespmem:s4], [sflag:$0x3] =	stream.linear.gather [hbm4b:s10+s4], $0x400, $0x38;
	[tilespmem:$0x1C800] =	vst v63  }
0x1e: {  	_ =	swait.ge [sflag:s12], $0x400  }
0x1f: {  	[sflag:s12] =	ssyncset.done $0x0  }
0x20: {  	[sflag:s12] =	ssyncadd.s32 $0xFFFFFC00  }
0x21: {  	[tilespmem:s13], [sflag:$0x3] =	stream.linear.gather [hbm4b:s9+s4], $0x400, $0x38;
	[tilespmem:$0x1C800] =	vst v63  }
0x22: {  	_ =	swait.ge [sflag:s12], $0x400  }
0x23: {  	[sflag:s12] =	ssyncset.done $0x0  }
0x24: {  	[sflag:s12] =	ssyncadd.s32 $0xFFFFFC00  }
0x25: {  	[tilespmem:s15], [sflag:$0x1] =	stream.indirect.gather [hbm4b:s2+s14], $0x80, s4, s14, $0xb8;
	[tilespmem:$0x1C800] =	vst v63  }
0x26: {  	_ = 	snop  }
0x27: {  	[tilespmem:s16], [sflag:$0x2] =	stream.indirect.gather [hbm4b:s2+s14], $0x80, s14, s14, $0xb8;
	[tilespmem:$0x1C800] =	vst v63  }
0x28: {  	_ =	swait.ge [sflag:s17], $0x4000  }
0x29: {  	[sflag:s17] =	ssyncset.done $0x0  }
0x2a: {  	[sflag:s17] =	ssyncadd.s32 $0xFFFFC000  }
0x2b: {  	[spmem:s3] =	stream.indirect.scatter.add.f32 [tilespmem:s15], [sflag:$0x3], $0x80, s13, s14, $0xb8;
	[tilespmem:$0x1C800] =	vst v63  }
0x2c: {  	_ =	swait.ge [sflag:s12], $0x4000  }
0x2d: {  	[sflag:s12] =	ssyncset.done $0x0  }
0x2e: {  	[sflag:s12] =	ssyncadd.s32 $0xFFFFC000  }
0x2f: {  	[tilespmem:s15], [sflag:$0x1] =	stream.indirect.gather [hbm4b:s2+s14], $0x80, s18, s14, $0xb8;
	[tilespmem:$0x1C800] =	vst v63  }
0x30: {  	_ =	swait.ge [sflag:s19], $0x4000  }
0x31: {  	[sflag:s19] =	ssyncset.done $0x0  }
0x32: {  	[sflag:s19] =	ssyncadd.s32 $0xFFFFC000  }
0x33: {  	[spmem:s3] =	stream.indirect.scatter.add.f32 [tilespmem:s16], [sflag:$0x3], $0x80, s20, s14, $0xb8;
	[tilespmem:$0x1C800] =	vst v63  }
0x34: {  	_ =	swait.ge [sflag:s12], $0x4000  }
0x35: {  	[sflag:s12] =	ssyncset.done $0x0  }
0x36: {  	[sflag:s12] =	ssyncadd.s32 $0xFFFFC000  }
0x37: {  	[tilespmem:s16], [sflag:$0x2] =	stream.indirect.gather [hbm4b:s2+s14], $0x80, s21, s14, $0xb8;
	[tilespmem:$0x1C800] =	vst v63  }
0x38: {  	_ =	swait.ge [sflag:s17], $0x4000  }
0x39: {  	[sflag:s17] =	ssyncset.done $0x0  }
0x3a: {  	[sflag:s17] =	ssyncadd.s32 $0xFFFFC000  }
0x3b: {  	[spmem:s3] =	stream.indirect.scatter.add.f32 [tilespmem:s15], [sflag:$0x3], $0x80, s22, s14, $0xb8;
	[tilespmem:$0x1C800] =	vst v63  }
0x3c: {  	_ =	swait.ge [sflag:s12], $0x4000  }
0x3d: {  	[sflag:s12] =	ssyncset.done $0x0  }
0x3e: {  	[sflag:s12] =	ssyncadd.s32 $0xFFFFC000  }
0x3f: {  	[tilespmem:s15], [sflag:$0x1] =	stream.indirect.gather [hbm4b:s2+s14], $0x80, s23, s14, $0xb8;
	[tilespmem:$0x1C800] =	vst v63  }
0x40: {  	_ =	swait.ge [sflag:s19], $0x4000  }
0x41: {  	[sflag:s19] =	ssyncset.done $0x0  }
0x42: {  	[sflag:s19] =	ssyncadd.s32 $0xFFFFC000  }
0x43: {  	[spmem:s3] =	stream.indirect.scatter.add.f32 [tilespmem:s16], [sflag:$0x3], $0x80, s24, s14, $0xb8;
	[tilespmem:$0x1C800] =	vst v63  }
0x44: {  	_ =	swait.ge [sflag:s12], $0x4000  }
0x45: {  	[sflag:s12] =	ssyncset.done $0x0  }
0x46: {  	[sflag:s12] =	ssyncadd.s32 $0xFFFFC000  }
0x47: {  	[tilespmem:s16], [sflag:$0x2] =	stream.indirect.gather [hbm4b:s2+s14], $0x80, s25, s14, $0xb8;
	[tilespmem:$0x1C800] =	vst v63  }
0x48: {  	_ =	swait.ge [sflag:s17], $0x4000  }
0x49: {  	[sflag:s17] =	ssyncset.done $0x0  }
0x4a: {  	[sflag:s17] =	ssyncadd.s32 $0xFFFFC000  }
0x4b: {  	[spmem:s3] =	stream.indirect.scatter.add.f32 [tilespmem:s15], [sflag:$0x3], $0x80, s26, s14, $0xb8;
	[tilespmem:$0x1C800] =	vst v63  }
0x4c: {  	_ =	swait.ge [sflag:s12], $0x4000  }
0x4d: {  	[sflag:s12] =	ssyncset.done $0x0  }
0x4e: {  	[sflag:s12] =	ssyncadd.s32 $0xFFFFC000  }
0x4f: {  	[tilespmem:s15], [sflag:$0x1] =	stream.indirect.gather [hbm4b:s2+s14], $0x80, s28, s14, $0xb8;
	[tilespmem:$0x1C800] =	vst v63  }
0x50: {  	_ =	swait.ge [sflag:s19], $0x4000  }
0x51: {  	[sflag:s19] =	ssyncset.done $0x0  }
0x52: {  	[sflag:s19] =	ssyncadd.s32 $0xFFFFC000  }
0x53: {  	[spmem:s3] =	stream.indirect.scatter.add.f32 [tilespmem:s16], [sflag:$0x3], $0x80, s29, s14, $0xb8;
	[tilespmem:$0x1C800] =	vst v63  }
0x54: {  	_ =	swait.ge [sflag:s12], $0x4000  }
0x55: {  	[sflag:s12] =	ssyncset.done $0x0  }
0x56: {  	[sflag:s12] =	ssyncadd.s32 $0xFFFFC000  }
0x57: {  	[tilespmem:s16], [sflag:$0x2] =	stream.indirect.gather [hbm4b:s2+s14], $0x80, s30, s14, $0xb8;
	[tilespmem:$0x1C800] =	vst v63  }
0x58: {  	_ =	swait.ge [sflag:s17], $0x4000  }
0x59: {  	[sflag:s17] =	ssyncset.done $0x0  }
0x5a: {  	[sflag:s17] =	ssyncadd.s32 $0xFFFFC000  }
0x5b: {  	[spmem:s3] =	stream.indirect.scatter.add.f32 [tilespmem:s15], [sflag:$0x3], $0x80, s31, s14, $0xb8;
	[tilespmem:$0x1C800] =	vst v63  }
0x5c: {  	_ =	swait.ge [sflag:s12], $0x4000  }
0x5d: {  	[sflag:s12] =	ssyncset.done $0x0  }
0x5e: {  	[sflag:s12] =	ssyncadd.s32 $0xFFFFC000  }
0x5f: {  	p1 =	slt.u32 @!p0 s8, $0x12;
	_ =	swait.ge [sflag:s19], $0x4000  }
0x60: {  	p1 =	por p0, !p1;
	[sflag:s19] =	ssyncset.done $0x0  }
.Ltmp0:
0x61: {  	[sflag:s19] =	ssyncadd.s32 $0xFFFFC000;
	(pc) =	sbr.rel @!p1 .LBB2_2-.Ltmp0, $4  }
0x62: {  	[spmem:s3] =	stream.indirect.scatter.add.f32 [tilespmem:s16], [sflag:$0x3], $0x80, s0, s14, $0xb8;
	[tilespmem:$0x1C800] =	vst v63  }
0x63: {  	_ =	swait.ge [sflag:s12], $0x4000  }
0x64: {  	s8 =	sadd.s32 $0x1, s8;
	[sflag:s12] =	ssyncset.done $0x0  }
0x65: {  	s10 =	sadd.s32 $0x80, s10;
	s9 =	sadd.s32 $0x80, s9;
	[sflag:s12] =	ssyncadd.s32 $0xFFFFC000  }
0x66: {  	[bflag:$0x0] =	sbarrier.arrive $0xFFFF  }
0x67: {  	s8 =	rddreg [dreg:$0x5]  }
0x68: {  	[hbm:s8], [sflag:s6] =	dma.local [spmem:s11], $0x2800  }
0x69: {  	_ =	swait.ge [sflag:s12], $0x2800  }
0x6a: {  	s1 =	sadd.s32 $0x1, s1;
	s10 =	rddreg [dreg:$0x6]  }
0x6b: {  	p1 =	sne.s32 s1, s10  }
.Ltmp1:
0x6c: {  	_ = 	snop;
	(pc) =	sbr.rel @p1 .LBB2_1-.Ltmp1, $3  }
0x6d: {  	_ =	sdelay $0x1  }
0x6e: {  	[sflag:s12] =	ssyncset.done $0x0  }
0x6f: {  	[sflag:s12] =	ssyncadd.s32 $0xFFFFD800  }
0x70: {  	_ =	sfence.sel $0x180000  }
0x71: {  	[bflag:$0x0] =	sbarrier.arrive $0xFFFF  }
0x72: {  	_ =	strace $0x9000004A  }
0x73: {  	s0 =	stileid.u32;
	[bflag:$0x2] =	sbarrier.arrive $0xFFFF  }
0x74: {  	p0 =	sne.s32 s0, $0x0;
	s0 =	rddreg [dreg:$0x3]  }
0x75: {  	s0 =	sadd.s32 @!p0 $0x100000, s0  }
0x76: {  	[sflag:s0] =	ssyncadd.tile.s32 @!p0 $0x1;
	_ =	shalt  }
.Lfunc_end2:
_tile_overlayer_lowered:
.L_overlay_start_2:
0x77: {  	(tag) =	ssettag $0x2  }
0x78: {  	s0 =	rddreg [dreg:$0x0];
	s2 =	stileid.u32  }
0x79: {  	s1 =	rddreg [dreg:$0x1];
	p0 =	sne.s32 s2, $0x0  }
0x7a: {  	s3 =	rddreg [dreg:$0x2];
	[bflag:$0x3] =	sbarrier.arrive $0xFFFF;
	s2 =	simm.s32 @!p0 $0x1C03  }
0x7b: {  	[timem:s3], [sflag:s2] =	dma.local @!p0 [hbm:s0], s1  }
0x7c: {  	s0 =	simm.s32 @!p0 $0x3  }
0x7d: {  	_ =	swait.ge @!p0 [sflag:s0], s1  }
0x7e: {  	s1 =	ssub.s32 @!p0 $0x0, s1;
	[sflag:s0] =	ssyncset.done @!p0 $0x0  }
0x7f: {  	[sflag:s0] =	ssyncadd.s32 @!p0 s1  }
0x80: {  	[bflag:$0x3] =	sbarrier.arrive $0xFFFF  }
0x81: {  	_ =	shalt  }

// kernel: kernel.13.cloned.1.call-start
scs
__scs_entry_jumppad:
0x0: {  	(pc) =	sbr.rel $0x88, $3  }
0x1: {  	(tag) =	ssettag $0x0;
	lr =	simm.s32 $0x1  }
0x2: {  	[smem:$0x3F99] =	sst lr;
	_ =	strace $0xD0000000  }
0x3: {  	_ = 	snop  }
0x4: {  	_ = 	snop  }
0x5: {  	_ = 	snop  }
0x6: {  	_ = 	snop  }
0x7: {  	_ = 	snop  }
__scs_overlays_trampoline_lowered:
0x8: {  	[smem:$0x3FA8] =	sst s0  }
0x9: {  	[smem:$0x3FA9] =	sst s1  }
0xa: {  	[smem:$0x3FAA] =	sst s2  }
0xb: {  	[smem:$0x3FAB] =	sst s3  }
0xc: {  	[smem:$0x3FAC] =	sst s4  }
0xd: {  	[smem:$0x3FAD] =	sst s5  }
0xe: {  	[smem:$0x3FAE] =	sst s6  }
0xf: {  	[smem:$0x3FAF] =	sst s7  }
0x10: {  	[smem:$0x3FB0] =	sst s8  }
0x11: {  	[smem:$0x3FB1] =	sst s9;
	s0 =	simm.s32 @!p0 $0x0  }
0x12: {  	s1 =	sld [smem:$0x3F97];
	s0 =	simm.s32 @p0 $0x1  }
0x13: {  	[smem:$0x3FB2] =	sst s0;
	s0 =	simm.s32 @!p1 $0x0  }
0x14: {  	s2 =	sld [smem:$0x3F96];
	s0 =	simm.s32 @p1 $0x1  }
0x15: {  	[smem:$0x3FB3] =	sst s0;
	s0 =	simm.s32 @!p2 $0x0  }
0x16: {  	s3 =	sld [smem:$0x3FDB];
	s0 =	simm.s32 @p2 $0x1  }
0x17: {  	s4 =	simm.s32 $0x1BF5;
	[smem:$0x3FB5] =	sst s0  }
0x18: {  	s0 =	sld [smem:$0x3F98];
	_ =	swait.ge [sflag:s4], $0x0  }
0x19: {  	s7 =	sld [smem:$0x3F99]  }
0x1a: {  	s8 =	sadd.s32 $0xFFFFE003, lr  }
0x1b: {  	s9 =	sadd.s32 $0xFFFFFEF7, lr;
	s5 =	simm.s32 $0xFFFFFFFF;
	p2 =	slt.u32 s8, $0xFFFFF086  }
0x1c: {  	p1 =	slt.u32 s9, $0xF7A;
	s5 =	simm.s32 @!p2 $0x0  }
0x1d: {  	s5 =	simm.s32 @p1 $0x1;
	p0 =	seq.s32 s7, s2  }
0x1e: {  	s7 =	smul.u32 @!p0 $0xF7A, s2;
	p2 =	seq.s32 @!p0 s5, $0x0  }
0x1f: {  	s9 =	smul.u32 $0xF7A, s1;
	s8 =	simm.s32 @!p0 $0x1BF5;
	p2 =	por !p2, p0  }
0x20: {  	[sflag:s8] =	ssyncset.s32 @!p0 $0xFFFFF086;
	s6 =	sadd.s32 @!p0 s3, s7;
	s7 =	simm.s32 @!p0 $0x108  }
0x21: {  	s3 =	sadd.s32 s3, s9;
	s6 =	sadd.s32 @!p0 $0x88, s6;
	s7 =	simm.s32 @p2 $0x1082  }
0x22: {  	[simem:s7], [sflag:s8] =	dma.local @!p0 [hbm:s6], $0xF7A  }
0x23: {  	s9 =	sor.u32 $0xD0000000, s2;
	s6 =	simm.s32 $0x108;
	_ =	swait.ge @!p0 [sflag:s8], $0x0  }
0x24: {  	s3 =	sadd.s32 $0x88, s3;
	s6 =	simm.s32 @!p1 $0x1082;
	[sflag:s4] =	ssyncset.s32 $0xFFFFF086  }
0x25: {  	[simem:s6], [sflag:s4] =	dma.local [hbm:s3], $0xF7A  }
0x26: {  	[smem:$0x3F99] =	sst s1;
	(tag) =	ssettag s2;
	_ =	strace s9  }
0x27: {  	s1 =	sld [smem:$0x3FA9]  }
0x28: {  	s2 =	sld [smem:$0x3FAA]  }
0x29: {  	s4 =	sld [smem:$0x3FAC]  }
0x2a: {  	p0 =	seq.s32 s5, $0x0;
	s5 =	sld [smem:$0x3FAD]  }
0x2b: {  	s6 =	sld [smem:$0x3FAE]  }
0x2c: {  	s7 =	sld [smem:$0x3FAF]  }
0x2d: {  	s3 =	simm.s32 $0x108;
	s8 =	sld [smem:$0x3FB0]  }
0x2e: {  	s3 =	simm.s32 @!p0 $0x1082;
	s9 =	sld [smem:$0x3FB1]  }
0x2f: {  	lr =	sadd.s32 s0, s3;
	s0 =	sld [smem:$0x3FA8]  }
0x30: {  	s3 =	sld [smem:$0x3FAB]  }
0x31: {  	[smem:$0x3FB4] =	sst s10  }
0x32: {  	s10 =	sld [smem:$0x3FB2];
	_ =	sdelay $0x3  }
0x33: {  	p0 =	seq.s32 s10, $0x1;
	s10 =	sld [smem:$0x3FB4];
	_ =	sdelay $0x3  }
0x34: {  	[smem:$0x3FB4] =	sst s10  }
0x35: {  	s10 =	sld [smem:$0x3FB3];
	_ =	sdelay $0x3  }
0x36: {  	p1 =	seq.s32 s10, $0x1;
	s10 =	sld [smem:$0x3FB4];
	_ =	sdelay $0x3  }
0x37: {  	[smem:$0x3FB4] =	sst s10  }
0x38: {  	s10 =	sld [smem:$0x3FB5]  }
0x39: {  	_ = 	snop;
	(pc) =	sbr.ind lr, $3  }
0x3a: {  	_ = 	snop  }
0x3b: {  	_ = 	snop  }
0x3c: {  	p2 =	seq.s32 s10, $0x1;
	s10 =	sld [smem:$0x3FB4]  }
0x3d: {  	_ =	shalt  }
0x3e: {  	_ =	shalt  }
0x3f: {  	_ =	shalt  }
0x40: {  	_ =	shalt  }
0x41: {  	_ =	shalt  }
0x42: {  	_ =	shalt  }
0x43: {  	_ =	shalt  }
0x44: {  	_ =	shalt  }
0x45: {  	_ =	shalt  }
0x46: {  	_ =	shalt  }
0x47: {  	_ =	shalt  }
0x48: {  	_ =	shalt  }
0x49: {  	_ =	shalt  }
0x4a: {  	_ =	shalt  }
0x4b: {  	_ =	shalt  }
0x4c: {  	_ =	shalt  }
0x4d: {  	_ =	shalt  }
0x4e: {  	_ =	shalt  }
0x4f: {  	_ =	shalt  }
0x50: {  	_ =	shalt  }
0x51: {  	_ =	shalt  }
0x52: {  	_ =	shalt  }
0x53: {  	_ =	shalt  }
0x54: {  	_ =	shalt  }
0x55: {  	_ =	shalt  }
0x56: {  	_ =	shalt  }
0x57: {  	_ =	shalt  }
0x58: {  	_ =	shalt  }
0x59: {  	_ =	shalt  }
0x5a: {  	_ =	shalt  }
0x5b: {  	_ =	shalt  }
0x5c: {  	_ =	shalt  }
0x5d: {  	_ =	shalt  }
0x5e: {  	_ =	shalt  }
0x5f: {  	_ =	shalt  }
0x60: {  	_ =	shalt  }
0x61: {  	_ =	shalt  }
0x62: {  	_ =	shalt  }
0x63: {  	_ =	shalt  }
0x64: {  	_ =	shalt  }
0x65: {  	_ =	shalt  }
0x66: {  	_ =	shalt  }
0x67: {  	_ =	shalt  }
0x68: {  	_ =	shalt  }
0x69: {  	_ =	shalt  }
0x6a: {  	_ =	shalt  }
0x6b: {  	_ =	shalt  }
0x6c: {  	_ =	shalt  }
0x6d: {  	_ =	shalt  }
0x6e: {  	_ =	shalt  }
0x6f: {  	_ =	shalt  }
0x70: {  	_ =	shalt  }
0x71: {  	_ =	shalt  }
0x72: {  	_ =	shalt  }
0x73: {  	_ =	shalt  }
0x74: {  	_ =	shalt  }
0x75: {  	_ =	shalt  }
0x76: {  	_ =	shalt  }
0x77: {  	_ =	shalt  }
0x78: {  	_ =	shalt  }
0x79: {  	_ =	shalt  }
0x7a: {  	_ =	shalt  }
0x7b: {  	_ =	shalt  }
0x7c: {  	_ =	shalt  }
0x7d: {  	_ =	shalt  }
0x7e: {  	_ =	shalt  }
0x7f: {  	_ =	shalt  }
0x80: {  	_ =	shalt  }
0x81: {  	_ =	shalt  }
0x82: {  	_ =	shalt  }
0x83: {  	_ =	shalt  }
0x84: {  	_ =	shalt  }
0x85: {  	_ =	shalt  }
0x86: {  	_ =	shalt  }
0x87: {  	_ =	shalt  }
.Lfunc_end0:
.L_simem_size_0:
called_computation.2_lowered:
.L_overlay_start_0:
0x88: {  	s2 =	sld [smem:$0x3FD9]  }
0x89: {  	s3 =	sld [smem:$0x3FFE];
	_ =	sdelay $0x1  }
0x8a: {  	s1 =	srdreg.scid  }
0x8b: {  	s0 =	sand.u32 $0x1, s1  }
0x8c: {  	s17 =	sshll.u32 s0, $0xA;
	s2 =	sadd.s32 s3, s2  }
0x8d: {  	s2 =	sadd.s32 s2, s17  }
0x8e: {  	[smem:$0x3FC0] =	sst s2  }
0x8f: {  	_ = 	snop  }
0x90: {  	s2 =	sld [smem:$0x3FD0];
	(tm) =	ssettm $0x1  }
0x91: {  	s18 =	sld [smem:$0x3FFB];
	_ =	sdelay $0x3  }
0x92: {  	_ =	strace s18  }
0x93: {  	s3 =	sld [smem:$0x3FFC];
	_ =	sdelay $0x3  }
0x94: {  	_ =	strace s3  }
0x95: {  	s3 =	sld [smem:$0x3FFD];
	_ =	sdelay $0x3  }
0x96: {  	_ =	strace s3  }
0x97: {  	_ =	strace $0x8FFFFFFF  }
0x98: {  	s19 =	sld [smem:$0x3FDB];
	_ =	sdelay $0x1  }
0x99: {  	s4 =	simm.s32 $_scs_section_size  }
0x9a: {  	s5 =	simm.s32 $_size__tile_overlayer_lowered;
	s6 =	simm.s32 $_tile_overlayer_lowered  }
0x9b: {  	s22 =	simm.s32 $0x1BFF;
	s21 =	sshll.u32 s6, $0x1;
	s3 =	sadd.s32 s4, s19  }
0x9c: {  	s7 =	simm.s32 $0x0;
	s20 =	sshll.u32 s5, $0x1;
	s5 =	sadd.s32 s21, s3  }
0x9d: {  	[timem:s7], [sflag:s22] =	dma.local [hbm:s5], s20  }
0x9e: {  	_ =	swait.ge [sflag:s22], s20  }
0x9f: {  	s4 =	ssub.s32 $0x0, s20;
	[sflag:s22] =	ssyncset.done $0x0  }
0xa0: {  	[sflag:s22] =	ssyncadd.s32 s4;
	_ =	sdelay $0x1  }
0xa1: {  	s23 =	simm.s32 $0x1B8B  }
0xa2: {  	_ =	swait.ge [sflag:s23], $0x1  }
0xa3: {  	[sflag:s23] =	ssyncset.done $0x0  }
0xa4: {  	s25 =	simm.s32 $0x1B8E;
	s24 =	sld [smem:$0x3FFE];
	[sflag:s23] =	ssyncadd.s32 $0xFFFFFFFF  }
0xa5: {  	s26 =	simm.s32 $execute0_lowered;
	[smem:$0x3FD2] =	sst s25  }
0xa6: {  	s5 =	sshll.u32 s26, $0x1;
	_ =	strace $0x8000004C;
	[dreg:$0x1] =	wrdreg $0xFFFFFFFF  }
0xa7: {  	s28 =	simm.s32 $_size_execute0_lowered;
	s3 =	sadd.s32 s3, s5;
	[dreg:$0x0] =	wrdreg $0x0  }
0xa8: {  	s5 =	sshll.u32 s28, $0x1;
	[dreg:$0x2] =	wrdreg s3  }
0xa9: {  	[dreg:$0x3] =	wrdreg s5  }
0xaa: {  	[dreg:$0x4] =	wrdreg $0xC0  }
0xab: {  	_ =	task [dreg:s7], $0x5FFFF  }
0xac: {  	[dreg:$0x1] =	wrdreg $0xFFFFFFFF  }
0xad: {  	[dreg:$0x0] =	wrdreg $0x60  }
0xae: {  	[dreg:$0x2] =	wrdreg s2  }
0xaf: {  	[dreg:$0x3] =	wrdreg s24  }
0xb0: {  	[dreg:$0x4] =	wrdreg $0x88000  }
0xb1: {  	[dreg:$0x5] =	wrdreg $0x9  }
0xb2: {  	_ =	task.clear_ibuf [dreg:s7], $0x6FFFF;
	_ =	strace $0x9000004C  }
0xb3: {  	s29 =	simm.s32 $0x9;
	_ =	strace $0x8000004E  }
0xb4: {  	_ =	swait.ge [sflag:s29], $0x1  }
0xb5: {  	[sflag:s29] =	ssyncadd.s32 $0xFFFFFFFF  }
0xb6: {  	_ =	strace $0x9000004E  }
0xb7: {  	_ =	sfence  }
0xb8: {  	s30 =	sld [smem:$0x0];
	_ =	sdelay $0x2  }
0xb9: {  	s31 =	sshll.u32 s1, $0xD;
	s1 =	sshrl.u32 s1, $0x2  }
0xba: {  	s3 =	sand.u32 $0x4000, s31;
	s1 =	sadd.s32 s1, s30  }
0xbb: {  	s0 =	sor.u32 s3, s0;
	s1 =	sshll.u32 s1, $0x11  }
0xbc: {  	s0 =	sor.u32 s1, s0  }
0xbd: {  	s0 =	sadd.s32 $0x8F2B, s0  }
0xbe: {  	[sflag:s0] =	ssyncadd.remote.s32 $0x1  }
0xbf: {  	_ =	sfence.sel $0xFFFF  }
0xc0: {  	[dreg:$0x0] =	wrdreg $0xFFFFFFFF;
	(pc) =	sbr.abs _section_cstart, $3  }
0xc1: {  	[dreg:$0x1] =	wrdreg $0xFFFFFFFF  }
0xc2: {  	_ =	task.clear_ibuf [dreg:s7], $0x2FFFF;
	_ =	strace $0x9FFFFFFF  }
0xc3: {  	(tm) =	ssettm $0x7FFFFFFF  }
tec
execute0_lowered:
.L_overlay_start_1:
0x0: {  	(tag) =	ssettag $0x1  }
0x1: {  	s2 =	rddreg [dreg:$0x0]  }
0x2: {  	s0 =	rddreg [dreg:$0x1]  }
0x3: {  	s3 =	rddreg [dreg:$0x2]  }
0x4: {  	s1 =	srdreg.scid;
	s9 =	stileid.u32;
	s4 =	simm.s32 $0x0  }
0x5: {  	s12 =	simm.s32 $0x3;
	s13 =	simm.s32 $0x400;
	s14 =	simm.s32 $0x80  }
0x6: {  	s15 =	simm.s32 $0x800;
	s16 =	simm.s32 $0x4800;
	s17 =	simm.s32 $0x1  }
0x7: {  	s18 =	simm.s32 $0x100;
	s19 =	simm.s32 $0x2;
	s20 =	simm.s32 $0x480  }
0x8: {  	s28 =	simm.s32 $0x300;
	s29 =	simm.s32 $0x680;
	s30 =	simm.s32 $0x380  }
0x9: {  	s31 =	simm.s32 $0x700;
	s1 =	sand.u32 $0x1, s1;
	s5 =	smul.u32 $0x98, s9  }
0xa: {  	s6 =	sshll.u32 s9, $0x3;
	s8 =	smul.u32 $0x14000, s9;
	[smem:$0x7FF] =	sst s4  }
0xb: {  	s22 =	smul.u32 $0x50000, s9;
	s23 =	sadd.s32 $0x3EC00, s0;
	s9 =	sshll.u32 s9, $0x6  }
0xc: {  	s7 =	smul.u32 $0x140000, s1;
	p0 =	seq.s32 s1, $0x0;
	s6 =	sor.u32 $0x980, s6  }
0xd: {  	_ =	strace $0x8000004D;
	[dreg:$0x4] =	wrdreg s23;
	s24 =	ssub.s32 $0x2, s1  }
0xe: {  	s23 =	simm.s32 $0x200;
	s6 =	smov.u32 @p0 s5;
	s25 =	sshrl.u32 s24, $0x1  }
0xf: {  	p0 =	sne.s32 s1, $0x0;
	s1 =	simm.s32 $0x0;
	s5 =	sshll.u32 s6, $0x4  }
0x10: {  	s21 =	sadd.s32 s8, s7;
	s7 =	sshrl.u32 s22, $0x2;
	s8 =	ssub.s32 s24, s25  }
0x11: {  	s22 =	simm.s32 $0x500;
	s24 =	simm.s32 $0x580;
	s25 =	simm.s32 $0x280  }
0x12: {  	s5 =	sadd.s32 s5, s0;
	s6 =	sshrl.u32 s21, $0x3;
	s10 =	sadd.s32 s7, s3  }
0x13: {  	s26 =	smax.u32 s8, $0x1;
	s21 =	simm.s32 $0x180;
	s0 =	sadd.s32 s6, s0  }
0x14: {  	s6 =	sor.u32 $0x1C03, s9;
	[dreg:$0x6] =	wrdreg s26;
	s7 =	sadd.s32 $0x2600, s5  }
0x15: {  	s5 =	sadd.s32 $0xC600, s5;
	s11 =	sshrl.u32 s10, $0x3;
	s0 =	sadd.s32 $0x41400, s0  }
0x16: {  	s26 =	simm.s32 $0x600;
	[dreg:$0x5] =	wrdreg s0;
	s0 =	simm.s32 $0x780  }
.LBB2_1:
0x17: {  	s8 =	rddreg [dreg:$0x4]  }
0x18: {  	[spmem:s11], [sflag:s6] =	dma.local [hbm:s8], $0x2800  }
0x19: {  	_ =	swait.ge [sflag:s12], $0x2800  }
0x1a: {  	[sflag:s12] =	ssyncset.done $0x0  }
0x1b: {  	s10 =	smov.u32 s5;
	[sflag:s12] =	ssyncadd.s32 $0xFFFFD800  }
0x1c: {  	s9 =	smov.u32 s7;
	s8 =	simm.s32 $0x0;
	[bflag:$0x0] =	sbarrier.arrive $0xFFFF  }
.LBB2_2:
0x1d: {  	[tilespmem:s4], [sflag:$0x3] =	stream.linear.gather [hbm4b:s10+s4], $0x400, $0x38;
	[tilespmem:$0x1C800] =	vst v63  }
0x1e: {  	_ =	swait.ge [sflag:s12], $0x400  }
0x1f: {  	[sflag:s12] =	ssyncset.done $0x0  }
0x20: {  	[sflag:s12] =	ssyncadd.s32 $0xFFFFFC00  }
0x21: {  	[tilespmem:s13], [sflag:$0x3] =	stream.linear.gather [hbm4b:s9+s4], $0x400, $0x38;
	[tilespmem:$0x1C800] =	vst v63  }
0x22: {  	_ =	swait.ge [sflag:s12], $0x400  }
0x23: {  	[sflag:s12] =	ssyncset.done $0x0  }
0x24: {  	[sflag:s12] =	ssyncadd.s32 $0xFFFFFC00  }
0x25: {  	[tilespmem:s15], [sflag:$0x1] =	stream.indirect.gather [hbm4b:s2+s14], $0x80, s4, s14, $0xb8;
	[tilespmem:$0x1C800] =	vst v63  }
0x26: {  	_ = 	snop  }
0x27: {  	[tilespmem:s16], [sflag:$0x2] =	stream.indirect.gather [hbm4b:s2+s14], $0x80, s14, s14, $0xb8;
	[tilespmem:$0x1C800] =	vst v63  }
0x28: {  	_ =	swait.ge [sflag:s17], $0x4000  }
0x29: {  	[sflag:s17] =	ssyncset.done $0x0  }
0x2a: {  	[sflag:s17] =	ssyncadd.s32 $0xFFFFC000  }
0x2b: {  	[spmem:s3] =	stream.indirect.scatter.add.f32 [tilespmem:s15], [sflag:$0x3], $0x80, s13, s14, $0xb8;
	[tilespmem:$0x1C800] =	vst v63  }
0x2c: {  	_ =	swait.ge [sflag:s12], $0x4000  }
0x2d: {  	[sflag:s12] =	ssyncset.done $0x0  }
0x2e: {  	[sflag:s12] =	ssyncadd.s32 $0xFFFFC000  }
0x2f: {  	[tilespmem:s15], [sflag:$0x1] =	stream.indirect.gather [hbm4b:s2+s14], $0x80, s18, s14, $0xb8;
	[tilespmem:$0x1C800] =	vst v63  }
0x30: {  	_ =	swait.ge [sflag:s19], $0x4000  }
0x31: {  	[sflag:s19] =	ssyncset.done $0x0  }
0x32: {  	[sflag:s19] =	ssyncadd.s32 $0xFFFFC000  }
0x33: {  	[spmem:s3] =	stream.indirect.scatter.add.f32 [tilespmem:s16], [sflag:$0x3], $0x80, s20, s14, $0xb8;
	[tilespmem:$0x1C800] =	vst v63  }
0x34: {  	_ =	swait.ge [sflag:s12], $0x4000  }
0x35: {  	[sflag:s12] =	ssyncset.done $0x0  }
0x36: {  	[sflag:s12] =	ssyncadd.s32 $0xFFFFC000  }
0x37: {  	[tilespmem:s16], [sflag:$0x2] =	stream.indirect.gather [hbm4b:s2+s14], $0x80, s21, s14, $0xb8;
	[tilespmem:$0x1C800] =	vst v63  }
0x38: {  	_ =	swait.ge [sflag:s17], $0x4000  }
0x39: {  	[sflag:s17] =	ssyncset.done $0x0  }
0x3a: {  	[sflag:s17] =	ssyncadd.s32 $0xFFFFC000  }
0x3b: {  	[spmem:s3] =	stream.indirect.scatter.add.f32 [tilespmem:s15], [sflag:$0x3], $0x80, s22, s14, $0xb8;
	[tilespmem:$0x1C800] =	vst v63  }
0x3c: {  	_ =	swait.ge [sflag:s12], $0x4000  }
0x3d: {  	[sflag:s12] =	ssyncset.done $0x0  }
0x3e: {  	[sflag:s12] =	ssyncadd.s32 $0xFFFFC000  }
0x3f: {  	[tilespmem:s15], [sflag:$0x1] =	stream.indirect.gather [hbm4b:s2+s14], $0x80, s23, s14, $0xb8;
	[tilespmem:$0x1C800] =	vst v63  }
0x40: {  	_ =	swait.ge [sflag:s19], $0x4000  }
0x41: {  	[sflag:s19] =	ssyncset.done $0x0  }
0x42: {  	[sflag:s19] =	ssyncadd.s32 $0xFFFFC000  }
0x43: {  	[spmem:s3] =	stream.indirect.scatter.add.f32 [tilespmem:s16], [sflag:$0x3], $0x80, s24, s14, $0xb8;
	[tilespmem:$0x1C800] =	vst v63  }
0x44: {  	_ =	swait.ge [sflag:s12], $0x4000  }
0x45: {  	[sflag:s12] =	ssyncset.done $0x0  }
0x46: {  	[sflag:s12] =	ssyncadd.s32 $0xFFFFC000  }
0x47: {  	[tilespmem:s16], [sflag:$0x2] =	stream.indirect.gather [hbm4b:s2+s14], $0x80, s25, s14, $0xb8;
	[tilespmem:$0x1C800] =	vst v63  }
0x48: {  	_ =	swait.ge [sflag:s17], $0x4000  }
0x49: {  	[sflag:s17] =	ssyncset.done $0x0  }
0x4a: {  	[sflag:s17] =	ssyncadd.s32 $0xFFFFC000  }
0x4b: {  	[spmem:s3] =	stream.indirect.scatter.add.f32 [tilespmem:s15], [sflag:$0x3], $0x80, s26, s14, $0xb8;
	[tilespmem:$0x1C800] =	vst v63  }
0x4c: {  	_ =	swait.ge [sflag:s12], $0x4000  }
0x4d: {  	[sflag:s12] =	ssyncset.done $0x0  }
0x4e: {  	[sflag:s12] =	ssyncadd.s32 $0xFFFFC000  }
0x4f: {  	[tilespmem:s15], [sflag:$0x1] =	stream.indirect.gather [hbm4b:s2+s14], $0x80, s28, s14, $0xb8;
	[tilespmem:$0x1C800] =	vst v63  }
0x50: {  	_ =	swait.ge [sflag:s19], $0x4000  }
0x51: {  	[sflag:s19] =	ssyncset.done $0x0  }
0x52: {  	[sflag:s19] =	ssyncadd.s32 $0xFFFFC000  }
0x53: {  	[spmem:s3] =	stream.indirect.scatter.add.f32 [tilespmem:s16], [sflag:$0x3], $0x80, s29, s14, $0xb8;
	[tilespmem:$0x1C800] =	vst v63  }
0x54: {  	_ =	swait.ge [sflag:s12], $0x4000  }
0x55: {  	[sflag:s12] =	ssyncset.done $0x0  }
0x56: {  	[sflag:s12] =	ssyncadd.s32 $0xFFFFC000  }
0x57: {  	[tilespmem:s16], [sflag:$0x2] =	stream.indirect.gather [hbm4b:s2+s14], $0x80, s30, s14, $0xb8;
	[tilespmem:$0x1C800] =	vst v63  }
0x58: {  	_ =	swait.ge [sflag:s17], $0x4000  }
0x59: {  	[sflag:s17] =	ssyncset.done $0x0  }
0x5a: {  	[sflag:s17] =	ssyncadd.s32 $0xFFFFC000  }
0x5b: {  	[spmem:s3] =	stream.indirect.scatter.add.f32 [tilespmem:s15], [sflag:$0x3], $0x80, s31, s14, $0xb8;
	[tilespmem:$0x1C800] =	vst v63  }
0x5c: {  	_ =	swait.ge [sflag:s12], $0x4000  }
0x5d: {  	[sflag:s12] =	ssyncset.done $0x0  }
0x5e: {  	[sflag:s12] =	ssyncadd.s32 $0xFFFFC000  }
0x5f: {  	p1 =	slt.u32 @!p0 s8, $0x12;
	_ =	swait.ge [sflag:s19], $0x4000  }
0x60: {  	p1 =	por p0, !p1;
	[sflag:s19] =	ssyncset.done $0x0  }
.Ltmp0:
0x61: {  	[sflag:s19] =	ssyncadd.s32 $0xFFFFC000;
	(pc) =	sbr.rel @!p1 .LBB2_2-.Ltmp0, $4  }
0x62: {  	[spmem:s3] =	stream.indirect.scatter.add.f32 [tilespmem:s16], [sflag:$0x3], $0x80, s0, s14, $0xb8;
	[tilespmem:$0x1C800] =	vst v63  }
0x63: {  	_ =	swait.ge [sflag:s12], $0x4000  }
0x64: {  	s8 =	sadd.s32 $0x1, s8;
	[sflag:s12] =	ssyncset.done $0x0  }
0x65: {  	s10 =	sadd.s32 $0x80, s10;
	s9 =	sadd.s32 $0x80, s9;
	[sflag:s12] =	ssyncadd.s32 $0xFFFFC000  }
0x66: {  	[bflag:$0x0] =	sbarrier.arrive $0xFFFF  }
0x67: {  	s8 =	rddreg [dreg:$0x5]  }
0x68: {  	[hbm:s8], [sflag:s6] =	dma.local [spmem:s11], $0x2800  }
0x69: {  	_ =	swait.ge [sflag:s12], $0x2800  }
0x6a: {  	s1 =	sadd.s32 $0x1, s1;
	s10 =	rddreg [dreg:$0x6]  }
0x6b: {  	p1 =	sne.s32 s1, s10  }
.Ltmp1:
0x6c: {  	_ = 	snop;
	(pc) =	sbr.rel @p1 .LBB2_1-.Ltmp1, $3  }
0x6d: {  	_ =	sdelay $0x1  }
0x6e: {  	[sflag:s12] =	ssyncset.done $0x0  }
0x6f: {  	[sflag:s12] =	ssyncadd.s32 $0xFFFFD800  }
0x70: {  	_ =	sfence.sel $0x180000  }
0x71: {  	[bflag:$0x0] =	sbarrier.arrive $0xFFFF  }
0x72: {  	_ =	strace $0x9000004D  }
0x73: {  	s0 =	stileid.u32;
	[bflag:$0x2] =	sbarrier.arrive $0xFFFF  }
0x74: {  	p0 =	sne.s32 s0, $0x0;
	s0 =	rddreg [dreg:$0x3]  }
0x75: {  	s0 =	sadd.s32 @!p0 $0x100000, s0  }
0x76: {  	[sflag:s0] =	ssyncadd.tile.s32 @!p0 $0x1;
	_ =	shalt  }
.Lfunc_end2:
_tile_overlayer_lowered:
.L_overlay_start_2:
0x77: {  	(tag) =	ssettag $0x2  }
0x78: {  	s0 =	rddreg [dreg:$0x0];
	s2 =	stileid.u32  }
0x79: {  	s1 =	rddreg [dreg:$0x1];
	p0 =	sne.s32 s2, $0x0  }
0x7a: {  	s3 =	rddreg [dreg:$0x2];
	[bflag:$0x3] =	sbarrier.arrive $0xFFFF;
	s2 =	simm.s32 @!p0 $0x1C03  }
0x7b: {  	[timem:s3], [sflag:s2] =	dma.local @!p0 [hbm:s0], s1  }
0x7c: {  	s0 =	simm.s32 @!p0 $0x3  }
0x7d: {  	_ =	swait.ge @!p0 [sflag:s0], s1  }
0x7e: {  	s1 =	ssub.s32 @!p0 $0x0, s1;
	[sflag:s0] =	ssyncset.done @!p0 $0x0  }
0x7f: {  	[sflag:s0] =	ssyncadd.s32 @!p0 s1  }
0x80: {  	[bflag:$0x3] =	sbarrier.arrive $0xFFFF  }
0x81: {  	_ =	shalt  }

// kernel: kernel.7.cloned.1.call-start
scs
__scs_entry_jumppad:
0x0: {  	(pc) =	sbr.rel $0x88, $3  }
0x1: {  	(tag) =	ssettag $0x0;
	lr =	simm.s32 $0x1  }
0x2: {  	[smem:$0x3F99] =	sst lr;
	_ =	strace $0xD0000000  }
0x3: {  	_ = 	snop  }
0x4: {  	_ = 	snop  }
0x5: {  	_ = 	snop  }
0x6: {  	_ = 	snop  }
0x7: {  	_ = 	snop  }
__scs_overlays_trampoline_lowered:
0x8: {  	[smem:$0x3FA8] =	sst s0  }
0x9: {  	[smem:$0x3FA9] =	sst s1  }
0xa: {  	[smem:$0x3FAA] =	sst s2  }
0xb: {  	[smem:$0x3FAB] =	sst s3  }
0xc: {  	[smem:$0x3FAC] =	sst s4  }
0xd: {  	[smem:$0x3FAD] =	sst s5  }
0xe: {  	[smem:$0x3FAE] =	sst s6  }
0xf: {  	[smem:$0x3FAF] =	sst s7  }
0x10: {  	[smem:$0x3FB0] =	sst s8  }
0x11: {  	[smem:$0x3FB1] =	sst s9;
	s0 =	simm.s32 @!p0 $0x0  }
0x12: {  	s1 =	sld [smem:$0x3F97];
	s0 =	simm.s32 @p0 $0x1  }
0x13: {  	[smem:$0x3FB2] =	sst s0;
	s0 =	simm.s32 @!p1 $0x0  }
0x14: {  	s2 =	sld [smem:$0x3F96];
	s0 =	simm.s32 @p1 $0x1  }
0x15: {  	[smem:$0x3FB3] =	sst s0;
	s0 =	simm.s32 @!p2 $0x0  }
0x16: {  	s3 =	sld [smem:$0x3FDB];
	s0 =	simm.s32 @p2 $0x1  }
0x17: {  	s4 =	simm.s32 $0x1BF5;
	[smem:$0x3FB5] =	sst s0  }
0x18: {  	s0 =	sld [smem:$0x3F98];
	_ =	swait.ge [sflag:s4], $0x0  }
0x19: {  	s7 =	sld [smem:$0x3F99]  }
0x1a: {  	s8 =	sadd.s32 $0xFFFFE003, lr  }
0x1b: {  	s9 =	sadd.s32 $0xFFFFFEF7, lr;
	s5 =	simm.s32 $0xFFFFFFFF;
	p2 =	slt.u32 s8, $0xFFFFF086  }
0x1c: {  	p1 =	slt.u32 s9, $0xF7A;
	s5 =	simm.s32 @!p2 $0x0  }
0x1d: {  	s5 =	simm.s32 @p1 $0x1;
	p0 =	seq.s32 s7, s2  }
0x1e: {  	s7 =	smul.u32 @!p0 $0xF7A, s2;
	p2 =	seq.s32 @!p0 s5, $0x0  }
0x1f: {  	s9 =	smul.u32 $0xF7A, s1;
	s8 =	simm.s32 @!p0 $0x1BF5;
	p2 =	por !p2, p0  }
0x20: {  	[sflag:s8] =	ssyncset.s32 @!p0 $0xFFFFF086;
	s6 =	sadd.s32 @!p0 s3, s7;
	s7 =	simm.s32 @!p0 $0x108  }
0x21: {  	s3 =	sadd.s32 s3, s9;
	s6 =	sadd.s32 @!p0 $0x88, s6;
	s7 =	simm.s32 @p2 $0x1082  }
0x22: {  	[simem:s7], [sflag:s8] =	dma.local @!p0 [hbm:s6], $0xF7A  }
0x23: {  	s9 =	sor.u32 $0xD0000000, s2;
	s6 =	simm.s32 $0x108;
	_ =	swait.ge @!p0 [sflag:s8], $0x0  }
0x24: {  	s3 =	sadd.s32 $0x88, s3;
	s6 =	simm.s32 @!p1 $0x1082;
	[sflag:s4] =	ssyncset.s32 $0xFFFFF086  }
0x25: {  	[simem:s6], [sflag:s4] =	dma.local [hbm:s3], $0xF7A  }
0x26: {  	[smem:$0x3F99] =	sst s1;
	(tag) =	ssettag s2;
	_ =	strace s9  }
0x27: {  	s1 =	sld [smem:$0x3FA9]  }
0x28: {  	s2 =	sld [smem:$0x3FAA]  }
0x29: {  	s4 =	sld [smem:$0x3FAC]  }
0x2a: {  	p0 =	seq.s32 s5, $0x0;
	s5 =	sld [smem:$0x3FAD]  }
0x2b: {  	s6 =	sld [smem:$0x3FAE]  }
0x2c: {  	s7 =	sld [smem:$0x3FAF]  }
0x2d: {  	s3 =	simm.s32 $0x108;
	s8 =	sld [smem:$0x3FB0]  }
0x2e: {  	s3 =	simm.s32 @!p0 $0x1082;
	s9 =	sld [smem:$0x3FB1]  }
0x2f: {  	lr =	sadd.s32 s0, s3;
	s0 =	sld [smem:$0x3FA8]  }
0x30: {  	s3 =	sld [smem:$0x3FAB]  }
0x31: {  	[smem:$0x3FB4] =	sst s10  }
0x32: {  	s10 =	sld [smem:$0x3FB2];
	_ =	sdelay $0x3  }
0x33: {  	p0 =	seq.s32 s10, $0x1;
	s10 =	sld [smem:$0x3FB4];
	_ =	sdelay $0x3  }
0x34: {  	[smem:$0x3FB4] =	sst s10  }
0x35: {  	s10 =	sld [smem:$0x3FB3];
	_ =	sdelay $0x3  }
0x36: {  	p1 =	seq.s32 s10, $0x1;
	s10 =	sld [smem:$0x3FB4];
	_ =	sdelay $0x3  }
0x37: {  	[smem:$0x3FB4] =	sst s10  }
0x38: {  	s10 =	sld [smem:$0x3FB5]  }
0x39: {  	_ = 	snop;
	(pc) =	sbr.ind lr, $3  }
0x3a: {  	_ = 	snop  }
0x3b: {  	_ = 	snop  }
0x3c: {  	p2 =	seq.s32 s10, $0x1;
	s10 =	sld [smem:$0x3FB4]  }
0x3d: {  	_ =	shalt  }
0x3e: {  	_ =	shalt  }
0x3f: {  	_ =	shalt  }
0x40: {  	_ =	shalt  }
0x41: {  	_ =	shalt  }
0x42: {  	_ =	shalt  }
0x43: {  	_ =	shalt  }
0x44: {  	_ =	shalt  }
0x45: {  	_ =	shalt  }
0x46: {  	_ =	shalt  }
0x47: {  	_ =	shalt  }
0x48: {  	_ =	shalt  }
0x49: {  	_ =	shalt  }
0x4a: {  	_ =	shalt  }
0x4b: {  	_ =	shalt  }
0x4c: {  	_ =	shalt  }
0x4d: {  	_ =	shalt  }
0x4e: {  	_ =	shalt  }
0x4f: {  	_ =	shalt  }
0x50: {  	_ =	shalt  }
0x51: {  	_ =	shalt  }
0x52: {  	_ =	shalt  }
0x53: {  	_ =	shalt  }
0x54: {  	_ =	shalt  }
0x55: {  	_ =	shalt  }
0x56: {  	_ =	shalt  }
0x57: {  	_ =	shalt  }
0x58: {  	_ =	shalt  }
0x59: {  	_ =	shalt  }
0x5a: {  	_ =	shalt  }
0x5b: {  	_ =	shalt  }
0x5c: {  	_ =	shalt  }
0x5d: {  	_ =	shalt  }
0x5e: {  	_ =	shalt  }
0x5f: {  	_ =	shalt  }
0x60: {  	_ =	shalt  }
0x61: {  	_ =	shalt  }
0x62: {  	_ =	shalt  }
0x63: {  	_ =	shalt  }
0x64: {  	_ =	shalt  }
0x65: {  	_ =	shalt  }
0x66: {  	_ =	shalt  }
0x67: {  	_ =	shalt  }
0x68: {  	_ =	shalt  }
0x69: {  	_ =	shalt  }
0x6a: {  	_ =	shalt  }
0x6b: {  	_ =	shalt  }
0x6c: {  	_ =	shalt  }
0x6d: {  	_ =	shalt  }
0x6e: {  	_ =	shalt  }
0x6f: {  	_ =	shalt  }
0x70: {  	_ =	shalt  }
0x71: {  	_ =	shalt  }
0x72: {  	_ =	shalt  }
0x73: {  	_ =	shalt  }
0x74: {  	_ =	shalt  }
0x75: {  	_ =	shalt  }
0x76: {  	_ =	shalt  }
0x77: {  	_ =	shalt  }
0x78: {  	_ =	shalt  }
0x79: {  	_ =	shalt  }
0x7a: {  	_ =	shalt  }
0x7b: {  	_ =	shalt  }
0x7c: {  	_ =	shalt  }
0x7d: {  	_ =	shalt  }
0x7e: {  	_ =	shalt  }
0x7f: {  	_ =	shalt  }
0x80: {  	_ =	shalt  }
0x81: {  	_ =	shalt  }
0x82: {  	_ =	shalt  }
0x83: {  	_ =	shalt  }
0x84: {  	_ =	shalt  }
0x85: {  	_ =	shalt  }
0x86: {  	_ =	shalt  }
0x87: {  	_ =	shalt  }
.Lfunc_end0:
.L_simem_size_0:
called_computation_lowered:
.L_overlay_start_0:
0x88: {  	s2 =	sld [smem:$0x3FD9]  }
0x89: {  	s3 =	sld [smem:$0x3FFE];
	_ =	sdelay $0x1  }
0x8a: {  	s1 =	srdreg.scid  }
0x8b: {  	s0 =	sand.u32 $0x1, s1  }
0x8c: {  	s17 =	sshll.u32 s0, $0xA;
	s2 =	sadd.s32 s3, s2  }
0x8d: {  	s2 =	sadd.s32 s2, s17  }
0x8e: {  	[smem:$0x3FC0] =	sst s2  }
0x8f: {  	_ = 	snop  }
0x90: {  	s2 =	sld [smem:$0x3FD0];
	(tm) =	ssettm $0x1  }
0x91: {  	s18 =	sld [smem:$0x3FFB];
	_ =	sdelay $0x3  }
0x92: {  	_ =	strace s18  }
0x93: {  	s3 =	sld [smem:$0x3FFC];
	_ =	sdelay $0x3  }
0x94: {  	_ =	strace s3  }
0x95: {  	s3 =	sld [smem:$0x3FFD];
	_ =	sdelay $0x3  }
0x96: {  	_ =	strace s3  }
0x97: {  	_ =	strace $0x8FFFFFFF  }
0x98: {  	s19 =	sld [smem:$0x3FDB];
	_ =	sdelay $0x1  }
0x99: {  	s4 =	simm.s32 $_scs_section_size  }
0x9a: {  	s5 =	simm.s32 $_size__tile_overlayer_lowered;
	s6 =	simm.s32 $_tile_overlayer_lowered  }
0x9b: {  	s22 =	simm.s32 $0x1BFF;
	s21 =	sshll.u32 s6, $0x1;
	s3 =	sadd.s32 s4, s19  }
0x9c: {  	s7 =	simm.s32 $0x0;
	s20 =	sshll.u32 s5, $0x1;
	s5 =	sadd.s32 s21, s3  }
0x9d: {  	[timem:s7], [sflag:s22] =	dma.local [hbm:s5], s20  }
0x9e: {  	_ =	swait.ge [sflag:s22], s20  }
0x9f: {  	s4 =	ssub.s32 $0x0, s20;
	[sflag:s22] =	ssyncset.done $0x0  }
0xa0: {  	[sflag:s22] =	ssyncadd.s32 s4;
	_ =	sdelay $0x1  }
0xa1: {  	s23 =	simm.s32 $0x1B8B  }
0xa2: {  	_ =	swait.ge [sflag:s23], $0x1  }
0xa3: {  	[sflag:s23] =	ssyncset.done $0x0  }
0xa4: {  	s25 =	simm.s32 $0x1B8E;
	s24 =	sld [smem:$0x3FFE];
	[sflag:s23] =	ssyncadd.s32 $0xFFFFFFFF  }
0xa5: {  	s26 =	simm.s32 $execute0_lowered;
	[smem:$0x3FD2] =	sst s25  }
0xa6: {  	s5 =	sshll.u32 s26, $0x1;
	_ =	strace $0x80000046;
	[dreg:$0x1] =	wrdreg $0xFFFFFFFF  }
0xa7: {  	s28 =	simm.s32 $_size_execute0_lowered;
	s3 =	sadd.s32 s3, s5;
	[dreg:$0x0] =	wrdreg $0x0  }
0xa8: {  	s5 =	sshll.u32 s28, $0x1;
	[dreg:$0x2] =	wrdreg s3  }
0xa9: {  	[dreg:$0x3] =	wrdreg s5  }
0xaa: {  	[dreg:$0x4] =	wrdreg $0xC0  }
0xab: {  	_ =	task [dreg:s7], $0x5FFFF  }
0xac: {  	[dreg:$0x1] =	wrdreg $0xFFFFFFFF  }
0xad: {  	[dreg:$0x0] =	wrdreg $0x60  }
0xae: {  	[dreg:$0x2] =	wrdreg s24  }
0xaf: {  	[dreg:$0x3] =	wrdreg s2  }
0xb0: {  	[dreg:$0x4] =	wrdreg $0x9  }
0xb1: {  	_ =	task.clear_ibuf [dreg:s7], $0x5FFFF;
	_ =	strace $0x90000046  }
0xb2: {  	s29 =	simm.s32 $0x9;
	_ =	strace $0x80000048  }
0xb3: {  	_ =	swait.ge [sflag:s29], $0x1  }
0xb4: {  	[sflag:s29] =	ssyncadd.s32 $0xFFFFFFFF  }
0xb5: {  	_ =	strace $0x90000048  }
0xb6: {  	_ =	sfence  }
0xb7: {  	s30 =	sld [smem:$0x0];
	_ =	sdelay $0x2  }
0xb8: {  	s31 =	sshll.u32 s1, $0xD;
	s1 =	sshrl.u32 s1, $0x2  }
0xb9: {  	s3 =	sand.u32 $0x4000, s31;
	s1 =	sadd.s32 s1, s30  }
0xba: {  	s0 =	sor.u32 s3, s0;
	s1 =	sshll.u32 s1, $0x11  }
0xbb: {  	s0 =	sor.u32 s1, s0  }
0xbc: {  	s0 =	sadd.s32 $0x8F2B, s0  }
0xbd: {  	[sflag:s0] =	ssyncadd.remote.s32 $0x1  }
0xbe: {  	_ =	sfence.sel $0xFFFF  }
0xbf: {  	[dreg:$0x0] =	wrdreg $0xFFFFFFFF;
	(pc) =	sbr.abs _section_cstart, $3  }
0xc0: {  	[dreg:$0x1] =	wrdreg $0xFFFFFFFF  }
0xc1: {  	_ =	task.clear_ibuf [dreg:s7], $0x2FFFF;
	_ =	strace $0x9FFFFFFF  }
0xc2: {  	(tm) =	ssettm $0x7FFFFFFF  }
0xc3: {  	_ =	shalt  }
tec
execute0_lowered:
.L_overlay_start_1:
0x0: {  	(tag) =	ssettag $0x1  }
0x1: {  	s0 =	rddreg [dreg:$0x0]  }
0x2: {  	s1 =	rddreg [dreg:$0x1];
	s18 =	stileid.u32  }
0x3: {  	s2 =	simm.s32 $0x0;
	s6 =	srdreg.scid;
	s3 =	smul.u32 $0xA00, s18  }
0x4: {  	s25 =	simm.s32 $0x1;
	s31 =	simm.s32 $0x9B80;
	s7 =	smul.u32 $0x1400, s18  }
0x5: {  	[smem:$0x7FF] =	sst s2;
	s4 =	sshrl.u32 s18, $0x3;
	s30 =	smul.u32 $0x14000, s18  }
0x6: {  	s21 =	sand.u32 $0x1, s6;
	s26 =	sshll.u32 s18, $0x7;
	s22 =	smul.u32 $0x2800, s18  }
0x7: {  	_ =	strace $0x80000047;
	s4 =	smul.u32 $0x14000, s4;
	s8 =	ssub.s32 $0x2, s21  }
0x8: {  	s6 =	sand.u32 $0x380, s26;
	p0 =	sne.s32 s21, $0x0;
	s5 =	sadd.s32 s3, s0  }
0x9: {  	s3 =	sadd.s32 $0x16600, s0;
	s0 =	sadd.s32 $0x16C00, s0;
	s9 =	sshrl.u32 s8, $0x1  }
0xa: {  	s28 =	sshrl.u32 s7, $0x3;
	s4 =	sor.u32 s6, s4;
	s23 =	ssub.s32 s8, s9  }
0xb: {  	s5 =	sadd.s32 $0x2600, s5;
	s22 =	sadd.s32 s0, s22;
	s29 =	sshrl.u32 s4, $0x3  }
0xc: {  	s4 =	sadd.s32 s1, s28;
	[dreg:$0x3] =	wrdreg s22;
	s24 =	smax.u32 s23, $0x1  }
0xd: {  	s23 =	simm.s32 $0xA280;
	s6 =	sadd.s32 s1, s29;
	s7 =	sadd.s32 $0x10, s4  }
0xe: {  	s8 =	sadd.s32 $0x20, s4;
	s9 =	sadd.s32 $0x30, s4;
	s10 =	sadd.s32 $0x40, s4  }
0xf: {  	s11 =	sadd.s32 $0x50, s4;
	s12 =	sadd.s32 $0x60, s4;
	s13 =	sadd.s32 $0x70, s4  }
.Ltmp0:
0x10: {  	s14 =	sadd.s32 $0x2800, s4;
	s15 =	sadd.s32 $0x2810, s4;
	(pc) =	sbr.rel .LBB2_1-.Ltmp0, $4  }
0x11: {  	s16 =	sadd.s32 $0x2820, s4;
	s17 =	sadd.s32 $0x2830, s4;
	s1 =	sshrl.u32 s30, $0x3  }
0x12: {  	s18 =	sadd.s32 $0x2840, s4;
	s19 =	sadd.s32 $0x2850, s4;
	s0 =	sadd.s32 s0, s1  }
0x13: {  	s20 =	sadd.s32 $0x2860, s4;
	s22 =	sadd.s32 $0x2870, s4;
	s0 =	sadd.s32 $0x1400, s0  }
0x14: {  	v0 =	vimm.f32 $1.000000000e+00;
	s1 =	simm.s32 $0x0;
	[dreg:$0x4] =	wrdreg s0;
	s0 =	simm.s32 $0x9F80  }
.LBB2_10:
0x15: {  	v1 =	vld [tilespmem:s21+$0xA140];
	_ =	sdelay $0x4  }
0x16: {  	v1 =	vmax.f32 v1, $1.000000000e+00  }
0x17: {  	(erf) = vrcp.f32 v1;
	_ =	sdelay $0x8  }
0x18: {  	v1 =	vpop (erf)  }
0x19: {  	v2 =	vbroadcast v1, $0x0  }
0x1a: {  	s26 =	sadd.s32 $0x800, s26  }
0x1b: {  	[tilespmem:s26+$0xFFFFFC00] =	vst v2  }
0x1c: {  	[tilespmem:s26+$0xFFFFFC10] =	vst v2  }
0x1d: {  	[tilespmem:s26+$0xFFFFFC20] =	vst v2  }
0x1e: {  	[tilespmem:s26+$0xFFFFFC30] =	vst v2  }
0x1f: {  	[tilespmem:s26+$0xFFFFFC40] =	vst v2  }
0x20: {  	[tilespmem:s26+$0xFFFFFC50] =	vst v2  }
0x21: {  	v3 =	vbroadcast v1, $0x1;
	[tilespmem:s26+$0xFFFFFC60] =	vst v2  }
0x22: {  	[tilespmem:s26+$0xFFFFFC70] =	vst v2  }
0x23: {  	[tilespmem:s26+$0xFFFFFC80] =	vst v3  }
0x24: {  	[tilespmem:s26+$0xFFFFFC90] =	vst v3  }
0x25: {  	[tilespmem:s26+$0xFFFFFCA0] =	vst v3  }
0x26: {  	[tilespmem:s26+$0xFFFFFCB0] =	vst v3  }
0x27: {  	[tilespmem:s26+$0xFFFFFCC0] =	vst v3  }
0x28: {  	[tilespmem:s26+$0xFFFFFCD0] =	vst v3  }
0x29: {  	v2 =	vbroadcast v1, $0x2;
	[tilespmem:s26+$0xFFFFFCE0] =	vst v3  }
0x2a: {  	[tilespmem:s26+$0xFFFFFCF0] =	vst v3  }
0x2b: {  	[tilespmem:s26+$0xFFFFFD00] =	vst v2  }
0x2c: {  	[tilespmem:s26+$0xFFFFFD10] =	vst v2  }
0x2d: {  	[tilespmem:s26+$0xFFFFFD20] =	vst v2  }
0x2e: {  	[tilespmem:s26+$0xFFFFFD30] =	vst v2  }
0x2f: {  	[tilespmem:s26+$0xFFFFFD40] =	vst v2  }
0x30: {  	[tilespmem:s26+$0xFFFFFD50] =	vst v2  }
0x31: {  	v3 =	vbroadcast v1, $0x3;
	[tilespmem:s26+$0xFFFFFD60] =	vst v2  }
0x32: {  	[tilespmem:s26+$0xFFFFFD70] =	vst v2  }
0x33: {  	[tilespmem:s26+$0xFFFFFD80] =	vst v3  }
0x34: {  	[tilespmem:s26+$0xFFFFFD90] =	vst v3  }
0x35: {  	[tilespmem:s26+$0xFFFFFDA0] =	vst v3  }
0x36: {  	[tilespmem:s26+$0xFFFFFDB0] =	vst v3  }
0x37: {  	[tilespmem:s26+$0xFFFFFDC0] =	vst v3  }
0x38: {  	[tilespmem:s26+$0xFFFFFDD0] =	vst v3  }
0x39: {  	v2 =	vbroadcast v1, $0x4;
	[tilespmem:s26+$0xFFFFFDE0] =	vst v3  }
0x3a: {  	[tilespmem:s26+$0xFFFFFDF0] =	vst v3  }
0x3b: {  	[tilespmem:s26+$0xFFFFFE00] =	vst v2  }
0x3c: {  	[tilespmem:s26+$0xFFFFFE10] =	vst v2  }
0x3d: {  	[tilespmem:s26+$0xFFFFFE20] =	vst v2  }
0x3e: {  	[tilespmem:s26+$0xFFFFFE30] =	vst v2  }
0x3f: {  	[tilespmem:s26+$0xFFFFFE40] =	vst v2  }
0x40: {  	[tilespmem:s26+$0xFFFFFE50] =	vst v2  }
0x41: {  	v3 =	vbroadcast v1, $0x5;
	[tilespmem:s26+$0xFFFFFE60] =	vst v2  }
0x42: {  	[tilespmem:s26+$0xFFFFFE70] =	vst v2  }
0x43: {  	[tilespmem:s26+$0xFFFFFE80] =	vst v3  }
0x44: {  	[tilespmem:s26+$0xFFFFFE90] =	vst v3  }
0x45: {  	[tilespmem:s26+$0xFFFFFEA0] =	vst v3  }
0x46: {  	[tilespmem:s26+$0xFFFFFEB0] =	vst v3  }
0x47: {  	[tilespmem:s26+$0xFFFFFEC0] =	vst v3  }
0x48: {  	[tilespmem:s26+$0xFFFFFED0] =	vst v3  }
0x49: {  	v2 =	vbroadcast v1, $0x6;
	[tilespmem:s26+$0xFFFFFEE0] =	vst v3  }
0x4a: {  	[tilespmem:s26+$0xFFFFFEF0] =	vst v3  }
0x4b: {  	[tilespmem:s26+$0xFFFFFF00] =	vst v2  }
0x4c: {  	[tilespmem:s26+$0xFFFFFF10] =	vst v2  }
0x4d: {  	[tilespmem:s26+$0xFFFFFF20] =	vst v2  }
0x4e: {  	[tilespmem:s26+$0xFFFFFF30] =	vst v2  }
0x4f: {  	[tilespmem:s26+$0xFFFFFF40] =	vst v2  }
0x50: {  	[tilespmem:s26+$0xFFFFFF50] =	vst v2  }
0x51: {  	v3 =	vbroadcast v1, $0x7;
	[tilespmem:s26+$0xFFFFFF60] =	vst v2  }
0x52: {  	[tilespmem:s26+$0xFFFFFF70] =	vst v2  }
0x53: {  	[tilespmem:s26+$0xFFFFFF80] =	vst v3  }
0x54: {  	[tilespmem:s26+$0xFFFFFF90] =	vst v3  }
0x55: {  	[tilespmem:s26+$0xFFFFFFA0] =	vst v3  }
0x56: {  	[tilespmem:s26+$0xFFFFFFB0] =	vst v3  }
0x57: {  	[tilespmem:s26+$0xFFFFFFC0] =	vst v3  }
0x58: {  	[tilespmem:s26+$0xFFFFFFD0] =	vst v3  }
0x59: {  	v2 =	vbroadcast v1, $0x8;
	[tilespmem:s26+$0xFFFFFFE0] =	vst v3  }
0x5a: {  	[tilespmem:s26+$0xFFFFFFF0] =	vst v3  }
0x5b: {  	[tilespmem:s26+$0x0] =	vst v2  }
0x5c: {  	[tilespmem:s26+$0x10] =	vst v2  }
0x5d: {  	[tilespmem:s26+$0x20] =	vst v2  }
0x5e: {  	[tilespmem:s26+$0x30] =	vst v2  }
0x5f: {  	[tilespmem:s26+$0x40] =	vst v2  }
0x60: {  	[tilespmem:s26+$0x50] =	vst v2  }
0x61: {  	v3 =	vbroadcast v1, $0x9;
	[tilespmem:s26+$0x60] =	vst v2  }
0x62: {  	[tilespmem:s26+$0x70] =	vst v2  }
0x63: {  	[tilespmem:s26+$0x80] =	vst v3  }
0x64: {  	[tilespmem:s26+$0x90] =	vst v3  }
0x65: {  	[tilespmem:s26+$0xA0] =	vst v3  }
0x66: {  	[tilespmem:s26+$0xB0] =	vst v3  }
0x67: {  	[tilespmem:s26+$0xC0] =	vst v3  }
0x68: {  	[tilespmem:s26+$0xD0] =	vst v3  }
0x69: {  	v2 =	vbroadcast v1, $0xA;
	[tilespmem:s26+$0xE0] =	vst v3  }
0x6a: {  	[tilespmem:s26+$0xF0] =	vst v3  }
0x6b: {  	[tilespmem:s26+$0x100] =	vst v2  }
0x6c: {  	[tilespmem:s26+$0x110] =	vst v2  }
0x6d: {  	[tilespmem:s26+$0x120] =	vst v2  }
0x6e: {  	[tilespmem:s26+$0x130] =	vst v2  }
0x6f: {  	[tilespmem:s26+$0x140] =	vst v2  }
0x70: {  	[tilespmem:s26+$0x150] =	vst v2  }
0x71: {  	v3 =	vbroadcast v1, $0xB;
	[tilespmem:s26+$0x160] =	vst v2  }
0x72: {  	[tilespmem:s26+$0x170] =	vst v2  }
0x73: {  	[tilespmem:s26+$0x180] =	vst v3  }
0x74: {  	[tilespmem:s26+$0x190] =	vst v3  }
0x75: {  	[tilespmem:s26+$0x1A0] =	vst v3  }
0x76: {  	[tilespmem:s26+$0x1B0] =	vst v3  }
0x77: {  	[tilespmem:s26+$0x1C0] =	vst v3  }
0x78: {  	[tilespmem:s26+$0x1D0] =	vst v3  }
0x79: {  	v2 =	vbroadcast v1, $0xC;
	[tilespmem:s26+$0x1E0] =	vst v3  }
0x7a: {  	[tilespmem:s26+$0x1F0] =	vst v3  }
0x7b: {  	[tilespmem:s26+$0x200] =	vst v2  }
0x7c: {  	[tilespmem:s26+$0x210] =	vst v2  }
0x7d: {  	[tilespmem:s26+$0x220] =	vst v2  }
0x7e: {  	[tilespmem:s26+$0x230] =	vst v2  }
0x7f: {  	[tilespmem:s26+$0x240] =	vst v2  }
0x80: {  	[tilespmem:s26+$0x250] =	vst v2  }
0x81: {  	v3 =	vbroadcast v1, $0xD;
	[tilespmem:s26+$0x260] =	vst v2  }
0x82: {  	[tilespmem:s26+$0x270] =	vst v2  }
0x83: {  	[tilespmem:s26+$0x280] =	vst v3  }
0x84: {  	[tilespmem:s26+$0x290] =	vst v3  }
0x85: {  	[tilespmem:s26+$0x2A0] =	vst v3  }
0x86: {  	[tilespmem:s26+$0x2B0] =	vst v3  }
0x87: {  	[tilespmem:s26+$0x2C0] =	vst v3  }
0x88: {  	[tilespmem:s26+$0x2D0] =	vst v3  }
0x89: {  	v2 =	vbroadcast v1, $0xE;
	[tilespmem:s26+$0x2E0] =	vst v3  }
0x8a: {  	[tilespmem:s26+$0x2F0] =	vst v3  }
0x8b: {  	[tilespmem:s26+$0x300] =	vst v2  }
0x8c: {  	[tilespmem:s26+$0x310] =	vst v2  }
0x8d: {  	[tilespmem:s26+$0x320] =	vst v2  }
0x8e: {  	[tilespmem:s26+$0x330] =	vst v2  }
0x8f: {  	[tilespmem:s26+$0x340] =	vst v2  }
0x90: {  	[tilespmem:s26+$0x350] =	vst v2  }
0x91: {  	v1 =	vbroadcast v1, $0xF;
	[tilespmem:s26+$0x360] =	vst v2  }
0x92: {  	[tilespmem:s26+$0x370] =	vst v2  }
0x93: {  	[tilespmem:s26+$0x380] =	vst v1  }
0x94: {  	[tilespmem:s26+$0x390] =	vst v1  }
0x95: {  	[tilespmem:s26+$0x3A0] =	vst v1  }
0x96: {  	[tilespmem:s26+$0x3B0] =	vst v1  }
0x97: {  	[tilespmem:s26+$0x3C0] =	vst v1  }
0x98: {  	[tilespmem:s26+$0x3D0] =	vst v1  }
0x99: {  	[tilespmem:s26+$0x3E0] =	vst v1  }
0x9a: {  	s30 =	rddreg [dreg:$0x4];
	[tilespmem:s26+$0x3F0] =	vst v1  }
0x9b: {  	[hbm4b:s30+s2] =	stream.linear.scatter [tilespmem:s23], [sflag:$0x1], $0xA000, $0x38;
	[tilespmem:$0x14280] =	vst v63  }
0x9c: {  	_ =	swait.ge [sflag:s25], $0xA000  }
0x9d: {  	[sflag:s25] =	ssyncset.done $0x0  }
0x9e: {  	[sflag:s25] =	ssyncadd.s32 $0xFFFF6000  }
.LBB2_11:
0x9f: {  	s1 =	sadd.s32 $0x1, s1  }
0xa0: {  	p1 =	sne.s32 s1, s24  }
.Ltmp1:
0xa1: {  	_ = 	snop;
	(pc) =	sbr.rel @!p1 .LBB2_12-.Ltmp1, $1  }
0xa2: {  	_ =	sdelay $0x3  }
.LBB2_1:
0xa3: {  	[tilespmem:s2], [sflag:$0x1] =	stream.linear.gather [hbm4b:s3+s2], $0x2800, $0x38;
	[tilespmem:$0x14280] =	vst v63  }
0xa4: {  	_ =	swait.ge [sflag:s25], $0x2800  }
0xa5: {  	[sflag:s25] =	ssyncset.done $0x0  }
0xa6: {  	s21 =	simm.s32 $0x2800;
	[sflag:s25] =	ssyncadd.s32 $0xFFFFD800  }
0xa7: {  	[tilespmem:s21], [sflag:$0x1] =	stream.linear.gather [hbm4b:s5+s2], $0x5000, $0x38;
	[tilespmem:$0x14280] =	vst v63  }
0xa8: {  	s30 =	sand.u32 $0x1FE00, s2;
	_ =	swait.ge [sflag:s25], $0x5000  }
0xa9: {  	s26 =	sand.u32 $0x70, s2;
	s21 =	sshrl.u32 s30, $0x2;
	[sflag:s25] =	ssyncset.done $0x0  }
0xaa: {  	s21 =	sor.u32 s26, s21;
	[sflag:s25] =	ssyncadd.s32 $0xFFFFB000  }
0xab: {  	v1 =	vld [tilespmem:s21+$0x2800];
	_ =	sdelay $0x4  }
0xac: {  	s28 =	simm.s32 $0x40  }
0xad: {  	s28 =	sand.u32 $0x1FE00, s28;
	s26 =	simm.s32 $0x80;
	s21 =	simm.s32 $0x10  }
.LBB2_2:
0xae: {  	p1 =	sne.s32 s26, $0x13FC0;
	s29 =	sand.u32 $0x70, s21;
	s28 =	sshrl.u32 s28, $0x2  }
0xaf: {  	s28 =	sor.u32 s29, s28;
	[tilespmem:v1+s2+$0x0] =	vst.idx.add.f32.msk $0xffff, v0  }
0xb0: {  	v1 =	vld [tilespmem:s28+$0x2800];
	_ =	sdelay $0x1  }
.Ltmp2:
0xb1: {  	(pc) =	sbr.rel @p1 .LBB2_2-.Ltmp2, $2  }
0xb2: {  	_ =	sdelay $0x2  }
0xb3: {  	s21 =	sadd.s32 $0x10, s21;
	s28 =	sand.u32 $0x1FE00, s26;
	s26 =	sadd.s32 $0x40, s26  }
0xb4: {  	_ =	sdelay $0x2  }
0xb5: {  	s21 =	sand.u32 $0x70, s21;
	s26 =	sshrl.u32 s28, $0x2  }
0xb6: {  	[tilespmem:v1+s2+$0x0] =	vst.idx.add.f32.msk $0xffff, v0;
	s21 =	sor.u32 s21, s26  }
0xb7: {  	v1 =	vld [tilespmem:s21+$0x2800];
	_ =	sdelay $0x7  }
0xb8: {  	s30 =	simm.s32 $0x80;
	s28 =	simm.s32 $0x400;
	s26 =	simm.s32 $0x0;
	[tilespmem:v1+s2+$0x0] =	vst.idx.add.f32.msk $0xffff, v0  }
0xb9: {  	[hbm4b:s6+s30] =	stream.strided.scatter [tilespmem:s26], [sflag:$0x1], $0x2800, s28, s30, $0x38;
	[tilespmem:$0x14280] =	vst v63  }
0xba: {  	_ =	swait.ge [sflag:s25], $0x2800  }
0xbb: {  	[sflag:s25] =	ssyncset.done $0x0  }
0xbc: {  	[sflag:s25] =	ssyncadd.s32 $0xFFFFD800  }
0xbd: {  	s30 =	simm.s32 $0x7800;
	[bflag:$0x0] =	sbarrier.arrive $0xFFFF  }
0xbe: {  	[tilespmem:s30], [sflag:$0x1] =	stream.linear.gather [hbm4b:s4+s26], $0x80, $0x38;
	[tilespmem:$0x14280] =	vst v63  }
0xbf: {  	s28 =	simm.s32 $0x7C00;
	s30 =	sadd.s32 $0x80, s4  }
0xc0: {  	[tilespmem:s28], [sflag:$0x1] =	stream.linear.gather [hbm4b:s30+s26], $0x80, $0x38;
	[tilespmem:$0x14280] =	vst v63  }
0xc1: {  	s30 =	sadd.s32 $0x100, s4;
	s28 =	simm.s32 $0x8000  }
0xc2: {  	[tilespmem:s28], [sflag:$0x1] =	stream.linear.gather [hbm4b:s30+s26], $0x80, $0x38;
	[tilespmem:$0x14280] =	vst v63  }
0xc3: {  	s30 =	sadd.s32 $0x180, s4;
	s28 =	simm.s32 $0x8400  }
0xc4: {  	[tilespmem:s28], [sflag:$0x1] =	stream.linear.gather [hbm4b:s30+s26], $0x80, $0x38;
	[tilespmem:$0x14280] =	vst v63  }
0xc5: {  	s30 =	sadd.s32 $0x200, s4;
	s28 =	simm.s32 $0x8800  }
0xc6: {  	[tilespmem:s28], [sflag:$0x1] =	stream.linear.gather [hbm4b:s30+s26], $0x80, $0x38;
	[tilespmem:$0x14280] =	vst v63  }
0xc7: {  	_ =	swait.ge [sflag:s25], $0x280  }
0xc8: {  	[sflag:s25] =	ssyncset.done $0x0  }
0xc9: {  	s30 =	simm.s32 $0x7880;
	[sflag:s25] =	ssyncadd.s32 $0xFFFFFD80  }
0xca: {  	[tilespmem:s30], [sflag:$0x1] =	stream.linear.gather [hbm4b:s7+s26], $0x80, $0x38;
	[tilespmem:$0x14280] =	vst v63  }
0xcb: {  	s28 =	simm.s32 $0x7C80;
	s30 =	sadd.s32 $0x80, s7  }
0xcc: {  	[tilespmem:s28], [sflag:$0x1] =	stream.linear.gather [hbm4b:s30+s26], $0x80, $0x38;
	[tilespmem:$0x14280] =	vst v63  }
0xcd: {  	s30 =	sadd.s32 $0x100, s7;
	s28 =	simm.s32 $0x8080  }
0xce: {  	[tilespmem:s28], [sflag:$0x1] =	stream.linear.gather [hbm4b:s30+s26], $0x80, $0x38;
	[tilespmem:$0x14280] =	vst v63  }
0xcf: {  	s30 =	sadd.s32 $0x180, s7;
	s28 =	simm.s32 $0x8480  }
0xd0: {  	[tilespmem:s28], [sflag:$0x1] =	stream.linear.gather [hbm4b:s30+s26], $0x80, $0x38;
	[tilespmem:$0x14280] =	vst v63  }
0xd1: {  	s30 =	sadd.s32 $0x200, s7;
	s28 =	simm.s32 $0x8880  }
0xd2: {  	[tilespmem:s28], [sflag:$0x1] =	stream.linear.gather [hbm4b:s30+s26], $0x80, $0x38;
	[tilespmem:$0x14280] =	vst v63  }
0xd3: {  	_ =	swait.ge [sflag:s25], $0x280  }
0xd4: {  	[sflag:s25] =	ssyncset.done $0x0  }
0xd5: {  	s30 =	simm.s32 $0x7900;
	[sflag:s25] =	ssyncadd.s32 $0xFFFFFD80  }
0xd6: {  	[tilespmem:s30], [sflag:$0x1] =	stream.linear.gather [hbm4b:s8+s26], $0x80, $0x38;
	[tilespmem:$0x14280] =	vst v63  }
0xd7: {  	s28 =	simm.s32 $0x7D00;
	s30 =	sadd.s32 $0x80, s8  }
0xd8: {  	[tilespmem:s28], [sflag:$0x1] =	stream.linear.gather [hbm4b:s30+s26], $0x80, $0x38;
	[tilespmem:$0x14280] =	vst v63  }
0xd9: {  	s30 =	sadd.s32 $0x100, s8;
	s28 =	simm.s32 $0x8100  }
0xda: {  	[tilespmem:s28], [sflag:$0x1] =	stream.linear.gather [hbm4b:s30+s26], $0x80, $0x38;
	[tilespmem:$0x14280] =	vst v63  }
0xdb: {  	s30 =	sadd.s32 $0x180, s8;
	s28 =	simm.s32 $0x8500  }
0xdc: {  	[tilespmem:s28], [sflag:$0x1] =	stream.linear.gather [hbm4b:s30+s26], $0x80, $0x38;
	[tilespmem:$0x14280] =	vst v63  }
0xdd: {  	s30 =	sadd.s32 $0x200, s8;
	s28 =	simm.s32 $0x8900  }
0xde: {  	[tilespmem:s28], [sflag:$0x1] =	stream.linear.gather [hbm4b:s30+s26], $0x80, $0x38;
	[tilespmem:$0x14280] =	vst v63  }
0xdf: {  	_ =	swait.ge [sflag:s25], $0x280  }
0xe0: {  	[sflag:s25] =	ssyncset.done $0x0  }
0xe1: {  	s30 =	simm.s32 $0x7980;
	[sflag:s25] =	ssyncadd.s32 $0xFFFFFD80  }
0xe2: {  	[tilespmem:s30], [sflag:$0x1] =	stream.linear.gather [hbm4b:s9+s26], $0x80, $0x38;
	[tilespmem:$0x14280] =	vst v63  }
0xe3: {  	s28 =	simm.s32 $0x7D80;
	s30 =	sadd.s32 $0x80, s9  }
0xe4: {  	[tilespmem:s28], [sflag:$0x1] =	stream.linear.gather [hbm4b:s30+s26], $0x80, $0x38;
	[tilespmem:$0x14280] =	vst v63  }
0xe5: {  	s30 =	sadd.s32 $0x100, s9;
	s28 =	simm.s32 $0x8180  }
0xe6: {  	[tilespmem:s28], [sflag:$0x1] =	stream.linear.gather [hbm4b:s30+s26], $0x80, $0x38;
	[tilespmem:$0x14280] =	vst v63  }
0xe7: {  	s30 =	sadd.s32 $0x180, s9;
	s28 =	simm.s32 $0x8580  }
0xe8: {  	[tilespmem:s28], [sflag:$0x1] =	stream.linear.gather [hbm4b:s30+s26], $0x80, $0x38;
	[tilespmem:$0x14280] =	vst v63  }
0xe9: {  	s30 =	sadd.s32 $0x200, s9;
	s28 =	simm.s32 $0x8980  }
0xea: {  	[tilespmem:s28], [sflag:$0x1] =	stream.linear.gather [hbm4b:s30+s26], $0x80, $0x38;
	[tilespmem:$0x14280] =	vst v63  }
0xeb: {  	_ =	swait.ge [sflag:s25], $0x280  }
0xec: {  	[sflag:s25] =	ssyncset.done $0x0  }
0xed: {  	s30 =	simm.s32 $0x7A00;
	[sflag:s25] =	ssyncadd.s32 $0xFFFFFD80  }
0xee: {  	[tilespmem:s30], [sflag:$0x1] =	stream.linear.gather [hbm4b:s10+s26], $0x80, $0x38;
	[tilespmem:$0x14280] =	vst v63  }
0xef: {  	s28 =	simm.s32 $0x7E00;
	s30 =	sadd.s32 $0x80, s10  }
0xf0: {  	[tilespmem:s28], [sflag:$0x1] =	stream.linear.gather [hbm4b:s30+s26], $0x80, $0x38;
	[tilespmem:$0x14280] =	vst v63  }
0xf1: {  	s30 =	sadd.s32 $0x100, s10;
	s28 =	simm.s32 $0x8200  }
0xf2: {  	[tilespmem:s28], [sflag:$0x1] =	stream.linear.gather [hbm4b:s30+s26], $0x80, $0x38;
	[tilespmem:$0x14280] =	vst v63  }
0xf3: {  	s30 =	sadd.s32 $0x180, s10;
	s28 =	simm.s32 $0x8600  }
0xf4: {  	[tilespmem:s28], [sflag:$0x1] =	stream.linear.gather [hbm4b:s30+s26], $0x80, $0x38;
	[tilespmem:$0x14280] =	vst v63  }
0xf5: {  	s30 =	sadd.s32 $0x200, s10;
	s28 =	simm.s32 $0x8A00  }
0xf6: {  	[tilespmem:s28], [sflag:$0x1] =	stream.linear.gather [hbm4b:s30+s26], $0x80, $0x38;
	[tilespmem:$0x14280] =	vst v63  }
0xf7: {  	_ =	swait.ge [sflag:s25], $0x280  }
0xf8: {  	[sflag:s25] =	ssyncset.done $0x0  }
0xf9: {  	s30 =	simm.s32 $0x7A80;
	[sflag:s25] =	ssyncadd.s32 $0xFFFFFD80  }
0xfa: {  	[tilespmem:s30], [sflag:$0x1] =	stream.linear.gather [hbm4b:s11+s26], $0x80, $0x38;
	[tilespmem:$0x14280] =	vst v63  }
0xfb: {  	s28 =	simm.s32 $0x7E80;
	s30 =	sadd.s32 $0x80, s11  }
0xfc: {  	[tilespmem:s28], [sflag:$0x1] =	stream.linear.gather [hbm4b:s30+s26], $0x80, $0x38;
	[tilespmem:$0x14280] =	vst v63  }
0xfd: {  	s30 =	sadd.s32 $0x100, s11;
	s28 =	simm.s32 $0x8280  }
0xfe: {  	[tilespmem:s28], [sflag:$0x1] =	stream.linear.gather [hbm4b:s30+s26], $0x80, $0x38;
	[tilespmem:$0x14280] =	vst v63  }
0xff: {  	s30 =	sadd.s32 $0x180, s11;
	s28 =	simm.s32 $0x8680  }
0x100: {  	[tilespmem:s28], [sflag:$0x1] =	stream.linear.gather [hbm4b:s30+s26], $0x80, $0x38;
	[tilespmem:$0x14280] =	vst v63  }
0x101: {  	s30 =	sadd.s32 $0x200, s11;
	s28 =	simm.s32 $0x8A80  }
0x102: {  	[tilespmem:s28], [sflag:$0x1] =	stream.linear.gather [hbm4b:s30+s26], $0x80, $0x38;
	[tilespmem:$0x14280] =	vst v63  }
0x103: {  	_ =	swait.ge [sflag:s25], $0x280  }
0x104: {  	[sflag:s25] =	ssyncset.done $0x0  }
0x105: {  	s30 =	simm.s32 $0x7B00;
	[sflag:s25] =	ssyncadd.s32 $0xFFFFFD80  }
0x106: {  	[tilespmem:s30], [sflag:$0x1] =	stream.linear.gather [hbm4b:s12+s26], $0x80, $0x38;
	[tilespmem:$0x14280] =	vst v63  }
0x107: {  	s28 =	simm.s32 $0x7F00;
	s30 =	sadd.s32 $0x80, s12  }
0x108: {  	[tilespmem:s28], [sflag:$0x1] =	stream.linear.gather [hbm4b:s30+s26], $0x80, $0x38;
	[tilespmem:$0x14280] =	vst v63  }
0x109: {  	s30 =	sadd.s32 $0x100, s12;
	s28 =	simm.s32 $0x8300  }
0x10a: {  	[tilespmem:s28], [sflag:$0x1] =	stream.linear.gather [hbm4b:s30+s26], $0x80, $0x38;
	[tilespmem:$0x14280] =	vst v63  }
0x10b: {  	s30 =	sadd.s32 $0x180, s12;
	s28 =	simm.s32 $0x8700  }
0x10c: {  	[tilespmem:s28], [sflag:$0x1] =	stream.linear.gather [hbm4b:s30+s26], $0x80, $0x38;
	[tilespmem:$0x14280] =	vst v63  }
0x10d: {  	s30 =	sadd.s32 $0x200, s12;
	s28 =	simm.s32 $0x8B00  }
0x10e: {  	[tilespmem:s28], [sflag:$0x1] =	stream.linear.gather [hbm4b:s30+s26], $0x80, $0x38;
	[tilespmem:$0x14280] =	vst v63  }
0x10f: {  	_ =	swait.ge [sflag:s25], $0x280  }
0x110: {  	[sflag:s25] =	ssyncset.done $0x0  }
0x111: {  	s30 =	simm.s32 $0x7B80;
	[sflag:s25] =	ssyncadd.s32 $0xFFFFFD80  }
0x112: {  	[tilespmem:s30], [sflag:$0x1] =	stream.linear.gather [hbm4b:s13+s26], $0x80, $0x38;
	[tilespmem:$0x14280] =	vst v63  }
0x113: {  	s28 =	simm.s32 $0x7F80;
	s30 =	sadd.s32 $0x80, s13  }
0x114: {  	[tilespmem:s28], [sflag:$0x1] =	stream.linear.gather [hbm4b:s30+s26], $0x80, $0x38;
	[tilespmem:$0x14280] =	vst v63  }
0x115: {  	s30 =	sadd.s32 $0x100, s13;
	s28 =	simm.s32 $0x8380  }
0x116: {  	[tilespmem:s28], [sflag:$0x1] =	stream.linear.gather [hbm4b:s30+s26], $0x80, $0x38;
	[tilespmem:$0x14280] =	vst v63  }
0x117: {  	s30 =	sadd.s32 $0x180, s13;
	s28 =	simm.s32 $0x8780  }
0x118: {  	[tilespmem:s28], [sflag:$0x1] =	stream.linear.gather [hbm4b:s30+s26], $0x80, $0x38;
	[tilespmem:$0x14280] =	vst v63  }
0x119: {  	s30 =	sadd.s32 $0x200, s13;
	s28 =	simm.s32 $0x8B80  }
0x11a: {  	[tilespmem:s28], [sflag:$0x1] =	stream.linear.gather [hbm4b:s30+s26], $0x80, $0x38;
	[tilespmem:$0x14280] =	vst v63  }
0x11b: {  	_ =	swait.ge [sflag:s25], $0x280  }
0x11c: {  	[sflag:s25] =	ssyncset.done $0x0  }
0x11d: {  	s30 =	simm.s32 $0x8C00;
	[sflag:s25] =	ssyncadd.s32 $0xFFFFFD80  }
0x11e: {  	[tilespmem:s30], [sflag:$0x1] =	stream.linear.gather [hbm4b:s14+s26], $0x80, $0x38;
	[tilespmem:$0x14280] =	vst v63  }
0x11f: {  	s28 =	simm.s32 $0x9000;
	s30 =	sadd.s32 $0x80, s14  }
0x120: {  	[tilespmem:s28], [sflag:$0x1] =	stream.linear.gather [hbm4b:s30+s26], $0x80, $0x38;
	[tilespmem:$0x14280] =	vst v63  }
0x121: {  	s30 =	sadd.s32 $0x100, s14;
	s28 =	simm.s32 $0x9400  }
0x122: {  	[tilespmem:s28], [sflag:$0x1] =	stream.linear.gather [hbm4b:s30+s26], $0x80, $0x38;
	[tilespmem:$0x14280] =	vst v63  }
0x123: {  	s30 =	sadd.s32 $0x180, s14;
	s28 =	simm.s32 $0x9800  }
0x124: {  	[tilespmem:s28], [sflag:$0x1] =	stream.linear.gather [hbm4b:s30+s26], $0x80, $0x38;
	[tilespmem:$0x14280] =	vst v63  }
0x125: {  	s30 =	sadd.s32 $0x200, s14;
	s28 =	simm.s32 $0x9C00  }
0x126: {  	[tilespmem:s28], [sflag:$0x1] =	stream.linear.gather [hbm4b:s30+s26], $0x80, $0x38;
	[tilespmem:$0x14280] =	vst v63  }
0x127: {  	_ =	swait.ge [sflag:s25], $0x280  }
0x128: {  	[sflag:s25] =	ssyncset.done $0x0  }
0x129: {  	s30 =	simm.s32 $0x8C80;
	[sflag:s25] =	ssyncadd.s32 $0xFFFFFD80  }
0x12a: {  	[tilespmem:s30], [sflag:$0x1] =	stream.linear.gather [hbm4b:s15+s26], $0x80, $0x38;
	[tilespmem:$0x14280] =	vst v63  }
0x12b: {  	s28 =	simm.s32 $0x9080;
	s30 =	sadd.s32 $0x80, s15  }
0x12c: {  	[tilespmem:s28], [sflag:$0x1] =	stream.linear.gather [hbm4b:s30+s26], $0x80, $0x38;
	[tilespmem:$0x14280] =	vst v63  }
0x12d: {  	s30 =	sadd.s32 $0x100, s15;
	s28 =	simm.s32 $0x9480  }
0x12e: {  	[tilespmem:s28], [sflag:$0x1] =	stream.linear.gather [hbm4b:s30+s26], $0x80, $0x38;
	[tilespmem:$0x14280] =	vst v63  }
0x12f: {  	s30 =	sadd.s32 $0x180, s15;
	s28 =	simm.s32 $0x9880  }
0x130: {  	[tilespmem:s28], [sflag:$0x1] =	stream.linear.gather [hbm4b:s30+s26], $0x80, $0x38;
	[tilespmem:$0x14280] =	vst v63  }
0x131: {  	s30 =	sadd.s32 $0x200, s15;
	s28 =	simm.s32 $0x9C80  }
0x132: {  	[tilespmem:s28], [sflag:$0x1] =	stream.linear.gather [hbm4b:s30+s26], $0x80, $0x38;
	[tilespmem:$0x14280] =	vst v63  }
0x133: {  	_ =	swait.ge [sflag:s25], $0x280  }
0x134: {  	[sflag:s25] =	ssyncset.done $0x0  }
0x135: {  	s30 =	simm.s32 $0x8D00;
	[sflag:s25] =	ssyncadd.s32 $0xFFFFFD80  }
0x136: {  	[tilespmem:s30], [sflag:$0x1] =	stream.linear.gather [hbm4b:s16+s26], $0x80, $0x38;
	[tilespmem:$0x14280] =	vst v63  }
0x137: {  	s28 =	simm.s32 $0x9100;
	s30 =	sadd.s32 $0x80, s16  }
0x138: {  	[tilespmem:s28], [sflag:$0x1] =	stream.linear.gather [hbm4b:s30+s26], $0x80, $0x38;
	[tilespmem:$0x14280] =	vst v63  }
0x139: {  	s30 =	sadd.s32 $0x100, s16;
	s28 =	simm.s32 $0x9500  }
0x13a: {  	[tilespmem:s28], [sflag:$0x1] =	stream.linear.gather [hbm4b:s30+s26], $0x80, $0x38;
	[tilespmem:$0x14280] =	vst v63  }
0x13b: {  	s30 =	sadd.s32 $0x180, s16;
	s28 =	simm.s32 $0x9900  }
0x13c: {  	[tilespmem:s28], [sflag:$0x1] =	stream.linear.gather [hbm4b:s30+s26], $0x80, $0x38;
	[tilespmem:$0x14280] =	vst v63  }
0x13d: {  	s30 =	sadd.s32 $0x200, s16;
	s28 =	simm.s32 $0x9D00  }
0x13e: {  	[tilespmem:s28], [sflag:$0x1] =	stream.linear.gather [hbm4b:s30+s26], $0x80, $0x38;
	[tilespmem:$0x14280] =	vst v63  }
0x13f: {  	_ =	swait.ge [sflag:s25], $0x280  }
0x140: {  	[sflag:s25] =	ssyncset.done $0x0  }
0x141: {  	s30 =	simm.s32 $0x8D80;
	[sflag:s25] =	ssyncadd.s32 $0xFFFFFD80  }
0x142: {  	[tilespmem:s30], [sflag:$0x1] =	stream.linear.gather [hbm4b:s17+s26], $0x80, $0x38;
	[tilespmem:$0x14280] =	vst v63  }
0x143: {  	s28 =	simm.s32 $0x9180;
	s30 =	sadd.s32 $0x80, s17  }
0x144: {  	[tilespmem:s28], [sflag:$0x1] =	stream.linear.gather [hbm4b:s30+s26], $0x80, $0x38;
	[tilespmem:$0x14280] =	vst v63  }
0x145: {  	s30 =	sadd.s32 $0x100, s17;
	s28 =	simm.s32 $0x9580  }
0x146: {  	[tilespmem:s28], [sflag:$0x1] =	stream.linear.gather [hbm4b:s30+s26], $0x80, $0x38;
	[tilespmem:$0x14280] =	vst v63  }
0x147: {  	s30 =	sadd.s32 $0x180, s17;
	s28 =	simm.s32 $0x9980  }
0x148: {  	[tilespmem:s28], [sflag:$0x1] =	stream.linear.gather [hbm4b:s30+s26], $0x80, $0x38;
	[tilespmem:$0x14280] =	vst v63  }
0x149: {  	s30 =	sadd.s32 $0x200, s17;
	s28 =	simm.s32 $0x9D80  }
0x14a: {  	[tilespmem:s28], [sflag:$0x1] =	stream.linear.gather [hbm4b:s30+s26], $0x80, $0x38;
	[tilespmem:$0x14280] =	vst v63  }
0x14b: {  	_ =	swait.ge [sflag:s25], $0x280  }
0x14c: {  	[sflag:s25] =	ssyncset.done $0x0  }
0x14d: {  	s30 =	simm.s32 $0x8E00;
	[sflag:s25] =	ssyncadd.s32 $0xFFFFFD80  }
0x14e: {  	[tilespmem:s30], [sflag:$0x1] =	stream.linear.gather [hbm4b:s18+s26], $0x80, $0x38;
	[tilespmem:$0x14280] =	vst v63  }
0x14f: {  	s28 =	simm.s32 $0x9200;
	s30 =	sadd.s32 $0x80, s18  }
0x150: {  	[tilespmem:s28], [sflag:$0x1] =	stream.linear.gather [hbm4b:s30+s26], $0x80, $0x38;
	[tilespmem:$0x14280] =	vst v63  }
0x151: {  	s30 =	sadd.s32 $0x100, s18;
	s28 =	simm.s32 $0x9600  }
0x152: {  	[tilespmem:s28], [sflag:$0x1] =	stream.linear.gather [hbm4b:s30+s26], $0x80, $0x38;
	[tilespmem:$0x14280] =	vst v63  }
0x153: {  	s30 =	sadd.s32 $0x180, s18;
	s28 =	simm.s32 $0x9A00  }
0x154: {  	[tilespmem:s28], [sflag:$0x1] =	stream.linear.gather [hbm4b:s30+s26], $0x80, $0x38;
	[tilespmem:$0x14280] =	vst v63  }
0x155: {  	s30 =	sadd.s32 $0x200, s18;
	s28 =	simm.s32 $0x9E00  }
0x156: {  	[tilespmem:s28], [sflag:$0x1] =	stream.linear.gather [hbm4b:s30+s26], $0x80, $0x38;
	[tilespmem:$0x14280] =	vst v63  }
0x157: {  	_ =	swait.ge [sflag:s25], $0x280  }
0x158: {  	[sflag:s25] =	ssyncset.done $0x0  }
0x159: {  	s30 =	simm.s32 $0x8E80;
	[sflag:s25] =	ssyncadd.s32 $0xFFFFFD80  }
0x15a: {  	[tilespmem:s30], [sflag:$0x1] =	stream.linear.gather [hbm4b:s19+s26], $0x80, $0x38;
	[tilespmem:$0x14280] =	vst v63  }
0x15b: {  	s28 =	simm.s32 $0x9280;
	s30 =	sadd.s32 $0x80, s19  }
0x15c: {  	[tilespmem:s28], [sflag:$0x1] =	stream.linear.gather [hbm4b:s30+s26], $0x80, $0x38;
	[tilespmem:$0x14280] =	vst v63  }
0x15d: {  	s30 =	sadd.s32 $0x100, s19;
	s28 =	simm.s32 $0x9680  }
0x15e: {  	[tilespmem:s28], [sflag:$0x1] =	stream.linear.gather [hbm4b:s30+s26], $0x80, $0x38;
	[tilespmem:$0x14280] =	vst v63  }
0x15f: {  	s30 =	sadd.s32 $0x180, s19;
	s28 =	simm.s32 $0x9A80  }
0x160: {  	[tilespmem:s28], [sflag:$0x1] =	stream.linear.gather [hbm4b:s30+s26], $0x80, $0x38;
	[tilespmem:$0x14280] =	vst v63  }
0x161: {  	s30 =	sadd.s32 $0x200, s19;
	s28 =	simm.s32 $0x9E80  }
0x162: {  	[tilespmem:s28], [sflag:$0x1] =	stream.linear.gather [hbm4b:s30+s26], $0x80, $0x38;
	[tilespmem:$0x14280] =	vst v63  }
0x163: {  	_ =	swait.ge [sflag:s25], $0x280  }
0x164: {  	[sflag:s25] =	ssyncset.done $0x0  }
0x165: {  	s30 =	simm.s32 $0x8F00;
	[sflag:s25] =	ssyncadd.s32 $0xFFFFFD80  }
0x166: {  	[tilespmem:s30], [sflag:$0x1] =	stream.linear.gather [hbm4b:s20+s26], $0x80, $0x38;
	[tilespmem:$0x14280] =	vst v63  }
0x167: {  	s28 =	simm.s32 $0x9300;
	s30 =	sadd.s32 $0x80, s20  }
0x168: {  	[tilespmem:s28], [sflag:$0x1] =	stream.linear.gather [hbm4b:s30+s26], $0x80, $0x38;
	[tilespmem:$0x14280] =	vst v63  }
0x169: {  	s30 =	sadd.s32 $0x100, s20;
	s28 =	simm.s32 $0x9700  }
0x16a: {  	[tilespmem:s28], [sflag:$0x1] =	stream.linear.gather [hbm4b:s30+s26], $0x80, $0x38;
	[tilespmem:$0x14280] =	vst v63  }
0x16b: {  	s30 =	sadd.s32 $0x180, s20;
	s28 =	simm.s32 $0x9B00  }
0x16c: {  	[tilespmem:s28], [sflag:$0x1] =	stream.linear.gather [hbm4b:s30+s26], $0x80, $0x38;
	[tilespmem:$0x14280] =	vst v63  }
0x16d: {  	s30 =	sadd.s32 $0x200, s20;
	s28 =	simm.s32 $0x9F00  }
0x16e: {  	[tilespmem:s28], [sflag:$0x1] =	stream.linear.gather [hbm4b:s30+s26], $0x80, $0x38;
	[tilespmem:$0x14280] =	vst v63  }
0x16f: {  	_ =	swait.ge [sflag:s25], $0x280  }
0x170: {  	[sflag:s25] =	ssyncset.done $0x0  }
0x171: {  	s30 =	simm.s32 $0x8F80;
	[sflag:s25] =	ssyncadd.s32 $0xFFFFFD80  }
0x172: {  	[tilespmem:s30], [sflag:$0x1] =	stream.linear.gather [hbm4b:s22+s26], $0x80, $0x38;
	[tilespmem:$0x14280] =	vst v63  }
0x173: {  	s28 =	simm.s32 $0x9380;
	s30 =	sadd.s32 $0x80, s22  }
0x174: {  	[tilespmem:s28], [sflag:$0x1] =	stream.linear.gather [hbm4b:s30+s26], $0x80, $0x38;
	[tilespmem:$0x14280] =	vst v63  }
0x175: {  	s30 =	sadd.s32 $0x100, s22;
	s28 =	simm.s32 $0x9780  }
0x176: {  	[tilespmem:s28], [sflag:$0x1] =	stream.linear.gather [hbm4b:s30+s26], $0x80, $0x38;
	[tilespmem:$0x14280] =	vst v63  }
0x177: {  	s30 =	sadd.s32 $0x180, s22  }
0x178: {  	[tilespmem:s31], [sflag:$0x1] =	stream.linear.gather [hbm4b:s30+s26], $0x80, $0x38;
	[tilespmem:$0x14280] =	vst v63  }
0x179: {  	s30 =	sadd.s32 $0x200, s22  }
0x17a: {  	[tilespmem:s0], [sflag:$0x1] =	stream.linear.gather [hbm4b:s30+s26], $0x80, $0x38;
	[tilespmem:$0x14280] =	vst v63  }
0x17b: {  	_ =	swait.ge [sflag:s25], $0x280  }
0x17c: {  	s30 =	sand.u32 $0x70, s26;
	s26 =	sand.u32 $0x1C00, s26;
	[sflag:s25] =	ssyncset.done $0x0  }
0x17d: {  	s21 =	sor.u32 s30, s26;
	[sflag:s25] =	ssyncadd.s32 $0xFFFFFD80  }
0x17e: {  	v1 =	vld [tilespmem:s21+$0x7880]  }
0x17f: {  	v2 =	vld [tilespmem:s21+$0x7800];
	_ =	sdelay $0x1  }
0x180: {  	v3 =	vld [tilespmem:s21+$0x7900];
	_ =	sdelay $0x1  }
0x181: {  	v4 =	vld [tilespmem:s21+$0x7980]  }
0x182: {  	v1 =	vadd.f32 v1, v2  }
0x183: {  	v2 =	vld [tilespmem:s21+$0x7A00]  }
0x184: {  	v1 =	vadd.f32 v3, v1  }
0x185: {  	v3 =	vld [tilespmem:s21+$0x7A80]  }
0x186: {  	v1 =	vadd.f32 v4, v1  }
0x187: {  	v60 =	vld [tilespmem:s21+$0x7B00]  }
0x188: {  	v1 =	vadd.f32 v2, v1  }
0x189: {  	v2 =	vld [tilespmem:s21+$0x7B80]  }
0x18a: {  	v1 =	vadd.f32 v3, v1  }
0x18b: {  	v3 =	vld [tilespmem:s21+$0x8C00]  }
0x18c: {  	v1 =	vadd.f32 v60, v1  }
0x18d: {  	v61 =	vld [tilespmem:s21+$0x8C80]  }
0x18e: {  	v1 =	vadd.f32 v2, v1  }
0x18f: {  	v2 =	vld [tilespmem:s21+$0x8D00]  }
0x190: {  	v1 =	vadd.f32 v3, v1  }
0x191: {  	v3 =	vld [tilespmem:s21+$0x8D80]  }
0x192: {  	v1 =	vadd.f32 v61, v1  }
0x193: {  	v62 =	vld [tilespmem:s21+$0x8E00]  }
0x194: {  	v1 =	vadd.f32 v2, v1  }
0x195: {  	v2 =	vld [tilespmem:s21+$0x8E80]  }
0x196: {  	v1 =	vadd.f32 v3, v1  }
0x197: {  	v3 =	vld [tilespmem:s21+$0x8F00]  }
0x198: {  	v1 =	vadd.f32 v62, v1  }
0x199: {  	v63 =	vld [tilespmem:s21+$0x8F80]  }
0x19a: {  	v1 =	vadd.f32 v2, v1;
	_ =	sdelay $0x1  }
0x19b: {  	v1 =	vadd.f32 v3, v1;
	_ =	sdelay $0x1  }
0x19c: {  	s29 =	simm.s32 $0x80;
	s30 =	simm.s32 $0x10;
	v1 =	vadd.f32 v63, v1  }
0x19d: {  	s28 =	sand.u32 $0x1C00, s29;
	s26 =	simm.s32 $0xA000;
	s21 =	sand.u32 $0x70, s30  }
0x19e: {  	s28 =	sor.u32 s21, s28;
	s21 =	simm.s32 $0x20;
	[tilespmem:s26+$0x0] =	vst v1  }
.LBB2_4:
0x19f: {  	p1 =	sne.s32 s21, $0x270;
	v1 =	vld [tilespmem:s28+$0x7880]  }
0x1a0: {  	v2 =	vld [tilespmem:s28+$0x7800];
	_ =	sdelay $0x1  }
0x1a1: {  	v3 =	vld [tilespmem:s28+$0x7900];
	_ =	sdelay $0x1  }
0x1a2: {  	v4 =	vld [tilespmem:s28+$0x7980]  }
0x1a3: {  	v1 =	vadd.f32 v1, v2  }
0x1a4: {  	v2 =	vld [tilespmem:s28+$0x7A00]  }
0x1a5: {  	v1 =	vadd.f32 v3, v1  }
0x1a6: {  	v3 =	vld [tilespmem:s28+$0x7A80]  }
0x1a7: {  	v1 =	vadd.f32 v4, v1  }
0x1a8: {  	v4 =	vld [tilespmem:s28+$0x7B00]  }
0x1a9: {  	v1 =	vadd.f32 v2, v1  }
0x1aa: {  	v2 =	vld [tilespmem:s28+$0x7B80]  }
0x1ab: {  	v1 =	vadd.f32 v3, v1  }
0x1ac: {  	v3 =	vld [tilespmem:s28+$0x8C00]  }
0x1ad: {  	v1 =	vadd.f32 v4, v1  }
0x1ae: {  	v4 =	vld [tilespmem:s28+$0x8C80]  }
0x1af: {  	v1 =	vadd.f32 v2, v1  }
0x1b0: {  	v2 =	vld [tilespmem:s28+$0x8D00]  }
0x1b1: {  	v1 =	vadd.f32 v3, v1  }
0x1b2: {  	v3 =	vld [tilespmem:s28+$0x8D80]  }
0x1b3: {  	v1 =	vadd.f32 v4, v1  }
0x1b4: {  	v4 =	vld [tilespmem:s28+$0x8E00]  }
0x1b5: {  	v1 =	vadd.f32 v2, v1  }
0x1b6: {  	v2 =	vld [tilespmem:s28+$0x8E80]  }
0x1b7: {  	v1 =	vadd.f32 v3, v1  }
0x1b8: {  	v3 =	vld [tilespmem:s28+$0x8F00]  }
0x1b9: {  	v1 =	vadd.f32 v4, v1  }
0x1ba: {  	v4 =	vld [tilespmem:s28+$0x8F80]  }
0x1bb: {  	v1 =	vadd.f32 v2, v1;
	_ =	sdelay $0x1  }
.Ltmp3:
0x1bc: {  	v1 =	vadd.f32 v3, v1;
	(pc) =	sbr.rel @p1 .LBB2_4-.Ltmp3, $4  }
0x1bd: {  	_ = 	snop  }
0x1be: {  	s29 =	sadd.s32 $0x80, s29;
	v1 =	vadd.f32 v4, v1  }
0x1bf: {  	s26 =	sadd.s32 $0x10, s26;
	s30 =	sand.u32 $0x1C00, s29;
	s28 =	sand.u32 $0x70, s21  }
0x1c0: {  	s21 =	sadd.s32 $0x10, s21;
	s28 =	sor.u32 s28, s30;
	[tilespmem:s26+$0x0] =	vst v1  }
0x1c1: {  	v1 =	vld [tilespmem:s28+$0x7880]  }
0x1c2: {  	v2 =	vld [tilespmem:s28+$0x7800];
	_ =	sdelay $0x1  }
0x1c3: {  	v3 =	vld [tilespmem:s28+$0x7900];
	_ =	sdelay $0x1  }
0x1c4: {  	v4 =	vld [tilespmem:s28+$0x7980]  }
0x1c5: {  	v1 =	vadd.f32 v1, v2  }
0x1c6: {  	v2 =	vld [tilespmem:s28+$0x7A00]  }
0x1c7: {  	v1 =	vadd.f32 v3, v1  }
0x1c8: {  	v3 =	vld [tilespmem:s28+$0x7A80]  }
0x1c9: {  	v1 =	vadd.f32 v4, v1  }
0x1ca: {  	v60 =	vld [tilespmem:s28+$0x7B00]  }
0x1cb: {  	v1 =	vadd.f32 v2, v1  }
0x1cc: {  	v2 =	vld [tilespmem:s28+$0x7B80]  }
0x1cd: {  	v1 =	vadd.f32 v3, v1  }
0x1ce: {  	v3 =	vld [tilespmem:s28+$0x8C00]  }
0x1cf: {  	v1 =	vadd.f32 v60, v1  }
0x1d0: {  	v61 =	vld [tilespmem:s28+$0x8C80]  }
0x1d1: {  	v1 =	vadd.f32 v2, v1  }
0x1d2: {  	v2 =	vld [tilespmem:s28+$0x8D00]  }
0x1d3: {  	v1 =	vadd.f32 v3, v1  }
0x1d4: {  	v3 =	vld [tilespmem:s28+$0x8D80]  }
0x1d5: {  	v1 =	vadd.f32 v61, v1  }
0x1d6: {  	v62 =	vld [tilespmem:s28+$0x8E00]  }
0x1d7: {  	v1 =	vadd.f32 v2, v1  }
0x1d8: {  	v2 =	vld [tilespmem:s28+$0x8E80]  }
0x1d9: {  	v1 =	vadd.f32 v3, v1  }
0x1da: {  	v3 =	vld [tilespmem:s28+$0x8F00]  }
0x1db: {  	v1 =	vadd.f32 v62, v1  }
0x1dc: {  	v63 =	vld [tilespmem:s28+$0x8F80]  }
0x1dd: {  	v1 =	vadd.f32 v2, v1;
	_ =	sdelay $0x1  }
.Ltmp4:
0x1de: {  	v1 =	vadd.f32 v3, v1;
	(pc) =	sbr.rel @p0 .LBB2_11-.Ltmp4, $4  }
0x1df: {  	_ = 	snop  }
0x1e0: {  	v1 =	vadd.f32 v63, v1  }
0x1e1: {  	s21 =	sadd.s32 $0x10, s26  }
0x1e2: {  	[tilespmem:s21+$0x0] =	vst v1  }
0x1e3: {  	s21 =	simm.s32 $0x0  }
0x1e4: {  	v1 =	vld [tilespmem:s21+$0xA000];
	_ =	sdelay $0x4  }
0x1e5: {  	v1 =	vmax.f32 v1, $1.000000000e+00  }
0x1e6: {  	(erf) = vrcp.f32 v1;
	_ =	sdelay $0x8  }
0x1e7: {  	v1 =	vpop (erf)  }
0x1e8: {  	v2 =	vbroadcast v1, $0x0  }
0x1e9: {  	s26 =	simm.s32 $0xA680  }
0x1ea: {  	[tilespmem:s26+$0xFFFFFC00] =	vst v2  }
0x1eb: {  	[tilespmem:s26+$0xFFFFFC10] =	vst v2  }
0x1ec: {  	[tilespmem:s26+$0xFFFFFC20] =	vst v2  }
0x1ed: {  	[tilespmem:s26+$0xFFFFFC30] =	vst v2  }
0x1ee: {  	[tilespmem:s26+$0xFFFFFC40] =	vst v2  }
0x1ef: {  	[tilespmem:s26+$0xFFFFFC50] =	vst v2  }
0x1f0: {  	v3 =	vbroadcast v1, $0x1;
	[tilespmem:s26+$0xFFFFFC60] =	vst v2  }
0x1f1: {  	[tilespmem:s26+$0xFFFFFC70] =	vst v2  }
0x1f2: {  	[tilespmem:s26+$0xFFFFFC80] =	vst v3  }
0x1f3: {  	[tilespmem:s26+$0xFFFFFC90] =	vst v3  }
0x1f4: {  	[tilespmem:s26+$0xFFFFFCA0] =	vst v3  }
0x1f5: {  	[tilespmem:s26+$0xFFFFFCB0] =	vst v3  }
0x1f6: {  	[tilespmem:s26+$0xFFFFFCC0] =	vst v3  }
0x1f7: {  	[tilespmem:s26+$0xFFFFFCD0] =	vst v3  }
0x1f8: {  	v2 =	vbroadcast v1, $0x2;
	[tilespmem:s26+$0xFFFFFCE0] =	vst v3  }
0x1f9: {  	[tilespmem:s26+$0xFFFFFCF0] =	vst v3  }
0x1fa: {  	[tilespmem:s26+$0xFFFFFD00] =	vst v2  }
0x1fb: {  	[tilespmem:s26+$0xFFFFFD10] =	vst v2  }
0x1fc: {  	[tilespmem:s26+$0xFFFFFD20] =	vst v2  }
0x1fd: {  	[tilespmem:s26+$0xFFFFFD30] =	vst v2  }
0x1fe: {  	[tilespmem:s26+$0xFFFFFD40] =	vst v2  }
0x1ff: {  	[tilespmem:s26+$0xFFFFFD50] =	vst v2  }
0x200: {  	v3 =	vbroadcast v1, $0x3;
	[tilespmem:s26+$0xFFFFFD60] =	vst v2  }
0x201: {  	[tilespmem:s26+$0xFFFFFD70] =	vst v2  }
0x202: {  	[tilespmem:s26+$0xFFFFFD80] =	vst v3  }
0x203: {  	[tilespmem:s26+$0xFFFFFD90] =	vst v3  }
0x204: {  	[tilespmem:s26+$0xFFFFFDA0] =	vst v3  }
0x205: {  	[tilespmem:s26+$0xFFFFFDB0] =	vst v3  }
0x206: {  	[tilespmem:s26+$0xFFFFFDC0] =	vst v3  }
0x207: {  	[tilespmem:s26+$0xFFFFFDD0] =	vst v3  }
0x208: {  	v2 =	vbroadcast v1, $0x4;
	[tilespmem:s26+$0xFFFFFDE0] =	vst v3  }
0x209: {  	[tilespmem:s26+$0xFFFFFDF0] =	vst v3  }
0x20a: {  	[tilespmem:s26+$0xFFFFFE00] =	vst v2  }
0x20b: {  	[tilespmem:s26+$0xFFFFFE10] =	vst v2  }
0x20c: {  	[tilespmem:s26+$0xFFFFFE20] =	vst v2  }
0x20d: {  	[tilespmem:s26+$0xFFFFFE30] =	vst v2  }
0x20e: {  	[tilespmem:s26+$0xFFFFFE40] =	vst v2  }
0x20f: {  	[tilespmem:s26+$0xFFFFFE50] =	vst v2  }
0x210: {  	v3 =	vbroadcast v1, $0x5;
	[tilespmem:s26+$0xFFFFFE60] =	vst v2  }
0x211: {  	[tilespmem:s26+$0xFFFFFE70] =	vst v2  }
0x212: {  	[tilespmem:s26+$0xFFFFFE80] =	vst v3  }
0x213: {  	[tilespmem:s26+$0xFFFFFE90] =	vst v3  }
0x214: {  	[tilespmem:s26+$0xFFFFFEA0] =	vst v3  }
0x215: {  	[tilespmem:s26+$0xFFFFFEB0] =	vst v3  }
0x216: {  	[tilespmem:s26+$0xFFFFFEC0] =	vst v3  }
0x217: {  	[tilespmem:s26+$0xFFFFFED0] =	vst v3  }
0x218: {  	v2 =	vbroadcast v1, $0x6;
	[tilespmem:s26+$0xFFFFFEE0] =	vst v3  }
0x219: {  	[tilespmem:s26+$0xFFFFFEF0] =	vst v3  }
0x21a: {  	[tilespmem:s26+$0xFFFFFF00] =	vst v2  }
0x21b: {  	[tilespmem:s26+$0xFFFFFF10] =	vst v2  }
0x21c: {  	[tilespmem:s26+$0xFFFFFF20] =	vst v2  }
0x21d: {  	[tilespmem:s26+$0xFFFFFF30] =	vst v2  }
0x21e: {  	[tilespmem:s26+$0xFFFFFF40] =	vst v2  }
0x21f: {  	[tilespmem:s26+$0xFFFFFF50] =	vst v2  }
0x220: {  	v3 =	vbroadcast v1, $0x7;
	[tilespmem:s26+$0xFFFFFF60] =	vst v2  }
0x221: {  	[tilespmem:s26+$0xFFFFFF70] =	vst v2  }
0x222: {  	[tilespmem:s26+$0xFFFFFF80] =	vst v3  }
0x223: {  	[tilespmem:s26+$0xFFFFFF90] =	vst v3  }
0x224: {  	[tilespmem:s26+$0xFFFFFFA0] =	vst v3  }
0x225: {  	[tilespmem:s26+$0xFFFFFFB0] =	vst v3  }
0x226: {  	[tilespmem:s26+$0xFFFFFFC0] =	vst v3  }
0x227: {  	[tilespmem:s26+$0xFFFFFFD0] =	vst v3  }
0x228: {  	v2 =	vbroadcast v1, $0x8;
	[tilespmem:s26+$0xFFFFFFE0] =	vst v3  }
0x229: {  	[tilespmem:s26+$0xFFFFFFF0] =	vst v3  }
0x22a: {  	[tilespmem:s26+$0x0] =	vst v2  }
0x22b: {  	[tilespmem:s26+$0x10] =	vst v2  }
0x22c: {  	[tilespmem:s26+$0x20] =	vst v2  }
0x22d: {  	[tilespmem:s26+$0x30] =	vst v2  }
0x22e: {  	[tilespmem:s26+$0x40] =	vst v2  }
0x22f: {  	[tilespmem:s26+$0x50] =	vst v2  }
0x230: {  	v3 =	vbroadcast v1, $0x9;
	[tilespmem:s26+$0x60] =	vst v2  }
0x231: {  	[tilespmem:s26+$0x70] =	vst v2  }
0x232: {  	[tilespmem:s26+$0x80] =	vst v3  }
0x233: {  	[tilespmem:s26+$0x90] =	vst v3  }
0x234: {  	[tilespmem:s26+$0xA0] =	vst v3  }
0x235: {  	[tilespmem:s26+$0xB0] =	vst v3  }
0x236: {  	[tilespmem:s26+$0xC0] =	vst v3  }
0x237: {  	[tilespmem:s26+$0xD0] =	vst v3  }
0x238: {  	v2 =	vbroadcast v1, $0xA;
	[tilespmem:s26+$0xE0] =	vst v3  }
0x239: {  	[tilespmem:s26+$0xF0] =	vst v3  }
0x23a: {  	[tilespmem:s26+$0x100] =	vst v2  }
0x23b: {  	[tilespmem:s26+$0x110] =	vst v2  }
0x23c: {  	[tilespmem:s26+$0x120] =	vst v2  }
0x23d: {  	[tilespmem:s26+$0x130] =	vst v2  }
0x23e: {  	[tilespmem:s26+$0x140] =	vst v2  }
0x23f: {  	[tilespmem:s26+$0x150] =	vst v2  }
0x240: {  	v3 =	vbroadcast v1, $0xB;
	[tilespmem:s26+$0x160] =	vst v2  }
0x241: {  	[tilespmem:s26+$0x170] =	vst v2  }
0x242: {  	[tilespmem:s26+$0x180] =	vst v3  }
0x243: {  	[tilespmem:s26+$0x190] =	vst v3  }
0x244: {  	[tilespmem:s26+$0x1A0] =	vst v3  }
0x245: {  	[tilespmem:s26+$0x1B0] =	vst v3  }
0x246: {  	[tilespmem:s26+$0x1C0] =	vst v3  }
0x247: {  	[tilespmem:s26+$0x1D0] =	vst v3  }
0x248: {  	v2 =	vbroadcast v1, $0xC;
	[tilespmem:s26+$0x1E0] =	vst v3  }
0x249: {  	[tilespmem:s26+$0x1F0] =	vst v3  }
0x24a: {  	[tilespmem:s26+$0x200] =	vst v2  }
0x24b: {  	[tilespmem:s26+$0x210] =	vst v2  }
0x24c: {  	[tilespmem:s26+$0x220] =	vst v2  }
0x24d: {  	[tilespmem:s26+$0x230] =	vst v2  }
0x24e: {  	[tilespmem:s26+$0x240] =	vst v2  }
0x24f: {  	[tilespmem:s26+$0x250] =	vst v2  }
0x250: {  	v3 =	vbroadcast v1, $0xD;
	[tilespmem:s26+$0x260] =	vst v2  }
0x251: {  	[tilespmem:s26+$0x270] =	vst v2  }
0x252: {  	[tilespmem:s26+$0x280] =	vst v3  }
0x253: {  	[tilespmem:s26+$0x290] =	vst v3  }
0x254: {  	[tilespmem:s26+$0x2A0] =	vst v3  }
0x255: {  	[tilespmem:s26+$0x2B0] =	vst v3  }
0x256: {  	[tilespmem:s26+$0x2C0] =	vst v3  }
0x257: {  	[tilespmem:s26+$0x2D0] =	vst v3  }
0x258: {  	v2 =	vbroadcast v1, $0xE;
	[tilespmem:s26+$0x2E0] =	vst v3  }
0x259: {  	[tilespmem:s26+$0x2F0] =	vst v3  }
0x25a: {  	[tilespmem:s26+$0x300] =	vst v2  }
0x25b: {  	[tilespmem:s26+$0x310] =	vst v2  }
0x25c: {  	[tilespmem:s26+$0x320] =	vst v2  }
0x25d: {  	[tilespmem:s26+$0x330] =	vst v2  }
0x25e: {  	[tilespmem:s26+$0x340] =	vst v2  }
0x25f: {  	[tilespmem:s26+$0x350] =	vst v2  }
0x260: {  	v1 =	vbroadcast v1, $0xF;
	[tilespmem:s26+$0x360] =	vst v2  }
0x261: {  	[tilespmem:s26+$0x370] =	vst v2  }
0x262: {  	[tilespmem:s26+$0x380] =	vst v1  }
0x263: {  	[tilespmem:s26+$0x390] =	vst v1  }
0x264: {  	[tilespmem:s26+$0x3A0] =	vst v1  }
0x265: {  	[tilespmem:s26+$0x3B0] =	vst v1  }
0x266: {  	[tilespmem:s26+$0x3C0] =	vst v1  }
0x267: {  	[tilespmem:s26+$0x3D0] =	vst v1  }
0x268: {  	[tilespmem:s26+$0x3E0] =	vst v1  }
0x269: {  	s28 =	simm.s32 $0x80;
	s21 =	simm.s32 $0x10;
	[tilespmem:s26+$0x3F0] =	vst v1  }
.LBB2_7:
0x26a: {  	p1 =	sne.s32 s28, $0x4C0;
	v1 =	vld [tilespmem:s21+$0xA000];
	_ =	sdelay $0x4  }
0x26b: {  	v1 =	vmax.f32 v1, $1.000000000e+00  }
0x26c: {  	(erf) = vrcp.f32 v1;
	_ =	sdelay $0x8  }
0x26d: {  	v1 =	vpop (erf)  }
0x26e: {  	v10 =	vbroadcast v1, $0x0;
	v11 =	vbroadcast v1, $0x1  }
0x26f: {  	s26 =	sadd.s32 $0x800, s26;
	v12 =	vbroadcast v1, $0x2;
	v13 =	vbroadcast v1, $0x3  }
0x270: {  	v14 =	vbroadcast v1, $0x4;
	v15 =	vbroadcast v1, $0x5;
	[tilespmem:s26+$0xFFFFFC00] =	vst v10  }
0x271: {  	v16 =	vbroadcast v1, $0x6;
	v9 =	vbroadcast v1, $0x7;
	[tilespmem:s26+$0xFFFFFC10] =	vst v10  }
0x272: {  	v8 =	vbroadcast v1, $0x8;
	v7 =	vbroadcast v1, $0x9;
	[tilespmem:s26+$0xFFFFFC20] =	vst v10  }
0x273: {  	v6 =	vbroadcast v1, $0xA;
	v5 =	vbroadcast v1, $0xB;
	[tilespmem:s26+$0xFFFFFC30] =	vst v10  }
0x274: {  	v4 =	vbroadcast v1, $0xC;
	v3 =	vbroadcast v1, $0xD;
	[tilespmem:s26+$0xFFFFFC40] =	vst v10  }
0x275: {  	v2 =	vbroadcast v1, $0xE;
	v1 =	vbroadcast v1, $0xF;
	[tilespmem:s26+$0xFFFFFC50] =	vst v10  }
0x276: {  	[tilespmem:s26+$0xFFFFFC60] =	vst v10  }
0x277: {  	[tilespmem:s26+$0xFFFFFC70] =	vst v10  }
0x278: {  	[tilespmem:s26+$0xFFFFFC80] =	vst v11  }
0x279: {  	[tilespmem:s26+$0xFFFFFC90] =	vst v11  }
0x27a: {  	[tilespmem:s26+$0xFFFFFCA0] =	vst v11  }
0x27b: {  	[tilespmem:s26+$0xFFFFFCB0] =	vst v11  }
0x27c: {  	[tilespmem:s26+$0xFFFFFCC0] =	vst v11  }
0x27d: {  	[tilespmem:s26+$0xFFFFFCD0] =	vst v11  }
0x27e: {  	[tilespmem:s26+$0xFFFFFCE0] =	vst v11  }
0x27f: {  	[tilespmem:s26+$0xFFFFFCF0] =	vst v11  }
0x280: {  	[tilespmem:s26+$0xFFFFFD00] =	vst v12  }
0x281: {  	[tilespmem:s26+$0xFFFFFD10] =	vst v12  }
0x282: {  	[tilespmem:s26+$0xFFFFFD20] =	vst v12  }
0x283: {  	[tilespmem:s26+$0xFFFFFD30] =	vst v12  }
0x284: {  	[tilespmem:s26+$0xFFFFFD40] =	vst v12  }
0x285: {  	[tilespmem:s26+$0xFFFFFD50] =	vst v12  }
0x286: {  	[tilespmem:s26+$0xFFFFFD60] =	vst v12  }
0x287: {  	[tilespmem:s26+$0xFFFFFD70] =	vst v12  }
0x288: {  	[tilespmem:s26+$0xFFFFFD80] =	vst v13  }
0x289: {  	[tilespmem:s26+$0xFFFFFD90] =	vst v13  }
0x28a: {  	[tilespmem:s26+$0xFFFFFDA0] =	vst v13  }
0x28b: {  	[tilespmem:s26+$0xFFFFFDB0] =	vst v13  }
0x28c: {  	[tilespmem:s26+$0xFFFFFDC0] =	vst v13  }
0x28d: {  	[tilespmem:s26+$0xFFFFFDD0] =	vst v13  }
0x28e: {  	[tilespmem:s26+$0xFFFFFDE0] =	vst v13  }
0x28f: {  	[tilespmem:s26+$0xFFFFFDF0] =	vst v13  }
0x290: {  	[tilespmem:s26+$0xFFFFFE00] =	vst v14  }
0x291: {  	[tilespmem:s26+$0xFFFFFE10] =	vst v14  }
0x292: {  	[tilespmem:s26+$0xFFFFFE20] =	vst v14  }
0x293: {  	[tilespmem:s26+$0xFFFFFE30] =	vst v14  }
0x294: {  	[tilespmem:s26+$0xFFFFFE40] =	vst v14  }
0x295: {  	[tilespmem:s26+$0xFFFFFE50] =	vst v14  }
0x296: {  	[tilespmem:s26+$0xFFFFFE60] =	vst v14  }
0x297: {  	[tilespmem:s26+$0xFFFFFE70] =	vst v14  }
0x298: {  	[tilespmem:s26+$0xFFFFFE80] =	vst v15  }
0x299: {  	[tilespmem:s26+$0xFFFFFE90] =	vst v15  }
0x29a: {  	[tilespmem:s26+$0xFFFFFEA0] =	vst v15  }
0x29b: {  	[tilespmem:s26+$0xFFFFFEB0] =	vst v15  }
0x29c: {  	[tilespmem:s26+$0xFFFFFEC0] =	vst v15  }
0x29d: {  	[tilespmem:s26+$0xFFFFFED0] =	vst v15  }
0x29e: {  	[tilespmem:s26+$0xFFFFFEE0] =	vst v15  }
0x29f: {  	[tilespmem:s26+$0xFFFFFEF0] =	vst v15  }
0x2a0: {  	[tilespmem:s26+$0xFFFFFF00] =	vst v16  }
0x2a1: {  	[tilespmem:s26+$0xFFFFFF10] =	vst v16  }
0x2a2: {  	[tilespmem:s26+$0xFFFFFF20] =	vst v16  }
0x2a3: {  	[tilespmem:s26+$0xFFFFFF30] =	vst v16  }
0x2a4: {  	[tilespmem:s26+$0xFFFFFF40] =	vst v16  }
0x2a5: {  	[tilespmem:s26+$0xFFFFFF50] =	vst v16  }
0x2a6: {  	[tilespmem:s26+$0xFFFFFF60] =	vst v16  }
0x2a7: {  	[tilespmem:s26+$0xFFFFFF70] =	vst v16  }
0x2a8: {  	[tilespmem:s26+$0xFFFFFF80] =	vst v9  }
0x2a9: {  	[tilespmem:s26+$0xFFFFFF90] =	vst v9  }
0x2aa: {  	[tilespmem:s26+$0xFFFFFFA0] =	vst v9  }
0x2ab: {  	[tilespmem:s26+$0xFFFFFFB0] =	vst v9  }
0x2ac: {  	[tilespmem:s26+$0xFFFFFFC0] =	vst v9  }
0x2ad: {  	[tilespmem:s26+$0xFFFFFFD0] =	vst v9  }
0x2ae: {  	[tilespmem:s26+$0xFFFFFFE0] =	vst v9  }
0x2af: {  	[tilespmem:s26+$0xFFFFFFF0] =	vst v9  }
0x2b0: {  	[tilespmem:s26+$0x0] =	vst v8  }
0x2b1: {  	[tilespmem:s26+$0x10] =	vst v8  }
0x2b2: {  	[tilespmem:s26+$0x20] =	vst v8  }
0x2b3: {  	[tilespmem:s26+$0x30] =	vst v8  }
0x2b4: {  	[tilespmem:s26+$0x40] =	vst v8  }
0x2b5: {  	[tilespmem:s26+$0x50] =	vst v8  }
0x2b6: {  	[tilespmem:s26+$0x60] =	vst v8  }
0x2b7: {  	[tilespmem:s26+$0x70] =	vst v8  }
0x2b8: {  	[tilespmem:s26+$0x80] =	vst v7  }
0x2b9: {  	[tilespmem:s26+$0x90] =	vst v7  }
0x2ba: {  	[tilespmem:s26+$0xA0] =	vst v7  }
0x2bb: {  	[tilespmem:s26+$0xB0] =	vst v7  }
0x2bc: {  	[tilespmem:s26+$0xC0] =	vst v7  }
0x2bd: {  	[tilespmem:s26+$0xD0] =	vst v7  }
0x2be: {  	[tilespmem:s26+$0xE0] =	vst v7  }
0x2bf: {  	[tilespmem:s26+$0xF0] =	vst v7  }
0x2c0: {  	[tilespmem:s26+$0x100] =	vst v6  }
0x2c1: {  	[tilespmem:s26+$0x110] =	vst v6  }
0x2c2: {  	[tilespmem:s26+$0x120] =	vst v6  }
0x2c3: {  	[tilespmem:s26+$0x130] =	vst v6  }
0x2c4: {  	[tilespmem:s26+$0x140] =	vst v6  }
0x2c5: {  	[tilespmem:s26+$0x150] =	vst v6  }
0x2c6: {  	[tilespmem:s26+$0x160] =	vst v6  }
0x2c7: {  	[tilespmem:s26+$0x170] =	vst v6  }
0x2c8: {  	[tilespmem:s26+$0x180] =	vst v5  }
0x2c9: {  	[tilespmem:s26+$0x190] =	vst v5  }
0x2ca: {  	[tilespmem:s26+$0x1A0] =	vst v5  }
0x2cb: {  	[tilespmem:s26+$0x1B0] =	vst v5  }
0x2cc: {  	[tilespmem:s26+$0x1C0] =	vst v5  }
0x2cd: {  	[tilespmem:s26+$0x1D0] =	vst v5  }
0x2ce: {  	[tilespmem:s26+$0x1E0] =	vst v5  }
0x2cf: {  	[tilespmem:s26+$0x1F0] =	vst v5  }
0x2d0: {  	[tilespmem:s26+$0x200] =	vst v4  }
0x2d1: {  	[tilespmem:s26+$0x210] =	vst v4  }
0x2d2: {  	[tilespmem:s26+$0x220] =	vst v4  }
0x2d3: {  	[tilespmem:s26+$0x230] =	vst v4  }
0x2d4: {  	[tilespmem:s26+$0x240] =	vst v4  }
0x2d5: {  	[tilespmem:s26+$0x250] =	vst v4  }
0x2d6: {  	[tilespmem:s26+$0x260] =	vst v4  }
0x2d7: {  	[tilespmem:s26+$0x270] =	vst v4  }
0x2d8: {  	[tilespmem:s26+$0x280] =	vst v3  }
0x2d9: {  	[tilespmem:s26+$0x290] =	vst v3  }
0x2da: {  	[tilespmem:s26+$0x2A0] =	vst v3  }
0x2db: {  	[tilespmem:s26+$0x2B0] =	vst v3  }
0x2dc: {  	[tilespmem:s26+$0x2C0] =	vst v3  }
0x2dd: {  	[tilespmem:s26+$0x2D0] =	vst v3  }
0x2de: {  	[tilespmem:s26+$0x2E0] =	vst v3  }
0x2df: {  	[tilespmem:s26+$0x2F0] =	vst v3  }
0x2e0: {  	[tilespmem:s26+$0x300] =	vst v2  }
0x2e1: {  	[tilespmem:s26+$0x310] =	vst v2  }
0x2e2: {  	[tilespmem:s26+$0x320] =	vst v2  }
0x2e3: {  	[tilespmem:s26+$0x330] =	vst v2  }
0x2e4: {  	[tilespmem:s26+$0x340] =	vst v2  }
0x2e5: {  	[tilespmem:s26+$0x350] =	vst v2  }
0x2e6: {  	[tilespmem:s26+$0x360] =	vst v2  }
0x2e7: {  	[tilespmem:s26+$0x370] =	vst v2  }
0x2e8: {  	[tilespmem:s26+$0x380] =	vst v1  }
0x2e9: {  	[tilespmem:s26+$0x390] =	vst v1  }
0x2ea: {  	[tilespmem:s26+$0x3A0] =	vst v1  }
.Ltmp5:
0x2eb: {  	[tilespmem:s26+$0x3B0] =	vst v1;
	(pc) =	sbr.rel @p1 .LBB2_7-.Ltmp5, $4  }
0x2ec: {  	[tilespmem:s26+$0x3C0] =	vst v1  }
0x2ed: {  	[tilespmem:s26+$0x3D0] =	vst v1  }
0x2ee: {  	[tilespmem:s26+$0x3E0] =	vst v1  }
0x2ef: {  	s21 =	sshra.s32 s28, $0x2;
	s28 =	sadd.s32 $0x40, s28;
	[tilespmem:s26+$0x3F0] =	vst v1  }
0x2f0: {  	v1 =	vld [tilespmem:s21+$0xA000];
	_ =	sdelay $0x4  }
0x2f1: {  	v1 =	vmax.f32 v1, $1.000000000e+00  }
0x2f2: {  	(erf) = vrcp.f32 v1;
	_ =	sdelay $0x8  }
0x2f3: {  	v1 =	vpop (erf)  }
0x2f4: {  	v2 =	vbroadcast v1, $0x0  }
0x2f5: {  	s26 =	sadd.s32 $0x800, s26  }
0x2f6: {  	[tilespmem:s26+$0xFFFFFC00] =	vst v2  }
0x2f7: {  	[tilespmem:s26+$0xFFFFFC10] =	vst v2  }
0x2f8: {  	[tilespmem:s26+$0xFFFFFC20] =	vst v2  }
0x2f9: {  	[tilespmem:s26+$0xFFFFFC30] =	vst v2  }
0x2fa: {  	[tilespmem:s26+$0xFFFFFC40] =	vst v2  }
0x2fb: {  	[tilespmem:s26+$0xFFFFFC50] =	vst v2  }
0x2fc: {  	v3 =	vbroadcast v1, $0x1;
	[tilespmem:s26+$0xFFFFFC60] =	vst v2  }
0x2fd: {  	[tilespmem:s26+$0xFFFFFC70] =	vst v2  }
0x2fe: {  	[tilespmem:s26+$0xFFFFFC80] =	vst v3  }
0x2ff: {  	[tilespmem:s26+$0xFFFFFC90] =	vst v3  }
0x300: {  	[tilespmem:s26+$0xFFFFFCA0] =	vst v3  }
0x301: {  	[tilespmem:s26+$0xFFFFFCB0] =	vst v3  }
0x302: {  	[tilespmem:s26+$0xFFFFFCC0] =	vst v3  }
0x303: {  	[tilespmem:s26+$0xFFFFFCD0] =	vst v3  }
0x304: {  	v2 =	vbroadcast v1, $0x2;
	[tilespmem:s26+$0xFFFFFCE0] =	vst v3  }
0x305: {  	[tilespmem:s26+$0xFFFFFCF0] =	vst v3  }
0x306: {  	[tilespmem:s26+$0xFFFFFD00] =	vst v2  }
0x307: {  	[tilespmem:s26+$0xFFFFFD10] =	vst v2  }
0x308: {  	[tilespmem:s26+$0xFFFFFD20] =	vst v2  }
0x309: {  	[tilespmem:s26+$0xFFFFFD30] =	vst v2  }
0x30a: {  	[tilespmem:s26+$0xFFFFFD40] =	vst v2  }
0x30b: {  	[tilespmem:s26+$0xFFFFFD50] =	vst v2  }
0x30c: {  	v3 =	vbroadcast v1, $0x3;
	[tilespmem:s26+$0xFFFFFD60] =	vst v2  }
0x30d: {  	[tilespmem:s26+$0xFFFFFD70] =	vst v2  }
0x30e: {  	[tilespmem:s26+$0xFFFFFD80] =	vst v3  }
0x30f: {  	[tilespmem:s26+$0xFFFFFD90] =	vst v3  }
0x310: {  	[tilespmem:s26+$0xFFFFFDA0] =	vst v3  }
0x311: {  	[tilespmem:s26+$0xFFFFFDB0] =	vst v3  }
0x312: {  	[tilespmem:s26+$0xFFFFFDC0] =	vst v3  }
0x313: {  	[tilespmem:s26+$0xFFFFFDD0] =	vst v3  }
0x314: {  	v2 =	vbroadcast v1, $0x4;
	[tilespmem:s26+$0xFFFFFDE0] =	vst v3  }
0x315: {  	[tilespmem:s26+$0xFFFFFDF0] =	vst v3  }
0x316: {  	[tilespmem:s26+$0xFFFFFE00] =	vst v2  }
0x317: {  	[tilespmem:s26+$0xFFFFFE10] =	vst v2  }
0x318: {  	[tilespmem:s26+$0xFFFFFE20] =	vst v2  }
0x319: {  	[tilespmem:s26+$0xFFFFFE30] =	vst v2  }
0x31a: {  	[tilespmem:s26+$0xFFFFFE40] =	vst v2  }
0x31b: {  	[tilespmem:s26+$0xFFFFFE50] =	vst v2  }
0x31c: {  	v3 =	vbroadcast v1, $0x5;
	[tilespmem:s26+$0xFFFFFE60] =	vst v2  }
0x31d: {  	[tilespmem:s26+$0xFFFFFE70] =	vst v2  }
0x31e: {  	[tilespmem:s26+$0xFFFFFE80] =	vst v3  }
0x31f: {  	[tilespmem:s26+$0xFFFFFE90] =	vst v3  }
0x320: {  	[tilespmem:s26+$0xFFFFFEA0] =	vst v3  }
0x321: {  	[tilespmem:s26+$0xFFFFFEB0] =	vst v3  }
0x322: {  	[tilespmem:s26+$0xFFFFFEC0] =	vst v3  }
0x323: {  	[tilespmem:s26+$0xFFFFFED0] =	vst v3  }
0x324: {  	v2 =	vbroadcast v1, $0x6;
	[tilespmem:s26+$0xFFFFFEE0] =	vst v3  }
0x325: {  	[tilespmem:s26+$0xFFFFFEF0] =	vst v3  }
0x326: {  	[tilespmem:s26+$0xFFFFFF00] =	vst v2  }
0x327: {  	[tilespmem:s26+$0xFFFFFF10] =	vst v2  }
0x328: {  	[tilespmem:s26+$0xFFFFFF20] =	vst v2  }
0x329: {  	[tilespmem:s26+$0xFFFFFF30] =	vst v2  }
0x32a: {  	[tilespmem:s26+$0xFFFFFF40] =	vst v2  }
0x32b: {  	[tilespmem:s26+$0xFFFFFF50] =	vst v2  }
0x32c: {  	v3 =	vbroadcast v1, $0x7;
	[tilespmem:s26+$0xFFFFFF60] =	vst v2  }
0x32d: {  	[tilespmem:s26+$0xFFFFFF70] =	vst v2  }
0x32e: {  	[tilespmem:s26+$0xFFFFFF80] =	vst v3  }
0x32f: {  	[tilespmem:s26+$0xFFFFFF90] =	vst v3  }
0x330: {  	[tilespmem:s26+$0xFFFFFFA0] =	vst v3  }
0x331: {  	[tilespmem:s26+$0xFFFFFFB0] =	vst v3  }
0x332: {  	[tilespmem:s26+$0xFFFFFFC0] =	vst v3  }
0x333: {  	[tilespmem:s26+$0xFFFFFFD0] =	vst v3  }
0x334: {  	v2 =	vbroadcast v1, $0x8;
	[tilespmem:s26+$0xFFFFFFE0] =	vst v3  }
0x335: {  	[tilespmem:s26+$0xFFFFFFF0] =	vst v3  }
0x336: {  	[tilespmem:s26+$0x0] =	vst v2  }
0x337: {  	[tilespmem:s26+$0x10] =	vst v2  }
0x338: {  	[tilespmem:s26+$0x20] =	vst v2  }
0x339: {  	[tilespmem:s26+$0x30] =	vst v2  }
0x33a: {  	[tilespmem:s26+$0x40] =	vst v2  }
0x33b: {  	[tilespmem:s26+$0x50] =	vst v2  }
0x33c: {  	v3 =	vbroadcast v1, $0x9;
	[tilespmem:s26+$0x60] =	vst v2  }
0x33d: {  	[tilespmem:s26+$0x70] =	vst v2  }
0x33e: {  	[tilespmem:s26+$0x80] =	vst v3  }
0x33f: {  	[tilespmem:s26+$0x90] =	vst v3  }
0x340: {  	[tilespmem:s26+$0xA0] =	vst v3  }
0x341: {  	[tilespmem:s26+$0xB0] =	vst v3  }
0x342: {  	[tilespmem:s26+$0xC0] =	vst v3  }
0x343: {  	[tilespmem:s26+$0xD0] =	vst v3  }
0x344: {  	v2 =	vbroadcast v1, $0xA;
	[tilespmem:s26+$0xE0] =	vst v3  }
0x345: {  	[tilespmem:s26+$0xF0] =	vst v3  }
0x346: {  	[tilespmem:s26+$0x100] =	vst v2  }
0x347: {  	[tilespmem:s26+$0x110] =	vst v2  }
0x348: {  	[tilespmem:s26+$0x120] =	vst v2  }
0x349: {  	[tilespmem:s26+$0x130] =	vst v2  }
0x34a: {  	[tilespmem:s26+$0x140] =	vst v2  }
0x34b: {  	[tilespmem:s26+$0x150] =	vst v2  }
0x34c: {  	v3 =	vbroadcast v1, $0xB;
	[tilespmem:s26+$0x160] =	vst v2  }
0x34d: {  	[tilespmem:s26+$0x170] =	vst v2  }
0x34e: {  	[tilespmem:s26+$0x180] =	vst v3  }
0x34f: {  	[tilespmem:s26+$0x190] =	vst v3  }
0x350: {  	[tilespmem:s26+$0x1A0] =	vst v3  }
0x351: {  	[tilespmem:s26+$0x1B0] =	vst v3  }
0x352: {  	[tilespmem:s26+$0x1C0] =	vst v3  }
0x353: {  	[tilespmem:s26+$0x1D0] =	vst v3  }
0x354: {  	v2 =	vbroadcast v1, $0xC;
	[tilespmem:s26+$0x1E0] =	vst v3  }
0x355: {  	[tilespmem:s26+$0x1F0] =	vst v3  }
0x356: {  	[tilespmem:s26+$0x200] =	vst v2  }
0x357: {  	[tilespmem:s26+$0x210] =	vst v2  }
0x358: {  	[tilespmem:s26+$0x220] =	vst v2  }
0x359: {  	[tilespmem:s26+$0x230] =	vst v2  }
0x35a: {  	[tilespmem:s26+$0x240] =	vst v2  }
0x35b: {  	[tilespmem:s26+$0x250] =	vst v2  }
0x35c: {  	v3 =	vbroadcast v1, $0xD;
	[tilespmem:s26+$0x260] =	vst v2  }
0x35d: {  	[tilespmem:s26+$0x270] =	vst v2  }
0x35e: {  	[tilespmem:s26+$0x280] =	vst v3  }
0x35f: {  	[tilespmem:s26+$0x290] =	vst v3  }
0x360: {  	[tilespmem:s26+$0x2A0] =	vst v3  }
0x361: {  	[tilespmem:s26+$0x2B0] =	vst v3  }
0x362: {  	[tilespmem:s26+$0x2C0] =	vst v3  }
0x363: {  	[tilespmem:s26+$0x2D0] =	vst v3  }
0x364: {  	v2 =	vbroadcast v1, $0xE;
	[tilespmem:s26+$0x2E0] =	vst v3  }
0x365: {  	[tilespmem:s26+$0x2F0] =	vst v3  }
0x366: {  	[tilespmem:s26+$0x300] =	vst v2  }
0x367: {  	[tilespmem:s26+$0x310] =	vst v2  }
0x368: {  	[tilespmem:s26+$0x320] =	vst v2  }
0x369: {  	[tilespmem:s26+$0x330] =	vst v2  }
0x36a: {  	[tilespmem:s26+$0x340] =	vst v2  }
0x36b: {  	[tilespmem:s26+$0x350] =	vst v2  }
0x36c: {  	v1 =	vbroadcast v1, $0xF;
	[tilespmem:s26+$0x360] =	vst v2  }
0x36d: {  	[tilespmem:s26+$0x370] =	vst v2  }
0x36e: {  	[tilespmem:s26+$0x380] =	vst v1  }
0x36f: {  	[tilespmem:s26+$0x390] =	vst v1  }
0x370: {  	[tilespmem:s26+$0x3A0] =	vst v1  }
0x371: {  	[tilespmem:s26+$0x3B0] =	vst v1  }
0x372: {  	[tilespmem:s26+$0x3C0] =	vst v1  }
0x373: {  	[tilespmem:s26+$0x3D0] =	vst v1  }
0x374: {  	[tilespmem:s26+$0x3E0] =	vst v1  }
0x375: {  	s29 =	rddreg [dreg:$0x3];
	[tilespmem:s26+$0x3F0] =	vst v1;
	s26 =	simm.s32 $0x0  }
0x376: {  	[hbm4b:s29+s26] =	stream.linear.scatter [tilespmem:s23], [sflag:$0x1], $0xA000, $0x38;
	[tilespmem:$0x14280] =	vst v63  }
0x377: {  	_ =	swait.ge [sflag:s25], $0xA000  }
0x378: {  	[sflag:s25] =	ssyncset.done $0x0  }
0x379: {  	s30 =	simm.s32 $0x0;
	[sflag:s25] =	ssyncadd.s32 $0xFFFF6000  }
0x37a: {  	v1 =	vld [tilespmem:s30+$0xA140];
	_ =	sdelay $0x4  }
0x37b: {  	v1 =	vmax.f32 v1, $1.000000000e+00  }
0x37c: {  	(erf) = vrcp.f32 v1;
	_ =	sdelay $0x8  }
0x37d: {  	v1 =	vpop (erf)  }
0x37e: {  	v2 =	vbroadcast v1, $0x0  }
0x37f: {  	s26 =	simm.s32 $0xA680  }
0x380: {  	[tilespmem:s26+$0xFFFFFC00] =	vst v2  }
0x381: {  	[tilespmem:s26+$0xFFFFFC10] =	vst v2  }
0x382: {  	[tilespmem:s26+$0xFFFFFC20] =	vst v2  }
0x383: {  	[tilespmem:s26+$0xFFFFFC30] =	vst v2  }
0x384: {  	[tilespmem:s26+$0xFFFFFC40] =	vst v2  }
0x385: {  	[tilespmem:s26+$0xFFFFFC50] =	vst v2  }
0x386: {  	v3 =	vbroadcast v1, $0x1;
	[tilespmem:s26+$0xFFFFFC60] =	vst v2  }
0x387: {  	[tilespmem:s26+$0xFFFFFC70] =	vst v2  }
0x388: {  	[tilespmem:s26+$0xFFFFFC80] =	vst v3  }
0x389: {  	[tilespmem:s26+$0xFFFFFC90] =	vst v3  }
0x38a: {  	[tilespmem:s26+$0xFFFFFCA0] =	vst v3  }
0x38b: {  	[tilespmem:s26+$0xFFFFFCB0] =	vst v3  }
0x38c: {  	[tilespmem:s26+$0xFFFFFCC0] =	vst v3  }
0x38d: {  	[tilespmem:s26+$0xFFFFFCD0] =	vst v3  }
0x38e: {  	v2 =	vbroadcast v1, $0x2;
	[tilespmem:s26+$0xFFFFFCE0] =	vst v3  }
0x38f: {  	[tilespmem:s26+$0xFFFFFCF0] =	vst v3  }
0x390: {  	[tilespmem:s26+$0xFFFFFD00] =	vst v2  }
0x391: {  	[tilespmem:s26+$0xFFFFFD10] =	vst v2  }
0x392: {  	[tilespmem:s26+$0xFFFFFD20] =	vst v2  }
0x393: {  	[tilespmem:s26+$0xFFFFFD30] =	vst v2  }
0x394: {  	[tilespmem:s26+$0xFFFFFD40] =	vst v2  }
0x395: {  	[tilespmem:s26+$0xFFFFFD50] =	vst v2  }
0x396: {  	v3 =	vbroadcast v1, $0x3;
	[tilespmem:s26+$0xFFFFFD60] =	vst v2  }
0x397: {  	[tilespmem:s26+$0xFFFFFD70] =	vst v2  }
0x398: {  	[tilespmem:s26+$0xFFFFFD80] =	vst v3  }
0x399: {  	[tilespmem:s26+$0xFFFFFD90] =	vst v3  }
0x39a: {  	[tilespmem:s26+$0xFFFFFDA0] =	vst v3  }
0x39b: {  	[tilespmem:s26+$0xFFFFFDB0] =	vst v3  }
0x39c: {  	[tilespmem:s26+$0xFFFFFDC0] =	vst v3  }
0x39d: {  	[tilespmem:s26+$0xFFFFFDD0] =	vst v3  }
0x39e: {  	v2 =	vbroadcast v1, $0x4;
	[tilespmem:s26+$0xFFFFFDE0] =	vst v3  }
0x39f: {  	[tilespmem:s26+$0xFFFFFDF0] =	vst v3  }
0x3a0: {  	[tilespmem:s26+$0xFFFFFE00] =	vst v2  }
0x3a1: {  	[tilespmem:s26+$0xFFFFFE10] =	vst v2  }
0x3a2: {  	[tilespmem:s26+$0xFFFFFE20] =	vst v2  }
0x3a3: {  	[tilespmem:s26+$0xFFFFFE30] =	vst v2  }
0x3a4: {  	[tilespmem:s26+$0xFFFFFE40] =	vst v2  }
0x3a5: {  	[tilespmem:s26+$0xFFFFFE50] =	vst v2  }
0x3a6: {  	v3 =	vbroadcast v1, $0x5;
	[tilespmem:s26+$0xFFFFFE60] =	vst v2  }
0x3a7: {  	[tilespmem:s26+$0xFFFFFE70] =	vst v2  }
0x3a8: {  	[tilespmem:s26+$0xFFFFFE80] =	vst v3  }
0x3a9: {  	[tilespmem:s26+$0xFFFFFE90] =	vst v3  }
0x3aa: {  	[tilespmem:s26+$0xFFFFFEA0] =	vst v3  }
0x3ab: {  	[tilespmem:s26+$0xFFFFFEB0] =	vst v3  }
0x3ac: {  	[tilespmem:s26+$0xFFFFFEC0] =	vst v3  }
0x3ad: {  	[tilespmem:s26+$0xFFFFFED0] =	vst v3  }
0x3ae: {  	v2 =	vbroadcast v1, $0x6;
	[tilespmem:s26+$0xFFFFFEE0] =	vst v3  }
0x3af: {  	[tilespmem:s26+$0xFFFFFEF0] =	vst v3  }
0x3b0: {  	[tilespmem:s26+$0xFFFFFF00] =	vst v2  }
0x3b1: {  	[tilespmem:s26+$0xFFFFFF10] =	vst v2  }
0x3b2: {  	[tilespmem:s26+$0xFFFFFF20] =	vst v2  }
0x3b3: {  	[tilespmem:s26+$0xFFFFFF30] =	vst v2  }
0x3b4: {  	[tilespmem:s26+$0xFFFFFF40] =	vst v2  }
0x3b5: {  	[tilespmem:s26+$0xFFFFFF50] =	vst v2  }
0x3b6: {  	v3 =	vbroadcast v1, $0x7;
	[tilespmem:s26+$0xFFFFFF60] =	vst v2  }
0x3b7: {  	[tilespmem:s26+$0xFFFFFF70] =	vst v2  }
0x3b8: {  	[tilespmem:s26+$0xFFFFFF80] =	vst v3  }
0x3b9: {  	[tilespmem:s26+$0xFFFFFF90] =	vst v3  }
0x3ba: {  	[tilespmem:s26+$0xFFFFFFA0] =	vst v3  }
0x3bb: {  	[tilespmem:s26+$0xFFFFFFB0] =	vst v3  }
0x3bc: {  	[tilespmem:s26+$0xFFFFFFC0] =	vst v3  }
0x3bd: {  	[tilespmem:s26+$0xFFFFFFD0] =	vst v3  }
0x3be: {  	v2 =	vbroadcast v1, $0x8;
	[tilespmem:s26+$0xFFFFFFE0] =	vst v3  }
0x3bf: {  	[tilespmem:s26+$0xFFFFFFF0] =	vst v3  }
0x3c0: {  	[tilespmem:s26+$0x0] =	vst v2  }
0x3c1: {  	[tilespmem:s26+$0x10] =	vst v2  }
0x3c2: {  	[tilespmem:s26+$0x20] =	vst v2  }
0x3c3: {  	[tilespmem:s26+$0x30] =	vst v2  }
0x3c4: {  	[tilespmem:s26+$0x40] =	vst v2  }
0x3c5: {  	[tilespmem:s26+$0x50] =	vst v2  }
0x3c6: {  	v3 =	vbroadcast v1, $0x9;
	[tilespmem:s26+$0x60] =	vst v2  }
0x3c7: {  	[tilespmem:s26+$0x70] =	vst v2  }
0x3c8: {  	[tilespmem:s26+$0x80] =	vst v3  }
0x3c9: {  	[tilespmem:s26+$0x90] =	vst v3  }
0x3ca: {  	[tilespmem:s26+$0xA0] =	vst v3  }
0x3cb: {  	[tilespmem:s26+$0xB0] =	vst v3  }
0x3cc: {  	[tilespmem:s26+$0xC0] =	vst v3  }
0x3cd: {  	[tilespmem:s26+$0xD0] =	vst v3  }
0x3ce: {  	v2 =	vbroadcast v1, $0xA;
	[tilespmem:s26+$0xE0] =	vst v3  }
0x3cf: {  	[tilespmem:s26+$0xF0] =	vst v3  }
0x3d0: {  	[tilespmem:s26+$0x100] =	vst v2  }
0x3d1: {  	[tilespmem:s26+$0x110] =	vst v2  }
0x3d2: {  	[tilespmem:s26+$0x120] =	vst v2  }
0x3d3: {  	[tilespmem:s26+$0x130] =	vst v2  }
0x3d4: {  	[tilespmem:s26+$0x140] =	vst v2  }
0x3d5: {  	[tilespmem:s26+$0x150] =	vst v2  }
0x3d6: {  	v3 =	vbroadcast v1, $0xB;
	[tilespmem:s26+$0x160] =	vst v2  }
0x3d7: {  	[tilespmem:s26+$0x170] =	vst v2  }
0x3d8: {  	[tilespmem:s26+$0x180] =	vst v3  }
0x3d9: {  	[tilespmem:s26+$0x190] =	vst v3  }
0x3da: {  	[tilespmem:s26+$0x1A0] =	vst v3  }
0x3db: {  	[tilespmem:s26+$0x1B0] =	vst v3  }
0x3dc: {  	[tilespmem:s26+$0x1C0] =	vst v3  }
0x3dd: {  	[tilespmem:s26+$0x1D0] =	vst v3  }
0x3de: {  	v2 =	vbroadcast v1, $0xC;
	[tilespmem:s26+$0x1E0] =	vst v3  }
0x3df: {  	[tilespmem:s26+$0x1F0] =	vst v3  }
0x3e0: {  	[tilespmem:s26+$0x200] =	vst v2  }
0x3e1: {  	[tilespmem:s26+$0x210] =	vst v2  }
0x3e2: {  	[tilespmem:s26+$0x220] =	vst v2  }
0x3e3: {  	[tilespmem:s26+$0x230] =	vst v2  }
0x3e4: {  	[tilespmem:s26+$0x240] =	vst v2  }
0x3e5: {  	[tilespmem:s26+$0x250] =	vst v2  }
0x3e6: {  	v3 =	vbroadcast v1, $0xD;
	[tilespmem:s26+$0x260] =	vst v2  }
0x3e7: {  	[tilespmem:s26+$0x270] =	vst v2  }
0x3e8: {  	[tilespmem:s26+$0x280] =	vst v3  }
0x3e9: {  	[tilespmem:s26+$0x290] =	vst v3  }
0x3ea: {  	[tilespmem:s26+$0x2A0] =	vst v3  }
0x3eb: {  	[tilespmem:s26+$0x2B0] =	vst v3  }
0x3ec: {  	[tilespmem:s26+$0x2C0] =	vst v3  }
0x3ed: {  	[tilespmem:s26+$0x2D0] =	vst v3  }
0x3ee: {  	v2 =	vbroadcast v1, $0xE;
	[tilespmem:s26+$0x2E0] =	vst v3  }
0x3ef: {  	[tilespmem:s26+$0x2F0] =	vst v3  }
0x3f0: {  	[tilespmem:s26+$0x300] =	vst v2  }
0x3f1: {  	[tilespmem:s26+$0x310] =	vst v2  }
0x3f2: {  	[tilespmem:s26+$0x320] =	vst v2  }
0x3f3: {  	[tilespmem:s26+$0x330] =	vst v2  }
0x3f4: {  	[tilespmem:s26+$0x340] =	vst v2  }
0x3f5: {  	[tilespmem:s26+$0x350] =	vst v2  }
0x3f6: {  	v1 =	vbroadcast v1, $0xF;
	[tilespmem:s26+$0x360] =	vst v2  }
0x3f7: {  	[tilespmem:s26+$0x370] =	vst v2  }
0x3f8: {  	[tilespmem:s26+$0x380] =	vst v1  }
0x3f9: {  	[tilespmem:s26+$0x390] =	vst v1  }
0x3fa: {  	[tilespmem:s26+$0x3A0] =	vst v1  }
0x3fb: {  	[tilespmem:s26+$0x3B0] =	vst v1  }
0x3fc: {  	[tilespmem:s26+$0x3C0] =	vst v1  }
0x3fd: {  	[tilespmem:s26+$0x3D0] =	vst v1  }
0x3fe: {  	[tilespmem:s26+$0x3E0] =	vst v1  }
0x3ff: {  	s21 =	simm.s32 $0x10;
	s28 =	simm.s32 $0x80;
	[tilespmem:s26+$0x3F0] =	vst v1  }
.LBB2_9:
0x400: {  	p1 =	sne.s32 s28, $0x4C0;
	v1 =	vld [tilespmem:s21+$0xA140];
	_ =	sdelay $0x4  }
0x401: {  	v1 =	vmax.f32 v1, $1.000000000e+00  }
0x402: {  	(erf) = vrcp.f32 v1;
	_ =	sdelay $0x8  }
0x403: {  	v1 =	vpop (erf)  }
0x404: {  	v10 =	vbroadcast v1, $0x0;
	v11 =	vbroadcast v1, $0x1  }
0x405: {  	s26 =	sadd.s32 $0x800, s26;
	v12 =	vbroadcast v1, $0x2;
	v13 =	vbroadcast v1, $0x3  }
0x406: {  	v14 =	vbroadcast v1, $0x4;
	v15 =	vbroadcast v1, $0x5;
	[tilespmem:s26+$0xFFFFFC00] =	vst v10  }
0x407: {  	v16 =	vbroadcast v1, $0x6;
	v9 =	vbroadcast v1, $0x7;
	[tilespmem:s26+$0xFFFFFC10] =	vst v10  }
0x408: {  	v8 =	vbroadcast v1, $0x8;
	v7 =	vbroadcast v1, $0x9;
	[tilespmem:s26+$0xFFFFFC20] =	vst v10  }
0x409: {  	v6 =	vbroadcast v1, $0xA;
	v5 =	vbroadcast v1, $0xB;
	[tilespmem:s26+$0xFFFFFC30] =	vst v10  }
0x40a: {  	v4 =	vbroadcast v1, $0xC;
	v3 =	vbroadcast v1, $0xD;
	[tilespmem:s26+$0xFFFFFC40] =	vst v10  }
0x40b: {  	v2 =	vbroadcast v1, $0xE;
	v1 =	vbroadcast v1, $0xF;
	[tilespmem:s26+$0xFFFFFC50] =	vst v10  }
0x40c: {  	[tilespmem:s26+$0xFFFFFC60] =	vst v10  }
0x40d: {  	[tilespmem:s26+$0xFFFFFC70] =	vst v10  }
0x40e: {  	[tilespmem:s26+$0xFFFFFC80] =	vst v11  }
0x40f: {  	[tilespmem:s26+$0xFFFFFC90] =	vst v11  }
0x410: {  	[tilespmem:s26+$0xFFFFFCA0] =	vst v11  }
0x411: {  	[tilespmem:s26+$0xFFFFFCB0] =	vst v11  }
0x412: {  	[tilespmem:s26+$0xFFFFFCC0] =	vst v11  }
0x413: {  	[tilespmem:s26+$0xFFFFFCD0] =	vst v11  }
0x414: {  	[tilespmem:s26+$0xFFFFFCE0] =	vst v11  }
0x415: {  	[tilespmem:s26+$0xFFFFFCF0] =	vst v11  }
0x416: {  	[tilespmem:s26+$0xFFFFFD00] =	vst v12  }
0x417: {  	[tilespmem:s26+$0xFFFFFD10] =	vst v12  }
0x418: {  	[tilespmem:s26+$0xFFFFFD20] =	vst v12  }
0x419: {  	[tilespmem:s26+$0xFFFFFD30] =	vst v12  }
0x41a: {  	[tilespmem:s26+$0xFFFFFD40] =	vst v12  }
0x41b: {  	[tilespmem:s26+$0xFFFFFD50] =	vst v12  }
0x41c: {  	[tilespmem:s26+$0xFFFFFD60] =	vst v12  }
0x41d: {  	[tilespmem:s26+$0xFFFFFD70] =	vst v12  }
0x41e: {  	[tilespmem:s26+$0xFFFFFD80] =	vst v13  }
0x41f: {  	[tilespmem:s26+$0xFFFFFD90] =	vst v13  }
0x420: {  	[tilespmem:s26+$0xFFFFFDA0] =	vst v13  }
0x421: {  	[tilespmem:s26+$0xFFFFFDB0] =	vst v13  }
0x422: {  	[tilespmem:s26+$0xFFFFFDC0] =	vst v13  }
0x423: {  	[tilespmem:s26+$0xFFFFFDD0] =	vst v13  }
0x424: {  	[tilespmem:s26+$0xFFFFFDE0] =	vst v13  }
0x425: {  	[tilespmem:s26+$0xFFFFFDF0] =	vst v13  }
0x426: {  	[tilespmem:s26+$0xFFFFFE00] =	vst v14  }
0x427: {  	[tilespmem:s26+$0xFFFFFE10] =	vst v14  }
0x428: {  	[tilespmem:s26+$0xFFFFFE20] =	vst v14  }
0x429: {  	[tilespmem:s26+$0xFFFFFE30] =	vst v14  }
0x42a: {  	[tilespmem:s26+$0xFFFFFE40] =	vst v14  }
0x42b: {  	[tilespmem:s26+$0xFFFFFE50] =	vst v14  }
0x42c: {  	[tilespmem:s26+$0xFFFFFE60] =	vst v14  }
0x42d: {  	[tilespmem:s26+$0xFFFFFE70] =	vst v14  }
0x42e: {  	[tilespmem:s26+$0xFFFFFE80] =	vst v15  }
0x42f: {  	[tilespmem:s26+$0xFFFFFE90] =	vst v15  }
0x430: {  	[tilespmem:s26+$0xFFFFFEA0] =	vst v15  }
0x431: {  	[tilespmem:s26+$0xFFFFFEB0] =	vst v15  }
0x432: {  	[tilespmem:s26+$0xFFFFFEC0] =	vst v15  }
0x433: {  	[tilespmem:s26+$0xFFFFFED0] =	vst v15  }
0x434: {  	[tilespmem:s26+$0xFFFFFEE0] =	vst v15  }
0x435: {  	[tilespmem:s26+$0xFFFFFEF0] =	vst v15  }
0x436: {  	[tilespmem:s26+$0xFFFFFF00] =	vst v16  }
0x437: {  	[tilespmem:s26+$0xFFFFFF10] =	vst v16  }
0x438: {  	[tilespmem:s26+$0xFFFFFF20] =	vst v16  }
0x439: {  	[tilespmem:s26+$0xFFFFFF30] =	vst v16  }
0x43a: {  	[tilespmem:s26+$0xFFFFFF40] =	vst v16  }
0x43b: {  	[tilespmem:s26+$0xFFFFFF50] =	vst v16  }
0x43c: {  	[tilespmem:s26+$0xFFFFFF60] =	vst v16  }
0x43d: {  	[tilespmem:s26+$0xFFFFFF70] =	vst v16  }
0x43e: {  	[tilespmem:s26+$0xFFFFFF80] =	vst v9  }
0x43f: {  	[tilespmem:s26+$0xFFFFFF90] =	vst v9  }
0x440: {  	[tilespmem:s26+$0xFFFFFFA0] =	vst v9  }
0x441: {  	[tilespmem:s26+$0xFFFFFFB0] =	vst v9  }
0x442: {  	[tilespmem:s26+$0xFFFFFFC0] =	vst v9  }
0x443: {  	[tilespmem:s26+$0xFFFFFFD0] =	vst v9  }
0x444: {  	[tilespmem:s26+$0xFFFFFFE0] =	vst v9  }
0x445: {  	[tilespmem:s26+$0xFFFFFFF0] =	vst v9  }
0x446: {  	[tilespmem:s26+$0x0] =	vst v8  }
0x447: {  	[tilespmem:s26+$0x10] =	vst v8  }
0x448: {  	[tilespmem:s26+$0x20] =	vst v8  }
0x449: {  	[tilespmem:s26+$0x30] =	vst v8  }
0x44a: {  	[tilespmem:s26+$0x40] =	vst v8  }
0x44b: {  	[tilespmem:s26+$0x50] =	vst v8  }
0x44c: {  	[tilespmem:s26+$0x60] =	vst v8  }
0x44d: {  	[tilespmem:s26+$0x70] =	vst v8  }
0x44e: {  	[tilespmem:s26+$0x80] =	vst v7  }
0x44f: {  	[tilespmem:s26+$0x90] =	vst v7  }
0x450: {  	[tilespmem:s26+$0xA0] =	vst v7  }
0x451: {  	[tilespmem:s26+$0xB0] =	vst v7  }
0x452: {  	[tilespmem:s26+$0xC0] =	vst v7  }
0x453: {  	[tilespmem:s26+$0xD0] =	vst v7  }
0x454: {  	[tilespmem:s26+$0xE0] =	vst v7  }
0x455: {  	[tilespmem:s26+$0xF0] =	vst v7  }
0x456: {  	[tilespmem:s26+$0x100] =	vst v6  }
0x457: {  	[tilespmem:s26+$0x110] =	vst v6  }
0x458: {  	[tilespmem:s26+$0x120] =	vst v6  }
0x459: {  	[tilespmem:s26+$0x130] =	vst v6  }
0x45a: {  	[tilespmem:s26+$0x140] =	vst v6  }
0x45b: {  	[tilespmem:s26+$0x150] =	vst v6  }
0x45c: {  	[tilespmem:s26+$0x160] =	vst v6  }
0x45d: {  	[tilespmem:s26+$0x170] =	vst v6  }
0x45e: {  	[tilespmem:s26+$0x180] =	vst v5  }
0x45f: {  	[tilespmem:s26+$0x190] =	vst v5  }
0x460: {  	[tilespmem:s26+$0x1A0] =	vst v5  }
0x461: {  	[tilespmem:s26+$0x1B0] =	vst v5  }
0x462: {  	[tilespmem:s26+$0x1C0] =	vst v5  }
0x463: {  	[tilespmem:s26+$0x1D0] =	vst v5  }
0x464: {  	[tilespmem:s26+$0x1E0] =	vst v5  }
0x465: {  	[tilespmem:s26+$0x1F0] =	vst v5  }
0x466: {  	[tilespmem:s26+$0x200] =	vst v4  }
0x467: {  	[tilespmem:s26+$0x210] =	vst v4  }
0x468: {  	[tilespmem:s26+$0x220] =	vst v4  }
0x469: {  	[tilespmem:s26+$0x230] =	vst v4  }
0x46a: {  	[tilespmem:s26+$0x240] =	vst v4  }
0x46b: {  	[tilespmem:s26+$0x250] =	vst v4  }
0x46c: {  	[tilespmem:s26+$0x260] =	vst v4  }
0x46d: {  	[tilespmem:s26+$0x270] =	vst v4  }
0x46e: {  	[tilespmem:s26+$0x280] =	vst v3  }
0x46f: {  	[tilespmem:s26+$0x290] =	vst v3  }
0x470: {  	[tilespmem:s26+$0x2A0] =	vst v3  }
0x471: {  	[tilespmem:s26+$0x2B0] =	vst v3  }
0x472: {  	[tilespmem:s26+$0x2C0] =	vst v3  }
0x473: {  	[tilespmem:s26+$0x2D0] =	vst v3  }
0x474: {  	[tilespmem:s26+$0x2E0] =	vst v3  }
0x475: {  	[tilespmem:s26+$0x2F0] =	vst v3  }
0x476: {  	[tilespmem:s26+$0x300] =	vst v2  }
0x477: {  	[tilespmem:s26+$0x310] =	vst v2  }
0x478: {  	[tilespmem:s26+$0x320] =	vst v2  }
0x479: {  	[tilespmem:s26+$0x330] =	vst v2  }
0x47a: {  	[tilespmem:s26+$0x340] =	vst v2  }
0x47b: {  	[tilespmem:s26+$0x350] =	vst v2  }
0x47c: {  	[tilespmem:s26+$0x360] =	vst v2  }
0x47d: {  	[tilespmem:s26+$0x370] =	vst v2  }
0x47e: {  	[tilespmem:s26+$0x380] =	vst v1  }
0x47f: {  	[tilespmem:s26+$0x390] =	vst v1  }
0x480: {  	[tilespmem:s26+$0x3A0] =	vst v1  }
.Ltmp6:
0x481: {  	[tilespmem:s26+$0x3B0] =	vst v1;
	(pc) =	sbr.rel @p1 .LBB2_9-.Ltmp6, $4  }
0x482: {  	[tilespmem:s26+$0x3C0] =	vst v1  }
0x483: {  	[tilespmem:s26+$0x3D0] =	vst v1  }
0x484: {  	[tilespmem:s26+$0x3E0] =	vst v1  }
0x485: {  	s21 =	sshra.s32 s28, $0x2;
	s28 =	sadd.s32 $0x40, s28;
	[tilespmem:s26+$0x3F0] =	vst v1  }
.Ltmp7:
0x486: {  	_ = 	snop;
	(pc) =	sbr.rel .LBB2_10-.Ltmp7, $1  }
0x487: {  	_ =	sdelay $0x3  }
.LBB2_12:
0x488: {  	_ =	sfence.sel $0x180000  }
0x489: {  	[bflag:$0x0] =	sbarrier.arrive $0xFFFF  }
0x48a: {  	_ =	strace $0x90000047  }
0x48b: {  	s0 =	stileid.u32;
	[bflag:$0x2] =	sbarrier.arrive $0xFFFF  }
0x48c: {  	p0 =	sne.s32 s0, $0x0;
	s0 =	rddreg [dreg:$0x2]  }
0x48d: {  	s0 =	sadd.s32 @!p0 $0x100000, s0  }
0x48e: {  	[sflag:s0] =	ssyncadd.tile.s32 @!p0 $0x1;
	_ =	shalt  }
.Lfunc_end2:
_tile_overlayer_lowered:
.L_overlay_start_2:
0x48f: {  	(tag) =	ssettag $0x2  }
0x490: {  	s0 =	rddreg [dreg:$0x0];
	s2 =	stileid.u32  }
0x491: {  	s1 =	rddreg [dreg:$0x1];
	p0 =	sne.s32 s2, $0x0  }
0x492: {  	s3 =	rddreg [dreg:$0x2];
	[bflag:$0x3] =	sbarrier.arrive $0xFFFF;
	s2 =	simm.s32 @!p0 $0x1C01  }
0x493: {  	[timem:s3], [sflag:s2] =	dma.local @!p0 [hbm:s0], s1  }
0x494: {  	s0 =	simm.s32 @!p0 $0x1  }
0x495: {  	_ =	swait.ge @!p0 [sflag:s0], s1  }
0x496: {  	s1 =	ssub.s32 @!p0 $0x0, s1;
	[sflag:s0] =	ssyncset.done @!p0 $0x0  }
0x497: {  	[sflag:s0] =	ssyncadd.s32 @!p0 s1  }
0x498: {  	[bflag:$0x3] =	sbarrier.arrive $0xFFFF  }
0x499: {  	_ =	shalt  }

</sc_bundles>
